<compile_context>
chip_gen: v7x
topology: tpu7x:2x2x1
jax: 0.10.2.dev20260603
libtpu: 0.0.44.dev20260713+nightly
codegen_flags: <defaults>
</compile_context>

<pallas_src>
import dataclasses
import functools

import jax
import jax.numpy as jnp
from jax import lax
from jax.experimental import pallas as pl
from jax.experimental.pallas import tpu as pltpu
from jax.experimental.pallas import tpu_sc as plsc

N = 10000
E = 320000
D = 128
H = 8
HD = 16
DE = 16

NC = 2
NS = 16
NW = NC * NS
EPT = E // NW
CH = 40
CHP = 48
NCH = EPT // CH
RPT = N // NS

import numpy as _np
_PAIR_PERM = _np.concatenate(
    [_np.arange(32 * _j, 32 * _j + HD) for _j in range(4)]
    + [_np.arange(32 * _j + HD, 32 * _j + 32) for _j in range(4)])


def _pack_pairs(x):
    u = jax.lax.bitcast_convert_type(x, jnp.uint32)
    r = (u + jnp.uint32(0x8000)) & jnp.uint32(0xFFFF0000)
    hi = r[:, :64]
    lo = jax.lax.shift_right_logical(r[:, 64:], jnp.uint32(16))
    return jax.lax.bitcast_convert_type(hi | lo, jnp.float32)


def _qkv_body(x_ref, wq_ref, wk_ref, wv_ref, q_ref, kv_ref):
    bf = jnp.bfloat16
    x = x_ref[...].astype(bf)
    q_ref[...] = jnp.dot(x, wq_ref[...].astype(bf), preferred_element_type=jnp.float32)
    kv_ref[:, :64] = _pack_pairs(jnp.dot(x, wk_ref[...].astype(bf),
                                         preferred_element_type=jnp.float32))
    kv_ref[:, 64:] = _pack_pairs(jnp.dot(x, wv_ref[...].astype(bf),
                                         preferred_element_type=jnp.float32))


def _wij_body(ef_hbm, chi_hbm, w0_ref, b0_ref, w1_ref, b1_ref, w_ref,
              ef_v, chi_v, sems):
    i = pl.program_id(0)
    g = pl.num_programs(0)
    eb = w_ref.shape[0]

    def copies(blk, slot):
        return (
            pltpu.make_async_copy(ef_hbm.at[pl.ds(blk * eb, eb), :],
                                  ef_v.at[slot], sems.at[slot]),
            pltpu.make_async_copy(chi_hbm.at[pl.ds(blk * eb, eb), :],
                                  chi_v.at[slot], sems.at[slot]),
        )

    @pl.when(i == 0)
    def _():
        for c in copies(0, 0):
            c.start()

    @pl.when(i + 1 < g)
    def _():
        for c in copies(i + 1, lax.rem(i + 1, 2)):
            c.start()

    slot = lax.rem(i, 2)
    for c in copies(i, slot):
        c.wait()

    act = jax.nn.silu
    bf = jnp.bfloat16
    x = jnp.concatenate([ef_v[slot], chi_v[slot]], axis=1).astype(bf)
    h = act(jnp.dot(x, w0_ref[...].astype(bf),
                    preferred_element_type=jnp.float32) + b0_ref[...])
    w_ref[...] = jnp.dot(h.astype(bf), w1_ref[...].astype(bf),
                         preferred_element_type=jnp.float32) + b1_ref[...]


def _add_body(p_ref, o_ref):
    o_ref[...] = p_ref[0] + p_ref[1]


def _sc_body(q_hbm, kv_hbm, w_hbm, snd_hbm, rcv_hbm, cut_hbm, out_hbm,
             snd0, snd1, rcv0, rcv1, rs0, rs1, cut0, cut1, cs0, cs1,
             kv0, kv1, q0, q1, w0, w1, y_v, acc, sg0, sg1, si0, si1):
    snd = (snd0, snd1)
    rcv = (rcv0, rcv1)
    rs = (rs0, rs1)
    cutb = (cut0, cut1)
    cs = (cs0, cs1)
    kvb = (kv0, kv1)
    qb = (q0, q1)
    wb = (w0, w1)
    sg = (sg0, sg1)
    si = (si0, si1)

    cid = lax.axis_index("c")
    sid = lax.axis_index("s")
    e_base = (cid * NS + sid) * EPT

    row_start = sid * 624
    row_end = row_start + jnp.where(sid == NS - 1, 640, 624)

    @pl.loop(0, 16)
    def _(i):
        @pl.loop(0, 8)
        def _(j):
            y_v[i, pl.ds(j * 16, 16)] = jnp.zeros((16,), jnp.float32)

    @pl.loop(row_start, row_end, step=16)
    def _(i):
        pltpu.sync_copy(y_v.at[pl.ds(0, 16)], acc.at[pl.ds(i, 16)])

    @pl.loop(CH, CHP)
    def _(i):
        @pl.loop(0, 8)
        def _(j):
            y_v[i, pl.ds(j * 16, 16)] = jnp.zeros((16,), jnp.float32)

    for b in (0, 1):
        for j in range(CHP // 16):
            rcv[b][pl.ds(j * 16, 16)] = jnp.zeros((16,), jnp.int32)

    plsc.subcore_barrier()

    def issue_idx(b, c):
        e = e_base + c * CH
        pltpu.async_copy(snd_hbm.at[pl.ds(e, CH)], snd[b], si[b])
        pltpu.async_copy(rcv_hbm.at[pl.ds(e, CH)], rcv[b].at[pl.ds(0, CH)], si[b])
        pltpu.async_copy(cut_hbm.at[pl.ds(e, CH)], cutb[b].at[pl.ds(0, CH)], si[b])

    def wait_idx(b):
        pltpu.make_async_copy(snd_hbm.at[pl.ds(0, CH)], snd[b], si[b]).wait()
        pltpu.make_async_copy(rcv_hbm.at[pl.ds(0, CH)], rcv[b].at[pl.ds(0, CH)], si[b]).wait()
        pltpu.make_async_copy(cut_hbm.at[pl.ds(0, CH)], cutb[b].at[pl.ds(0, CH)], si[b]).wait()

    def issue_gathers(b, c):
        e = e_base + c * CH
        pltpu.async_copy(kv_hbm.at[snd[b]], kvb[b], sg[b])
        pltpu.async_copy(q_hbm.at[rcv[b].at[pl.ds(0, CH)]], qb[b], sg[b])
        pltpu.async_copy(w_hbm.at[pl.ds(e, CH)], wb[b], sg[b])

    def wait_gathers(b):
        pltpu.make_async_copy(kv_hbm.at[snd[b]], kvb[b], sg[b]).wait()
        pltpu.make_async_copy(q_hbm.at[rcv[b].at[pl.ds(0, CH)]], qb[b], sg[b]).wait()
        pltpu.make_async_copy(w_hbm.at[pl.ds(0, CH)], wb[b], sg[b]).wait()

    def snapshot_rcv(b):
        for j in range(CHP // 16):
            rs[b][pl.ds(j * 16, 16)] = rcv[b][pl.ds(j * 16, 16)]
            cs[b][pl.ds(j * 16, 16)] = cutb[b][pl.ds(j * 16, 16)]

    def unpk(x16):
        lo, hi = plsc.unpack(plsc.bitcast(x16, jnp.bfloat16),
                             format=plsc.PackFormat.INTERLEAVED,
                             preferred_element_type=jnp.float32)
        return hi, lo

    def compute(b):
        @plsc.parallel_loop(0, CH, unroll=2)
        def _(e2):
            c_splat = plsc.load_gather(cs[b], [lax.broadcast(e2, (HD,))])
            for j in range(H // 2):
                ka, ko = unpk(kvb[b][e2, pl.ds(j * HD, HD)])
                va, vo = unpk(kvb[b][e2, pl.ds(64 + j * HD, HD)])
                sle = pl.ds(2 * j * HD, HD)
                slo = pl.ds((2 * j + 1) * HD, HD)
                ae = lax.broadcast(jnp.sum(qb[b][e2, sle] * wb[b][e2, sle] * ka),
                                   (HD,)) * c_splat
                ao = lax.broadcast(jnp.sum(qb[b][e2, slo] * wb[b][e2, slo] * ko),
                                   (HD,)) * c_splat
                y_v[e2, sle] = ae * va
                y_v[e2, slo] = ao * vo

        pltpu.sync_copy(y_v, acc.at[rs[b]], add=True)

    issue_idx(0, 0)
    wait_idx(0)
    issue_gathers(0, 0)
    issue_idx(1, 1)

    def half(b0, b1, c):
        wait_idx(b1)
        issue_gathers(b1, c + 1)
        wait_gathers(b0)
        snapshot_rcv(b0)
        issue_idx(b0, c + 2)
        compute(b0)

    @pl.loop(0, NCH - 2, step=2)
    def _(cc):
        half(0, 1, cc)
        half(1, 0, cc + 1)

    wait_idx(1)
    issue_gathers(1, NCH - 1)
    wait_gathers(0)
    snapshot_rcv(0)
    compute(0)
    wait_gathers(1)
    snapshot_rcv(1)
    compute(1)

    plsc.subcore_barrier()

    @pl.loop(row_start, row_end, step=16)
    def _(i):
        pltpu.sync_copy(acc.at[pl.ds(i, 16)], out_hbm.at[cid, pl.ds(i, 16)])


def kernel(node_feats, edge_feats, chi_scalar, cutoffs, senders, receivers,
           rad_W0, rad_b0, rad_W1, rad_b1,
           sph_W0, sph_b0, sph_W1, sph_b1,
           Wq, Wk, Wv):
    f32 = jnp.float32
    senders = senders.astype(jnp.int32)
    receivers = receivers.astype(jnp.int32)

    NB = 2000
    q, kv = pl.pallas_call(
        _qkv_body,
        grid=(N // NB,),
        in_specs=[
            pl.BlockSpec((NB, D), lambda i: (i, 0)),
            pl.BlockSpec((D, D), lambda i: (0, 0)),
            pl.BlockSpec((D, D), lambda i: (0, 0)),
            pl.BlockSpec((D, D), lambda i: (0, 0)),
        ],
        out_specs=[
            pl.BlockSpec((NB, D), lambda i: (i, 0)),
            pl.BlockSpec((NB, D), lambda i: (i, 0)),
        ],
        out_shape=[
            jax.ShapeDtypeStruct((N, D), f32),
            jax.ShapeDtypeStruct((N, D), f32),
        ],
    )(node_feats, Wq, Wk[:, _PAIR_PERM], Wv[:, _PAIR_PERM])

    HID = 192
    w0c = jnp.zeros((2 * DE, HID), f32)
    w0c = w0c.at[:DE, :128].set(rad_W0).at[DE:, 128:].set(sph_W0)
    b0c = jnp.concatenate([rad_b0, sph_b0]).reshape(1, HID)
    w1c = jnp.concatenate([rad_W1, sph_W1], axis=0) * (1.0 / 128.0)
    b1c = ((rad_b1 + sph_b1) * (1.0 / 128.0)).reshape(1, D)

    EB = 4000
    w_ij = pl.pallas_call(
        _wij_body,
        grid=(E // EB,),
        in_specs=[
            pl.BlockSpec(memory_space=pl.ANY),
            pl.BlockSpec(memory_space=pl.ANY),
            pl.BlockSpec((2 * DE, HID), lambda i: (0, 0)),
            pl.BlockSpec((1, HID), lambda i: (0, 0)),
            pl.BlockSpec((HID, D), lambda i: (0, 0)),
            pl.BlockSpec((1, D), lambda i: (0, 0)),
        ],
        out_specs=pl.BlockSpec((EB, D), lambda i: (i, 0)),
        out_shape=jax.ShapeDtypeStruct((E, D), f32),
        scratch_shapes=[
            pltpu.VMEM((2, EB, DE), f32),
            pltpu.VMEM((2, EB, DE), f32),
            pltpu.SemaphoreType.DMA((2,)),
        ],
    )(edge_feats, chi_scalar, w0c, b0c, w1c, b1c)

    mesh = plsc.VectorSubcoreMesh(core_axis_name="c", subcore_axis_name="s")
    cp = pltpu.CompilerParams()
    if "needs_layout_passes" in pltpu.CompilerParams.__dataclass_fields__:
        cp = dataclasses.replace(cp, needs_layout_passes=False)
    parts = pl.kernel(
        _sc_body,
        out_type=jax.ShapeDtypeStruct((NC, N, D), f32),
        mesh=mesh,
        compiler_params=cp,
        scratch_types=[
            pltpu.VMEM((CH,), jnp.int32),
            pltpu.VMEM((CH,), jnp.int32),
            pltpu.VMEM((CHP,), jnp.int32),
            pltpu.VMEM((CHP,), jnp.int32),
            pltpu.VMEM((CHP,), jnp.int32),
            pltpu.VMEM((CHP,), jnp.int32),
            pltpu.VMEM((CHP,), f32),
            pltpu.VMEM((CHP,), f32),
            pltpu.VMEM((CHP,), f32),
            pltpu.VMEM((CHP,), f32),
            pltpu.VMEM((CH, D), f32),
            pltpu.VMEM((CH, D), f32),
            pltpu.VMEM((CH, D), f32),
            pltpu.VMEM((CH, D), f32),
            pltpu.VMEM((CH, D), f32),
            pltpu.VMEM((CH, D), f32),
            pltpu.VMEM((CHP, D), f32),
            pltpu.VMEM_SHARED((N, D), f32),
            pltpu.SemaphoreType.DMA,
            pltpu.SemaphoreType.DMA,
            pltpu.SemaphoreType.DMA,
            pltpu.SemaphoreType.DMA,
        ],
    )(q, kv, w_ij, senders, receivers, cutoffs)

    out = pl.pallas_call(
        _add_body,
        grid=(N // NB,),
        in_specs=[pl.BlockSpec((NC, NB, D), lambda i: (0, i, 0))],
        out_specs=pl.BlockSpec((NB, D), lambda i: (i, 0)),
        out_shape=jax.ShapeDtypeStruct((N, D), f32),
    )(parts)
    return out

# --- scband reference (transcript-rebuilt; emitter-appended) ---
"""Pipeline reference for scband-feature-block-74328704024959 (READ-ONLY COPY).

The authoritative reference and input builder live on the scoring server;
editing this copy changes nothing except your own understanding.
"""

import jax, jax.numpy as jnp
import numpy as np

N = 10000
E = 320000
D = 128
H = 8
DE = 16
AVG_NEIGHBORS = 32.0


def _lin_init(k, fan_in, fan_out):
    return jax.random.normal(k, (fan_in, fan_out), jnp.float32) / np.sqrt(fan_in)


def setup_inputs(seed: int = 0) -> dict:
    key = jax.random.key(seed)
    ks = jax.random.split(key, 16)
    inp = {}
    inp["node_feats"] = jax.random.normal(ks[0], (N, D), jnp.float32)
    inp["edge_feats"] = jax.random.normal(ks[1], (E, DE), jnp.float32)
    inp["chi_scalar"] = jax.random.normal(ks[2], (E, DE), jnp.float32)
    inp["cutoffs"] = jax.random.uniform(ks[3], (E,), jnp.float32)
    inp["senders"] = jax.random.randint(ks[4], (E,), 0, N).astype(jnp.int64)
    inp["receivers"] = jnp.sort(jax.random.randint(ks[5], (E,), 0, N)).astype(jnp.int64)
    # rad_mlp: [16, 128, 128]
    inp["rad_W0"] = _lin_init(ks[6], DE, 128)
    inp["rad_b0"] = jnp.zeros((128,), jnp.float32)
    inp["rad_W1"] = _lin_init(ks[7], 128, 128)
    inp["rad_b1"] = jnp.zeros((128,), jnp.float32)
    # sph_mlp: [16, 64, 128]
    inp["sph_W0"] = _lin_init(ks[8], DE, 64)
    inp["sph_b0"] = jnp.zeros((64,), jnp.float32)
    inp["sph_W1"] = _lin_init(ks[9], 64, 128)
    inp["sph_b1"] = jnp.zeros((128,), jnp.float32)
    # attention projections and value linear (no bias)
    inp["Wq"] = _lin_init(ks[10], D, D)
    inp["Wk"] = _lin_init(ks[11], D, D)
    inp["Wv"] = _lin_init(ks[12], D, D)
    return inp


def reference(node_feats, edge_feats, chi_scalar, cutoffs, senders, receivers,
              rad_W0, rad_b0, rad_W1, rad_b1,
              sph_W0, sph_b0, sph_W1, sph_b1,
              Wq, Wk, Wv):
    act = jax.nn.silu
    head_dim = node_feats.shape[-1] // H
    # rad_mlp(edge_feats): Linear -> silu -> Linear
    w_ij = act(edge_feats @ rad_W0 + rad_b0) @ rad_W1 + rad_b1
    # + sph_mlp(chi_scalar)
    w_ij = w_ij + (act(chi_scalar @ sph_W0 + sph_b0) @ sph_W1 + sph_b1)
    w_ij = w_ij.reshape(-1, H, head_dim)
    q_i = (node_feats @ Wq).reshape(-1, H, head_dim)[receivers]
    k_j = (node_feats @ Wk).reshape(-1, H, head_dim)[senders]
    alpha = (q_i * w_ij * k_j).sum(axis=-1) / jnp.sqrt(float(head_dim))
    alpha = alpha * cutoffs[:, None]
    v_j = (node_feats @ Wv)[senders].reshape(-1, H, head_dim)
    out = jax.ops.segment_sum(alpha[..., None] * v_j, receivers,
                              num_segments=node_feats.shape[0]) / AVG_NEIGHBORS
    return out.reshape(-1, H * head_dim)

if __name__ == "__main__":
    import jax
    _d = setup_inputs()
    print(jax.jit(kernel)(*tuple(_d.values())))

</pallas_src>

<mosaic_0001>
#map = affine_map<(d0, d1) -> (0, 0)>
#map1 = affine_map<(d0, d1) -> (0)>
#map2 = affine_map<(d0, d1) -> (0, 0, 0)>
module attributes {stable_mosaic.version = 14 : i64} {
  func.func @_sc_body(%arg0: i32, %arg1: i32, %arg2: memref<10000x128xf32, #tpu.memory_space<hbm>>, %arg3: memref<10000x128xf32, #tpu.memory_space<hbm>>, %arg4: memref<320000x128xf32, #tpu.memory_space<hbm>>, %arg5: memref<320000xi32, #tpu.memory_space<hbm>>, %arg6: memref<320000xi32, #tpu.memory_space<hbm>>, %arg7: memref<320000xf32, #tpu.memory_space<hbm>>, %arg8: memref<2x10000x128xf32, #tpu.memory_space<hbm>>, %arg9: memref<40xi32, #tpu.memory_space<vmem>>, %arg10: memref<40xi32, #tpu.memory_space<vmem>>, %arg11: memref<48xi32, #tpu.memory_space<vmem>>, %arg12: memref<48xi32, #tpu.memory_space<vmem>>, %arg13: memref<48xi32, #tpu.memory_space<vmem>>, %arg14: memref<48xi32, #tpu.memory_space<vmem>>, %arg15: memref<48xf32, #tpu.memory_space<vmem>>, %arg16: memref<48xf32, #tpu.memory_space<vmem>>, %arg17: memref<48xf32, #tpu.memory_space<vmem>>, %arg18: memref<48xf32, #tpu.memory_space<vmem>>, %arg19: memref<40x128xf32, #tpu.memory_space<vmem>>, %arg20: memref<40x128xf32, #tpu.memory_space<vmem>>, %arg21: memref<40x128xf32, #tpu.memory_space<vmem>>, %arg22: memref<40x128xf32, #tpu.memory_space<vmem>>, %arg23: memref<40x128xf32, #tpu.memory_space<vmem>>, %arg24: memref<40x128xf32, #tpu.memory_space<vmem>>, %arg25: memref<48x128xf32, #tpu.memory_space<vmem>>, %arg26: memref<10000x128xf32, #tpu.memory_space<vmem_shared>>, %arg27: memref<!tpu.dma_semaphore, #tpu.memory_space<semaphore_mem>>, %arg28: memref<!tpu.dma_semaphore, #tpu.memory_space<semaphore_mem>>, %arg29: memref<!tpu.dma_semaphore, #tpu.memory_space<semaphore_mem>>, %arg30: memref<!tpu.dma_semaphore, #tpu.memory_space<semaphore_mem>>) attributes {dimension_semantics = [#tpu.dimension_semantics<core_parallel>, #tpu.dimension_semantics<subcore_parallel>], iteration_bounds = array<i64: 2, 16>, scalar_prefetch = 0 : i64, scratch_operands = 22 : i64, tpu.core_type = #tpu.core_type<sc_vector_subcore>, window_params = [{transform_indices = #map}, {transform_indices = #map}, {transform_indices = #map}, {transform_indices = #map1}, {transform_indices = #map1}, {transform_indices = #map1}, {transform_indices = #map2}]} {
    %mul3A = arith.constant 16 : i32
    %mul3A_0 = arith.muli %arg0, %mul3A : i32
    %add3A = arith.addi %mul3A_0, %arg1 : i32
    %mul3A_1 = arith.constant 10000 : i32
    %mul3A_2 = arith.muli %add3A, %mul3A_1 : i32
    %mul3A_3 = arith.constant 624 : i32
    %mul3A_4 = arith.muli %arg1, %mul3A_3 : i32
    %eq3A = arith.constant 15 : i32
    %eq3A_5 = arith.cmpi eq, %arg1, %eq3A : i32
    %jit3A = arith.constant 640 : i32
    %jit3A_6 = arith.constant 624 : i32
    %select_n3A = arith.select %eq3A_5, %jit3A, %jit3A_6 : i32
    %add3A_7 = arith.addi %mul3A_4, %select_n3A : i32
    %scan3A = arith.constant 0 : i32
    %scan3A_8 = arith.constant 16 : i32
    %scan3A_9 = arith.addi %scan3A, %scan3A_8 : i32
    %scan3A_10 = arith.constant 1 : i32
    scf.for %scan3A_254 = %scan3A to %scan3A_9 step %scan3A_10  : i32 {
      %mul3A_255 = arith.constant 1 : i32
      %mul3A_256 = arith.muli %scan3A_254, %mul3A_255 : i32
      %add3A_257 = arith.constant 0 : i32
      %add3A_258 = arith.addi %add3A_257, %mul3A_256 : i32
      %scan3A_259 = arith.constant 0 : i32
      %scan3A_260 = arith.constant 8 : i32
      %scan3A_261 = arith.addi %scan3A_259, %scan3A_260 : i32
      %scan3A_262 = arith.constant 1 : i32
      scf.for %scan3A_264 = %scan3A_259 to %scan3A_261 step %scan3A_262  : i32 {
        %mul3A_265 = arith.constant 1 : i32
        %mul3A_266 = arith.muli %scan3A_264, %mul3A_265 : i32
        %add3A_267 = arith.constant 0 : i32
        %add3A_268 = arith.addi %add3A_267, %mul3A_266 : i32
        %broadcast_in_dim3A_269 = arith.constant 0.000000e+00 : f32
        %broadcast_in_dim3A_270 = vector.broadcast %broadcast_in_dim3A_269 : f32 to vector<16xf32>
        %mul3A_271 = arith.constant 16 : i32
        %mul3A_272 = arith.muli %add3A_268, %mul3A_271 : i32
        %swap3A_273 = arith.index_cast %add3A_258 : i32 to index
        %swap3A_274 = arith.index_cast %mul3A_272 : i32 to index
        %swap3A_275 = tpu.vector_load %arg25[%swap3A_273, %swap3A_274] {strides = array<i32>} : memref<48x128xf32, #tpu.memory_space<vmem>>, vector<16xf32>,
        tpu.vector_store %arg25[%swap3A_273, %swap3A_274], %broadcast_in_dim3A_270 {strides = array<i32>} : memref<48x128xf32, #tpu.memory_space<vmem>>, vector<16xf32>,
      }
      %scan3A_263 = arith.constant 8 : i32
    }
    %scan3A_11 = arith.constant 16 : i32
    %sub3A = arith.subi %add3A_7, %mul3A_4 : i32
    %sub3A_12 = arith.constant 16 : i32
    %sub3A_13 = arith.constant 1 : i32
    %sub3A_14 = arith.subi %sub3A_12, %sub3A_13 : i32
    %add3A_15 = arith.addi %sub3A, %sub3A_14 : i32
    %div3A = arith.constant 16 : i32
    %div3A_16 = arith.divsi %add3A_15, %div3A : i32
    %while3A = arith.constant 16 : i32
    %while3A_17 = arith.constant 0 : i32
    %while3A_18 = arith.subi %div3A_16, %while3A_17 : i32
    %while3A_19 = arith.addi %while3A_17, %while3A_18 : i32
    %while3A_20 = arith.constant 1 : i32
    %while3A_21 = arith.divsi %while3A_18, %while3A_20 : i32
    %while3A_22 = arith.muli %while3A_21, %while3A_20 : i32
    %while3A_23 = arith.addi %while3A_17, %while3A_22 : i32
    %while3A_24 = arith.constant 1 : i32
    scf.for %while3A_254 = %while3A_17 to %while3A_23 step %while3A_24  : i32 {
      %mul3A_255 = arith.muli %while3A_254, %while3A : i32
      %add3A_256 = arith.addi %mul3A_4, %mul3A_255 : i32
      "tpu.region"() ({
        %run_scoped3A = tpu.sem_alloc : memref<!tpu.dma_semaphore, #tpu.memory_space<semaphore_mem>>
        %dma_start3A_257 = arith.constant 0 : i32
        %dma_start3A_258 = arith.constant 0 : i32
        %dma_start3A_259 = tpu.memref_slice %arg25[%dma_start3A_257, %dma_start3A_258] : memref<48x128xf32, #tpu.memory_space<vmem>> -> memref<16x128xf32, #tpu.memory_space<vmem>>
        %dma_start3A_260 = arith.constant 0 : i32
        %dma_start3A_261 = tpu.memref_slice %arg26[%add3A_256, %dma_start3A_260] : memref<10000x128xf32, #tpu.memory_space<vmem_shared>> -> memref<16x128xf32, #tpu.memory_space<vmem_shared>>
        %dma_start3A_262 = arith.constant 0 : i32
        %dma_start3A_263 = tpu.memref_slice %arg26[%add3A_256, %dma_start3A_262] : memref<10000x128xf32, #tpu.memory_space<vmem_shared>> -> memref<16x128xf32, #tpu.memory_space<vmem_shared>>
        %dma_start3A_264 = arith.constant 0 : i32
        %dma_start3A_265 = arith.constant 0 : i32
        %dma_start3A_266 = tpu.memref_slice %arg25[%dma_start3A_264, %dma_start3A_265] : memref<48x128xf32, #tpu.memory_space<vmem>> -> memref<16x128xf32, #tpu.memory_space<vmem>>
        tpu.enqueue_dma source(%dma_start3A_266 : memref<16x128xf32, #tpu.memory_space<vmem>>) target(%dma_start3A_263 : memref<16x128xf32, #tpu.memory_space<vmem_shared>>) target_semaphore(%run_scoped3A : memref<!tpu.dma_semaphore, #tpu.memory_space<semaphore_mem>>)
        %dma_wait3A_267 = arith.constant 0 : i32
        %dma_wait3A_268 = arith.constant 0 : i32
        %dma_wait3A_269 = tpu.memref_slice %arg25[%dma_wait3A_267, %dma_wait3A_268] : memref<48x128xf32, #tpu.memory_space<vmem>> -> memref<16x128xf32, #tpu.memory_space<vmem>>
        %dma_wait3A_270 = arith.constant 0 : i32
        %dma_wait3A_271 = tpu.memref_slice %arg26[%add3A_256, %dma_wait3A_270] : memref<10000x128xf32, #tpu.memory_space<vmem_shared>> -> memref<16x128xf32, #tpu.memory_space<vmem_shared>>
        %dma_wait3A_272 = arith.constant 0 : i32
        %dma_wait3A_273 = tpu.memref_slice %arg26[%add3A_256, %dma_wait3A_272] : memref<10000x128xf32, #tpu.memory_space<vmem_shared>> -> memref<16x128xf32, #tpu.memory_space<vmem_shared>>
        %dma_wait3A_274 = arith.constant 0 : i32
        %dma_wait3A_275 = arith.constant 0 : i32
        %dma_wait3A_276 = tpu.memref_slice %arg25[%dma_wait3A_274, %dma_wait3A_275] : memref<48x128xf32, #tpu.memory_space<vmem>> -> memref<16x128xf32, #tpu.memory_space<vmem>>
        tpu.wait_dma2 semaphore(%run_scoped3A : memref<!tpu.dma_semaphore, #tpu.memory_space<semaphore_mem>>) src(%dma_wait3A_276 : memref<16x128xf32, #tpu.memory_space<vmem>>) dst(%dma_wait3A_273 : memref<16x128xf32, #tpu.memory_space<vmem_shared>>)
        tpu.yield
      }) : () -> ()
    }
    %while3A_25 = arith.constant 1 : i32
    scf.for %while3A_254 = %while3A_23 to %while3A_19 step %while3A_25  : i32 {
      %mul3A_255 = arith.muli %while3A_254, %while3A : i32
      %add3A_256 = arith.addi %mul3A_4, %mul3A_255 : i32
      "tpu.region"() ({
        %run_scoped3A = tpu.sem_alloc : memref<!tpu.dma_semaphore, #tpu.memory_space<semaphore_mem>>
        %dma_start3A_257 = arith.constant 0 : i32
        %dma_start3A_258 = arith.constant 0 : i32
        %dma_start3A_259 = tpu.memref_slice %arg25[%dma_start3A_257, %dma_start3A_258] : memref<48x128xf32, #tpu.memory_space<vmem>> -> memref<16x128xf32, #tpu.memory_space<vmem>>
        %dma_start3A_260 = arith.constant 0 : i32
        %dma_start3A_261 = tpu.memref_slice %arg26[%add3A_256, %dma_start3A_260] : memref<10000x128xf32, #tpu.memory_space<vmem_shared>> -> memref<16x128xf32, #tpu.memory_space<vmem_shared>>
        %dma_start3A_262 = arith.constant 0 : i32
        %dma_start3A_263 = tpu.memref_slice %arg26[%add3A_256, %dma_start3A_262] : memref<10000x128xf32, #tpu.memory_space<vmem_shared>> -> memref<16x128xf32, #tpu.memory_space<vmem_shared>>
        %dma_start3A_264 = arith.constant 0 : i32
        %dma_start3A_265 = arith.constant 0 : i32
        %dma_start3A_266 = tpu.memref_slice %arg25[%dma_start3A_264, %dma_start3A_265] : memref<48x128xf32, #tpu.memory_space<vmem>> -> memref<16x128xf32, #tpu.memory_space<vmem>>
        tpu.enqueue_dma source(%dma_start3A_266 : memref<16x128xf32, #tpu.memory_space<vmem>>) target(%dma_start3A_263 : memref<16x128xf32, #tpu.memory_space<vmem_shared>>) target_semaphore(%run_scoped3A : memref<!tpu.dma_semaphore, #tpu.memory_space<semaphore_mem>>)
        %dma_wait3A_267 = arith.constant 0 : i32
        %dma_wait3A_268 = arith.constant 0 : i32
        %dma_wait3A_269 = tpu.memref_slice %arg25[%dma_wait3A_267, %dma_wait3A_268] : memref<48x128xf32, #tpu.memory_space<vmem>> -> memref<16x128xf32, #tpu.memory_space<vmem>>
        %dma_wait3A_270 = arith.constant 0 : i32
        %dma_wait3A_271 = tpu.memref_slice %arg26[%add3A_256, %dma_wait3A_270] : memref<10000x128xf32, #tpu.memory_space<vmem_shared>> -> memref<16x128xf32, #tpu.memory_space<vmem_shared>>
        %dma_wait3A_272 = arith.constant 0 : i32
        %dma_wait3A_273 = tpu.memref_slice %arg26[%add3A_256, %dma_wait3A_272] : memref<10000x128xf32, #tpu.memory_space<vmem_shared>> -> memref<16x128xf32, #tpu.memory_space<vmem_shared>>
        %dma_wait3A_274 = arith.constant 0 : i32
        %dma_wait3A_275 = arith.constant 0 : i32
        %dma_wait3A_276 = tpu.memref_slice %arg25[%dma_wait3A_274, %dma_wait3A_275] : memref<48x128xf32, #tpu.memory_space<vmem>> -> memref<16x128xf32, #tpu.memory_space<vmem>>
        tpu.wait_dma2 semaphore(%run_scoped3A : memref<!tpu.dma_semaphore, #tpu.memory_space<semaphore_mem>>) src(%dma_wait3A_276 : memref<16x128xf32, #tpu.memory_space<vmem>>) dst(%dma_wait3A_273 : memref<16x128xf32, #tpu.memory_space<vmem_shared>>)
        tpu.yield
      }) : () -> ()
    }
    %scan3A_26 = arith.constant 0 : i32
    %scan3A_27 = arith.constant 8 : i32
    %scan3A_28 = arith.addi %scan3A_26, %scan3A_27 : i32
    %scan3A_29 = arith.constant 1 : i32
    scf.for %scan3A_254 = %scan3A_26 to %scan3A_28 step %scan3A_29  : i32 {
      %mul3A_255 = arith.constant 1 : i32
      %mul3A_256 = arith.muli %scan3A_254, %mul3A_255 : i32
      %add3A_257 = arith.constant 40 : i32
      %add3A_258 = arith.addi %add3A_257, %mul3A_256 : i32
      %scan3A_259 = arith.constant 0 : i32
      %scan3A_260 = arith.constant 8 : i32
      %scan3A_261 = arith.addi %scan3A_259, %scan3A_260 : i32
      %scan3A_262 = arith.constant 1 : i32
      scf.for %scan3A_264 = %scan3A_259 to %scan3A_261 step %scan3A_262  : i32 {
        %mul3A_265 = arith.constant 1 : i32
        %mul3A_266 = arith.muli %scan3A_264, %mul3A_265 : i32
        %add3A_267 = arith.constant 0 : i32
        %add3A_268 = arith.addi %add3A_267, %mul3A_266 : i32
        %broadcast_in_dim3A_269 = arith.constant 0.000000e+00 : f32
        %broadcast_in_dim3A_270 = vector.broadcast %broadcast_in_dim3A_269 : f32 to vector<16xf32>
        %mul3A_271 = arith.constant 16 : i32
        %mul3A_272 = arith.muli %add3A_268, %mul3A_271 : i32
        %swap3A_273 = arith.index_cast %add3A_258 : i32 to index
        %swap3A_274 = arith.index_cast %mul3A_272 : i32 to index
        %swap3A_275 = tpu.vector_load %arg25[%swap3A_273, %swap3A_274] {strides = array<i32>} : memref<48x128xf32, #tpu.memory_space<vmem>>, vector<16xf32>,
        tpu.vector_store %arg25[%swap3A_273, %swap3A_274], %broadcast_in_dim3A_270 {strides = array<i32>} : memref<48x128xf32, #tpu.memory_space<vmem>>, vector<16xf32>,
      }
      %scan3A_263 = arith.constant 8 : i32
    }
    %scan3A_30 = arith.constant 8 : i32
    %broadcast_in_dim3A = arith.constant 0 : i32
    %broadcast_in_dim3A_31 = vector.broadcast %broadcast_in_dim3A : i32 to vector<16xi32>
    %swap3A = arith.constant 0 : index
    %swap3A_32 = tpu.vector_load %arg11[%swap3A] {strides = array<i32>} : memref<48xi32, #tpu.memory_space<vmem>>, vector<16xi32>,
    tpu.vector_store %arg11[%swap3A], %broadcast_in_dim3A_31 {strides = array<i32>} : memref<48xi32, #tpu.memory_space<vmem>>, vector<16xi32>,
    %broadcast_in_dim3A_33 = arith.constant 0 : i32
    %broadcast_in_dim3A_34 = vector.broadcast %broadcast_in_dim3A_33 : i32 to vector<16xi32>
    %swap3A_35 = arith.constant 16 : index
    %swap3A_36 = tpu.vector_load %arg11[%swap3A_35] {strides = array<i32>} : memref<48xi32, #tpu.memory_space<vmem>>, vector<16xi32>,
    tpu.vector_store %arg11[%swap3A_35], %broadcast_in_dim3A_34 {strides = array<i32>} : memref<48xi32, #tpu.memory_space<vmem>>, vector<16xi32>,
    %broadcast_in_dim3A_37 = arith.constant 0 : i32
    %broadcast_in_dim3A_38 = vector.broadcast %broadcast_in_dim3A_37 : i32 to vector<16xi32>
    %swap3A_39 = arith.constant 32 : index
    %swap3A_40 = tpu.vector_load %arg11[%swap3A_39] {strides = array<i32>} : memref<48xi32, #tpu.memory_space<vmem>>, vector<16xi32>,
    tpu.vector_store %arg11[%swap3A_39], %broadcast_in_dim3A_38 {strides = array<i32>} : memref<48xi32, #tpu.memory_space<vmem>>, vector<16xi32>,
    %broadcast_in_dim3A_41 = arith.constant 0 : i32
    %broadcast_in_dim3A_42 = vector.broadcast %broadcast_in_dim3A_41 : i32 to vector<16xi32>
    %swap3A_43 = arith.constant 0 : index
    %swap3A_44 = tpu.vector_load %arg12[%swap3A_43] {strides = array<i32>} : memref<48xi32, #tpu.memory_space<vmem>>, vector<16xi32>,
    tpu.vector_store %arg12[%swap3A_43], %broadcast_in_dim3A_42 {strides = array<i32>} : memref<48xi32, #tpu.memory_space<vmem>>, vector<16xi32>,
    %broadcast_in_dim3A_45 = arith.constant 0 : i32
    %broadcast_in_dim3A_46 = vector.broadcast %broadcast_in_dim3A_45 : i32 to vector<16xi32>
    %swap3A_47 = arith.constant 16 : index
    %swap3A_48 = tpu.vector_load %arg12[%swap3A_47] {strides = array<i32>} : memref<48xi32, #tpu.memory_space<vmem>>, vector<16xi32>,
    tpu.vector_store %arg12[%swap3A_47], %broadcast_in_dim3A_46 {strides = array<i32>} : memref<48xi32, #tpu.memory_space<vmem>>, vector<16xi32>,
    %broadcast_in_dim3A_49 = arith.constant 0 : i32
    %broadcast_in_dim3A_50 = vector.broadcast %broadcast_in_dim3A_49 : i32 to vector<16xi32>
    %swap3A_51 = arith.constant 32 : index
    %swap3A_52 = tpu.vector_load %arg12[%swap3A_51] {strides = array<i32>} : memref<48xi32, #tpu.memory_space<vmem>>, vector<16xi32>,
    tpu.vector_store %arg12[%swap3A_51], %broadcast_in_dim3A_50 {strides = array<i32>} : memref<48xi32, #tpu.memory_space<vmem>>, vector<16xi32>,
    %barrier3A = arith.constant 0 : index
    tpu.barrier barrier_id(%barrier3A)
    %add3A_53 = arith.constant 0 : i32
    %add3A_54 = arith.addi %mul3A_2, %add3A_53 : i32
    %dma_start3A = tpu.memref_slice %arg5[%add3A_54] : memref<320000xi32, #tpu.memory_space<hbm>> -> memref<40xi32, #tpu.memory_space<hbm>>
    %dma_start3A_55 = tpu.memref_slice %arg5[%add3A_54] : memref<320000xi32, #tpu.memory_space<hbm>> -> memref<40xi32, #tpu.memory_space<hbm>>
    tpu.enqueue_dma source(%dma_start3A_55 : memref<40xi32, #tpu.memory_space<hbm>>) target(%arg9 : memref<40xi32, #tpu.memory_space<vmem>>) target_semaphore(%arg29 : memref<!tpu.dma_semaphore, #tpu.memory_space<semaphore_mem>>)
    %dma_start3A_56 = arith.constant 0 : i32
    %dma_start3A_57 = tpu.memref_slice %arg11[%dma_start3A_56] : memref<48xi32, #tpu.memory_space<vmem>> -> memref<40xi32, #tpu.memory_space<vmem>>
    %dma_start3A_58 = tpu.memref_slice %arg6[%add3A_54] : memref<320000xi32, #tpu.memory_space<hbm>> -> memref<40xi32, #tpu.memory_space<hbm>>
    %dma_start3A_59 = arith.constant 0 : i32
    %dma_start3A_60 = tpu.memref_slice %arg11[%dma_start3A_59] : memref<48xi32, #tpu.memory_space<vmem>> -> memref<40xi32, #tpu.memory_space<vmem>>
    %dma_start3A_61 = tpu.memref_slice %arg6[%add3A_54] : memref<320000xi32, #tpu.memory_space<hbm>> -> memref<40xi32, #tpu.memory_space<hbm>>
    tpu.enqueue_dma source(%dma_start3A_61 : memref<40xi32, #tpu.memory_space<hbm>>) target(%dma_start3A_60 : memref<40xi32, #tpu.memory_space<vmem>>) target_semaphore(%arg29 : memref<!tpu.dma_semaphore, #tpu.memory_space<semaphore_mem>>)
    %dma_start3A_62 = arith.constant 0 : i32
    %dma_start3A_63 = tpu.memref_slice %arg15[%dma_start3A_62] : memref<48xf32, #tpu.memory_space<vmem>> -> memref<40xf32, #tpu.memory_space<vmem>>
    %dma_start3A_64 = tpu.memref_slice %arg7[%add3A_54] : memref<320000xf32, #tpu.memory_space<hbm>> -> memref<40xf32, #tpu.memory_space<hbm>>
    %dma_start3A_65 = arith.constant 0 : i32
    %dma_start3A_66 = tpu.memref_slice %arg15[%dma_start3A_65] : memref<48xf32, #tpu.memory_space<vmem>> -> memref<40xf32, #tpu.memory_space<vmem>>
    %dma_start3A_67 = tpu.memref_slice %arg7[%add3A_54] : memref<320000xf32, #tpu.memory_space<hbm>> -> memref<40xf32, #tpu.memory_space<hbm>>
    tpu.enqueue_dma source(%dma_start3A_67 : memref<40xf32, #tpu.memory_space<hbm>>) target(%dma_start3A_66 : memref<40xf32, #tpu.memory_space<vmem>>) target_semaphore(%arg29 : memref<!tpu.dma_semaphore, #tpu.memory_space<semaphore_mem>>)
    %dma_wait3A = arith.constant 0 : i32
    %dma_wait3A_68 = tpu.memref_slice %arg5[%dma_wait3A] : memref<320000xi32, #tpu.memory_space<hbm>> -> memref<40xi32, #tpu.memory_space<hbm>>
    %dma_wait3A_69 = arith.constant 0 : i32
    %dma_wait3A_70 = tpu.memref_slice %arg5[%dma_wait3A_69] : memref<320000xi32, #tpu.memory_space<hbm>> -> memref<40xi32, #tpu.memory_space<hbm>>
    tpu.wait_dma2 semaphore(%arg29 : memref<!tpu.dma_semaphore, #tpu.memory_space<semaphore_mem>>) src(%dma_wait3A_70 : memref<40xi32, #tpu.memory_space<hbm>>) dst(%arg9 : memref<40xi32, #tpu.memory_space<vmem>>)
    %dma_wait3A_71 = arith.constant 0 : i32
    %dma_wait3A_72 = tpu.memref_slice %arg11[%dma_wait3A_71] : memref<48xi32, #tpu.memory_space<vmem>> -> memref<40xi32, #tpu.memory_space<vmem>>
    %dma_wait3A_73 = arith.constant 0 : i32
    %dma_wait3A_74 = tpu.memref_slice %arg6[%dma_wait3A_73] : memref<320000xi32, #tpu.memory_space<hbm>> -> memref<40xi32, #tpu.memory_space<hbm>>
    %dma_wait3A_75 = arith.constant 0 : i32
    %dma_wait3A_76 = tpu.memref_slice %arg11[%dma_wait3A_75] : memref<48xi32, #tpu.memory_space<vmem>> -> memref<40xi32, #tpu.memory_space<vmem>>
    %dma_wait3A_77 = arith.constant 0 : i32
    %dma_wait3A_78 = tpu.memref_slice %arg6[%dma_wait3A_77] : memref<320000xi32, #tpu.memory_space<hbm>> -> memref<40xi32, #tpu.memory_space<hbm>>
    tpu.wait_dma2 semaphore(%arg29 : memref<!tpu.dma_semaphore, #tpu.memory_space<semaphore_mem>>) src(%dma_wait3A_78 : memref<40xi32, #tpu.memory_space<hbm>>) dst(%dma_wait3A_76 : memref<40xi32, #tpu.memory_space<vmem>>)
    %dma_wait3A_79 = arith.constant 0 : i32
    %dma_wait3A_80 = tpu.memref_slice %arg15[%dma_wait3A_79] : memref<48xf32, #tpu.memory_space<vmem>> -> memref<40xf32, #tpu.memory_space<vmem>>
    %dma_wait3A_81 = arith.constant 0 : i32
    %dma_wait3A_82 = tpu.memref_slice %arg7[%dma_wait3A_81] : memref<320000xf32, #tpu.memory_space<hbm>> -> memref<40xf32, #tpu.memory_space<hbm>>
    %dma_wait3A_83 = arith.constant 0 : i32
    %dma_wait3A_84 = tpu.memref_slice %arg15[%dma_wait3A_83] : memref<48xf32, #tpu.memory_space<vmem>> -> memref<40xf32, #tpu.memory_space<vmem>>
    %dma_wait3A_85 = arith.constant 0 : i32
    %dma_wait3A_86 = tpu.memref_slice %arg7[%dma_wait3A_85] : memref<320000xf32, #tpu.memory_space<hbm>> -> memref<40xf32, #tpu.memory_space<hbm>>
    tpu.wait_dma2 semaphore(%arg29 : memref<!tpu.dma_semaphore, #tpu.memory_space<semaphore_mem>>) src(%dma_wait3A_86 : memref<40xf32, #tpu.memory_space<hbm>>) dst(%dma_wait3A_84 : memref<40xf32, #tpu.memory_space<vmem>>)
    %add3A_87 = arith.constant 0 : i32
    %add3A_88 = arith.addi %mul3A_2, %add3A_87 : i32
    %dma_start3A_89 = arith.constant 0 : i32
    %dma_start3A_90 = arith.constant 0 : i32
    %dma_start3A_91 = tpu.memref_slice %arg3[%dma_start3A_89, %dma_start3A_90] : memref<10000x128xf32, #tpu.memory_space<hbm>> -> memref<10000x128xf32, #tpu.memory_space<hbm>>
    tpu.enqueue_indirect_dma source(%dma_start3A_91 : memref<10000x128xf32, #tpu.memory_space<hbm>>) target(%arg19 : memref<40x128xf32, #tpu.memory_space<vmem>>) offsets(%arg9 : memref<40xi32, #tpu.memory_space<vmem>>) semaphore(%arg27 : memref<!tpu.dma_semaphore, #tpu.memory_space<semaphore_mem>>)
    %dma_start3A_92 = arith.constant 0 : i32
    %dma_start3A_93 = tpu.memref_slice %arg11[%dma_start3A_92] : memref<48xi32, #tpu.memory_space<vmem>> -> memref<40xi32, #tpu.memory_space<vmem>>
    %dma_start3A_94 = arith.constant 0 : i32
    %dma_start3A_95 = arith.constant 0 : i32
    %dma_start3A_96 = tpu.memref_slice %arg2[%dma_start3A_94, %dma_start3A_95] : memref<10000x128xf32, #tpu.memory_space<hbm>> -> memref<10000x128xf32, #tpu.memory_space<hbm>>
    tpu.enqueue_indirect_dma source(%dma_start3A_96 : memref<10000x128xf32, #tpu.memory_space<hbm>>) target(%arg21 : memref<40x128xf32, #tpu.memory_space<vmem>>) offsets(%dma_start3A_93 : memref<40xi32, #tpu.memory_space<vmem>>) semaphore(%arg27 : memref<!tpu.dma_semaphore, #tpu.memory_space<semaphore_mem>>)
    %dma_start3A_97 = arith.constant 0 : i32
    %dma_start3A_98 = tpu.memref_slice %arg4[%add3A_88, %dma_start3A_97] : memref<320000x128xf32, #tpu.memory_space<hbm>> -> memref<40x128xf32, #tpu.memory_space<hbm>>
    %dma_start3A_99 = arith.constant 0 : i32
    %dma_start3A_100 = tpu.memref_slice %arg4[%add3A_88, %dma_start3A_99] : memref<320000x128xf32, #tpu.memory_space<hbm>> -> memref<40x128xf32, #tpu.memory_space<hbm>>
    tpu.enqueue_dma source(%dma_start3A_100 : memref<40x128xf32, #tpu.memory_space<hbm>>) target(%arg23 : memref<40x128xf32, #tpu.memory_space<vmem>>) target_semaphore(%arg27 : memref<!tpu.dma_semaphore, #tpu.memory_space<semaphore_mem>>)
    %add3A_101 = arith.constant 40 : i32
    %add3A_102 = arith.addi %mul3A_2, %add3A_101 : i32
    %dma_start3A_103 = tpu.memref_slice %arg5[%add3A_102] : memref<320000xi32, #tpu.memory_space<hbm>> -> memref<40xi32, #tpu.memory_space<hbm>>
    %dma_start3A_104 = tpu.memref_slice %arg5[%add3A_102] : memref<320000xi32, #tpu.memory_space<hbm>> -> memref<40xi32, #tpu.memory_space<hbm>>
    tpu.enqueue_dma source(%dma_start3A_104 : memref<40xi32, #tpu.memory_space<hbm>>) target(%arg10 : memref<40xi32, #tpu.memory_space<vmem>>) target_semaphore(%arg30 : memref<!tpu.dma_semaphore, #tpu.memory_space<semaphore_mem>>)
    %dma_start3A_105 = arith.constant 0 : i32
    %dma_start3A_106 = tpu.memref_slice %arg12[%dma_start3A_105] : memref<48xi32, #tpu.memory_space<vmem>> -> memref<40xi32, #tpu.memory_space<vmem>>
    %dma_start3A_107 = tpu.memref_slice %arg6[%add3A_102] : memref<320000xi32, #tpu.memory_space<hbm>> -> memref<40xi32, #tpu.memory_space<hbm>>
    %dma_start3A_108 = arith.constant 0 : i32
    %dma_start3A_109 = tpu.memref_slice %arg12[%dma_start3A_108] : memref<48xi32, #tpu.memory_space<vmem>> -> memref<40xi32, #tpu.memory_space<vmem>>
    %dma_start3A_110 = tpu.memref_slice %arg6[%add3A_102] : memref<320000xi32, #tpu.memory_space<hbm>> -> memref<40xi32, #tpu.memory_space<hbm>>
    tpu.enqueue_dma source(%dma_start3A_110 : memref<40xi32, #tpu.memory_space<hbm>>) target(%dma_start3A_109 : memref<40xi32, #tpu.memory_space<vmem>>) target_semaphore(%arg30 : memref<!tpu.dma_semaphore, #tpu.memory_space<semaphore_mem>>)
    %dma_start3A_111 = arith.constant 0 : i32
    %dma_start3A_112 = tpu.memref_slice %arg16[%dma_start3A_111] : memref<48xf32, #tpu.memory_space<vmem>> -> memref<40xf32, #tpu.memory_space<vmem>>
    %dma_start3A_113 = tpu.memref_slice %arg7[%add3A_102] : memref<320000xf32, #tpu.memory_space<hbm>> -> memref<40xf32, #tpu.memory_space<hbm>>
    %dma_start3A_114 = arith.constant 0 : i32
    %dma_start3A_115 = tpu.memref_slice %arg16[%dma_start3A_114] : memref<48xf32, #tpu.memory_space<vmem>> -> memref<40xf32, #tpu.memory_space<vmem>>
    %dma_start3A_116 = tpu.memref_slice %arg7[%add3A_102] : memref<320000xf32, #tpu.memory_space<hbm>> -> memref<40xf32, #tpu.memory_space<hbm>>
    tpu.enqueue_dma source(%dma_start3A_116 : memref<40xf32, #tpu.memory_space<hbm>>) target(%dma_start3A_115 : memref<40xf32, #tpu.memory_space<vmem>>) target_semaphore(%arg30 : memref<!tpu.dma_semaphore, #tpu.memory_space<semaphore_mem>>)
    %scan3A_117 = arith.constant 0 : i32
    %scan3A_118 = arith.constant 124 : i32
    %scan3A_119 = arith.addi %scan3A_117, %scan3A_118 : i32
    %scan3A_120 = arith.constant 1 : i32
    scf.for %scan3A_254 = %scan3A_117 to %scan3A_119 step %scan3A_120  : i32 {
      %mul3A_255 = arith.constant 2 : i32
      %mul3A_256 = arith.muli %scan3A_254, %mul3A_255 : i32
      %add3A_257 = arith.constant 0 : i32
      %add3A_258 = arith.addi %add3A_257, %mul3A_256 : i32
      %dma_wait3A_259 = arith.constant 0 : i32
      %dma_wait3A_260 = tpu.memref_slice %arg5[%dma_wait3A_259] : memref<320000xi32, #tpu.memory_space<hbm>> -> memref<40xi32, #tpu.memory_space<hbm>>
      %dma_wait3A_261 = arith.constant 0 : i32
      %dma_wait3A_262 = tpu.memref_slice %arg5[%dma_wait3A_261] : memref<320000xi32, #tpu.memory_space<hbm>> -> memref<40xi32, #tpu.memory_space<hbm>>
      tpu.wait_dma2 semaphore(%arg30 : memref<!tpu.dma_semaphore, #tpu.memory_space<semaphore_mem>>) src(%dma_wait3A_262 : memref<40xi32, #tpu.memory_space<hbm>>) dst(%arg10 : memref<40xi32, #tpu.memory_space<vmem>>)
      %dma_wait3A_263 = arith.constant 0 : i32
      %dma_wait3A_264 = tpu.memref_slice %arg12[%dma_wait3A_263] : memref<48xi32, #tpu.memory_space<vmem>> -> memref<40xi32, #tpu.memory_space<vmem>>
      %dma_wait3A_265 = arith.constant 0 : i32
      %dma_wait3A_266 = tpu.memref_slice %arg6[%dma_wait3A_265] : memref<320000xi32, #tpu.memory_space<hbm>> -> memref<40xi32, #tpu.memory_space<hbm>>
      %dma_wait3A_267 = arith.constant 0 : i32
      %dma_wait3A_268 = tpu.memref_slice %arg12[%dma_wait3A_267] : memref<48xi32, #tpu.memory_space<vmem>> -> memref<40xi32, #tpu.memory_space<vmem>>
      %dma_wait3A_269 = arith.constant 0 : i32
      %dma_wait3A_270 = tpu.memref_slice %arg6[%dma_wait3A_269] : memref<320000xi32, #tpu.memory_space<hbm>> -> memref<40xi32, #tpu.memory_space<hbm>>
      tpu.wait_dma2 semaphore(%arg30 : memref<!tpu.dma_semaphore, #tpu.memory_space<semaphore_mem>>) src(%dma_wait3A_270 : memref<40xi32, #tpu.memory_space<hbm>>) dst(%dma_wait3A_268 : memref<40xi32, #tpu.memory_space<vmem>>)
      %dma_wait3A_271 = arith.constant 0 : i32
      %dma_wait3A_272 = tpu.memref_slice %arg16[%dma_wait3A_271] : memref<48xf32, #tpu.memory_space<vmem>> -> memref<40xf32, #tpu.memory_space<vmem>>
      %dma_wait3A_273 = arith.constant 0 : i32
      %dma_wait3A_274 = tpu.memref_slice %arg7[%dma_wait3A_273] : memref<320000xf32, #tpu.memory_space<hbm>> -> memref<40xf32, #tpu.memory_space<hbm>>
      %dma_wait3A_275 = arith.constant 0 : i32
      %dma_wait3A_276 = tpu.memref_slice %arg16[%dma_wait3A_275] : memref<48xf32, #tpu.memory_space<vmem>> -> memref<40xf32, #tpu.memory_space<vmem>>
      %dma_wait3A_277 = arith.constant 0 : i32
      %dma_wait3A_278 = tpu.memref_slice %arg7[%dma_wait3A_277] : memref<320000xf32, #tpu.memory_space<hbm>> -> memref<40xf32, #tpu.memory_space<hbm>>
      tpu.wait_dma2 semaphore(%arg30 : memref<!tpu.dma_semaphore, #tpu.memory_space<semaphore_mem>>) src(%dma_wait3A_278 : memref<40xf32, #tpu.memory_space<hbm>>) dst(%dma_wait3A_276 : memref<40xf32, #tpu.memory_space<vmem>>)
      %add3A_279 = arith.constant 1 : i32
      %add3A_280 = arith.addi %add3A_258, %add3A_279 : i32
      %mul3A_281 = arith.constant 40 : i32
      %mul3A_282 = arith.muli %add3A_280, %mul3A_281 : i32
      %add3A_283 = arith.addi %mul3A_2, %mul3A_282 : i32
      %dma_start3A_284 = arith.constant 0 : i32
      %dma_start3A_285 = arith.constant 0 : i32
      %dma_start3A_286 = tpu.memref_slice %arg3[%dma_start3A_284, %dma_start3A_285] : memref<10000x128xf32, #tpu.memory_space<hbm>> -> memref<10000x128xf32, #tpu.memory_space<hbm>>
      tpu.enqueue_indirect_dma source(%dma_start3A_286 : memref<10000x128xf32, #tpu.memory_space<hbm>>) target(%arg20 : memref<40x128xf32, #tpu.memory_space<vmem>>) offsets(%arg10 : memref<40xi32, #tpu.memory_space<vmem>>) semaphore(%arg28 : memref<!tpu.dma_semaphore, #tpu.memory_space<semaphore_mem>>)
      %dma_start3A_287 = arith.constant 0 : i32
      %dma_start3A_288 = tpu.memref_slice %arg12[%dma_start3A_287] : memref<48xi32, #tpu.memory_space<vmem>> -> memref<40xi32, #tpu.memory_space<vmem>>
      %dma_start3A_289 = arith.constant 0 : i32
      %dma_start3A_290 = arith.constant 0 : i32
      %dma_start3A_291 = tpu.memref_slice %arg2[%dma_start3A_289, %dma_start3A_290] : memref<10000x128xf32, #tpu.memory_space<hbm>> -> memref<10000x128xf32, #tpu.memory_space<hbm>>
      tpu.enqueue_indirect_dma source(%dma_start3A_291 : memref<10000x128xf32, #tpu.memory_space<hbm>>) target(%arg22 : memref<40x128xf32, #tpu.memory_space<vmem>>) offsets(%dma_start3A_288 : memref<40xi32, #tpu.memory_space<vmem>>) semaphore(%arg28 : memref<!tpu.dma_semaphore, #tpu.memory_space<semaphore_mem>>)
      %dma_start3A_292 = arith.constant 0 : i32
      %dma_start3A_293 = tpu.memref_slice %arg4[%add3A_283, %dma_start3A_292] : memref<320000x128xf32, #tpu.memory_space<hbm>> -> memref<40x128xf32, #tpu.memory_space<hbm>>
      %dma_start3A_294 = arith.constant 0 : i32
      %dma_start3A_295 = tpu.memref_slice %arg4[%add3A_283, %dma_start3A_294] : memref<320000x128xf32, #tpu.memory_space<hbm>> -> memref<40x128xf32, #tpu.memory_space<hbm>>
      tpu.enqueue_dma source(%dma_start3A_295 : memref<40x128xf32, #tpu.memory_space<hbm>>) target(%arg24 : memref<40x128xf32, #tpu.memory_space<vmem>>) target_semaphore(%arg28 : memref<!tpu.dma_semaphore, #tpu.memory_space<semaphore_mem>>)
      %dma_wait3A_296 = arith.constant 0 : i32
      %dma_wait3A_297 = arith.constant 0 : i32
      %dma_wait3A_298 = tpu.memref_slice %arg3[%dma_wait3A_296, %dma_wait3A_297] : memref<10000x128xf32, #tpu.memory_space<hbm>> -> memref<10000x128xf32, #tpu.memory_space<hbm>>
      tpu.wait_indirect_dma semaphore(%arg27 : memref<!tpu.dma_semaphore, #tpu.memory_space<semaphore_mem>>) src(%dma_wait3A_298 : memref<10000x128xf32, #tpu.memory_space<hbm>>) dst(%arg19 : memref<40x128xf32, #tpu.memory_space<vmem>>)
      %dma_wait3A_299 = arith.constant 0 : i32
      %dma_wait3A_300 = tpu.memref_slice %arg11[%dma_wait3A_299] : memref<48xi32, #tpu.memory_space<vmem>> -> memref<40xi32, #tpu.memory_space<vmem>>
      %dma_wait3A_301 = arith.constant 0 : i32
      %dma_wait3A_302 = arith.constant 0 : i32
      %dma_wait3A_303 = tpu.memref_slice %arg2[%dma_wait3A_301, %dma_wait3A_302] : memref<10000x128xf32, #tpu.memory_space<hbm>> -> memref<10000x128xf32, #tpu.memory_space<hbm>>
      tpu.wait_indirect_dma semaphore(%arg27 : memref<!tpu.dma_semaphore, #tpu.memory_space<semaphore_mem>>) src(%dma_wait3A_303 : memref<10000x128xf32, #tpu.memory_space<hbm>>) dst(%arg21 : memref<40x128xf32, #tpu.memory_space<vmem>>)
      %dma_wait3A_304 = arith.constant 0 : i32
      %dma_wait3A_305 = arith.constant 0 : i32
      %dma_wait3A_306 = tpu.memref_slice %arg4[%dma_wait3A_304, %dma_wait3A_305] : memref<320000x128xf32, #tpu.memory_space<hbm>> -> memref<40x128xf32, #tpu.memory_space<hbm>>
      %dma_wait3A_307 = arith.constant 0 : i32
      %dma_wait3A_308 = arith.constant 0 : i32
      %dma_wait3A_309 = tpu.memref_slice %arg4[%dma_wait3A_307, %dma_wait3A_308] : memref<320000x128xf32, #tpu.memory_space<hbm>> -> memref<40x128xf32, #tpu.memory_space<hbm>>
      tpu.wait_dma2 semaphore(%arg27 : memref<!tpu.dma_semaphore, #tpu.memory_space<semaphore_mem>>) src(%dma_wait3A_309 : memref<40x128xf32, #tpu.memory_space<hbm>>) dst(%arg23 : memref<40x128xf32, #tpu.memory_space<vmem>>)
      %get3A_310 = arith.constant 0 : index
      %get3A_311 = tpu.vector_load %arg11[%get3A_310] {strides = array<i32>} : memref<48xi32, #tpu.memory_space<vmem>>, vector<16xi32>,
      %swap3A_312 = arith.constant 0 : index
      %swap3A_313 = tpu.vector_load %arg13[%swap3A_312] {strides = array<i32>} : memref<48xi32, #tpu.memory_space<vmem>>, vector<16xi32>,
      tpu.vector_store %arg13[%swap3A_312], %get3A_311 {strides = array<i32>} : memref<48xi32, #tpu.memory_space<vmem>>, vector<16xi32>,
      %get3A_314 = arith.constant 0 : index
      %get3A_315 = tpu.vector_load %arg15[%get3A_314] {strides = array<i32>} : memref<48xf32, #tpu.memory_space<vmem>>, vector<16xf32>,
      %swap3A_316 = arith.constant 0 : index
      %swap3A_317 = tpu.vector_load %arg17[%swap3A_316] {strides = array<i32>} : memref<48xf32, #tpu.memory_space<vmem>>, vector<16xf32>,
      tpu.vector_store %arg17[%swap3A_316], %get3A_315 {strides = array<i32>} : memref<48xf32, #tpu.memory_space<vmem>>, vector<16xf32>,
      %get3A_318 = arith.constant 16 : index
      %get3A_319 = tpu.vector_load %arg11[%get3A_318] {strides = array<i32>} : memref<48xi32, #tpu.memory_space<vmem>>, vector<16xi32>,
      %swap3A_320 = arith.constant 16 : index
      %swap3A_321 = tpu.vector_load %arg13[%swap3A_320] {strides = array<i32>} : memref<48xi32, #tpu.memory_space<vmem>>, vector<16xi32>,
      tpu.vector_store %arg13[%swap3A_320], %get3A_319 {strides = array<i32>} : memref<48xi32, #tpu.memory_space<vmem>>, vector<16xi32>,
      %get3A_322 = arith.constant 16 : index
      %get3A_323 = tpu.vector_load %arg15[%get3A_322] {strides = array<i32>} : memref<48xf32, #tpu.memory_space<vmem>>, vector<16xf32>,
      %swap3A_324 = arith.constant 16 : index
      %swap3A_325 = tpu.vector_load %arg17[%swap3A_324] {strides = array<i32>} : memref<48xf32, #tpu.memory_space<vmem>>, vector<16xf32>,
      tpu.vector_store %arg17[%swap3A_324], %get3A_323 {strides = array<i32>} : memref<48xf32, #tpu.memory_space<vmem>>, vector<16xf32>,
      %get3A_326 = arith.constant 32 : index
      %get3A_327 = tpu.vector_load %arg11[%get3A_326] {strides = array<i32>} : memref<48xi32, #tpu.memory_space<vmem>>, vector<16xi32>,
      %swap3A_328 = arith.constant 32 : index
      %swap3A_329 = tpu.vector_load %arg13[%swap3A_328] {strides = array<i32>} : memref<48xi32, #tpu.memory_space<vmem>>, vector<16xi32>,
      tpu.vector_store %arg13[%swap3A_328], %get3A_327 {strides = array<i32>} : memref<48xi32, #tpu.memory_space<vmem>>, vector<16xi32>,
      %get3A_330 = arith.constant 32 : index
      %get3A_331 = tpu.vector_load %arg15[%get3A_330] {strides = array<i32>} : memref<48xf32, #tpu.memory_space<vmem>>, vector<16xf32>,
      %swap3A_332 = arith.constant 32 : index
      %swap3A_333 = tpu.vector_load %arg17[%swap3A_332] {strides = array<i32>} : memref<48xf32, #tpu.memory_space<vmem>>, vector<16xf32>,
      tpu.vector_store %arg17[%swap3A_332], %get3A_331 {strides = array<i32>} : memref<48xf32, #tpu.memory_space<vmem>>, vector<16xf32>,
      %add3A_334 = arith.constant 2 : i32
      %add3A_335 = arith.addi %add3A_258, %add3A_334 : i32
      %mul3A_336 = arith.constant 40 : i32
      %mul3A_337 = arith.muli %add3A_335, %mul3A_336 : i32
      %add3A_338 = arith.addi %mul3A_2, %mul3A_337 : i32
      %dma_start3A_339 = tpu.memref_slice %arg5[%add3A_338] : memref<320000xi32, #tpu.memory_space<hbm>> -> memref<40xi32, #tpu.memory_space<hbm>>
      %dma_start3A_340 = tpu.memref_slice %arg5[%add3A_338] : memref<320000xi32, #tpu.memory_space<hbm>> -> memref<40xi32, #tpu.memory_space<hbm>>
      tpu.enqueue_dma source(%dma_start3A_340 : memref<40xi32, #tpu.memory_space<hbm>>) target(%arg9 : memref<40xi32, #tpu.memory_space<vmem>>) target_semaphore(%arg29 : memref<!tpu.dma_semaphore, #tpu.memory_space<semaphore_mem>>)
      %dma_start3A_341 = arith.constant 0 : i32
      %dma_start3A_342 = tpu.memref_slice %arg11[%dma_start3A_341] : memref<48xi32, #tpu.memory_space<vmem>> -> memref<40xi32, #tpu.memory_space<vmem>>
      %dma_start3A_343 = tpu.memref_slice %arg6[%add3A_338] : memref<320000xi32, #tpu.memory_space<hbm>> -> memref<40xi32, #tpu.memory_space<hbm>>
      %dma_start3A_344 = arith.constant 0 : i32
      %dma_start3A_345 = tpu.memref_slice %arg11[%dma_start3A_344] : memref<48xi32, #tpu.memory_space<vmem>> -> memref<40xi32, #tpu.memory_space<vmem>>
      %dma_start3A_346 = tpu.memref_slice %arg6[%add3A_338] : memref<320000xi32, #tpu.memory_space<hbm>> -> memref<40xi32, #tpu.memory_space<hbm>>
      tpu.enqueue_dma source(%dma_start3A_346 : memref<40xi32, #tpu.memory_space<hbm>>) target(%dma_start3A_345 : memref<40xi32, #tpu.memory_space<vmem>>) target_semaphore(%arg29 : memref<!tpu.dma_semaphore, #tpu.memory_space<semaphore_mem>>)
      %dma_start3A_347 = arith.constant 0 : i32
      %dma_start3A_348 = tpu.memref_slice %arg15[%dma_start3A_347] : memref<48xf32, #tpu.memory_space<vmem>> -> memref<40xf32, #tpu.memory_space<vmem>>
      %dma_start3A_349 = tpu.memref_slice %arg7[%add3A_338] : memref<320000xf32, #tpu.memory_space<hbm>> -> memref<40xf32, #tpu.memory_space<hbm>>
      %dma_start3A_350 = arith.constant 0 : i32
      %dma_start3A_351 = tpu.memref_slice %arg15[%dma_start3A_350] : memref<48xf32, #tpu.memory_space<vmem>> -> memref<40xf32, #tpu.memory_space<vmem>>
      %dma_start3A_352 = tpu.memref_slice %arg7[%add3A_338] : memref<320000xf32, #tpu.memory_space<hbm>> -> memref<40xf32, #tpu.memory_space<hbm>>
      tpu.enqueue_dma source(%dma_start3A_352 : memref<40xf32, #tpu.memory_space<hbm>>) target(%dma_start3A_351 : memref<40xf32, #tpu.memory_space<vmem>>) target_semaphore(%arg29 : memref<!tpu.dma_semaphore, #tpu.memory_space<semaphore_mem>>)
      %parallel_loop3A_353 = arith.constant 0 : i32
      %parallel_loop3A_354 = arith.constant 40 : i32
      %parallel_loop3A_355 = arith.constant 1 : i32
      scf.for %parallel_loop3A_455 = %parallel_loop3A_353 to %parallel_loop3A_354 step %parallel_loop3A_355  : i32 {
        %parallel_loop3A_456 = vector.broadcast %parallel_loop3A_455 : i32 to vector<16xi32>
        %parallel_loop3A_457 = tpu.vector_load_idx %arg17[%parallel_loop3A_456] : memref<48xf32, #tpu.memory_space<vmem>>[vector<16xi32>], vector<16xf32>,
        %parallel_loop3A_458 = arith.index_cast %parallel_loop3A_455 : i32 to index
        %parallel_loop3A_459 = arith.constant 0 : index
        %parallel_loop3A_460 = tpu.vector_load %arg19[%parallel_loop3A_458, %parallel_loop3A_459] {strides = array<i32>} : memref<40x128xf32, #tpu.memory_space<vmem>>, vector<16xf32>,
        %parallel_loop3A_461 = vector.bitcast %parallel_loop3A_460 : vector<16xf32> to vector<32xbf16>
        %parallel_loop3A_462 = tpu.unpack_subelements %parallel_loop3A_461, 0 {pack_format = #tpu.pack_format<interleaved>} : vector<32xbf16> -> vector<16xf32>
        %parallel_loop3A_463 = tpu.unpack_subelements %parallel_loop3A_461, 1 {pack_format = #tpu.pack_format<interleaved>} : vector<32xbf16> -> vector<16xf32>
        %parallel_loop3A_464 = arith.index_cast %parallel_loop3A_455 : i32 to index
        %parallel_loop3A_465 = arith.constant 64 : index
        %parallel_loop3A_466 = tpu.vector_load %arg19[%parallel_loop3A_464, %parallel_loop3A_465] {strides = array<i32>} : memref<40x128xf32, #tpu.memory_space<vmem>>, vector<16xf32>,
        %parallel_loop3A_467 = vector.bitcast %parallel_loop3A_466 : vector<16xf32> to vector<32xbf16>
        %parallel_loop3A_468 = tpu.unpack_subelements %parallel_loop3A_467, 0 {pack_format = #tpu.pack_format<interleaved>} : vector<32xbf16> -> vector<16xf32>
        %parallel_loop3A_469 = tpu.unpack_subelements %parallel_loop3A_467, 1 {pack_format = #tpu.pack_format<interleaved>} : vector<32xbf16> -> vector<16xf32>
        %parallel_loop3A_470 = arith.index_cast %parallel_loop3A_455 : i32 to index
        %parallel_loop3A_471 = arith.constant 0 : index
        %parallel_loop3A_472 = tpu.vector_load %arg21[%parallel_loop3A_470, %parallel_loop3A_471] {strides = array<i32>} : memref<40x128xf32, #tpu.memory_space<vmem>>, vector<16xf32>,
        %parallel_loop3A_473 = arith.index_cast %parallel_loop3A_455 : i32 to index
        %parallel_loop3A_474 = arith.constant 0 : index
        %parallel_loop3A_475 = tpu.vector_load %arg23[%parallel_loop3A_473, %parallel_loop3A_474] {strides = array<i32>} : memref<40x128xf32, #tpu.memory_space<vmem>>, vector<16xf32>,
        %parallel_loop3A_476 = arith.mulf %parallel_loop3A_472, %parallel_loop3A_475 : vector<16xf32>
        %parallel_loop3A_477 = arith.mulf %parallel_loop3A_476, %parallel_loop3A_463 : vector<16xf32>
        %parallel_loop3A_478 = arith.constant true
        %parallel_loop3A_479 = vector.broadcast %parallel_loop3A_478 : i1 to vector<16xi1>
        %parallel_loop3A_480 = tpu.scan <sum>, %parallel_loop3A_477 masked %parallel_loop3A_479 : vector<16xf32>, vector<16xi1> -> vector<16xf32>
        %parallel_loop3A_481 = vector.extract %parallel_loop3A_480[15] : f32 from vector<16xf32>
        %parallel_loop3A_482 = vector.broadcast %parallel_loop3A_481 : f32 to vector<16xf32>
        %parallel_loop3A_483 = arith.mulf %parallel_loop3A_482, %parallel_loop3A_457 : vector<16xf32>
        %parallel_loop3A_484 = arith.index_cast %parallel_loop3A_455 : i32 to index
        %parallel_loop3A_485 = arith.constant 16 : index
        %parallel_loop3A_486 = tpu.vector_load %arg21[%parallel_loop3A_484, %parallel_loop3A_485] {strides = array<i32>} : memref<40x128xf32, #tpu.memory_space<vmem>>, vector<16xf32>,
        %parallel_loop3A_487 = arith.index_cast %parallel_loop3A_455 : i32 to index
        %parallel_loop3A_488 = arith.constant 16 : index
        %parallel_loop3A_489 = tpu.vector_load %arg23[%parallel_loop3A_487, %parallel_loop3A_488] {strides = array<i32>} : memref<40x128xf32, #tpu.memory_space<vmem>>, vector<16xf32>,
        %parallel_loop3A_490 = arith.mulf %parallel_loop3A_486, %parallel_loop3A_489 : vector<16xf32>
        %parallel_loop3A_491 = arith.mulf %parallel_loop3A_490, %parallel_loop3A_462 : vector<16xf32>
        %parallel_loop3A_492 = arith.constant true
        %parallel_loop3A_493 = vector.broadcast %parallel_loop3A_492 : i1 to vector<16xi1>
        %parallel_loop3A_494 = tpu.scan <sum>, %parallel_loop3A_491 masked %parallel_loop3A_493 : vector<16xf32>, vector<16xi1> -> vector<16xf32>
        %parallel_loop3A_495 = vector.extract %parallel_loop3A_494[15] : f32 from vector<16xf32>
        %parallel_loop3A_496 = vector.broadcast %parallel_loop3A_495 : f32 to vector<16xf32>
        %parallel_loop3A_497 = arith.mulf %parallel_loop3A_496, %parallel_loop3A_457 : vector<16xf32>
        %parallel_loop3A_498 = arith.mulf %parallel_loop3A_483, %parallel_loop3A_469 : vector<16xf32>
        %parallel_loop3A_499 = arith.index_cast %parallel_loop3A_455 : i32 to index
        %parallel_loop3A_500 = arith.constant 0 : index
        %parallel_loop3A_501 = tpu.vector_load %arg25[%parallel_loop3A_499, %parallel_loop3A_500] {strides = array<i32>} : memref<48x128xf32, #tpu.memory_space<vmem>>, vector<16xf32>,
        tpu.vector_store %arg25[%parallel_loop3A_499, %parallel_loop3A_500], %parallel_loop3A_498 {strides = array<i32>} : memref<48x128xf32, #tpu.memory_space<vmem>>, vector<16xf32>,
        %parallel_loop3A_502 = arith.mulf %parallel_loop3A_497, %parallel_loop3A_468 : vector<16xf32>
        %parallel_loop3A_503 = arith.index_cast %parallel_loop3A_455 : i32 to index
        %parallel_loop3A_504 = arith.constant 16 : index
        %parallel_loop3A_505 = tpu.vector_load %arg25[%parallel_loop3A_503, %parallel_loop3A_504] {strides = array<i32>} : memref<48x128xf32, #tpu.memory_space<vmem>>, vector<16xf32>,
        tpu.vector_store %arg25[%parallel_loop3A_503, %parallel_loop3A_504], %parallel_loop3A_502 {strides = array<i32>} : memref<48x128xf32, #tpu.memory_space<vmem>>, vector<16xf32>,
        %parallel_loop3A_506 = arith.index_cast %parallel_loop3A_455 : i32 to index
        %parallel_loop3A_507 = arith.constant 16 : index
        %parallel_loop3A_508 = tpu.vector_load %arg19[%parallel_loop3A_506, %parallel_loop3A_507] {strides = array<i32>} : memref<40x128xf32, #tpu.memory_space<vmem>>, vector<16xf32>,
        %parallel_loop3A_509 = vector.bitcast %parallel_loop3A_508 : vector<16xf32> to vector<32xbf16>
        %parallel_loop3A_510 = tpu.unpack_subelements %parallel_loop3A_509, 0 {pack_format = #tpu.pack_format<interleaved>} : vector<32xbf16> -> vector<16xf32>
        %parallel_loop3A_511 = tpu.unpack_subelements %parallel_loop3A_509, 1 {pack_format = #tpu.pack_format<interleaved>} : vector<32xbf16> -> vector<16xf32>
        %parallel_loop3A_512 = arith.index_cast %parallel_loop3A_455 : i32 to index
        %parallel_loop3A_513 = arith.constant 80 : index
        %parallel_loop3A_514 = tpu.vector_load %arg19[%parallel_loop3A_512, %parallel_loop3A_513] {strides = array<i32>} : memref<40x128xf32, #tpu.memory_space<vmem>>, vector<16xf32>,
        %parallel_loop3A_515 = vector.bitcast %parallel_loop3A_514 : vector<16xf32> to vector<32xbf16>
        %parallel_loop3A_516 = tpu.unpack_subelements %parallel_loop3A_515, 0 {pack_format = #tpu.pack_format<interleaved>} : vector<32xbf16> -> vector<16xf32>
        %parallel_loop3A_517 = tpu.unpack_subelements %parallel_loop3A_515, 1 {pack_format = #tpu.pack_format<interleaved>} : vector<32xbf16> -> vector<16xf32>
        %parallel_loop3A_518 = arith.index_cast %parallel_loop3A_455 : i32 to index
        %parallel_loop3A_519 = arith.constant 32 : index
        %parallel_loop3A_520 = tpu.vector_load %arg21[%parallel_loop3A_518, %parallel_loop3A_519] {strides = array<i32>} : memref<40x128xf32, #tpu.memory_space<vmem>>, vector<16xf32>,
        %parallel_loop3A_521 = arith.index_cast %parallel_loop3A_455 : i32 to index
        %parallel_loop3A_522 = arith.constant 32 : index
        %parallel_loop3A_523 = tpu.vector_load %arg23[%parallel_loop3A_521, %parallel_loop3A_522] {strides = array<i32>} : memref<40x128xf32, #tpu.memory_space<vmem>>, vector<16xf32>,
        %parallel_loop3A_524 = arith.mulf %parallel_loop3A_520, %parallel_loop3A_523 : vector<16xf32>
        %parallel_loop3A_525 = arith.mulf %parallel_loop3A_524, %parallel_loop3A_511 : vector<16xf32>
        %parallel_loop3A_526 = arith.constant true
        %parallel_loop3A_527 = vector.broadcast %parallel_loop3A_526 : i1 to vector<16xi1>
        %parallel_loop3A_528 = tpu.scan <sum>, %parallel_loop3A_525 masked %parallel_loop3A_527 : vector<16xf32>, vector<16xi1> -> vector<16xf32>
        %parallel_loop3A_529 = vector.extract %parallel_loop3A_528[15] : f32 from vector<16xf32>
        %parallel_loop3A_530 = vector.broadcast %parallel_loop3A_529 : f32 to vector<16xf32>
        %parallel_loop3A_531 = arith.mulf %parallel_loop3A_530, %parallel_loop3A_457 : vector<16xf32>
        %parallel_loop3A_532 = arith.index_cast %parallel_loop3A_455 : i32 to index
        %parallel_loop3A_533 = arith.constant 48 : index
        %parallel_loop3A_534 = tpu.vector_load %arg21[%parallel_loop3A_532, %parallel_loop3A_533] {strides = array<i32>} : memref<40x128xf32, #tpu.memory_space<vmem>>, vector<16xf32>,
        %parallel_loop3A_535 = arith.index_cast %parallel_loop3A_455 : i32 to index
        %parallel_loop3A_536 = arith.constant 48 : index
        %parallel_loop3A_537 = tpu.vector_load %arg23[%parallel_loop3A_535, %parallel_loop3A_536] {strides = array<i32>} : memref<40x128xf32, #tpu.memory_space<vmem>>, vector<16xf32>,
        %parallel_loop3A_538 = arith.mulf %parallel_loop3A_534, %parallel_loop3A_537 : vector<16xf32>
        %parallel_loop3A_539 = arith.mulf %parallel_loop3A_538, %parallel_loop3A_510 : vector<16xf32>
        %parallel_loop3A_540 = arith.constant true
        %parallel_loop3A_541 = vector.broadcast %parallel_loop3A_540 : i1 to vector<16xi1>
        %parallel_loop3A_542 = tpu.scan <sum>, %parallel_loop3A_539 masked %parallel_loop3A_541 : vector<16xf32>, vector<16xi1> -> vector<16xf32>
        %parallel_loop3A_543 = vector.extract %parallel_loop3A_542[15] : f32 from vector<16xf32>
        %parallel_loop3A_544 = vector.broadcast %parallel_loop3A_543 : f32 to vector<16xf32>
        %parallel_loop3A_545 = arith.mulf %parallel_loop3A_544, %parallel_loop3A_457 : vector<16xf32>
        %parallel_loop3A_546 = arith.mulf %parallel_loop3A_531, %parallel_loop3A_517 : vector<16xf32>
        %parallel_loop3A_547 = arith.index_cast %parallel_loop3A_455 : i32 to index
        %parallel_loop3A_548 = arith.constant 32 : index
        %parallel_loop3A_549 = tpu.vector_load %arg25[%parallel_loop3A_547, %parallel_loop3A_548] {strides = array<i32>} : memref<48x128xf32, #tpu.memory_space<vmem>>, vector<16xf32>,
        tpu.vector_store %arg25[%parallel_loop3A_547, %parallel_loop3A_548], %parallel_loop3A_546 {strides = array<i32>} : memref<48x128xf32, #tpu.memory_space<vmem>>, vector<16xf32>,
        %parallel_loop3A_550 = arith.mulf %parallel_loop3A_545, %parallel_loop3A_516 : vector<16xf32>
        %parallel_loop3A_551 = arith.index_cast %parallel_loop3A_455 : i32 to index
        %parallel_loop3A_552 = arith.constant 48 : index
        %parallel_loop3A_553 = tpu.vector_load %arg25[%parallel_loop3A_551, %parallel_loop3A_552] {strides = array<i32>} : memref<48x128xf32, #tpu.memory_space<vmem>>, vector<16xf32>,
        tpu.vector_store %arg25[%parallel_loop3A_551, %parallel_loop3A_552], %parallel_loop3A_550 {strides = array<i32>} : memref<48x128xf32, #tpu.memory_space<vmem>>, vector<16xf32>,
        %parallel_loop3A_554 = arith.index_cast %parallel_loop3A_455 : i32 to index
        %parallel_loop3A_555 = arith.constant 32 : index
        %parallel_loop3A_556 = tpu.vector_load %arg19[%parallel_loop3A_554, %parallel_loop3A_555] {strides = array<i32>} : memref<40x128xf32, #tpu.memory_space<vmem>>, vector<16xf32>,
        %parallel_loop3A_557 = vector.bitcast %parallel_loop3A_556 : vector<16xf32> to vector<32xbf16>
        %parallel_loop3A_558 = tpu.unpack_subelements %parallel_loop3A_557, 0 {pack_format = #tpu.pack_format<interleaved>} : vector<32xbf16> -> vector<16xf32>
        %parallel_loop3A_559 = tpu.unpack_subelements %parallel_loop3A_557, 1 {pack_format = #tpu.pack_format<interleaved>} : vector<32xbf16> -> vector<16xf32>
        %parallel_loop3A_560 = arith.index_cast %parallel_loop3A_455 : i32 to index
        %parallel_loop3A_561 = arith.constant 96 : index
        %parallel_loop3A_562 = tpu.vector_load %arg19[%parallel_loop3A_560, %parallel_loop3A_561] {strides = array<i32>} : memref<40x128xf32, #tpu.memory_space<vmem>>, vector<16xf32>,
        %parallel_loop3A_563 = vector.bitcast %parallel_loop3A_562 : vector<16xf32> to vector<32xbf16>
        %parallel_loop3A_564 = tpu.unpack_subelements %parallel_loop3A_563, 0 {pack_format = #tpu.pack_format<interleaved>} : vector<32xbf16> -> vector<16xf32>
        %parallel_loop3A_565 = tpu.unpack_subelements %parallel_loop3A_563, 1 {pack_format = #tpu.pack_format<interleaved>} : vector<32xbf16> -> vector<16xf32>
        %parallel_loop3A_566 = arith.index_cast %parallel_loop3A_455 : i32 to index
        %parallel_loop3A_567 = arith.constant 64 : index
        %parallel_loop3A_568 = tpu.vector_load %arg21[%parallel_loop3A_566, %parallel_loop3A_567] {strides = array<i32>} : memref<40x128xf32, #tpu.memory_space<vmem>>, vector<16xf32>,
        %parallel_loop3A_569 = arith.index_cast %parallel_loop3A_455 : i32 to index
        %parallel_loop3A_570 = arith.constant 64 : index
        %parallel_loop3A_571 = tpu.vector_load %arg23[%parallel_loop3A_569, %parallel_loop3A_570] {strides = array<i32>} : memref<40x128xf32, #tpu.memory_space<vmem>>, vector<16xf32>,
        %parallel_loop3A_572 = arith.mulf %parallel_loop3A_568, %parallel_loop3A_571 : vector<16xf32>
        %parallel_loop3A_573 = arith.mulf %parallel_loop3A_572, %parallel_loop3A_559 : vector<16xf32>
        %parallel_loop3A_574 = arith.constant true
        %parallel_loop3A_575 = vector.broadcast %parallel_loop3A_574 : i1 to vector<16xi1>
        %parallel_loop3A_576 = tpu.scan <sum>, %parallel_loop3A_573 masked %parallel_loop3A_575 : vector<16xf32>, vector<16xi1> -> vector<16xf32>
        %parallel_loop3A_577 = vector.extract %parallel_loop3A_576[15] : f32 from vector<16xf32>
        %parallel_loop3A_578 = vector.broadcast %parallel_loop3A_577 : f32 to vector<16xf32>
        %parallel_loop3A_579 = arith.mulf %parallel_loop3A_578, %parallel_loop3A_457 : vector<16xf32>
        %parallel_loop3A_580 = arith.index_cast %parallel_loop3A_455 : i32 to index
        %parallel_loop3A_581 = arith.constant 80 : index
        %parallel_loop3A_582 = tpu.vector_load %arg21[%parallel_loop3A_580, %parallel_loop3A_581] {strides = array<i32>} : memref<40x128xf32, #tpu.memory_space<vmem>>, vector<16xf32>,
        %parallel_loop3A_583 = arith.index_cast %parallel_loop3A_455 : i32 to index
        %parallel_loop3A_584 = arith.constant 80 : index
        %parallel_loop3A_585 = tpu.vector_load %arg23[%parallel_loop3A_583, %parallel_loop3A_584] {strides = array<i32>} : memref<40x128xf32, #tpu.memory_space<vmem>>, vector<16xf32>,
        %parallel_loop3A_586 = arith.mulf %parallel_loop3A_582, %parallel_loop3A_585 : vector<16xf32>
        %parallel_loop3A_587 = arith.mulf %parallel_loop3A_586, %parallel_loop3A_558 : vector<16xf32>
        %parallel_loop3A_588 = arith.constant true
        %parallel_loop3A_589 = vector.broadcast %parallel_loop3A_588 : i1 to vector<16xi1>
        %parallel_loop3A_590 = tpu.scan <sum>, %parallel_loop3A_587 masked %parallel_loop3A_589 : vector<16xf32>, vector<16xi1> -> vector<16xf32>
        %parallel_loop3A_591 = vector.extract %parallel_loop3A_590[15] : f32 from vector<16xf32>
        %parallel_loop3A_592 = vector.broadcast %parallel_loop3A_591 : f32 to vector<16xf32>
        %parallel_loop3A_593 = arith.mulf %parallel_loop3A_592, %parallel_loop3A_457 : vector<16xf32>
        %parallel_loop3A_594 = arith.mulf %parallel_loop3A_579, %parallel_loop3A_565 : vector<16xf32>
        %parallel_loop3A_595 = arith.index_cast %parallel_loop3A_455 : i32 to index
        %parallel_loop3A_596 = arith.constant 64 : index
        %parallel_loop3A_597 = tpu.vector_load %arg25[%parallel_loop3A_595, %parallel_loop3A_596] {strides = array<i32>} : memref<48x128xf32, #tpu.memory_space<vmem>>, vector<16xf32>,
        tpu.vector_store %arg25[%parallel_loop3A_595, %parallel_loop3A_596], %parallel_loop3A_594 {strides = array<i32>} : memref<48x128xf32, #tpu.memory_space<vmem>>, vector<16xf32>,
        %parallel_loop3A_598 = arith.mulf %parallel_loop3A_593, %parallel_loop3A_564 : vector<16xf32>
        %parallel_loop3A_599 = arith.index_cast %parallel_loop3A_455 : i32 to index
        %parallel_loop3A_600 = arith.constant 80 : index
        %parallel_loop3A_601 = tpu.vector_load %arg25[%parallel_loop3A_599, %parallel_loop3A_600] {strides = array<i32>} : memref<48x128xf32, #tpu.memory_space<vmem>>, vector<16xf32>,
        tpu.vector_store %arg25[%parallel_loop3A_599, %parallel_loop3A_600], %parallel_loop3A_598 {strides = array<i32>} : memref<48x128xf32, #tpu.memory_space<vmem>>, vector<16xf32>,
        %parallel_loop3A_602 = arith.index_cast %parallel_loop3A_455 : i32 to index
        %parallel_loop3A_603 = arith.constant 48 : index
        %parallel_loop3A_604 = tpu.vector_load %arg19[%parallel_loop3A_602, %parallel_loop3A_603] {strides = array<i32>} : memref<40x128xf32, #tpu.memory_space<vmem>>, vector<16xf32>,
        %parallel_loop3A_605 = vector.bitcast %parallel_loop3A_604 : vector<16xf32> to vector<32xbf16>
        %parallel_loop3A_606 = tpu.unpack_subelements %parallel_loop3A_605, 0 {pack_format = #tpu.pack_format<interleaved>} : vector<32xbf16> -> vector<16xf32>
        %parallel_loop3A_607 = tpu.unpack_subelements %parallel_loop3A_605, 1 {pack_format = #tpu.pack_format<interleaved>} : vector<32xbf16> -> vector<16xf32>
        %parallel_loop3A_608 = arith.index_cast %parallel_loop3A_455 : i32 to index
        %parallel_loop3A_609 = arith.constant 112 : index
        %parallel_loop3A_610 = tpu.vector_load %arg19[%parallel_loop3A_608, %parallel_loop3A_609] {strides = array<i32>} : memref<40x128xf32, #tpu.memory_space<vmem>>, vector<16xf32>,
        %parallel_loop3A_611 = vector.bitcast %parallel_loop3A_610 : vector<16xf32> to vector<32xbf16>
        %parallel_loop3A_612 = tpu.unpack_subelements %parallel_loop3A_611, 0 {pack_format = #tpu.pack_format<interleaved>} : vector<32xbf16> -> vector<16xf32>
        %parallel_loop3A_613 = tpu.unpack_subelements %parallel_loop3A_611, 1 {pack_format = #tpu.pack_format<interleaved>} : vector<32xbf16> -> vector<16xf32>
        %parallel_loop3A_614 = arith.index_cast %parallel_loop3A_455 : i32 to index
        %parallel_loop3A_615 = arith.constant 96 : index
        %parallel_loop3A_616 = tpu.vector_load %arg21[%parallel_loop3A_614, %parallel_loop3A_615] {strides = array<i32>} : memref<40x128xf32, #tpu.memory_space<vmem>>, vector<16xf32>,
        %parallel_loop3A_617 = arith.index_cast %parallel_loop3A_455 : i32 to index
        %parallel_loop3A_618 = arith.constant 96 : index
        %parallel_loop3A_619 = tpu.vector_load %arg23[%parallel_loop3A_617, %parallel_loop3A_618] {strides = array<i32>} : memref<40x128xf32, #tpu.memory_space<vmem>>, vector<16xf32>,
        %parallel_loop3A_620 = arith.mulf %parallel_loop3A_616, %parallel_loop3A_619 : vector<16xf32>
        %parallel_loop3A_621 = arith.mulf %parallel_loop3A_620, %parallel_loop3A_607 : vector<16xf32>
        %parallel_loop3A_622 = arith.constant true
        %parallel_loop3A_623 = vector.broadcast %parallel_loop3A_622 : i1 to vector<16xi1>
        %parallel_loop3A_624 = tpu.scan <sum>, %parallel_loop3A_621 masked %parallel_loop3A_623 : vector<16xf32>, vector<16xi1> -> vector<16xf32>
        %parallel_loop3A_625 = vector.extract %parallel_loop3A_624[15] : f32 from vector<16xf32>
        %parallel_loop3A_626 = vector.broadcast %parallel_loop3A_625 : f32 to vector<16xf32>
        %parallel_loop3A_627 = arith.mulf %parallel_loop3A_626, %parallel_loop3A_457 : vector<16xf32>
        %parallel_loop3A_628 = arith.index_cast %parallel_loop3A_455 : i32 to index
        %parallel_loop3A_629 = arith.constant 112 : index
        %parallel_loop3A_630 = tpu.vector_load %arg21[%parallel_loop3A_628, %parallel_loop3A_629] {strides = array<i32>} : memref<40x128xf32, #tpu.memory_space<vmem>>, vector<16xf32>,
        %parallel_loop3A_631 = arith.index_cast %parallel_loop3A_455 : i32 to index
        %parallel_loop3A_632 = arith.constant 112 : index
        %parallel_loop3A_633 = tpu.vector_load %arg23[%parallel_loop3A_631, %parallel_loop3A_632] {strides = array<i32>} : memref<40x128xf32, #tpu.memory_space<vmem>>, vector<16xf32>,
        %parallel_loop3A_634 = arith.mulf %parallel_loop3A_630, %parallel_loop3A_633 : vector<16xf32>
        %parallel_loop3A_635 = arith.mulf %parallel_loop3A_634, %parallel_loop3A_606 : vector<16xf32>
        %parallel_loop3A_636 = arith.constant true
        %parallel_loop3A_637 = vector.broadcast %parallel_loop3A_636 : i1 to vector<16xi1>
        %parallel_loop3A_638 = tpu.scan <sum>, %parallel_loop3A_635 masked %parallel_loop3A_637 : vector<16xf32>, vector<16xi1> -> vector<16xf32>
        %parallel_loop3A_639 = vector.extract %parallel_loop3A_638[15] : f32 from vector<16xf32>
        %parallel_loop3A_640 = vector.broadcast %parallel_loop3A_639 : f32 to vector<16xf32>
        %parallel_loop3A_641 = arith.mulf %parallel_loop3A_640, %parallel_loop3A_457 : vector<16xf32>
        %parallel_loop3A_642 = arith.mulf %parallel_loop3A_627, %parallel_loop3A_613 : vector<16xf32>
        %parallel_loop3A_643 = arith.index_cast %parallel_loop3A_455 : i32 to index
        %parallel_loop3A_644 = arith.constant 96 : index
        %parallel_loop3A_645 = tpu.vector_load %arg25[%parallel_loop3A_643, %parallel_loop3A_644] {strides = array<i32>} : memref<48x128xf32, #tpu.memory_space<vmem>>, vector<16xf32>,
        tpu.vector_store %arg25[%parallel_loop3A_643, %parallel_loop3A_644], %parallel_loop3A_642 {strides = array<i32>} : memref<48x128xf32, #tpu.memory_space<vmem>>, vector<16xf32>,
        %parallel_loop3A_646 = arith.mulf %parallel_loop3A_641, %parallel_loop3A_612 : vector<16xf32>
        %parallel_loop3A_647 = arith.index_cast %parallel_loop3A_455 : i32 to index
        %parallel_loop3A_648 = arith.constant 112 : index
        %parallel_loop3A_649 = tpu.vector_load %arg25[%parallel_loop3A_647, %parallel_loop3A_648] {strides = array<i32>} : memref<48x128xf32, #tpu.memory_space<vmem>>, vector<16xf32>,
        tpu.vector_store %arg25[%parallel_loop3A_647, %parallel_loop3A_648], %parallel_loop3A_646 {strides = array<i32>} : memref<48x128xf32, #tpu.memory_space<vmem>>, vector<16xf32>,
      } {sc.loop_unroll_factor = 2 : i64, sc.parallel_access}
      "tpu.region"() ({
        %run_scoped3A = tpu.sem_alloc : memref<!tpu.dma_semaphore, #tpu.memory_space<semaphore_mem>>
        %dma_start3A_455 = arith.constant 0 : i32
        %dma_start3A_456 = arith.constant 0 : i32
        %dma_start3A_457 = tpu.memref_slice %arg26[%dma_start3A_455, %dma_start3A_456] : memref<10000x128xf32, #tpu.memory_space<vmem_shared>> -> memref<10000x128xf32, #tpu.memory_space<vmem_shared>>
        tpu.enqueue_indirect_dma source(%arg25 : memref<48x128xf32, #tpu.memory_space<vmem>>) target(%dma_start3A_457 : memref<10000x128xf32, #tpu.memory_space<vmem_shared>>) offsets(%arg13 : memref<48xi32, #tpu.memory_space<vmem>>) semaphore(%run_scoped3A : memref<!tpu.dma_semaphore, #tpu.memory_space<semaphore_mem>>) {add = true}
        %dma_wait3A_458 = arith.constant 0 : i32
        %dma_wait3A_459 = arith.constant 0 : i32
        %dma_wait3A_460 = tpu.memref_slice %arg26[%dma_wait3A_458, %dma_wait3A_459] : memref<10000x128xf32, #tpu.memory_space<vmem_shared>> -> memref<10000x128xf32, #tpu.memory_space<vmem_shared>>
        tpu.wait_indirect_dma semaphore(%run_scoped3A : memref<!tpu.dma_semaphore, #tpu.memory_space<semaphore_mem>>) src(%arg25 : memref<48x128xf32, #tpu.memory_space<vmem>>) dst(%dma_wait3A_460 : memref<10000x128xf32, #tpu.memory_space<vmem_shared>>)
        tpu.yield
      }) : () -> ()
      %add3A_356 = arith.constant 1 : i32
      %add3A_357 = arith.addi %add3A_258, %add3A_356 : i32
      %dma_wait3A_358 = arith.constant 0 : i32
      %dma_wait3A_359 = tpu.memref_slice %arg5[%dma_wait3A_358] : memref<320000xi32, #tpu.memory_space<hbm>> -> memref<40xi32, #tpu.memory_space<hbm>>
      %dma_wait3A_360 = arith.constant 0 : i32
      %dma_wait3A_361 = tpu.memref_slice %arg5[%dma_wait3A_360] : memref<320000xi32, #tpu.memory_space<hbm>> -> memref<40xi32, #tpu.memory_space<hbm>>
      tpu.wait_dma2 semaphore(%arg29 : memref<!tpu.dma_semaphore, #tpu.memory_space<semaphore_mem>>) src(%dma_wait3A_361 : memref<40xi32, #tpu.memory_space<hbm>>) dst(%arg9 : memref<40xi32, #tpu.memory_space<vmem>>)
      %dma_wait3A_362 = arith.constant 0 : i32
      %dma_wait3A_363 = tpu.memref_slice %arg11[%dma_wait3A_362] : memref<48xi32, #tpu.memory_space<vmem>> -> memref<40xi32, #tpu.memory_space<vmem>>
      %dma_wait3A_364 = arith.constant 0 : i32
      %dma_wait3A_365 = tpu.memref_slice %arg6[%dma_wait3A_364] : memref<320000xi32, #tpu.memory_space<hbm>> -> memref<40xi32, #tpu.memory_space<hbm>>
      %dma_wait3A_366 = arith.constant 0 : i32
      %dma_wait3A_367 = tpu.memref_slice %arg11[%dma_wait3A_366] : memref<48xi32, #tpu.memory_space<vmem>> -> memref<40xi32, #tpu.memory_space<vmem>>
      %dma_wait3A_368 = arith.constant 0 : i32
      %dma_wait3A_369 = tpu.memref_slice %arg6[%dma_wait3A_368] : memref<320000xi32, #tpu.memory_space<hbm>> -> memref<40xi32, #tpu.memory_space<hbm>>
      tpu.wait_dma2 semaphore(%arg29 : memref<!tpu.dma_semaphore, #tpu.memory_space<semaphore_mem>>) src(%dma_wait3A_369 : memref<40xi32, #tpu.memory_space<hbm>>) dst(%dma_wait3A_367 : memref<40xi32, #tpu.memory_space<vmem>>)
      %dma_wait3A_370 = arith.constant 0 : i32
      %dma_wait3A_371 = tpu.memref_slice %arg15[%dma_wait3A_370] : memref<48xf32, #tpu.memory_space<vmem>> -> memref<40xf32, #tpu.memory_space<vmem>>
      %dma_wait3A_372 = arith.constant 0 : i32
      %dma_wait3A_373 = tpu.memref_slice %arg7[%dma_wait3A_372] : memref<320000xf32, #tpu.memory_space<hbm>> -> memref<40xf32, #tpu.memory_space<hbm>>
      %dma_wait3A_374 = arith.constant 0 : i32
      %dma_wait3A_375 = tpu.memref_slice %arg15[%dma_wait3A_374] : memref<48xf32, #tpu.memory_space<vmem>> -> memref<40xf32, #tpu.memory_space<vmem>>
      %dma_wait3A_376 = arith.constant 0 : i32
      %dma_wait3A_377 = tpu.memref_slice %arg7[%dma_wait3A_376] : memref<320000xf32, #tpu.memory_space<hbm>> -> memref<40xf32, #tpu.memory_space<hbm>>
      tpu.wait_dma2 semaphore(%arg29 : memref<!tpu.dma_semaphore, #tpu.memory_space<semaphore_mem>>) src(%dma_wait3A_377 : memref<40xf32, #tpu.memory_space<hbm>>) dst(%dma_wait3A_375 : memref<40xf32, #tpu.memory_space<vmem>>)
      %add3A_378 = arith.constant 1 : i32
      %add3A_379 = arith.addi %add3A_357, %add3A_378 : i32
      %mul3A_380 = arith.constant 40 : i32
      %mul3A_381 = arith.muli %add3A_379, %mul3A_380 : i32
      %add3A_382 = arith.addi %mul3A_2, %mul3A_381 : i32
      %dma_start3A_383 = arith.constant 0 : i32
      %dma_start3A_384 = arith.constant 0 : i32
      %dma_start3A_385 = tpu.memref_slice %arg3[%dma_start3A_383, %dma_start3A_384] : memref<10000x128xf32, #tpu.memory_space<hbm>> -> memref<10000x128xf32, #tpu.memory_space<hbm>>
      tpu.enqueue_indirect_dma source(%dma_start3A_385 : memref<10000x128xf32, #tpu.memory_space<hbm>>) target(%arg19 : memref<40x128xf32, #tpu.memory_space<vmem>>) offsets(%arg9 : memref<40xi32, #tpu.memory_space<vmem>>) semaphore(%arg27 : memref<!tpu.dma_semaphore, #tpu.memory_space<semaphore_mem>>)
      %dma_start3A_386 = arith.constant 0 : i32
      %dma_start3A_387 = tpu.memref_slice %arg11[%dma_start3A_386] : memref<48xi32, #tpu.memory_space<vmem>> -> memref<40xi32, #tpu.memory_space<vmem>>
      %dma_start3A_388 = arith.constant 0 : i32
      %dma_start3A_389 = arith.constant 0 : i32
      %dma_start3A_390 = tpu.memref_slice %arg2[%dma_start3A_388, %dma_start3A_389] : memref<10000x128xf32, #tpu.memory_space<hbm>> -> memref<10000x128xf32, #tpu.memory_space<hbm>>
      tpu.enqueue_indirect_dma source(%dma_start3A_390 : memref<10000x128xf32, #tpu.memory_space<hbm>>) target(%arg21 : memref<40x128xf32, #tpu.memory_space<vmem>>) offsets(%dma_start3A_387 : memref<40xi32, #tpu.memory_space<vmem>>) semaphore(%arg27 : memref<!tpu.dma_semaphore, #tpu.memory_space<semaphore_mem>>)
      %dma_start3A_391 = arith.constant 0 : i32
      %dma_start3A_392 = tpu.memref_slice %arg4[%add3A_382, %dma_start3A_391] : memref<320000x128xf32, #tpu.memory_space<hbm>> -> memref<40x128xf32, #tpu.memory_space<hbm>>
      %dma_start3A_393 = arith.constant 0 : i32
      %dma_start3A_394 = tpu.memref_slice %arg4[%add3A_382, %dma_start3A_393] : memref<320000x128xf32, #tpu.memory_space<hbm>> -> memref<40x128xf32, #tpu.memory_space<hbm>>
      tpu.enqueue_dma source(%dma_start3A_394 : memref<40x128xf32, #tpu.memory_space<hbm>>) target(%arg23 : memref<40x128xf32, #tpu.memory_space<vmem>>) target_semaphore(%arg27 : memref<!tpu.dma_semaphore, #tpu.memory_space<semaphore_mem>>)
      %dma_wait3A_395 = arith.constant 0 : i32
      %dma_wait3A_396 = arith.constant 0 : i32
      %dma_wait3A_397 = tpu.memref_slice %arg3[%dma_wait3A_395, %dma_wait3A_396] : memref<10000x128xf32, #tpu.memory_space<hbm>> -> memref<10000x128xf32, #tpu.memory_space<hbm>>
      tpu.wait_indirect_dma semaphore(%arg28 : memref<!tpu.dma_semaphore, #tpu.memory_space<semaphore_mem>>) src(%dma_wait3A_397 : memref<10000x128xf32, #tpu.memory_space<hbm>>) dst(%arg20 : memref<40x128xf32, #tpu.memory_space<vmem>>)
      %dma_wait3A_398 = arith.constant 0 : i32
      %dma_wait3A_399 = tpu.memref_slice %arg12[%dma_wait3A_398] : memref<48xi32, #tpu.memory_space<vmem>> -> memref<40xi32, #tpu.memory_space<vmem>>
      %dma_wait3A_400 = arith.constant 0 : i32
      %dma_wait3A_401 = arith.constant 0 : i32
      %dma_wait3A_402 = tpu.memref_slice %arg2[%dma_wait3A_400, %dma_wait3A_401] : memref<10000x128xf32, #tpu.memory_space<hbm>> -> memref<10000x128xf32, #tpu.memory_space<hbm>>
      tpu.wait_indirect_dma semaphore(%arg28 : memref<!tpu.dma_semaphore, #tpu.memory_space<semaphore_mem>>) src(%dma_wait3A_402 : memref<10000x128xf32, #tpu.memory_space<hbm>>) dst(%arg22 : memref<40x128xf32, #tpu.memory_space<vmem>>)
      %dma_wait3A_403 = arith.constant 0 : i32
      %dma_wait3A_404 = arith.constant 0 : i32
      %dma_wait3A_405 = tpu.memref_slice %arg4[%dma_wait3A_403, %dma_wait3A_404] : memref<320000x128xf32, #tpu.memory_space<hbm>> -> memref<40x128xf32, #tpu.memory_space<hbm>>
      %dma_wait3A_406 = arith.constant 0 : i32
      %dma_wait3A_407 = arith.constant 0 : i32
      %dma_wait3A_408 = tpu.memref_slice %arg4[%dma_wait3A_406, %dma_wait3A_407] : memref<320000x128xf32, #tpu.memory_space<hbm>> -> memref<40x128xf32, #tpu.memory_space<hbm>>
      tpu.wait_dma2 semaphore(%arg28 : memref<!tpu.dma_semaphore, #tpu.memory_space<semaphore_mem>>) src(%dma_wait3A_408 : memref<40x128xf32, #tpu.memory_space<hbm>>) dst(%arg24 : memref<40x128xf32, #tpu.memory_space<vmem>>)
      %get3A_409 = arith.constant 0 : index
      %get3A_410 = tpu.vector_load %arg12[%get3A_409] {strides = array<i32>} : memref<48xi32, #tpu.memory_space<vmem>>, vector<16xi32>,
      %swap3A_411 = arith.constant 0 : index
      %swap3A_412 = tpu.vector_load %arg14[%swap3A_411] {strides = array<i32>} : memref<48xi32, #tpu.memory_space<vmem>>, vector<16xi32>,
      tpu.vector_store %arg14[%swap3A_411], %get3A_410 {strides = array<i32>} : memref<48xi32, #tpu.memory_space<vmem>>, vector<16xi32>,
      %get3A_413 = arith.constant 0 : index
      %get3A_414 = tpu.vector_load %arg16[%get3A_413] {strides = array<i32>} : memref<48xf32, #tpu.memory_space<vmem>>, vector<16xf32>,
      %swap3A_415 = arith.constant 0 : index
      %swap3A_416 = tpu.vector_load %arg18[%swap3A_415] {strides = array<i32>} : memref<48xf32, #tpu.memory_space<vmem>>, vector<16xf32>,
      tpu.vector_store %arg18[%swap3A_415], %get3A_414 {strides = array<i32>} : memref<48xf32, #tpu.memory_space<vmem>>, vector<16xf32>,
      %get3A_417 = arith.constant 16 : index
      %get3A_418 = tpu.vector_load %arg12[%get3A_417] {strides = array<i32>} : memref<48xi32, #tpu.memory_space<vmem>>, vector<16xi32>,
      %swap3A_419 = arith.constant 16 : index
      %swap3A_420 = tpu.vector_load %arg14[%swap3A_419] {strides = array<i32>} : memref<48xi32, #tpu.memory_space<vmem>>, vector<16xi32>,
      tpu.vector_store %arg14[%swap3A_419], %get3A_418 {strides = array<i32>} : memref<48xi32, #tpu.memory_space<vmem>>, vector<16xi32>,
      %get3A_421 = arith.constant 16 : index
      %get3A_422 = tpu.vector_load %arg16[%get3A_421] {strides = array<i32>} : memref<48xf32, #tpu.memory_space<vmem>>, vector<16xf32>,
      %swap3A_423 = arith.constant 16 : index
      %swap3A_424 = tpu.vector_load %arg18[%swap3A_423] {strides = array<i32>} : memref<48xf32, #tpu.memory_space<vmem>>, vector<16xf32>,
      tpu.vector_store %arg18[%swap3A_423], %get3A_422 {strides = array<i32>} : memref<48xf32, #tpu.memory_space<vmem>>, vector<16xf32>,
      %get3A_425 = arith.constant 32 : index
      %get3A_426 = tpu.vector_load %arg12[%get3A_425] {strides = array<i32>} : memref<48xi32, #tpu.memory_space<vmem>>, vector<16xi32>,
      %swap3A_427 = arith.constant 32 : index
      %swap3A_428 = tpu.vector_load %arg14[%swap3A_427] {strides = array<i32>} : memref<48xi32, #tpu.memory_space<vmem>>, vector<16xi32>,
      tpu.vector_store %arg14[%swap3A_427], %get3A_426 {strides = array<i32>} : memref<48xi32, #tpu.memory_space<vmem>>, vector<16xi32>,
      %get3A_429 = arith.constant 32 : index
      %get3A_430 = tpu.vector_load %arg16[%get3A_429] {strides = array<i32>} : memref<48xf32, #tpu.memory_space<vmem>>, vector<16xf32>,
      %swap3A_431 = arith.constant 32 : index
      %swap3A_432 = tpu.vector_load %arg18[%swap3A_431] {strides = array<i32>} : memref<48xf32, #tpu.memory_space<vmem>>, vector<16xf32>,
      tpu.vector_store %arg18[%swap3A_431], %get3A_430 {strides = array<i32>} : memref<48xf32, #tpu.memory_space<vmem>>, vector<16xf32>,
      %add3A_433 = arith.constant 2 : i32
      %add3A_434 = arith.addi %add3A_357, %add3A_433 : i32
      %mul3A_435 = arith.constant 40 : i32
      %mul3A_436 = arith.muli %add3A_434, %mul3A_435 : i32
      %add3A_437 = arith.addi %mul3A_2, %mul3A_436 : i32
      %dma_start3A_438 = tpu.memref_slice %arg5[%add3A_437] : memref<320000xi32, #tpu.memory_space<hbm>> -> memref<40xi32, #tpu.memory_space<hbm>>
      %dma_start3A_439 = tpu.memref_slice %arg5[%add3A_437] : memref<320000xi32, #tpu.memory_space<hbm>> -> memref<40xi32, #tpu.memory_space<hbm>>
      tpu.enqueue_dma source(%dma_start3A_439 : memref<40xi32, #tpu.memory_space<hbm>>) target(%arg10 : memref<40xi32, #tpu.memory_space<vmem>>) target_semaphore(%arg30 : memref<!tpu.dma_semaphore, #tpu.memory_space<semaphore_mem>>)
      %dma_start3A_440 = arith.constant 0 : i32
      %dma_start3A_441 = tpu.memref_slice %arg12[%dma_start3A_440] : memref<48xi32, #tpu.memory_space<vmem>> -> memref<40xi32, #tpu.memory_space<vmem>>
      %dma_start3A_442 = tpu.memref_slice %arg6[%add3A_437] : memref<320000xi32, #tpu.memory_space<hbm>> -> memref<40xi32, #tpu.memory_space<hbm>>
      %dma_start3A_443 = arith.constant 0 : i32
      %dma_start3A_444 = tpu.memref_slice %arg12[%dma_start3A_443] : memref<48xi32, #tpu.memory_space<vmem>> -> memref<40xi32, #tpu.memory_space<vmem>>
      %dma_start3A_445 = tpu.memref_slice %arg6[%add3A_437] : memref<320000xi32, #tpu.memory_space<hbm>> -> memref<40xi32, #tpu.memory_space<hbm>>
      tpu.enqueue_dma source(%dma_start3A_445 : memref<40xi32, #tpu.memory_space<hbm>>) target(%dma_start3A_444 : memref<40xi32, #tpu.memory_space<vmem>>) target_semaphore(%arg30 : memref<!tpu.dma_semaphore, #tpu.memory_space<semaphore_mem>>)
      %dma_start3A_446 = arith.constant 0 : i32
      %dma_start3A_447 = tpu.memref_slice %arg16[%dma_start3A_446] : memref<48xf32, #tpu.memory_space<vmem>> -> memref<40xf32, #tpu.memory_space<vmem>>
      %dma_start3A_448 = tpu.memref_slice %arg7[%add3A_437] : memref<320000xf32, #tpu.memory_space<hbm>> -> memref<40xf32, #tpu.memory_space<hbm>>
      %dma_start3A_449 = arith.constant 0 : i32
      %dma_start3A_450 = tpu.memref_slice %arg16[%dma_start3A_449] : memref<48xf32, #tpu.memory_space<vmem>> -> memref<40xf32, #tpu.memory_space<vmem>>
      %dma_start3A_451 = tpu.memref_slice %arg7[%add3A_437] : memref<320000xf32, #tpu.memory_space<hbm>> -> memref<40xf32, #tpu.memory_space<hbm>>
      tpu.enqueue_dma source(%dma_start3A_451 : memref<40xf32, #tpu.memory_space<hbm>>) target(%dma_start3A_450 : memref<40xf32, #tpu.memory_space<vmem>>) target_semaphore(%arg30 : memref<!tpu.dma_semaphore, #tpu.memory_space<semaphore_mem>>)
      %parallel_loop3A_452 = arith.constant 0 : i32
      %parallel_loop3A_453 = arith.constant 40 : i32
      %parallel_loop3A_454 = arith.constant 1 : i32
      scf.for %parallel_loop3A_455 = %parallel_loop3A_452 to %parallel_loop3A_453 step %parallel_loop3A_454  : i32 {
        %parallel_loop3A_456 = vector.broadcast %parallel_loop3A_455 : i32 to vector<16xi32>
        %parallel_loop3A_457 = tpu.vector_load_idx %arg18[%parallel_loop3A_456] : memref<48xf32, #tpu.memory_space<vmem>>[vector<16xi32>], vector<16xf32>,
        %parallel_loop3A_458 = arith.index_cast %parallel_loop3A_455 : i32 to index
        %parallel_loop3A_459 = arith.constant 0 : index
        %parallel_loop3A_460 = tpu.vector_load %arg20[%parallel_loop3A_458, %parallel_loop3A_459] {strides = array<i32>} : memref<40x128xf32, #tpu.memory_space<vmem>>, vector<16xf32>,
        %parallel_loop3A_461 = vector.bitcast %parallel_loop3A_460 : vector<16xf32> to vector<32xbf16>
        %parallel_loop3A_462 = tpu.unpack_subelements %parallel_loop3A_461, 0 {pack_format = #tpu.pack_format<interleaved>} : vector<32xbf16> -> vector<16xf32>
        %parallel_loop3A_463 = tpu.unpack_subelements %parallel_loop3A_461, 1 {pack_format = #tpu.pack_format<interleaved>} : vector<32xbf16> -> vector<16xf32>
        %parallel_loop3A_464 = arith.index_cast %parallel_loop3A_455 : i32 to index
        %parallel_loop3A_465 = arith.constant 64 : index
        %parallel_loop3A_466 = tpu.vector_load %arg20[%parallel_loop3A_464, %parallel_loop3A_465] {strides = array<i32>} : memref<40x128xf32, #tpu.memory_space<vmem>>, vector<16xf32>,
        %parallel_loop3A_467 = vector.bitcast %parallel_loop3A_466 : vector<16xf32> to vector<32xbf16>
        %parallel_loop3A_468 = tpu.unpack_subelements %parallel_loop3A_467, 0 {pack_format = #tpu.pack_format<interleaved>} : vector<32xbf16> -> vector<16xf32>
        %parallel_loop3A_469 = tpu.unpack_subelements %parallel_loop3A_467, 1 {pack_format = #tpu.pack_format<interleaved>} : vector<32xbf16> -> vector<16xf32>
        %parallel_loop3A_470 = arith.index_cast %parallel_loop3A_455 : i32 to index
        %parallel_loop3A_471 = arith.constant 0 : index
        %parallel_loop3A_472 = tpu.vector_load %arg22[%parallel_loop3A_470, %parallel_loop3A_471] {strides = array<i32>} : memref<40x128xf32, #tpu.memory_space<vmem>>, vector<16xf32>,
        %parallel_loop3A_473 = arith.index_cast %parallel_loop3A_455 : i32 to index
        %parallel_loop3A_474 = arith.constant 0 : index
        %parallel_loop3A_475 = tpu.vector_load %arg24[%parallel_loop3A_473, %parallel_loop3A_474] {strides = array<i32>} : memref<40x128xf32, #tpu.memory_space<vmem>>, vector<16xf32>,
        %parallel_loop3A_476 = arith.mulf %parallel_loop3A_472, %parallel_loop3A_475 : vector<16xf32>
        %parallel_loop3A_477 = arith.mulf %parallel_loop3A_476, %parallel_loop3A_463 : vector<16xf32>
        %parallel_loop3A_478 = arith.constant true
        %parallel_loop3A_479 = vector.broadcast %parallel_loop3A_478 : i1 to vector<16xi1>
        %parallel_loop3A_480 = tpu.scan <sum>, %parallel_loop3A_477 masked %parallel_loop3A_479 : vector<16xf32>, vector<16xi1> -> vector<16xf32>
        %parallel_loop3A_481 = vector.extract %parallel_loop3A_480[15] : f32 from vector<16xf32>
        %parallel_loop3A_482 = vector.broadcast %parallel_loop3A_481 : f32 to vector<16xf32>
        %parallel_loop3A_483 = arith.mulf %parallel_loop3A_482, %parallel_loop3A_457 : vector<16xf32>
        %parallel_loop3A_484 = arith.index_cast %parallel_loop3A_455 : i32 to index
        %parallel_loop3A_485 = arith.constant 16 : index
        %parallel_loop3A_486 = tpu.vector_load %arg22[%parallel_loop3A_484, %parallel_loop3A_485] {strides = array<i32>} : memref<40x128xf32, #tpu.memory_space<vmem>>, vector<16xf32>,
        %parallel_loop3A_487 = arith.index_cast %parallel_loop3A_455 : i32 to index
        %parallel_loop3A_488 = arith.constant 16 : index
        %parallel_loop3A_489 = tpu.vector_load %arg24[%parallel_loop3A_487, %parallel_loop3A_488] {strides = array<i32>} : memref<40x128xf32, #tpu.memory_space<vmem>>, vector<16xf32>,
        %parallel_loop3A_490 = arith.mulf %parallel_loop3A_486, %parallel_loop3A_489 : vector<16xf32>
        %parallel_loop3A_491 = arith.mulf %parallel_loop3A_490, %parallel_loop3A_462 : vector<16xf32>
        %parallel_loop3A_492 = arith.constant true
        %parallel_loop3A_493 = vector.broadcast %parallel_loop3A_492 : i1 to vector<16xi1>
        %parallel_loop3A_494 = tpu.scan <sum>, %parallel_loop3A_491 masked %parallel_loop3A_493 : vector<16xf32>, vector<16xi1> -> vector<16xf32>
        %parallel_loop3A_495 = vector.extract %parallel_loop3A_494[15] : f32 from vector<16xf32>
        %parallel_loop3A_496 = vector.broadcast %parallel_loop3A_495 : f32 to vector<16xf32>
        %parallel_loop3A_497 = arith.mulf %parallel_loop3A_496, %parallel_loop3A_457 : vector<16xf32>
        %parallel_loop3A_498 = arith.mulf %parallel_loop3A_483, %parallel_loop3A_469 : vector<16xf32>
        %parallel_loop3A_499 = arith.index_cast %parallel_loop3A_455 : i32 to index
        %parallel_loop3A_500 = arith.constant 0 : index
        %parallel_loop3A_501 = tpu.vector_load %arg25[%parallel_loop3A_499, %parallel_loop3A_500] {strides = array<i32>} : memref<48x128xf32, #tpu.memory_space<vmem>>, vector<16xf32>,
        tpu.vector_store %arg25[%parallel_loop3A_499, %parallel_loop3A_500], %parallel_loop3A_498 {strides = array<i32>} : memref<48x128xf32, #tpu.memory_space<vmem>>, vector<16xf32>,
        %parallel_loop3A_502 = arith.mulf %parallel_loop3A_497, %parallel_loop3A_468 : vector<16xf32>
        %parallel_loop3A_503 = arith.index_cast %parallel_loop3A_455 : i32 to index
        %parallel_loop3A_504 = arith.constant 16 : index
        %parallel_loop3A_505 = tpu.vector_load %arg25[%parallel_loop3A_503, %parallel_loop3A_504] {strides = array<i32>} : memref<48x128xf32, #tpu.memory_space<vmem>>, vector<16xf32>,
        tpu.vector_store %arg25[%parallel_loop3A_503, %parallel_loop3A_504], %parallel_loop3A_502 {strides = array<i32>} : memref<48x128xf32, #tpu.memory_space<vmem>>, vector<16xf32>,
        %parallel_loop3A_506 = arith.index_cast %parallel_loop3A_455 : i32 to index
        %parallel_loop3A_507 = arith.constant 16 : index
        %parallel_loop3A_508 = tpu.vector_load %arg20[%parallel_loop3A_506, %parallel_loop3A_507] {strides = array<i32>} : memref<40x128xf32, #tpu.memory_space<vmem>>, vector<16xf32>,
        %parallel_loop3A_509 = vector.bitcast %parallel_loop3A_508 : vector<16xf32> to vector<32xbf16>
        %parallel_loop3A_510 = tpu.unpack_subelements %parallel_loop3A_509, 0 {pack_format = #tpu.pack_format<interleaved>} : vector<32xbf16> -> vector<16xf32>
        %parallel_loop3A_511 = tpu.unpack_subelements %parallel_loop3A_509, 1 {pack_format = #tpu.pack_format<interleaved>} : vector<32xbf16> -> vector<16xf32>
        %parallel_loop3A_512 = arith.index_cast %parallel_loop3A_455 : i32 to index
        %parallel_loop3A_513 = arith.constant 80 : index
        %parallel_loop3A_514 = tpu.vector_load %arg20[%parallel_loop3A_512, %parallel_loop3A_513] {strides = array<i32>} : memref<40x128xf32, #tpu.memory_space<vmem>>, vector<16xf32>,
        %parallel_loop3A_515 = vector.bitcast %parallel_loop3A_514 : vector<16xf32> to vector<32xbf16>
        %parallel_loop3A_516 = tpu.unpack_subelements %parallel_loop3A_515, 0 {pack_format = #tpu.pack_format<interleaved>} : vector<32xbf16> -> vector<16xf32>
        %parallel_loop3A_517 = tpu.unpack_subelements %parallel_loop3A_515, 1 {pack_format = #tpu.pack_format<interleaved>} : vector<32xbf16> -> vector<16xf32>
        %parallel_loop3A_518 = arith.index_cast %parallel_loop3A_455 : i32 to index
        %parallel_loop3A_519 = arith.constant 32 : index
        %parallel_loop3A_520 = tpu.vector_load %arg22[%parallel_loop3A_518, %parallel_loop3A_519] {strides = array<i32>} : memref<40x128xf32, #tpu.memory_space<vmem>>, vector<16xf32>,
        %parallel_loop3A_521 = arith.index_cast %parallel_loop3A_455 : i32 to index
        %parallel_loop3A_522 = arith.constant 32 : index
        %parallel_loop3A_523 = tpu.vector_load %arg24[%parallel_loop3A_521, %parallel_loop3A_522] {strides = array<i32>} : memref<40x128xf32, #tpu.memory_space<vmem>>, vector<16xf32>,
        %parallel_loop3A_524 = arith.mulf %parallel_loop3A_520, %parallel_loop3A_523 : vector<16xf32>
        %parallel_loop3A_525 = arith.mulf %parallel_loop3A_524, %parallel_loop3A_511 : vector<16xf32>
        %parallel_loop3A_526 = arith.constant true
        %parallel_loop3A_527 = vector.broadcast %parallel_loop3A_526 : i1 to vector<16xi1>
        %parallel_loop3A_528 = tpu.scan <sum>, %parallel_loop3A_525 masked %parallel_loop3A_527 : vector<16xf32>, vector<16xi1> -> vector<16xf32>
        %parallel_loop3A_529 = vector.extract %parallel_loop3A_528[15] : f32 from vector<16xf32>
        %parallel_loop3A_530 = vector.broadcast %parallel_loop3A_529 : f32 to vector<16xf32>
        %parallel_loop3A_531 = arith.mulf %parallel_loop3A_530, %parallel_loop3A_457 : vector<16xf32>
        %parallel_loop3A_532 = arith.index_cast %parallel_loop3A_455 : i32 to index
        %parallel_loop3A_533 = arith.constant 48 : index
        %parallel_loop3A_534 = tpu.vector_load %arg22[%parallel_loop3A_532, %parallel_loop3A_533] {strides = array<i32>} : memref<40x128xf32, #tpu.memory_space<vmem>>, vector<16xf32>,
        %parallel_loop3A_535 = arith.index_cast %parallel_loop3A_455 : i32 to index
        %parallel_loop3A_536 = arith.constant 48 : index
        %parallel_loop3A_537 = tpu.vector_load %arg24[%parallel_loop3A_535, %parallel_loop3A_536] {strides = array<i32>} : memref<40x128xf32, #tpu.memory_space<vmem>>, vector<16xf32>,
        %parallel_loop3A_538 = arith.mulf %parallel_loop3A_534, %parallel_loop3A_537 : vector<16xf32>
        %parallel_loop3A_539 = arith.mulf %parallel_loop3A_538, %parallel_loop3A_510 : vector<16xf32>
        %parallel_loop3A_540 = arith.constant true
        %parallel_loop3A_541 = vector.broadcast %parallel_loop3A_540 : i1 to vector<16xi1>
        %parallel_loop3A_542 = tpu.scan <sum>, %parallel_loop3A_539 masked %parallel_loop3A_541 : vector<16xf32>, vector<16xi1> -> vector<16xf32>
        %parallel_loop3A_543 = vector.extract %parallel_loop3A_542[15] : f32 from vector<16xf32>
        %parallel_loop3A_544 = vector.broadcast %parallel_loop3A_543 : f32 to vector<16xf32>
        %parallel_loop3A_545 = arith.mulf %parallel_loop3A_544, %parallel_loop3A_457 : vector<16xf32>
        %parallel_loop3A_546 = arith.mulf %parallel_loop3A_531, %parallel_loop3A_517 : vector<16xf32>
        %parallel_loop3A_547 = arith.index_cast %parallel_loop3A_455 : i32 to index
        %parallel_loop3A_548 = arith.constant 32 : index
        %parallel_loop3A_549 = tpu.vector_load %arg25[%parallel_loop3A_547, %parallel_loop3A_548] {strides = array<i32>} : memref<48x128xf32, #tpu.memory_space<vmem>>, vector<16xf32>,
        tpu.vector_store %arg25[%parallel_loop3A_547, %parallel_loop3A_548], %parallel_loop3A_546 {strides = array<i32>} : memref<48x128xf32, #tpu.memory_space<vmem>>, vector<16xf32>,
        %parallel_loop3A_550 = arith.mulf %parallel_loop3A_545, %parallel_loop3A_516 : vector<16xf32>
        %parallel_loop3A_551 = arith.index_cast %parallel_loop3A_455 : i32 to index
        %parallel_loop3A_552 = arith.constant 48 : index
        %parallel_loop3A_553 = tpu.vector_load %arg25[%parallel_loop3A_551, %parallel_loop3A_552] {strides = array<i32>} : memref<48x128xf32, #tpu.memory_space<vmem>>, vector<16xf32>,
        tpu.vector_store %arg25[%parallel_loop3A_551, %parallel_loop3A_552], %parallel_loop3A_550 {strides = array<i32>} : memref<48x128xf32, #tpu.memory_space<vmem>>, vector<16xf32>,
        %parallel_loop3A_554 = arith.index_cast %parallel_loop3A_455 : i32 to index
        %parallel_loop3A_555 = arith.constant 32 : index
        %parallel_loop3A_556 = tpu.vector_load %arg20[%parallel_loop3A_554, %parallel_loop3A_555] {strides = array<i32>} : memref<40x128xf32, #tpu.memory_space<vmem>>, vector<16xf32>,
        %parallel_loop3A_557 = vector.bitcast %parallel_loop3A_556 : vector<16xf32> to vector<32xbf16>
        %parallel_loop3A_558 = tpu.unpack_subelements %parallel_loop3A_557, 0 {pack_format = #tpu.pack_format<interleaved>} : vector<32xbf16> -> vector<16xf32>
        %parallel_loop3A_559 = tpu.unpack_subelements %parallel_loop3A_557, 1 {pack_format = #tpu.pack_format<interleaved>} : vector<32xbf16> -> vector<16xf32>
        %parallel_loop3A_560 = arith.index_cast %parallel_loop3A_455 : i32 to index
        %parallel_loop3A_561 = arith.constant 96 : index
        %parallel_loop3A_562 = tpu.vector_load %arg20[%parallel_loop3A_560, %parallel_loop3A_561] {strides = array<i32>} : memref<40x128xf32, #tpu.memory_space<vmem>>, vector<16xf32>,
        %parallel_loop3A_563 = vector.bitcast %parallel_loop3A_562 : vector<16xf32> to vector<32xbf16>
        %parallel_loop3A_564 = tpu.unpack_subelements %parallel_loop3A_563, 0 {pack_format = #tpu.pack_format<interleaved>} : vector<32xbf16> -> vector<16xf32>
        %parallel_loop3A_565 = tpu.unpack_subelements %parallel_loop3A_563, 1 {pack_format = #tpu.pack_format<interleaved>} : vector<32xbf16> -> vector<16xf32>
        %parallel_loop3A_566 = arith.index_cast %parallel_loop3A_455 : i32 to index
        %parallel_loop3A_567 = arith.constant 64 : index
        %parallel_loop3A_568 = tpu.vector_load %arg22[%parallel_loop3A_566, %parallel_loop3A_567] {strides = array<i32>} : memref<40x128xf32, #tpu.memory_space<vmem>>, vector<16xf32>,
        %parallel_loop3A_569 = arith.index_cast %parallel_loop3A_455 : i32 to index
        %parallel_loop3A_570 = arith.constant 64 : index
        %parallel_loop3A_571 = tpu.vector_load %arg24[%parallel_loop3A_569, %parallel_loop3A_570] {strides = array<i32>} : memref<40x128xf32, #tpu.memory_space<vmem>>, vector<16xf32>,
        %parallel_loop3A_572 = arith.mulf %parallel_loop3A_568, %parallel_loop3A_571 : vector<16xf32>
        %parallel_loop3A_573 = arith.mulf %parallel_loop3A_572, %parallel_loop3A_559 : vector<16xf32>
        %parallel_loop3A_574 = arith.constant true
        %parallel_loop3A_575 = vector.broadcast %parallel_loop3A_574 : i1 to vector<16xi1>
        %parallel_loop3A_576 = tpu.scan <sum>, %parallel_loop3A_573 masked %parallel_loop3A_575 : vector<16xf32>, vector<16xi1> -> vector<16xf32>
        %parallel_loop3A_577 = vector.extract %parallel_loop3A_576[15] : f32 from vector<16xf32>
        %parallel_loop3A_578 = vector.broadcast %parallel_loop3A_577 : f32 to vector<16xf32>
        %parallel_loop3A_579 = arith.mulf %parallel_loop3A_578, %parallel_loop3A_457 : vector<16xf32>
        %parallel_loop3A_580 = arith.index_cast %parallel_loop3A_455 : i32 to index
        %parallel_loop3A_581 = arith.constant 80 : index
        %parallel_loop3A_582 = tpu.vector_load %arg22[%parallel_loop3A_580, %parallel_loop3A_581] {strides = array<i32>} : memref<40x128xf32, #tpu.memory_space<vmem>>, vector<16xf32>,
        %parallel_loop3A_583 = arith.index_cast %parallel_loop3A_455 : i32 to index
        %parallel_loop3A_584 = arith.constant 80 : index
        %parallel_loop3A_585 = tpu.vector_load %arg24[%parallel_loop3A_583, %parallel_loop3A_584] {strides = array<i32>} : memref<40x128xf32, #tpu.memory_space<vmem>>, vector<16xf32>,
        %parallel_loop3A_586 = arith.mulf %parallel_loop3A_582, %parallel_loop3A_585 : vector<16xf32>
        %parallel_loop3A_587 = arith.mulf %parallel_loop3A_586, %parallel_loop3A_558 : vector<16xf32>
        %parallel_loop3A_588 = arith.constant true
        %parallel_loop3A_589 = vector.broadcast %parallel_loop3A_588 : i1 to vector<16xi1>
        %parallel_loop3A_590 = tpu.scan <sum>, %parallel_loop3A_587 masked %parallel_loop3A_589 : vector<16xf32>, vector<16xi1> -> vector<16xf32>
        %parallel_loop3A_591 = vector.extract %parallel_loop3A_590[15] : f32 from vector<16xf32>
        %parallel_loop3A_592 = vector.broadcast %parallel_loop3A_591 : f32 to vector<16xf32>
        %parallel_loop3A_593 = arith.mulf %parallel_loop3A_592, %parallel_loop3A_457 : vector<16xf32>
        %parallel_loop3A_594 = arith.mulf %parallel_loop3A_579, %parallel_loop3A_565 : vector<16xf32>
        %parallel_loop3A_595 = arith.index_cast %parallel_loop3A_455 : i32 to index
        %parallel_loop3A_596 = arith.constant 64 : index
        %parallel_loop3A_597 = tpu.vector_load %arg25[%parallel_loop3A_595, %parallel_loop3A_596] {strides = array<i32>} : memref<48x128xf32, #tpu.memory_space<vmem>>, vector<16xf32>,
        tpu.vector_store %arg25[%parallel_loop3A_595, %parallel_loop3A_596], %parallel_loop3A_594 {strides = array<i32>} : memref<48x128xf32, #tpu.memory_space<vmem>>, vector<16xf32>,
        %parallel_loop3A_598 = arith.mulf %parallel_loop3A_593, %parallel_loop3A_564 : vector<16xf32>
        %parallel_loop3A_599 = arith.index_cast %parallel_loop3A_455 : i32 to index
        %parallel_loop3A_600 = arith.constant 80 : index
        %parallel_loop3A_601 = tpu.vector_load %arg25[%parallel_loop3A_599, %parallel_loop3A_600] {strides = array<i32>} : memref<48x128xf32, #tpu.memory_space<vmem>>, vector<16xf32>,
        tpu.vector_store %arg25[%parallel_loop3A_599, %parallel_loop3A_600], %parallel_loop3A_598 {strides = array<i32>} : memref<48x128xf32, #tpu.memory_space<vmem>>, vector<16xf32>,
        %parallel_loop3A_602 = arith.index_cast %parallel_loop3A_455 : i32 to index
        %parallel_loop3A_603 = arith.constant 48 : index
        %parallel_loop3A_604 = tpu.vector_load %arg20[%parallel_loop3A_602, %parallel_loop3A_603] {strides = array<i32>} : memref<40x128xf32, #tpu.memory_space<vmem>>, vector<16xf32>,
        %parallel_loop3A_605 = vector.bitcast %parallel_loop3A_604 : vector<16xf32> to vector<32xbf16>
        %parallel_loop3A_606 = tpu.unpack_subelements %parallel_loop3A_605, 0 {pack_format = #tpu.pack_format<interleaved>} : vector<32xbf16> -> vector<16xf32>
        %parallel_loop3A_607 = tpu.unpack_subelements %parallel_loop3A_605, 1 {pack_format = #tpu.pack_format<interleaved>} : vector<32xbf16> -> vector<16xf32>
        %parallel_loop3A_608 = arith.index_cast %parallel_loop3A_455 : i32 to index
        %parallel_loop3A_609 = arith.constant 112 : index
        %parallel_loop3A_610 = tpu.vector_load %arg20[%parallel_loop3A_608, %parallel_loop3A_609] {strides = array<i32>} : memref<40x128xf32, #tpu.memory_space<vmem>>, vector<16xf32>,
        %parallel_loop3A_611 = vector.bitcast %parallel_loop3A_610 : vector<16xf32> to vector<32xbf16>
        %parallel_loop3A_612 = tpu.unpack_subelements %parallel_loop3A_611, 0 {pack_format = #tpu.pack_format<interleaved>} : vector<32xbf16> -> vector<16xf32>
        %parallel_loop3A_613 = tpu.unpack_subelements %parallel_loop3A_611, 1 {pack_format = #tpu.pack_format<interleaved>} : vector<32xbf16> -> vector<16xf32>
        %parallel_loop3A_614 = arith.index_cast %parallel_loop3A_455 : i32 to index
        %parallel_loop3A_615 = arith.constant 96 : index
        %parallel_loop3A_616 = tpu.vector_load %arg22[%parallel_loop3A_614, %parallel_loop3A_615] {strides = array<i32>} : memref<40x128xf32, #tpu.memory_space<vmem>>, vector<16xf32>,
        %parallel_loop3A_617 = arith.index_cast %parallel_loop3A_455 : i32 to index
        %parallel_loop3A_618 = arith.constant 96 : index
        %parallel_loop3A_619 = tpu.vector_load %arg24[%parallel_loop3A_617, %parallel_loop3A_618] {strides = array<i32>} : memref<40x128xf32, #tpu.memory_space<vmem>>, vector<16xf32>,
        %parallel_loop3A_620 = arith.mulf %parallel_loop3A_616, %parallel_loop3A_619 : vector<16xf32>
        %parallel_loop3A_621 = arith.mulf %parallel_loop3A_620, %parallel_loop3A_607 : vector<16xf32>
        %parallel_loop3A_622 = arith.constant true
        %parallel_loop3A_623 = vector.broadcast %parallel_loop3A_622 : i1 to vector<16xi1>
        %parallel_loop3A_624 = tpu.scan <sum>, %parallel_loop3A_621 masked %parallel_loop3A_623 : vector<16xf32>, vector<16xi1> -> vector<16xf32>
        %parallel_loop3A_625 = vector.extract %parallel_loop3A_624[15] : f32 from vector<16xf32>
        %parallel_loop3A_626 = vector.broadcast %parallel_loop3A_625 : f32 to vector<16xf32>
        %parallel_loop3A_627 = arith.mulf %parallel_loop3A_626, %parallel_loop3A_457 : vector<16xf32>
        %parallel_loop3A_628 = arith.index_cast %parallel_loop3A_455 : i32 to index
        %parallel_loop3A_629 = arith.constant 112 : index
        %parallel_loop3A_630 = tpu.vector_load %arg22[%parallel_loop3A_628, %parallel_loop3A_629] {strides = array<i32>} : memref<40x128xf32, #tpu.memory_space<vmem>>, vector<16xf32>,
        %parallel_loop3A_631 = arith.index_cast %parallel_loop3A_455 : i32 to index
        %parallel_loop3A_632 = arith.constant 112 : index
        %parallel_loop3A_633 = tpu.vector_load %arg24[%parallel_loop3A_631, %parallel_loop3A_632] {strides = array<i32>} : memref<40x128xf32, #tpu.memory_space<vmem>>, vector<16xf32>,
        %parallel_loop3A_634 = arith.mulf %parallel_loop3A_630, %parallel_loop3A_633 : vector<16xf32>
        %parallel_loop3A_635 = arith.mulf %parallel_loop3A_634, %parallel_loop3A_606 : vector<16xf32>
        %parallel_loop3A_636 = arith.constant true
        %parallel_loop3A_637 = vector.broadcast %parallel_loop3A_636 : i1 to vector<16xi1>
        %parallel_loop3A_638 = tpu.scan <sum>, %parallel_loop3A_635 masked %parallel_loop3A_637 : vector<16xf32>, vector<16xi1> -> vector<16xf32>
        %parallel_loop3A_639 = vector.extract %parallel_loop3A_638[15] : f32 from vector<16xf32>
        %parallel_loop3A_640 = vector.broadcast %parallel_loop3A_639 : f32 to vector<16xf32>
        %parallel_loop3A_641 = arith.mulf %parallel_loop3A_640, %parallel_loop3A_457 : vector<16xf32>
        %parallel_loop3A_642 = arith.mulf %parallel_loop3A_627, %parallel_loop3A_613 : vector<16xf32>
        %parallel_loop3A_643 = arith.index_cast %parallel_loop3A_455 : i32 to index
        %parallel_loop3A_644 = arith.constant 96 : index
        %parallel_loop3A_645 = tpu.vector_load %arg25[%parallel_loop3A_643, %parallel_loop3A_644] {strides = array<i32>} : memref<48x128xf32, #tpu.memory_space<vmem>>, vector<16xf32>,
        tpu.vector_store %arg25[%parallel_loop3A_643, %parallel_loop3A_644], %parallel_loop3A_642 {strides = array<i32>} : memref<48x128xf32, #tpu.memory_space<vmem>>, vector<16xf32>,
        %parallel_loop3A_646 = arith.mulf %parallel_loop3A_641, %parallel_loop3A_612 : vector<16xf32>
        %parallel_loop3A_647 = arith.index_cast %parallel_loop3A_455 : i32 to index
        %parallel_loop3A_648 = arith.constant 112 : index
        %parallel_loop3A_649 = tpu.vector_load %arg25[%parallel_loop3A_647, %parallel_loop3A_648] {strides = array<i32>} : memref<48x128xf32, #tpu.memory_space<vmem>>, vector<16xf32>,
        tpu.vector_store %arg25[%parallel_loop3A_647, %parallel_loop3A_648], %parallel_loop3A_646 {strides = array<i32>} : memref<48x128xf32, #tpu.memory_space<vmem>>, vector<16xf32>,
      } {sc.loop_unroll_factor = 2 : i64, sc.parallel_access}
      "tpu.region"() ({
        %run_scoped3A = tpu.sem_alloc : memref<!tpu.dma_semaphore, #tpu.memory_space<semaphore_mem>>
        %dma_start3A_455 = arith.constant 0 : i32
        %dma_start3A_456 = arith.constant 0 : i32
        %dma_start3A_457 = tpu.memref_slice %arg26[%dma_start3A_455, %dma_start3A_456] : memref<10000x128xf32, #tpu.memory_space<vmem_shared>> -> memref<10000x128xf32, #tpu.memory_space<vmem_shared>>
        tpu.enqueue_indirect_dma source(%arg25 : memref<48x128xf32, #tpu.memory_space<vmem>>) target(%dma_start3A_457 : memref<10000x128xf32, #tpu.memory_space<vmem_shared>>) offsets(%arg14 : memref<48xi32, #tpu.memory_space<vmem>>) semaphore(%run_scoped3A : memref<!tpu.dma_semaphore, #tpu.memory_space<semaphore_mem>>) {add = true}
        %dma_wait3A_458 = arith.constant 0 : i32
        %dma_wait3A_459 = arith.constant 0 : i32
        %dma_wait3A_460 = tpu.memref_slice %arg26[%dma_wait3A_458, %dma_wait3A_459] : memref<10000x128xf32, #tpu.memory_space<vmem_shared>> -> memref<10000x128xf32, #tpu.memory_space<vmem_shared>>
        tpu.wait_indirect_dma semaphore(%run_scoped3A : memref<!tpu.dma_semaphore, #tpu.memory_space<semaphore_mem>>) src(%arg25 : memref<48x128xf32, #tpu.memory_space<vmem>>) dst(%dma_wait3A_460 : memref<10000x128xf32, #tpu.memory_space<vmem_shared>>)
        tpu.yield
      }) : () -> ()
    }
    %scan3A_121 = arith.constant 124 : i32
    %dma_wait3A_122 = arith.constant 0 : i32
    %dma_wait3A_123 = tpu.memref_slice %arg5[%dma_wait3A_122] : memref<320000xi32, #tpu.memory_space<hbm>> -> memref<40xi32, #tpu.memory_space<hbm>>
    %dma_wait3A_124 = arith.constant 0 : i32
    %dma_wait3A_125 = tpu.memref_slice %arg5[%dma_wait3A_124] : memref<320000xi32, #tpu.memory_space<hbm>> -> memref<40xi32, #tpu.memory_space<hbm>>
    tpu.wait_dma2 semaphore(%arg30 : memref<!tpu.dma_semaphore, #tpu.memory_space<semaphore_mem>>) src(%dma_wait3A_125 : memref<40xi32, #tpu.memory_space<hbm>>) dst(%arg10 : memref<40xi32, #tpu.memory_space<vmem>>)
    %dma_wait3A_126 = arith.constant 0 : i32
    %dma_wait3A_127 = tpu.memref_slice %arg12[%dma_wait3A_126] : memref<48xi32, #tpu.memory_space<vmem>> -> memref<40xi32, #tpu.memory_space<vmem>>
    %dma_wait3A_128 = arith.constant 0 : i32
    %dma_wait3A_129 = tpu.memref_slice %arg6[%dma_wait3A_128] : memref<320000xi32, #tpu.memory_space<hbm>> -> memref<40xi32, #tpu.memory_space<hbm>>
    %dma_wait3A_130 = arith.constant 0 : i32
    %dma_wait3A_131 = tpu.memref_slice %arg12[%dma_wait3A_130] : memref<48xi32, #tpu.memory_space<vmem>> -> memref<40xi32, #tpu.memory_space<vmem>>
    %dma_wait3A_132 = arith.constant 0 : i32
    %dma_wait3A_133 = tpu.memref_slice %arg6[%dma_wait3A_132] : memref<320000xi32, #tpu.memory_space<hbm>> -> memref<40xi32, #tpu.memory_space<hbm>>
    tpu.wait_dma2 semaphore(%arg30 : memref<!tpu.dma_semaphore, #tpu.memory_space<semaphore_mem>>) src(%dma_wait3A_133 : memref<40xi32, #tpu.memory_space<hbm>>) dst(%dma_wait3A_131 : memref<40xi32, #tpu.memory_space<vmem>>)
    %dma_wait3A_134 = arith.constant 0 : i32
    %dma_wait3A_135 = tpu.memref_slice %arg16[%dma_wait3A_134] : memref<48xf32, #tpu.memory_space<vmem>> -> memref<40xf32, #tpu.memory_space<vmem>>
    %dma_wait3A_136 = arith.constant 0 : i32
    %dma_wait3A_137 = tpu.memref_slice %arg7[%dma_wait3A_136] : memref<320000xf32, #tpu.memory_space<hbm>> -> memref<40xf32, #tpu.memory_space<hbm>>
    %dma_wait3A_138 = arith.constant 0 : i32
    %dma_wait3A_139 = tpu.memref_slice %arg16[%dma_wait3A_138] : memref<48xf32, #tpu.memory_space<vmem>> -> memref<40xf32, #tpu.memory_space<vmem>>
    %dma_wait3A_140 = arith.constant 0 : i32
    %dma_wait3A_141 = tpu.memref_slice %arg7[%dma_wait3A_140] : memref<320000xf32, #tpu.memory_space<hbm>> -> memref<40xf32, #tpu.memory_space<hbm>>
    tpu.wait_dma2 semaphore(%arg30 : memref<!tpu.dma_semaphore, #tpu.memory_space<semaphore_mem>>) src(%dma_wait3A_141 : memref<40xf32, #tpu.memory_space<hbm>>) dst(%dma_wait3A_139 : memref<40xf32, #tpu.memory_space<vmem>>)
    %add3A_142 = arith.constant 9960 : i32
    %add3A_143 = arith.addi %mul3A_2, %add3A_142 : i32
    %dma_start3A_144 = arith.constant 0 : i32
    %dma_start3A_145 = arith.constant 0 : i32
    %dma_start3A_146 = tpu.memref_slice %arg3[%dma_start3A_144, %dma_start3A_145] : memref<10000x128xf32, #tpu.memory_space<hbm>> -> memref<10000x128xf32, #tpu.memory_space<hbm>>
    tpu.enqueue_indirect_dma source(%dma_start3A_146 : memref<10000x128xf32, #tpu.memory_space<hbm>>) target(%arg20 : memref<40x128xf32, #tpu.memory_space<vmem>>) offsets(%arg10 : memref<40xi32, #tpu.memory_space<vmem>>) semaphore(%arg28 : memref<!tpu.dma_semaphore, #tpu.memory_space<semaphore_mem>>)
    %dma_start3A_147 = arith.constant 0 : i32
    %dma_start3A_148 = tpu.memref_slice %arg12[%dma_start3A_147] : memref<48xi32, #tpu.memory_space<vmem>> -> memref<40xi32, #tpu.memory_space<vmem>>
    %dma_start3A_149 = arith.constant 0 : i32
    %dma_start3A_150 = arith.constant 0 : i32
    %dma_start3A_151 = tpu.memref_slice %arg2[%dma_start3A_149, %dma_start3A_150] : memref<10000x128xf32, #tpu.memory_space<hbm>> -> memref<10000x128xf32, #tpu.memory_space<hbm>>
    tpu.enqueue_indirect_dma source(%dma_start3A_151 : memref<10000x128xf32, #tpu.memory_space<hbm>>) target(%arg22 : memref<40x128xf32, #tpu.memory_space<vmem>>) offsets(%dma_start3A_148 : memref<40xi32, #tpu.memory_space<vmem>>) semaphore(%arg28 : memref<!tpu.dma_semaphore, #tpu.memory_space<semaphore_mem>>)
    %dma_start3A_152 = arith.constant 0 : i32
    %dma_start3A_153 = tpu.memref_slice %arg4[%add3A_143, %dma_start3A_152] : memref<320000x128xf32, #tpu.memory_space<hbm>> -> memref<40x128xf32, #tpu.memory_space<hbm>>
    %dma_start3A_154 = arith.constant 0 : i32
    %dma_start3A_155 = tpu.memref_slice %arg4[%add3A_143, %dma_start3A_154] : memref<320000x128xf32, #tpu.memory_space<hbm>> -> memref<40x128xf32, #tpu.memory_space<hbm>>
    tpu.enqueue_dma source(%dma_start3A_155 : memref<40x128xf32, #tpu.memory_space<hbm>>) target(%arg24 : memref<40x128xf32, #tpu.memory_space<vmem>>) target_semaphore(%arg28 : memref<!tpu.dma_semaphore, #tpu.memory_space<semaphore_mem>>)
    %dma_wait3A_156 = arith.constant 0 : i32
    %dma_wait3A_157 = arith.constant 0 : i32
    %dma_wait3A_158 = tpu.memref_slice %arg3[%dma_wait3A_156, %dma_wait3A_157] : memref<10000x128xf32, #tpu.memory_space<hbm>> -> memref<10000x128xf32, #tpu.memory_space<hbm>>
    tpu.wait_indirect_dma semaphore(%arg27 : memref<!tpu.dma_semaphore, #tpu.memory_space<semaphore_mem>>) src(%dma_wait3A_158 : memref<10000x128xf32, #tpu.memory_space<hbm>>) dst(%arg19 : memref<40x128xf32, #tpu.memory_space<vmem>>)
    %dma_wait3A_159 = arith.constant 0 : i32
    %dma_wait3A_160 = tpu.memref_slice %arg11[%dma_wait3A_159] : memref<48xi32, #tpu.memory_space<vmem>> -> memref<40xi32, #tpu.memory_space<vmem>>
    %dma_wait3A_161 = arith.constant 0 : i32
    %dma_wait3A_162 = arith.constant 0 : i32
    %dma_wait3A_163 = tpu.memref_slice %arg2[%dma_wait3A_161, %dma_wait3A_162] : memref<10000x128xf32, #tpu.memory_space<hbm>> -> memref<10000x128xf32, #tpu.memory_space<hbm>>
    tpu.wait_indirect_dma semaphore(%arg27 : memref<!tpu.dma_semaphore, #tpu.memory_space<semaphore_mem>>) src(%dma_wait3A_163 : memref<10000x128xf32, #tpu.memory_space<hbm>>) dst(%arg21 : memref<40x128xf32, #tpu.memory_space<vmem>>)
    %dma_wait3A_164 = arith.constant 0 : i32
    %dma_wait3A_165 = arith.constant 0 : i32
    %dma_wait3A_166 = tpu.memref_slice %arg4[%dma_wait3A_164, %dma_wait3A_165] : memref<320000x128xf32, #tpu.memory_space<hbm>> -> memref<40x128xf32, #tpu.memory_space<hbm>>
    %dma_wait3A_167 = arith.constant 0 : i32
    %dma_wait3A_168 = arith.constant 0 : i32
    %dma_wait3A_169 = tpu.memref_slice %arg4[%dma_wait3A_167, %dma_wait3A_168] : memref<320000x128xf32, #tpu.memory_space<hbm>> -> memref<40x128xf32, #tpu.memory_space<hbm>>
    tpu.wait_dma2 semaphore(%arg27 : memref<!tpu.dma_semaphore, #tpu.memory_space<semaphore_mem>>) src(%dma_wait3A_169 : memref<40x128xf32, #tpu.memory_space<hbm>>) dst(%arg23 : memref<40x128xf32, #tpu.memory_space<vmem>>)
    %get3A = arith.constant 0 : index
    %get3A_170 = tpu.vector_load %arg11[%get3A] {strides = array<i32>} : memref<48xi32, #tpu.memory_space<vmem>>, vector<16xi32>,
    %swap3A_171 = arith.constant 0 : index
    %swap3A_172 = tpu.vector_load %arg13[%swap3A_171] {strides = array<i32>} : memref<48xi32, #tpu.memory_space<vmem>>, vector<16xi32>,
    tpu.vector_store %arg13[%swap3A_171], %get3A_170 {strides = array<i32>} : memref<48xi32, #tpu.memory_space<vmem>>, vector<16xi32>,
    %get3A_173 = arith.constant 0 : index
    %get3A_174 = tpu.vector_load %arg15[%get3A_173] {strides = array<i32>} : memref<48xf32, #tpu.memory_space<vmem>>, vector<16xf32>,
    %swap3A_175 = arith.constant 0 : index
    %swap3A_176 = tpu.vector_load %arg17[%swap3A_175] {strides = array<i32>} : memref<48xf32, #tpu.memory_space<vmem>>, vector<16xf32>,
    tpu.vector_store %arg17[%swap3A_175], %get3A_174 {strides = array<i32>} : memref<48xf32, #tpu.memory_space<vmem>>, vector<16xf32>,
    %get3A_177 = arith.constant 16 : index
    %get3A_178 = tpu.vector_load %arg11[%get3A_177] {strides = array<i32>} : memref<48xi32, #tpu.memory_space<vmem>>, vector<16xi32>,
    %swap3A_179 = arith.constant 16 : index
    %swap3A_180 = tpu.vector_load %arg13[%swap3A_179] {strides = array<i32>} : memref<48xi32, #tpu.memory_space<vmem>>, vector<16xi32>,
    tpu.vector_store %arg13[%swap3A_179], %get3A_178 {strides = array<i32>} : memref<48xi32, #tpu.memory_space<vmem>>, vector<16xi32>,
    %get3A_181 = arith.constant 16 : index
    %get3A_182 = tpu.vector_load %arg15[%get3A_181] {strides = array<i32>} : memref<48xf32, #tpu.memory_space<vmem>>, vector<16xf32>,
    %swap3A_183 = arith.constant 16 : index
    %swap3A_184 = tpu.vector_load %arg17[%swap3A_183] {strides = array<i32>} : memref<48xf32, #tpu.memory_space<vmem>>, vector<16xf32>,
    tpu.vector_store %arg17[%swap3A_183], %get3A_182 {strides = array<i32>} : memref<48xf32, #tpu.memory_space<vmem>>, vector<16xf32>,
    %get3A_185 = arith.constant 32 : index
    %get3A_186 = tpu.vector_load %arg11[%get3A_185] {strides = array<i32>} : memref<48xi32, #tpu.memory_space<vmem>>, vector<16xi32>,
    %swap3A_187 = arith.constant 32 : index
    %swap3A_188 = tpu.vector_load %arg13[%swap3A_187] {strides = array<i32>} : memref<48xi32, #tpu.memory_space<vmem>>, vector<16xi32>,
    tpu.vector_store %arg13[%swap3A_187], %get3A_186 {strides = array<i32>} : memref<48xi32, #tpu.memory_space<vmem>>, vector<16xi32>,
    %get3A_189 = arith.constant 32 : index
    %get3A_190 = tpu.vector_load %arg15[%get3A_189] {strides = array<i32>} : memref<48xf32, #tpu.memory_space<vmem>>, vector<16xf32>,
    %swap3A_191 = arith.constant 32 : index
    %swap3A_192 = tpu.vector_load %arg17[%swap3A_191] {strides = array<i32>} : memref<48xf32, #tpu.memory_space<vmem>>, vector<16xf32>,
    tpu.vector_store %arg17[%swap3A_191], %get3A_190 {strides = array<i32>} : memref<48xf32, #tpu.memory_space<vmem>>, vector<16xf32>,
    %parallel_loop3A = arith.constant 0 : i32
    %parallel_loop3A_193 = arith.constant 40 : i32
    %parallel_loop3A_194 = arith.constant 1 : i32
    scf.for %parallel_loop3A_254 = %parallel_loop3A to %parallel_loop3A_193 step %parallel_loop3A_194  : i32 {
      %parallel_loop3A_255 = vector.broadcast %parallel_loop3A_254 : i32 to vector<16xi32>
      %parallel_loop3A_256 = tpu.vector_load_idx %arg17[%parallel_loop3A_255] : memref<48xf32, #tpu.memory_space<vmem>>[vector<16xi32>], vector<16xf32>,
      %parallel_loop3A_257 = arith.index_cast %parallel_loop3A_254 : i32 to index
      %parallel_loop3A_258 = arith.constant 0 : index
      %parallel_loop3A_259 = tpu.vector_load %arg19[%parallel_loop3A_257, %parallel_loop3A_258] {strides = array<i32>} : memref<40x128xf32, #tpu.memory_space<vmem>>, vector<16xf32>,
      %parallel_loop3A_260 = vector.bitcast %parallel_loop3A_259 : vector<16xf32> to vector<32xbf16>
      %parallel_loop3A_261 = tpu.unpack_subelements %parallel_loop3A_260, 0 {pack_format = #tpu.pack_format<interleaved>} : vector<32xbf16> -> vector<16xf32>
      %parallel_loop3A_262 = tpu.unpack_subelements %parallel_loop3A_260, 1 {pack_format = #tpu.pack_format<interleaved>} : vector<32xbf16> -> vector<16xf32>
      %parallel_loop3A_263 = arith.index_cast %parallel_loop3A_254 : i32 to index
      %parallel_loop3A_264 = arith.constant 64 : index
      %parallel_loop3A_265 = tpu.vector_load %arg19[%parallel_loop3A_263, %parallel_loop3A_264] {strides = array<i32>} : memref<40x128xf32, #tpu.memory_space<vmem>>, vector<16xf32>,
      %parallel_loop3A_266 = vector.bitcast %parallel_loop3A_265 : vector<16xf32> to vector<32xbf16>
      %parallel_loop3A_267 = tpu.unpack_subelements %parallel_loop3A_266, 0 {pack_format = #tpu.pack_format<interleaved>} : vector<32xbf16> -> vector<16xf32>
      %parallel_loop3A_268 = tpu.unpack_subelements %parallel_loop3A_266, 1 {pack_format = #tpu.pack_format<interleaved>} : vector<32xbf16> -> vector<16xf32>
      %parallel_loop3A_269 = arith.index_cast %parallel_loop3A_254 : i32 to index
      %parallel_loop3A_270 = arith.constant 0 : index
      %parallel_loop3A_271 = tpu.vector_load %arg21[%parallel_loop3A_269, %parallel_loop3A_270] {strides = array<i32>} : memref<40x128xf32, #tpu.memory_space<vmem>>, vector<16xf32>,
      %parallel_loop3A_272 = arith.index_cast %parallel_loop3A_254 : i32 to index
      %parallel_loop3A_273 = arith.constant 0 : index
      %parallel_loop3A_274 = tpu.vector_load %arg23[%parallel_loop3A_272, %parallel_loop3A_273] {strides = array<i32>} : memref<40x128xf32, #tpu.memory_space<vmem>>, vector<16xf32>,
      %parallel_loop3A_275 = arith.mulf %parallel_loop3A_271, %parallel_loop3A_274 : vector<16xf32>
      %parallel_loop3A_276 = arith.mulf %parallel_loop3A_275, %parallel_loop3A_262 : vector<16xf32>
      %parallel_loop3A_277 = arith.constant true
      %parallel_loop3A_278 = vector.broadcast %parallel_loop3A_277 : i1 to vector<16xi1>
      %parallel_loop3A_279 = tpu.scan <sum>, %parallel_loop3A_276 masked %parallel_loop3A_278 : vector<16xf32>, vector<16xi1> -> vector<16xf32>
      %parallel_loop3A_280 = vector.extract %parallel_loop3A_279[15] : f32 from vector<16xf32>
      %parallel_loop3A_281 = vector.broadcast %parallel_loop3A_280 : f32 to vector<16xf32>
      %parallel_loop3A_282 = arith.mulf %parallel_loop3A_281, %parallel_loop3A_256 : vector<16xf32>
      %parallel_loop3A_283 = arith.index_cast %parallel_loop3A_254 : i32 to index
      %parallel_loop3A_284 = arith.constant 16 : index
      %parallel_loop3A_285 = tpu.vector_load %arg21[%parallel_loop3A_283, %parallel_loop3A_284] {strides = array<i32>} : memref<40x128xf32, #tpu.memory_space<vmem>>, vector<16xf32>,
      %parallel_loop3A_286 = arith.index_cast %parallel_loop3A_254 : i32 to index
      %parallel_loop3A_287 = arith.constant 16 : index
      %parallel_loop3A_288 = tpu.vector_load %arg23[%parallel_loop3A_286, %parallel_loop3A_287] {strides = array<i32>} : memref<40x128xf32, #tpu.memory_space<vmem>>, vector<16xf32>,
      %parallel_loop3A_289 = arith.mulf %parallel_loop3A_285, %parallel_loop3A_288 : vector<16xf32>
      %parallel_loop3A_290 = arith.mulf %parallel_loop3A_289, %parallel_loop3A_261 : vector<16xf32>
      %parallel_loop3A_291 = arith.constant true
      %parallel_loop3A_292 = vector.broadcast %parallel_loop3A_291 : i1 to vector<16xi1>
      %parallel_loop3A_293 = tpu.scan <sum>, %parallel_loop3A_290 masked %parallel_loop3A_292 : vector<16xf32>, vector<16xi1> -> vector<16xf32>
      %parallel_loop3A_294 = vector.extract %parallel_loop3A_293[15] : f32 from vector<16xf32>
      %parallel_loop3A_295 = vector.broadcast %parallel_loop3A_294 : f32 to vector<16xf32>
      %parallel_loop3A_296 = arith.mulf %parallel_loop3A_295, %parallel_loop3A_256 : vector<16xf32>
      %parallel_loop3A_297 = arith.mulf %parallel_loop3A_282, %parallel_loop3A_268 : vector<16xf32>
      %parallel_loop3A_298 = arith.index_cast %parallel_loop3A_254 : i32 to index
      %parallel_loop3A_299 = arith.constant 0 : index
      %parallel_loop3A_300 = tpu.vector_load %arg25[%parallel_loop3A_298, %parallel_loop3A_299] {strides = array<i32>} : memref<48x128xf32, #tpu.memory_space<vmem>>, vector<16xf32>,
      tpu.vector_store %arg25[%parallel_loop3A_298, %parallel_loop3A_299], %parallel_loop3A_297 {strides = array<i32>} : memref<48x128xf32, #tpu.memory_space<vmem>>, vector<16xf32>,
      %parallel_loop3A_301 = arith.mulf %parallel_loop3A_296, %parallel_loop3A_267 : vector<16xf32>
      %parallel_loop3A_302 = arith.index_cast %parallel_loop3A_254 : i32 to index
      %parallel_loop3A_303 = arith.constant 16 : index
      %parallel_loop3A_304 = tpu.vector_load %arg25[%parallel_loop3A_302, %parallel_loop3A_303] {strides = array<i32>} : memref<48x128xf32, #tpu.memory_space<vmem>>, vector<16xf32>,
      tpu.vector_store %arg25[%parallel_loop3A_302, %parallel_loop3A_303], %parallel_loop3A_301 {strides = array<i32>} : memref<48x128xf32, #tpu.memory_space<vmem>>, vector<16xf32>,
      %parallel_loop3A_305 = arith.index_cast %parallel_loop3A_254 : i32 to index
      %parallel_loop3A_306 = arith.constant 16 : index
      %parallel_loop3A_307 = tpu.vector_load %arg19[%parallel_loop3A_305, %parallel_loop3A_306] {strides = array<i32>} : memref<40x128xf32, #tpu.memory_space<vmem>>, vector<16xf32>,
      %parallel_loop3A_308 = vector.bitcast %parallel_loop3A_307 : vector<16xf32> to vector<32xbf16>
      %parallel_loop3A_309 = tpu.unpack_subelements %parallel_loop3A_308, 0 {pack_format = #tpu.pack_format<interleaved>} : vector<32xbf16> -> vector<16xf32>
      %parallel_loop3A_310 = tpu.unpack_subelements %parallel_loop3A_308, 1 {pack_format = #tpu.pack_format<interleaved>} : vector<32xbf16> -> vector<16xf32>
      %parallel_loop3A_311 = arith.index_cast %parallel_loop3A_254 : i32 to index
      %parallel_loop3A_312 = arith.constant 80 : index
      %parallel_loop3A_313 = tpu.vector_load %arg19[%parallel_loop3A_311, %parallel_loop3A_312] {strides = array<i32>} : memref<40x128xf32, #tpu.memory_space<vmem>>, vector<16xf32>,
      %parallel_loop3A_314 = vector.bitcast %parallel_loop3A_313 : vector<16xf32> to vector<32xbf16>
      %parallel_loop3A_315 = tpu.unpack_subelements %parallel_loop3A_314, 0 {pack_format = #tpu.pack_format<interleaved>} : vector<32xbf16> -> vector<16xf32>
      %parallel_loop3A_316 = tpu.unpack_subelements %parallel_loop3A_314, 1 {pack_format = #tpu.pack_format<interleaved>} : vector<32xbf16> -> vector<16xf32>
      %parallel_loop3A_317 = arith.index_cast %parallel_loop3A_254 : i32 to index
      %parallel_loop3A_318 = arith.constant 32 : index
      %parallel_loop3A_319 = tpu.vector_load %arg21[%parallel_loop3A_317, %parallel_loop3A_318] {strides = array<i32>} : memref<40x128xf32, #tpu.memory_space<vmem>>, vector<16xf32>,
      %parallel_loop3A_320 = arith.index_cast %parallel_loop3A_254 : i32 to index
      %parallel_loop3A_321 = arith.constant 32 : index
      %parallel_loop3A_322 = tpu.vector_load %arg23[%parallel_loop3A_320, %parallel_loop3A_321] {strides = array<i32>} : memref<40x128xf32, #tpu.memory_space<vmem>>, vector<16xf32>,
      %parallel_loop3A_323 = arith.mulf %parallel_loop3A_319, %parallel_loop3A_322 : vector<16xf32>
      %parallel_loop3A_324 = arith.mulf %parallel_loop3A_323, %parallel_loop3A_310 : vector<16xf32>
      %parallel_loop3A_325 = arith.constant true
      %parallel_loop3A_326 = vector.broadcast %parallel_loop3A_325 : i1 to vector<16xi1>
      %parallel_loop3A_327 = tpu.scan <sum>, %parallel_loop3A_324 masked %parallel_loop3A_326 : vector<16xf32>, vector<16xi1> -> vector<16xf32>
      %parallel_loop3A_328 = vector.extract %parallel_loop3A_327[15] : f32 from vector<16xf32>
      %parallel_loop3A_329 = vector.broadcast %parallel_loop3A_328 : f32 to vector<16xf32>
      %parallel_loop3A_330 = arith.mulf %parallel_loop3A_329, %parallel_loop3A_256 : vector<16xf32>
      %parallel_loop3A_331 = arith.index_cast %parallel_loop3A_254 : i32 to index
      %parallel_loop3A_332 = arith.constant 48 : index
      %parallel_loop3A_333 = tpu.vector_load %arg21[%parallel_loop3A_331, %parallel_loop3A_332] {strides = array<i32>} : memref<40x128xf32, #tpu.memory_space<vmem>>, vector<16xf32>,
      %parallel_loop3A_334 = arith.index_cast %parallel_loop3A_254 : i32 to index
      %parallel_loop3A_335 = arith.constant 48 : index
      %parallel_loop3A_336 = tpu.vector_load %arg23[%parallel_loop3A_334, %parallel_loop3A_335] {strides = array<i32>} : memref<40x128xf32, #tpu.memory_space<vmem>>, vector<16xf32>,
      %parallel_loop3A_337 = arith.mulf %parallel_loop3A_333, %parallel_loop3A_336 : vector<16xf32>
      %parallel_loop3A_338 = arith.mulf %parallel_loop3A_337, %parallel_loop3A_309 : vector<16xf32>
      %parallel_loop3A_339 = arith.constant true
      %parallel_loop3A_340 = vector.broadcast %parallel_loop3A_339 : i1 to vector<16xi1>
      %parallel_loop3A_341 = tpu.scan <sum>, %parallel_loop3A_338 masked %parallel_loop3A_340 : vector<16xf32>, vector<16xi1> -> vector<16xf32>
      %parallel_loop3A_342 = vector.extract %parallel_loop3A_341[15] : f32 from vector<16xf32>
      %parallel_loop3A_343 = vector.broadcast %parallel_loop3A_342 : f32 to vector<16xf32>
      %parallel_loop3A_344 = arith.mulf %parallel_loop3A_343, %parallel_loop3A_256 : vector<16xf32>
      %parallel_loop3A_345 = arith.mulf %parallel_loop3A_330, %parallel_loop3A_316 : vector<16xf32>
      %parallel_loop3A_346 = arith.index_cast %parallel_loop3A_254 : i32 to index
      %parallel_loop3A_347 = arith.constant 32 : index
      %parallel_loop3A_348 = tpu.vector_load %arg25[%parallel_loop3A_346, %parallel_loop3A_347] {strides = array<i32>} : memref<48x128xf32, #tpu.memory_space<vmem>>, vector<16xf32>,
      tpu.vector_store %arg25[%parallel_loop3A_346, %parallel_loop3A_347], %parallel_loop3A_345 {strides = array<i32>} : memref<48x128xf32, #tpu.memory_space<vmem>>, vector<16xf32>,
      %parallel_loop3A_349 = arith.mulf %parallel_loop3A_344, %parallel_loop3A_315 : vector<16xf32>
      %parallel_loop3A_350 = arith.index_cast %parallel_loop3A_254 : i32 to index
      %parallel_loop3A_351 = arith.constant 48 : index
      %parallel_loop3A_352 = tpu.vector_load %arg25[%parallel_loop3A_350, %parallel_loop3A_351] {strides = array<i32>} : memref<48x128xf32, #tpu.memory_space<vmem>>, vector<16xf32>,
      tpu.vector_store %arg25[%parallel_loop3A_350, %parallel_loop3A_351], %parallel_loop3A_349 {strides = array<i32>} : memref<48x128xf32, #tpu.memory_space<vmem>>, vector<16xf32>,
      %parallel_loop3A_353 = arith.index_cast %parallel_loop3A_254 : i32 to index
      %parallel_loop3A_354 = arith.constant 32 : index
      %parallel_loop3A_355 = tpu.vector_load %arg19[%parallel_loop3A_353, %parallel_loop3A_354] {strides = array<i32>} : memref<40x128xf32, #tpu.memory_space<vmem>>, vector<16xf32>,
      %parallel_loop3A_356 = vector.bitcast %parallel_loop3A_355 : vector<16xf32> to vector<32xbf16>
      %parallel_loop3A_357 = tpu.unpack_subelements %parallel_loop3A_356, 0 {pack_format = #tpu.pack_format<interleaved>} : vector<32xbf16> -> vector<16xf32>
      %parallel_loop3A_358 = tpu.unpack_subelements %parallel_loop3A_356, 1 {pack_format = #tpu.pack_format<interleaved>} : vector<32xbf16> -> vector<16xf32>
      %parallel_loop3A_359 = arith.index_cast %parallel_loop3A_254 : i32 to index
      %parallel_loop3A_360 = arith.constant 96 : index
      %parallel_loop3A_361 = tpu.vector_load %arg19[%parallel_loop3A_359, %parallel_loop3A_360] {strides = array<i32>} : memref<40x128xf32, #tpu.memory_space<vmem>>, vector<16xf32>,
      %parallel_loop3A_362 = vector.bitcast %parallel_loop3A_361 : vector<16xf32> to vector<32xbf16>
      %parallel_loop3A_363 = tpu.unpack_subelements %parallel_loop3A_362, 0 {pack_format = #tpu.pack_format<interleaved>} : vector<32xbf16> -> vector<16xf32>
      %parallel_loop3A_364 = tpu.unpack_subelements %parallel_loop3A_362, 1 {pack_format = #tpu.pack_format<interleaved>} : vector<32xbf16> -> vector<16xf32>
      %parallel_loop3A_365 = arith.index_cast %parallel_loop3A_254 : i32 to index
      %parallel_loop3A_366 = arith.constant 64 : index
      %parallel_loop3A_367 = tpu.vector_load %arg21[%parallel_loop3A_365, %parallel_loop3A_366] {strides = array<i32>} : memref<40x128xf32, #tpu.memory_space<vmem>>, vector<16xf32>,
      %parallel_loop3A_368 = arith.index_cast %parallel_loop3A_254 : i32 to index
      %parallel_loop3A_369 = arith.constant 64 : index
      %parallel_loop3A_370 = tpu.vector_load %arg23[%parallel_loop3A_368, %parallel_loop3A_369] {strides = array<i32>} : memref<40x128xf32, #tpu.memory_space<vmem>>, vector<16xf32>,
      %parallel_loop3A_371 = arith.mulf %parallel_loop3A_367, %parallel_loop3A_370 : vector<16xf32>
      %parallel_loop3A_372 = arith.mulf %parallel_loop3A_371, %parallel_loop3A_358 : vector<16xf32>
      %parallel_loop3A_373 = arith.constant true
      %parallel_loop3A_374 = vector.broadcast %parallel_loop3A_373 : i1 to vector<16xi1>
      %parallel_loop3A_375 = tpu.scan <sum>, %parallel_loop3A_372 masked %parallel_loop3A_374 : vector<16xf32>, vector<16xi1> -> vector<16xf32>
      %parallel_loop3A_376 = vector.extract %parallel_loop3A_375[15] : f32 from vector<16xf32>
      %parallel_loop3A_377 = vector.broadcast %parallel_loop3A_376 : f32 to vector<16xf32>
      %parallel_loop3A_378 = arith.mulf %parallel_loop3A_377, %parallel_loop3A_256 : vector<16xf32>
      %parallel_loop3A_379 = arith.index_cast %parallel_loop3A_254 : i32 to index
      %parallel_loop3A_380 = arith.constant 80 : index
      %parallel_loop3A_381 = tpu.vector_load %arg21[%parallel_loop3A_379, %parallel_loop3A_380] {strides = array<i32>} : memref<40x128xf32, #tpu.memory_space<vmem>>, vector<16xf32>,
      %parallel_loop3A_382 = arith.index_cast %parallel_loop3A_254 : i32 to index
      %parallel_loop3A_383 = arith.constant 80 : index
      %parallel_loop3A_384 = tpu.vector_load %arg23[%parallel_loop3A_382, %parallel_loop3A_383] {strides = array<i32>} : memref<40x128xf32, #tpu.memory_space<vmem>>, vector<16xf32>,
      %parallel_loop3A_385 = arith.mulf %parallel_loop3A_381, %parallel_loop3A_384 : vector<16xf32>
      %parallel_loop3A_386 = arith.mulf %parallel_loop3A_385, %parallel_loop3A_357 : vector<16xf32>
      %parallel_loop3A_387 = arith.constant true
      %parallel_loop3A_388 = vector.broadcast %parallel_loop3A_387 : i1 to vector<16xi1>
      %parallel_loop3A_389 = tpu.scan <sum>, %parallel_loop3A_386 masked %parallel_loop3A_388 : vector<16xf32>, vector<16xi1> -> vector<16xf32>
      %parallel_loop3A_390 = vector.extract %parallel_loop3A_389[15] : f32 from vector<16xf32>
      %parallel_loop3A_391 = vector.broadcast %parallel_loop3A_390 : f32 to vector<16xf32>
      %parallel_loop3A_392 = arith.mulf %parallel_loop3A_391, %parallel_loop3A_256 : vector<16xf32>
      %parallel_loop3A_393 = arith.mulf %parallel_loop3A_378, %parallel_loop3A_364 : vector<16xf32>
      %parallel_loop3A_394 = arith.index_cast %parallel_loop3A_254 : i32 to index
      %parallel_loop3A_395 = arith.constant 64 : index
      %parallel_loop3A_396 = tpu.vector_load %arg25[%parallel_loop3A_394, %parallel_loop3A_395] {strides = array<i32>} : memref<48x128xf32, #tpu.memory_space<vmem>>, vector<16xf32>,
      tpu.vector_store %arg25[%parallel_loop3A_394, %parallel_loop3A_395], %parallel_loop3A_393 {strides = array<i32>} : memref<48x128xf32, #tpu.memory_space<vmem>>, vector<16xf32>,
      %parallel_loop3A_397 = arith.mulf %parallel_loop3A_392, %parallel_loop3A_363 : vector<16xf32>
      %parallel_loop3A_398 = arith.index_cast %parallel_loop3A_254 : i32 to index
      %parallel_loop3A_399 = arith.constant 80 : index
      %parallel_loop3A_400 = tpu.vector_load %arg25[%parallel_loop3A_398, %parallel_loop3A_399] {strides = array<i32>} : memref<48x128xf32, #tpu.memory_space<vmem>>, vector<16xf32>,
      tpu.vector_store %arg25[%parallel_loop3A_398, %parallel_loop3A_399], %parallel_loop3A_397 {strides = array<i32>} : memref<48x128xf32, #tpu.memory_space<vmem>>, vector<16xf32>,
      %parallel_loop3A_401 = arith.index_cast %parallel_loop3A_254 : i32 to index
      %parallel_loop3A_402 = arith.constant 48 : index
      %parallel_loop3A_403 = tpu.vector_load %arg19[%parallel_loop3A_401, %parallel_loop3A_402] {strides = array<i32>} : memref<40x128xf32, #tpu.memory_space<vmem>>, vector<16xf32>,
      %parallel_loop3A_404 = vector.bitcast %parallel_loop3A_403 : vector<16xf32> to vector<32xbf16>
      %parallel_loop3A_405 = tpu.unpack_subelements %parallel_loop3A_404, 0 {pack_format = #tpu.pack_format<interleaved>} : vector<32xbf16> -> vector<16xf32>
      %parallel_loop3A_406 = tpu.unpack_subelements %parallel_loop3A_404, 1 {pack_format = #tpu.pack_format<interleaved>} : vector<32xbf16> -> vector<16xf32>
      %parallel_loop3A_407 = arith.index_cast %parallel_loop3A_254 : i32 to index
      %parallel_loop3A_408 = arith.constant 112 : index
      %parallel_loop3A_409 = tpu.vector_load %arg19[%parallel_loop3A_407, %parallel_loop3A_408] {strides = array<i32>} : memref<40x128xf32, #tpu.memory_space<vmem>>, vector<16xf32>,
      %parallel_loop3A_410 = vector.bitcast %parallel_loop3A_409 : vector<16xf32> to vector<32xbf16>
      %parallel_loop3A_411 = tpu.unpack_subelements %parallel_loop3A_410, 0 {pack_format = #tpu.pack_format<interleaved>} : vector<32xbf16> -> vector<16xf32>
      %parallel_loop3A_412 = tpu.unpack_subelements %parallel_loop3A_410, 1 {pack_format = #tpu.pack_format<interleaved>} : vector<32xbf16> -> vector<16xf32>
      %parallel_loop3A_413 = arith.index_cast %parallel_loop3A_254 : i32 to index
      %parallel_loop3A_414 = arith.constant 96 : index
      %parallel_loop3A_415 = tpu.vector_load %arg21[%parallel_loop3A_413, %parallel_loop3A_414] {strides = array<i32>} : memref<40x128xf32, #tpu.memory_space<vmem>>, vector<16xf32>,
      %parallel_loop3A_416 = arith.index_cast %parallel_loop3A_254 : i32 to index
      %parallel_loop3A_417 = arith.constant 96 : index
      %parallel_loop3A_418 = tpu.vector_load %arg23[%parallel_loop3A_416, %parallel_loop3A_417] {strides = array<i32>} : memref<40x128xf32, #tpu.memory_space<vmem>>, vector<16xf32>,
      %parallel_loop3A_419 = arith.mulf %parallel_loop3A_415, %parallel_loop3A_418 : vector<16xf32>
      %parallel_loop3A_420 = arith.mulf %parallel_loop3A_419, %parallel_loop3A_406 : vector<16xf32>
      %parallel_loop3A_421 = arith.constant true
      %parallel_loop3A_422 = vector.broadcast %parallel_loop3A_421 : i1 to vector<16xi1>
      %parallel_loop3A_423 = tpu.scan <sum>, %parallel_loop3A_420 masked %parallel_loop3A_422 : vector<16xf32>, vector<16xi1> -> vector<16xf32>
      %parallel_loop3A_424 = vector.extract %parallel_loop3A_423[15] : f32 from vector<16xf32>
      %parallel_loop3A_425 = vector.broadcast %parallel_loop3A_424 : f32 to vector<16xf32>
      %parallel_loop3A_426 = arith.mulf %parallel_loop3A_425, %parallel_loop3A_256 : vector<16xf32>
      %parallel_loop3A_427 = arith.index_cast %parallel_loop3A_254 : i32 to index
      %parallel_loop3A_428 = arith.constant 112 : index
      %parallel_loop3A_429 = tpu.vector_load %arg21[%parallel_loop3A_427, %parallel_loop3A_428] {strides = array<i32>} : memref<40x128xf32, #tpu.memory_space<vmem>>, vector<16xf32>,
      %parallel_loop3A_430 = arith.index_cast %parallel_loop3A_254 : i32 to index
      %parallel_loop3A_431 = arith.constant 112 : index
      %parallel_loop3A_432 = tpu.vector_load %arg23[%parallel_loop3A_430, %parallel_loop3A_431] {strides = array<i32>} : memref<40x128xf32, #tpu.memory_space<vmem>>, vector<16xf32>,
      %parallel_loop3A_433 = arith.mulf %parallel_loop3A_429, %parallel_loop3A_432 : vector<16xf32>
      %parallel_loop3A_434 = arith.mulf %parallel_loop3A_433, %parallel_loop3A_405 : vector<16xf32>
      %parallel_loop3A_435 = arith.constant true
      %parallel_loop3A_436 = vector.broadcast %parallel_loop3A_435 : i1 to vector<16xi1>
      %parallel_loop3A_437 = tpu.scan <sum>, %parallel_loop3A_434 masked %parallel_loop3A_436 : vector<16xf32>, vector<16xi1> -> vector<16xf32>
      %parallel_loop3A_438 = vector.extract %parallel_loop3A_437[15] : f32 from vector<16xf32>
      %parallel_loop3A_439 = vector.broadcast %parallel_loop3A_438 : f32 to vector<16xf32>
      %parallel_loop3A_440 = arith.mulf %parallel_loop3A_439, %parallel_loop3A_256 : vector<16xf32>
      %parallel_loop3A_441 = arith.mulf %parallel_loop3A_426, %parallel_loop3A_412 : vector<16xf32>
      %parallel_loop3A_442 = arith.index_cast %parallel_loop3A_254 : i32 to index
      %parallel_loop3A_443 = arith.constant 96 : index
      %parallel_loop3A_444 = tpu.vector_load %arg25[%parallel_loop3A_442, %parallel_loop3A_443] {strides = array<i32>} : memref<48x128xf32, #tpu.memory_space<vmem>>, vector<16xf32>,
      tpu.vector_store %arg25[%parallel_loop3A_442, %parallel_loop3A_443], %parallel_loop3A_441 {strides = array<i32>} : memref<48x128xf32, #tpu.memory_space<vmem>>, vector<16xf32>,
      %parallel_loop3A_445 = arith.mulf %parallel_loop3A_440, %parallel_loop3A_411 : vector<16xf32>
      %parallel_loop3A_446 = arith.index_cast %parallel_loop3A_254 : i32 to index
      %parallel_loop3A_447 = arith.constant 112 : index
      %parallel_loop3A_448 = tpu.vector_load %arg25[%parallel_loop3A_446, %parallel_loop3A_447] {strides = array<i32>} : memref<48x128xf32, #tpu.memory_space<vmem>>, vector<16xf32>,
      tpu.vector_store %arg25[%parallel_loop3A_446, %parallel_loop3A_447], %parallel_loop3A_445 {strides = array<i32>} : memref<48x128xf32, #tpu.memory_space<vmem>>, vector<16xf32>,
    } {sc.loop_unroll_factor = 2 : i64, sc.parallel_access}
    "tpu.region"() ({
      %run_scoped3A = tpu.sem_alloc : memref<!tpu.dma_semaphore, #tpu.memory_space<semaphore_mem>>
      %dma_start3A_254 = arith.constant 0 : i32
      %dma_start3A_255 = arith.constant 0 : i32
      %dma_start3A_256 = tpu.memref_slice %arg26[%dma_start3A_254, %dma_start3A_255] : memref<10000x128xf32, #tpu.memory_space<vmem_shared>> -> memref<10000x128xf32, #tpu.memory_space<vmem_shared>>
      tpu.enqueue_indirect_dma source(%arg25 : memref<48x128xf32, #tpu.memory_space<vmem>>) target(%dma_start3A_256 : memref<10000x128xf32, #tpu.memory_space<vmem_shared>>) offsets(%arg13 : memref<48xi32, #tpu.memory_space<vmem>>) semaphore(%run_scoped3A : memref<!tpu.dma_semaphore, #tpu.memory_space<semaphore_mem>>) {add = true}
      %dma_wait3A_257 = arith.constant 0 : i32
      %dma_wait3A_258 = arith.constant 0 : i32
      %dma_wait3A_259 = tpu.memref_slice %arg26[%dma_wait3A_257, %dma_wait3A_258] : memref<10000x128xf32, #tpu.memory_space<vmem_shared>> -> memref<10000x128xf32, #tpu.memory_space<vmem_shared>>
      tpu.wait_indirect_dma semaphore(%run_scoped3A : memref<!tpu.dma_semaphore, #tpu.memory_space<semaphore_mem>>) src(%arg25 : memref<48x128xf32, #tpu.memory_space<vmem>>) dst(%dma_wait3A_259 : memref<10000x128xf32, #tpu.memory_space<vmem_shared>>)
      tpu.yield
    }) : () -> ()
    %dma_wait3A_195 = arith.constant 0 : i32
    %dma_wait3A_196 = arith.constant 0 : i32
    %dma_wait3A_197 = tpu.memref_slice %arg3[%dma_wait3A_195, %dma_wait3A_196] : memref<10000x128xf32, #tpu.memory_space<hbm>> -> memref<10000x128xf32, #tpu.memory_space<hbm>>
    tpu.wait_indirect_dma semaphore(%arg28 : memref<!tpu.dma_semaphore, #tpu.memory_space<semaphore_mem>>) src(%dma_wait3A_197 : memref<10000x128xf32, #tpu.memory_space<hbm>>) dst(%arg20 : memref<40x128xf32, #tpu.memory_space<vmem>>)
    %dma_wait3A_198 = arith.constant 0 : i32
    %dma_wait3A_199 = tpu.memref_slice %arg12[%dma_wait3A_198] : memref<48xi32, #tpu.memory_space<vmem>> -> memref<40xi32, #tpu.memory_space<vmem>>
    %dma_wait3A_200 = arith.constant 0 : i32
    %dma_wait3A_201 = arith.constant 0 : i32
    %dma_wait3A_202 = tpu.memref_slice %arg2[%dma_wait3A_200, %dma_wait3A_201] : memref<10000x128xf32, #tpu.memory_space<hbm>> -> memref<10000x128xf32, #tpu.memory_space<hbm>>
    tpu.wait_indirect_dma semaphore(%arg28 : memref<!tpu.dma_semaphore, #tpu.memory_space<semaphore_mem>>) src(%dma_wait3A_202 : memref<10000x128xf32, #tpu.memory_space<hbm>>) dst(%arg22 : memref<40x128xf32, #tpu.memory_space<vmem>>)
    %dma_wait3A_203 = arith.constant 0 : i32
    %dma_wait3A_204 = arith.constant 0 : i32
    %dma_wait3A_205 = tpu.memref_slice %arg4[%dma_wait3A_203, %dma_wait3A_204] : memref<320000x128xf32, #tpu.memory_space<hbm>> -> memref<40x128xf32, #tpu.memory_space<hbm>>
    %dma_wait3A_206 = arith.constant 0 : i32
    %dma_wait3A_207 = arith.constant 0 : i32
    %dma_wait3A_208 = tpu.memref_slice %arg4[%dma_wait3A_206, %dma_wait3A_207] : memref<320000x128xf32, #tpu.memory_space<hbm>> -> memref<40x128xf32, #tpu.memory_space<hbm>>
    tpu.wait_dma2 semaphore(%arg28 : memref<!tpu.dma_semaphore, #tpu.memory_space<semaphore_mem>>) src(%dma_wait3A_208 : memref<40x128xf32, #tpu.memory_space<hbm>>) dst(%arg24 : memref<40x128xf32, #tpu.memory_space<vmem>>)
    %get3A_209 = arith.constant 0 : index
    %get3A_210 = tpu.vector_load %arg12[%get3A_209] {strides = array<i32>} : memref<48xi32, #tpu.memory_space<vmem>>, vector<16xi32>,
    %swap3A_211 = arith.constant 0 : index
    %swap3A_212 = tpu.vector_load %arg14[%swap3A_211] {strides = array<i32>} : memref<48xi32, #tpu.memory_space<vmem>>, vector<16xi32>,
    tpu.vector_store %arg14[%swap3A_211], %get3A_210 {strides = array<i32>} : memref<48xi32, #tpu.memory_space<vmem>>, vector<16xi32>,
    %get3A_213 = arith.constant 0 : index
    %get3A_214 = tpu.vector_load %arg16[%get3A_213] {strides = array<i32>} : memref<48xf32, #tpu.memory_space<vmem>>, vector<16xf32>,
    %swap3A_215 = arith.constant 0 : index
    %swap3A_216 = tpu.vector_load %arg18[%swap3A_215] {strides = array<i32>} : memref<48xf32, #tpu.memory_space<vmem>>, vector<16xf32>,
    tpu.vector_store %arg18[%swap3A_215], %get3A_214 {strides = array<i32>} : memref<48xf32, #tpu.memory_space<vmem>>, vector<16xf32>,
    %get3A_217 = arith.constant 16 : index
    %get3A_218 = tpu.vector_load %arg12[%get3A_217] {strides = array<i32>} : memref<48xi32, #tpu.memory_space<vmem>>, vector<16xi32>,
    %swap3A_219 = arith.constant 16 : index
    %swap3A_220 = tpu.vector_load %arg14[%swap3A_219] {strides = array<i32>} : memref<48xi32, #tpu.memory_space<vmem>>, vector<16xi32>,
    tpu.vector_store %arg14[%swap3A_219], %get3A_218 {strides = array<i32>} : memref<48xi32, #tpu.memory_space<vmem>>, vector<16xi32>,
    %get3A_221 = arith.constant 16 : index
    %get3A_222 = tpu.vector_load %arg16[%get3A_221] {strides = array<i32>} : memref<48xf32, #tpu.memory_space<vmem>>, vector<16xf32>,
    %swap3A_223 = arith.constant 16 : index
    %swap3A_224 = tpu.vector_load %arg18[%swap3A_223] {strides = array<i32>} : memref<48xf32, #tpu.memory_space<vmem>>, vector<16xf32>,
    tpu.vector_store %arg18[%swap3A_223], %get3A_222 {strides = array<i32>} : memref<48xf32, #tpu.memory_space<vmem>>, vector<16xf32>,
    %get3A_225 = arith.constant 32 : index
    %get3A_226 = tpu.vector_load %arg12[%get3A_225] {strides = array<i32>} : memref<48xi32, #tpu.memory_space<vmem>>, vector<16xi32>,
    %swap3A_227 = arith.constant 32 : index
    %swap3A_228 = tpu.vector_load %arg14[%swap3A_227] {strides = array<i32>} : memref<48xi32, #tpu.memory_space<vmem>>, vector<16xi32>,
    tpu.vector_store %arg14[%swap3A_227], %get3A_226 {strides = array<i32>} : memref<48xi32, #tpu.memory_space<vmem>>, vector<16xi32>,
    %get3A_229 = arith.constant 32 : index
    %get3A_230 = tpu.vector_load %arg16[%get3A_229] {strides = array<i32>} : memref<48xf32, #tpu.memory_space<vmem>>, vector<16xf32>,
    %swap3A_231 = arith.constant 32 : index
    %swap3A_232 = tpu.vector_load %arg18[%swap3A_231] {strides = array<i32>} : memref<48xf32, #tpu.memory_space<vmem>>, vector<16xf32>,
    tpu.vector_store %arg18[%swap3A_231], %get3A_230 {strides = array<i32>} : memref<48xf32, #tpu.memory_space<vmem>>, vector<16xf32>,
    %parallel_loop3A_233 = arith.constant 0 : i32
    %parallel_loop3A_234 = arith.constant 40 : i32
    %parallel_loop3A_235 = arith.constant 1 : i32
    scf.for %parallel_loop3A_254 = %parallel_loop3A_233 to %parallel_loop3A_234 step %parallel_loop3A_235  : i32 {
      %parallel_loop3A_255 = vector.broadcast %parallel_loop3A_254 : i32 to vector<16xi32>
      %parallel_loop3A_256 = tpu.vector_load_idx %arg18[%parallel_loop3A_255] : memref<48xf32, #tpu.memory_space<vmem>>[vector<16xi32>], vector<16xf32>,
      %parallel_loop3A_257 = arith.index_cast %parallel_loop3A_254 : i32 to index
      %parallel_loop3A_258 = arith.constant 0 : index
      %parallel_loop3A_259 = tpu.vector_load %arg20[%parallel_loop3A_257, %parallel_loop3A_258] {strides = array<i32>} : memref<40x128xf32, #tpu.memory_space<vmem>>, vector<16xf32>,
      %parallel_loop3A_260 = vector.bitcast %parallel_loop3A_259 : vector<16xf32> to vector<32xbf16>
      %parallel_loop3A_261 = tpu.unpack_subelements %parallel_loop3A_260, 0 {pack_format = #tpu.pack_format<interleaved>} : vector<32xbf16> -> vector<16xf32>
      %parallel_loop3A_262 = tpu.unpack_subelements %parallel_loop3A_260, 1 {pack_format = #tpu.pack_format<interleaved>} : vector<32xbf16> -> vector<16xf32>
      %parallel_loop3A_263 = arith.index_cast %parallel_loop3A_254 : i32 to index
      %parallel_loop3A_264 = arith.constant 64 : index
      %parallel_loop3A_265 = tpu.vector_load %arg20[%parallel_loop3A_263, %parallel_loop3A_264] {strides = array<i32>} : memref<40x128xf32, #tpu.memory_space<vmem>>, vector<16xf32>,
      %parallel_loop3A_266 = vector.bitcast %parallel_loop3A_265 : vector<16xf32> to vector<32xbf16>
      %parallel_loop3A_267 = tpu.unpack_subelements %parallel_loop3A_266, 0 {pack_format = #tpu.pack_format<interleaved>} : vector<32xbf16> -> vector<16xf32>
      %parallel_loop3A_268 = tpu.unpack_subelements %parallel_loop3A_266, 1 {pack_format = #tpu.pack_format<interleaved>} : vector<32xbf16> -> vector<16xf32>
      %parallel_loop3A_269 = arith.index_cast %parallel_loop3A_254 : i32 to index
      %parallel_loop3A_270 = arith.constant 0 : index
      %parallel_loop3A_271 = tpu.vector_load %arg22[%parallel_loop3A_269, %parallel_loop3A_270] {strides = array<i32>} : memref<40x128xf32, #tpu.memory_space<vmem>>, vector<16xf32>,
      %parallel_loop3A_272 = arith.index_cast %parallel_loop3A_254 : i32 to index
      %parallel_loop3A_273 = arith.constant 0 : index
      %parallel_loop3A_274 = tpu.vector_load %arg24[%parallel_loop3A_272, %parallel_loop3A_273] {strides = array<i32>} : memref<40x128xf32, #tpu.memory_space<vmem>>, vector<16xf32>,
      %parallel_loop3A_275 = arith.mulf %parallel_loop3A_271, %parallel_loop3A_274 : vector<16xf32>
      %parallel_loop3A_276 = arith.mulf %parallel_loop3A_275, %parallel_loop3A_262 : vector<16xf32>
      %parallel_loop3A_277 = arith.constant true
      %parallel_loop3A_278 = vector.broadcast %parallel_loop3A_277 : i1 to vector<16xi1>
      %parallel_loop3A_279 = tpu.scan <sum>, %parallel_loop3A_276 masked %parallel_loop3A_278 : vector<16xf32>, vector<16xi1> -> vector<16xf32>
      %parallel_loop3A_280 = vector.extract %parallel_loop3A_279[15] : f32 from vector<16xf32>
      %parallel_loop3A_281 = vector.broadcast %parallel_loop3A_280 : f32 to vector<16xf32>
      %parallel_loop3A_282 = arith.mulf %parallel_loop3A_281, %parallel_loop3A_256 : vector<16xf32>
      %parallel_loop3A_283 = arith.index_cast %parallel_loop3A_254 : i32 to index
      %parallel_loop3A_284 = arith.constant 16 : index
      %parallel_loop3A_285 = tpu.vector_load %arg22[%parallel_loop3A_283, %parallel_loop3A_284] {strides = array<i32>} : memref<40x128xf32, #tpu.memory_space<vmem>>, vector<16xf32>,
      %parallel_loop3A_286 = arith.index_cast %parallel_loop3A_254 : i32 to index
      %parallel_loop3A_287 = arith.constant 16 : index
      %parallel_loop3A_288 = tpu.vector_load %arg24[%parallel_loop3A_286, %parallel_loop3A_287] {strides = array<i32>} : memref<40x128xf32, #tpu.memory_space<vmem>>, vector<16xf32>,
      %parallel_loop3A_289 = arith.mulf %parallel_loop3A_285, %parallel_loop3A_288 : vector<16xf32>
      %parallel_loop3A_290 = arith.mulf %parallel_loop3A_289, %parallel_loop3A_261 : vector<16xf32>
      %parallel_loop3A_291 = arith.constant true
      %parallel_loop3A_292 = vector.broadcast %parallel_loop3A_291 : i1 to vector<16xi1>
      %parallel_loop3A_293 = tpu.scan <sum>, %parallel_loop3A_290 masked %parallel_loop3A_292 : vector<16xf32>, vector<16xi1> -> vector<16xf32>
      %parallel_loop3A_294 = vector.extract %parallel_loop3A_293[15] : f32 from vector<16xf32>
      %parallel_loop3A_295 = vector.broadcast %parallel_loop3A_294 : f32 to vector<16xf32>
      %parallel_loop3A_296 = arith.mulf %parallel_loop3A_295, %parallel_loop3A_256 : vector<16xf32>
      %parallel_loop3A_297 = arith.mulf %parallel_loop3A_282, %parallel_loop3A_268 : vector<16xf32>
      %parallel_loop3A_298 = arith.index_cast %parallel_loop3A_254 : i32 to index
      %parallel_loop3A_299 = arith.constant 0 : index
      %parallel_loop3A_300 = tpu.vector_load %arg25[%parallel_loop3A_298, %parallel_loop3A_299] {strides = array<i32>} : memref<48x128xf32, #tpu.memory_space<vmem>>, vector<16xf32>,
      tpu.vector_store %arg25[%parallel_loop3A_298, %parallel_loop3A_299], %parallel_loop3A_297 {strides = array<i32>} : memref<48x128xf32, #tpu.memory_space<vmem>>, vector<16xf32>,
      %parallel_loop3A_301 = arith.mulf %parallel_loop3A_296, %parallel_loop3A_267 : vector<16xf32>
      %parallel_loop3A_302 = arith.index_cast %parallel_loop3A_254 : i32 to index
      %parallel_loop3A_303 = arith.constant 16 : index
      %parallel_loop3A_304 = tpu.vector_load %arg25[%parallel_loop3A_302, %parallel_loop3A_303] {strides = array<i32>} : memref<48x128xf32, #tpu.memory_space<vmem>>, vector<16xf32>,
      tpu.vector_store %arg25[%parallel_loop3A_302, %parallel_loop3A_303], %parallel_loop3A_301 {strides = array<i32>} : memref<48x128xf32, #tpu.memory_space<vmem>>, vector<16xf32>,
      %parallel_loop3A_305 = arith.index_cast %parallel_loop3A_254 : i32 to index
      %parallel_loop3A_306 = arith.constant 16 : index
      %parallel_loop3A_307 = tpu.vector_load %arg20[%parallel_loop3A_305, %parallel_loop3A_306] {strides = array<i32>} : memref<40x128xf32, #tpu.memory_space<vmem>>, vector<16xf32>,
      %parallel_loop3A_308 = vector.bitcast %parallel_loop3A_307 : vector<16xf32> to vector<32xbf16>
      %parallel_loop3A_309 = tpu.unpack_subelements %parallel_loop3A_308, 0 {pack_format = #tpu.pack_format<interleaved>} : vector<32xbf16> -> vector<16xf32>
      %parallel_loop3A_310 = tpu.unpack_subelements %parallel_loop3A_308, 1 {pack_format = #tpu.pack_format<interleaved>} : vector<32xbf16> -> vector<16xf32>
      %parallel_loop3A_311 = arith.index_cast %parallel_loop3A_254 : i32 to index
      %parallel_loop3A_312 = arith.constant 80 : index
      %parallel_loop3A_313 = tpu.vector_load %arg20[%parallel_loop3A_311, %parallel_loop3A_312] {strides = array<i32>} : memref<40x128xf32, #tpu.memory_space<vmem>>, vector<16xf32>,
      %parallel_loop3A_314 = vector.bitcast %parallel_loop3A_313 : vector<16xf32> to vector<32xbf16>
      %parallel_loop3A_315 = tpu.unpack_subelements %parallel_loop3A_314, 0 {pack_format = #tpu.pack_format<interleaved>} : vector<32xbf16> -> vector<16xf32>
      %parallel_loop3A_316 = tpu.unpack_subelements %parallel_loop3A_314, 1 {pack_format = #tpu.pack_format<interleaved>} : vector<32xbf16> -> vector<16xf32>
      %parallel_loop3A_317 = arith.index_cast %parallel_loop3A_254 : i32 to index
      %parallel_loop3A_318 = arith.constant 32 : index
      %parallel_loop3A_319 = tpu.vector_load %arg22[%parallel_loop3A_317, %parallel_loop3A_318] {strides = array<i32>} : memref<40x128xf32, #tpu.memory_space<vmem>>, vector<16xf32>,
      %parallel_loop3A_320 = arith.index_cast %parallel_loop3A_254 : i32 to index
      %parallel_loop3A_321 = arith.constant 32 : index
      %parallel_loop3A_322 = tpu.vector_load %arg24[%parallel_loop3A_320, %parallel_loop3A_321] {strides = array<i32>} : memref<40x128xf32, #tpu.memory_space<vmem>>, vector<16xf32>,
      %parallel_loop3A_323 = arith.mulf %parallel_loop3A_319, %parallel_loop3A_322 : vector<16xf32>
      %parallel_loop3A_324 = arith.mulf %parallel_loop3A_323, %parallel_loop3A_310 : vector<16xf32>
      %parallel_loop3A_325 = arith.constant true
      %parallel_loop3A_326 = vector.broadcast %parallel_loop3A_325 : i1 to vector<16xi1>
      %parallel_loop3A_327 = tpu.scan <sum>, %parallel_loop3A_324 masked %parallel_loop3A_326 : vector<16xf32>, vector<16xi1> -> vector<16xf32>
      %parallel_loop3A_328 = vector.extract %parallel_loop3A_327[15] : f32 from vector<16xf32>
      %parallel_loop3A_329 = vector.broadcast %parallel_loop3A_328 : f32 to vector<16xf32>
      %parallel_loop3A_330 = arith.mulf %parallel_loop3A_329, %parallel_loop3A_256 : vector<16xf32>
      %parallel_loop3A_331 = arith.index_cast %parallel_loop3A_254 : i32 to index
      %parallel_loop3A_332 = arith.constant 48 : index
      %parallel_loop3A_333 = tpu.vector_load %arg22[%parallel_loop3A_331, %parallel_loop3A_332] {strides = array<i32>} : memref<40x128xf32, #tpu.memory_space<vmem>>, vector<16xf32>,
      %parallel_loop3A_334 = arith.index_cast %parallel_loop3A_254 : i32 to index
      %parallel_loop3A_335 = arith.constant 48 : index
      %parallel_loop3A_336 = tpu.vector_load %arg24[%parallel_loop3A_334, %parallel_loop3A_335] {strides = array<i32>} : memref<40x128xf32, #tpu.memory_space<vmem>>, vector<16xf32>,
      %parallel_loop3A_337 = arith.mulf %parallel_loop3A_333, %parallel_loop3A_336 : vector<16xf32>
      %parallel_loop3A_338 = arith.mulf %parallel_loop3A_337, %parallel_loop3A_309 : vector<16xf32>
      %parallel_loop3A_339 = arith.constant true
      %parallel_loop3A_340 = vector.broadcast %parallel_loop3A_339 : i1 to vector<16xi1>
      %parallel_loop3A_341 = tpu.scan <sum>, %parallel_loop3A_338 masked %parallel_loop3A_340 : vector<16xf32>, vector<16xi1> -> vector<16xf32>
      %parallel_loop3A_342 = vector.extract %parallel_loop3A_341[15] : f32 from vector<16xf32>
      %parallel_loop3A_343 = vector.broadcast %parallel_loop3A_342 : f32 to vector<16xf32>
      %parallel_loop3A_344 = arith.mulf %parallel_loop3A_343, %parallel_loop3A_256 : vector<16xf32>
      %parallel_loop3A_345 = arith.mulf %parallel_loop3A_330, %parallel_loop3A_316 : vector<16xf32>
      %parallel_loop3A_346 = arith.index_cast %parallel_loop3A_254 : i32 to index
      %parallel_loop3A_347 = arith.constant 32 : index
      %parallel_loop3A_348 = tpu.vector_load %arg25[%parallel_loop3A_346, %parallel_loop3A_347] {strides = array<i32>} : memref<48x128xf32, #tpu.memory_space<vmem>>, vector<16xf32>,
      tpu.vector_store %arg25[%parallel_loop3A_346, %parallel_loop3A_347], %parallel_loop3A_345 {strides = array<i32>} : memref<48x128xf32, #tpu.memory_space<vmem>>, vector<16xf32>,
      %parallel_loop3A_349 = arith.mulf %parallel_loop3A_344, %parallel_loop3A_315 : vector<16xf32>
      %parallel_loop3A_350 = arith.index_cast %parallel_loop3A_254 : i32 to index
      %parallel_loop3A_351 = arith.constant 48 : index
      %parallel_loop3A_352 = tpu.vector_load %arg25[%parallel_loop3A_350, %parallel_loop3A_351] {strides = array<i32>} : memref<48x128xf32, #tpu.memory_space<vmem>>, vector<16xf32>,
      tpu.vector_store %arg25[%parallel_loop3A_350, %parallel_loop3A_351], %parallel_loop3A_349 {strides = array<i32>} : memref<48x128xf32, #tpu.memory_space<vmem>>, vector<16xf32>,
      %parallel_loop3A_353 = arith.index_cast %parallel_loop3A_254 : i32 to index
      %parallel_loop3A_354 = arith.constant 32 : index
      %parallel_loop3A_355 = tpu.vector_load %arg20[%parallel_loop3A_353, %parallel_loop3A_354] {strides = array<i32>} : memref<40x128xf32, #tpu.memory_space<vmem>>, vector<16xf32>,
      %parallel_loop3A_356 = vector.bitcast %parallel_loop3A_355 : vector<16xf32> to vector<32xbf16>
      %parallel_loop3A_357 = tpu.unpack_subelements %parallel_loop3A_356, 0 {pack_format = #tpu.pack_format<interleaved>} : vector<32xbf16> -> vector<16xf32>
      %parallel_loop3A_358 = tpu.unpack_subelements %parallel_loop3A_356, 1 {pack_format = #tpu.pack_format<interleaved>} : vector<32xbf16> -> vector<16xf32>
      %parallel_loop3A_359 = arith.index_cast %parallel_loop3A_254 : i32 to index
      %parallel_loop3A_360 = arith.constant 96 : index
      %parallel_loop3A_361 = tpu.vector_load %arg20[%parallel_loop3A_359, %parallel_loop3A_360] {strides = array<i32>} : memref<40x128xf32, #tpu.memory_space<vmem>>, vector<16xf32>,
      %parallel_loop3A_362 = vector.bitcast %parallel_loop3A_361 : vector<16xf32> to vector<32xbf16>
      %parallel_loop3A_363 = tpu.unpack_subelements %parallel_loop3A_362, 0 {pack_format = #tpu.pack_format<interleaved>} : vector<32xbf16> -> vector<16xf32>
      %parallel_loop3A_364 = tpu.unpack_subelements %parallel_loop3A_362, 1 {pack_format = #tpu.pack_format<interleaved>} : vector<32xbf16> -> vector<16xf32>
      %parallel_loop3A_365 = arith.index_cast %parallel_loop3A_254 : i32 to index
      %parallel_loop3A_366 = arith.constant 64 : index
      %parallel_loop3A_367 = tpu.vector_load %arg22[%parallel_loop3A_365, %parallel_loop3A_366] {strides = array<i32>} : memref<40x128xf32, #tpu.memory_space<vmem>>, vector<16xf32>,
      %parallel_loop3A_368 = arith.index_cast %parallel_loop3A_254 : i32 to index
      %parallel_loop3A_369 = arith.constant 64 : index
      %parallel_loop3A_370 = tpu.vector_load %arg24[%parallel_loop3A_368, %parallel_loop3A_369] {strides = array<i32>} : memref<40x128xf32, #tpu.memory_space<vmem>>, vector<16xf32>,
      %parallel_loop3A_371 = arith.mulf %parallel_loop3A_367, %parallel_loop3A_370 : vector<16xf32>
      %parallel_loop3A_372 = arith.mulf %parallel_loop3A_371, %parallel_loop3A_358 : vector<16xf32>
      %parallel_loop3A_373 = arith.constant true
      %parallel_loop3A_374 = vector.broadcast %parallel_loop3A_373 : i1 to vector<16xi1>
      %parallel_loop3A_375 = tpu.scan <sum>, %parallel_loop3A_372 masked %parallel_loop3A_374 : vector<16xf32>, vector<16xi1> -> vector<16xf32>
      %parallel_loop3A_376 = vector.extract %parallel_loop3A_375[15] : f32 from vector<16xf32>
      %parallel_loop3A_377 = vector.broadcast %parallel_loop3A_376 : f32 to vector<16xf32>
      %parallel_loop3A_378 = arith.mulf %parallel_loop3A_377, %parallel_loop3A_256 : vector<16xf32>
      %parallel_loop3A_379 = arith.index_cast %parallel_loop3A_254 : i32 to index
      %parallel_loop3A_380 = arith.constant 80 : index
      %parallel_loop3A_381 = tpu.vector_load %arg22[%parallel_loop3A_379, %parallel_loop3A_380] {strides = array<i32>} : memref<40x128xf32, #tpu.memory_space<vmem>>, vector<16xf32>,
      %parallel_loop3A_382 = arith.index_cast %parallel_loop3A_254 : i32 to index
      %parallel_loop3A_383 = arith.constant 80 : index
      %parallel_loop3A_384 = tpu.vector_load %arg24[%parallel_loop3A_382, %parallel_loop3A_383] {strides = array<i32>} : memref<40x128xf32, #tpu.memory_space<vmem>>, vector<16xf32>,
      %parallel_loop3A_385 = arith.mulf %parallel_loop3A_381, %parallel_loop3A_384 : vector<16xf32>
      %parallel_loop3A_386 = arith.mulf %parallel_loop3A_385, %parallel_loop3A_357 : vector<16xf32>
      %parallel_loop3A_387 = arith.constant true
      %parallel_loop3A_388 = vector.broadcast %parallel_loop3A_387 : i1 to vector<16xi1>
      %parallel_loop3A_389 = tpu.scan <sum>, %parallel_loop3A_386 masked %parallel_loop3A_388 : vector<16xf32>, vector<16xi1> -> vector<16xf32>
      %parallel_loop3A_390 = vector.extract %parallel_loop3A_389[15] : f32 from vector<16xf32>
      %parallel_loop3A_391 = vector.broadcast %parallel_loop3A_390 : f32 to vector<16xf32>
      %parallel_loop3A_392 = arith.mulf %parallel_loop3A_391, %parallel_loop3A_256 : vector<16xf32>
      %parallel_loop3A_393 = arith.mulf %parallel_loop3A_378, %parallel_loop3A_364 : vector<16xf32>
      %parallel_loop3A_394 = arith.index_cast %parallel_loop3A_254 : i32 to index
      %parallel_loop3A_395 = arith.constant 64 : index
      %parallel_loop3A_396 = tpu.vector_load %arg25[%parallel_loop3A_394, %parallel_loop3A_395] {strides = array<i32>} : memref<48x128xf32, #tpu.memory_space<vmem>>, vector<16xf32>,
      tpu.vector_store %arg25[%parallel_loop3A_394, %parallel_loop3A_395], %parallel_loop3A_393 {strides = array<i32>} : memref<48x128xf32, #tpu.memory_space<vmem>>, vector<16xf32>,
      %parallel_loop3A_397 = arith.mulf %parallel_loop3A_392, %parallel_loop3A_363 : vector<16xf32>
      %parallel_loop3A_398 = arith.index_cast %parallel_loop3A_254 : i32 to index
      %parallel_loop3A_399 = arith.constant 80 : index
      %parallel_loop3A_400 = tpu.vector_load %arg25[%parallel_loop3A_398, %parallel_loop3A_399] {strides = array<i32>} : memref<48x128xf32, #tpu.memory_space<vmem>>, vector<16xf32>,
      tpu.vector_store %arg25[%parallel_loop3A_398, %parallel_loop3A_399], %parallel_loop3A_397 {strides = array<i32>} : memref<48x128xf32, #tpu.memory_space<vmem>>, vector<16xf32>,
      %parallel_loop3A_401 = arith.index_cast %parallel_loop3A_254 : i32 to index
      %parallel_loop3A_402 = arith.constant 48 : index
      %parallel_loop3A_403 = tpu.vector_load %arg20[%parallel_loop3A_401, %parallel_loop3A_402] {strides = array<i32>} : memref<40x128xf32, #tpu.memory_space<vmem>>, vector<16xf32>,
      %parallel_loop3A_404 = vector.bitcast %parallel_loop3A_403 : vector<16xf32> to vector<32xbf16>
      %parallel_loop3A_405 = tpu.unpack_subelements %parallel_loop3A_404, 0 {pack_format = #tpu.pack_format<interleaved>} : vector<32xbf16> -> vector<16xf32>
      %parallel_loop3A_406 = tpu.unpack_subelements %parallel_loop3A_404, 1 {pack_format = #tpu.pack_format<interleaved>} : vector<32xbf16> -> vector<16xf32>
      %parallel_loop3A_407 = arith.index_cast %parallel_loop3A_254 : i32 to index
      %parallel_loop3A_408 = arith.constant 112 : index
      %parallel_loop3A_409 = tpu.vector_load %arg20[%parallel_loop3A_407, %parallel_loop3A_408] {strides = array<i32>} : memref<40x128xf32, #tpu.memory_space<vmem>>, vector<16xf32>,
      %parallel_loop3A_410 = vector.bitcast %parallel_loop3A_409 : vector<16xf32> to vector<32xbf16>
      %parallel_loop3A_411 = tpu.unpack_subelements %parallel_loop3A_410, 0 {pack_format = #tpu.pack_format<interleaved>} : vector<32xbf16> -> vector<16xf32>
      %parallel_loop3A_412 = tpu.unpack_subelements %parallel_loop3A_410, 1 {pack_format = #tpu.pack_format<interleaved>} : vector<32xbf16> -> vector<16xf32>
      %parallel_loop3A_413 = arith.index_cast %parallel_loop3A_254 : i32 to index
      %parallel_loop3A_414 = arith.constant 96 : index
      %parallel_loop3A_415 = tpu.vector_load %arg22[%parallel_loop3A_413, %parallel_loop3A_414] {strides = array<i32>} : memref<40x128xf32, #tpu.memory_space<vmem>>, vector<16xf32>,
      %parallel_loop3A_416 = arith.index_cast %parallel_loop3A_254 : i32 to index
      %parallel_loop3A_417 = arith.constant 96 : index
      %parallel_loop3A_418 = tpu.vector_load %arg24[%parallel_loop3A_416, %parallel_loop3A_417] {strides = array<i32>} : memref<40x128xf32, #tpu.memory_space<vmem>>, vector<16xf32>,
      %parallel_loop3A_419 = arith.mulf %parallel_loop3A_415, %parallel_loop3A_418 : vector<16xf32>
      %parallel_loop3A_420 = arith.mulf %parallel_loop3A_419, %parallel_loop3A_406 : vector<16xf32>
      %parallel_loop3A_421 = arith.constant true
      %parallel_loop3A_422 = vector.broadcast %parallel_loop3A_421 : i1 to vector<16xi1>
      %parallel_loop3A_423 = tpu.scan <sum>, %parallel_loop3A_420 masked %parallel_loop3A_422 : vector<16xf32>, vector<16xi1> -> vector<16xf32>
      %parallel_loop3A_424 = vector.extract %parallel_loop3A_423[15] : f32 from vector<16xf32>
      %parallel_loop3A_425 = vector.broadcast %parallel_loop3A_424 : f32 to vector<16xf32>
      %parallel_loop3A_426 = arith.mulf %parallel_loop3A_425, %parallel_loop3A_256 : vector<16xf32>
      %parallel_loop3A_427 = arith.index_cast %parallel_loop3A_254 : i32 to index
      %parallel_loop3A_428 = arith.constant 112 : index
      %parallel_loop3A_429 = tpu.vector_load %arg22[%parallel_loop3A_427, %parallel_loop3A_428] {strides = array<i32>} : memref<40x128xf32, #tpu.memory_space<vmem>>, vector<16xf32>,
      %parallel_loop3A_430 = arith.index_cast %parallel_loop3A_254 : i32 to index
      %parallel_loop3A_431 = arith.constant 112 : index
      %parallel_loop3A_432 = tpu.vector_load %arg24[%parallel_loop3A_430, %parallel_loop3A_431] {strides = array<i32>} : memref<40x128xf32, #tpu.memory_space<vmem>>, vector<16xf32>,
      %parallel_loop3A_433 = arith.mulf %parallel_loop3A_429, %parallel_loop3A_432 : vector<16xf32>
      %parallel_loop3A_434 = arith.mulf %parallel_loop3A_433, %parallel_loop3A_405 : vector<16xf32>
      %parallel_loop3A_435 = arith.constant true
      %parallel_loop3A_436 = vector.broadcast %parallel_loop3A_435 : i1 to vector<16xi1>
      %parallel_loop3A_437 = tpu.scan <sum>, %parallel_loop3A_434 masked %parallel_loop3A_436 : vector<16xf32>, vector<16xi1> -> vector<16xf32>
      %parallel_loop3A_438 = vector.extract %parallel_loop3A_437[15] : f32 from vector<16xf32>
      %parallel_loop3A_439 = vector.broadcast %parallel_loop3A_438 : f32 to vector<16xf32>
      %parallel_loop3A_440 = arith.mulf %parallel_loop3A_439, %parallel_loop3A_256 : vector<16xf32>
      %parallel_loop3A_441 = arith.mulf %parallel_loop3A_426, %parallel_loop3A_412 : vector<16xf32>
      %parallel_loop3A_442 = arith.index_cast %parallel_loop3A_254 : i32 to index
      %parallel_loop3A_443 = arith.constant 96 : index
      %parallel_loop3A_444 = tpu.vector_load %arg25[%parallel_loop3A_442, %parallel_loop3A_443] {strides = array<i32>} : memref<48x128xf32, #tpu.memory_space<vmem>>, vector<16xf32>,
      tpu.vector_store %arg25[%parallel_loop3A_442, %parallel_loop3A_443], %parallel_loop3A_441 {strides = array<i32>} : memref<48x128xf32, #tpu.memory_space<vmem>>, vector<16xf32>,
      %parallel_loop3A_445 = arith.mulf %parallel_loop3A_440, %parallel_loop3A_411 : vector<16xf32>
      %parallel_loop3A_446 = arith.index_cast %parallel_loop3A_254 : i32 to index
      %parallel_loop3A_447 = arith.constant 112 : index
      %parallel_loop3A_448 = tpu.vector_load %arg25[%parallel_loop3A_446, %parallel_loop3A_447] {strides = array<i32>} : memref<48x128xf32, #tpu.memory_space<vmem>>, vector<16xf32>,
      tpu.vector_store %arg25[%parallel_loop3A_446, %parallel_loop3A_447], %parallel_loop3A_445 {strides = array<i32>} : memref<48x128xf32, #tpu.memory_space<vmem>>, vector<16xf32>,
    } {sc.loop_unroll_factor = 2 : i64, sc.parallel_access}
    "tpu.region"() ({
      %run_scoped3A = tpu.sem_alloc : memref<!tpu.dma_semaphore, #tpu.memory_space<semaphore_mem>>
      %dma_start3A_254 = arith.constant 0 : i32
      %dma_start3A_255 = arith.constant 0 : i32
      %dma_start3A_256 = tpu.memref_slice %arg26[%dma_start3A_254, %dma_start3A_255] : memref<10000x128xf32, #tpu.memory_space<vmem_shared>> -> memref<10000x128xf32, #tpu.memory_space<vmem_shared>>
      tpu.enqueue_indirect_dma source(%arg25 : memref<48x128xf32, #tpu.memory_space<vmem>>) target(%dma_start3A_256 : memref<10000x128xf32, #tpu.memory_space<vmem_shared>>) offsets(%arg14 : memref<48xi32, #tpu.memory_space<vmem>>) semaphore(%run_scoped3A : memref<!tpu.dma_semaphore, #tpu.memory_space<semaphore_mem>>) {add = true}
      %dma_wait3A_257 = arith.constant 0 : i32
      %dma_wait3A_258 = arith.constant 0 : i32
      %dma_wait3A_259 = tpu.memref_slice %arg26[%dma_wait3A_257, %dma_wait3A_258] : memref<10000x128xf32, #tpu.memory_space<vmem_shared>> -> memref<10000x128xf32, #tpu.memory_space<vmem_shared>>
      tpu.wait_indirect_dma semaphore(%run_scoped3A : memref<!tpu.dma_semaphore, #tpu.memory_space<semaphore_mem>>) src(%arg25 : memref<48x128xf32, #tpu.memory_space<vmem>>) dst(%dma_wait3A_259 : memref<10000x128xf32, #tpu.memory_space<vmem_shared>>)
      tpu.yield
    }) : () -> ()
    %barrier3A_236 = arith.constant 0 : index
    tpu.barrier barrier_id(%barrier3A_236)
    %sub3A_237 = arith.subi %add3A_7, %mul3A_4 : i32
    %sub3A_238 = arith.constant 16 : i32
    %sub3A_239 = arith.constant 1 : i32
    %sub3A_240 = arith.subi %sub3A_238, %sub3A_239 : i32
    %add3A_241 = arith.addi %sub3A_237, %sub3A_240 : i32
    %div3A_242 = arith.constant 16 : i32
    %div3A_243 = arith.divsi %add3A_241, %div3A_242 : i32
    %while3A_244 = arith.constant 16 : i32
    %while3A_245 = arith.constant 0 : i32
    %while3A_246 = arith.subi %div3A_243, %while3A_245 : i32
    %while3A_247 = arith.addi %while3A_245, %while3A_246 : i32
    %while3A_248 = arith.constant 1 : i32
    %while3A_249 = arith.divsi %while3A_246, %while3A_248 : i32
    %while3A_250 = arith.muli %while3A_249, %while3A_248 : i32
    %while3A_251 = arith.addi %while3A_245, %while3A_250 : i32
    %while3A_252 = arith.constant 1 : i32
    scf.for %while3A_254 = %while3A_245 to %while3A_251 step %while3A_252  : i32 {
      %mul3A_255 = arith.muli %while3A_254, %while3A_244 : i32
      %add3A_256 = arith.addi %mul3A_4, %mul3A_255 : i32
      "tpu.region"() ({
        %run_scoped3A = tpu.sem_alloc : memref<!tpu.dma_semaphore, #tpu.memory_space<semaphore_mem>>
        %dma_start3A_257 = arith.constant 0 : i32
        %dma_start3A_258 = tpu.memref_slice %arg8[%arg0, %add3A_256, %dma_start3A_257] : memref<2x10000x128xf32, #tpu.memory_space<hbm>> -> memref<1x16x128xf32, #tpu.memory_space<hbm>>
        %dma_start3A_259 = tpu.memref_squeeze %dma_start3A_258 : memref<1x16x128xf32, #tpu.memory_space<hbm>> -> memref<16x128xf32, #tpu.memory_space<hbm>>
        %dma_start3A_260 = arith.constant 0 : i32
        %dma_start3A_261 = tpu.memref_slice %arg26[%add3A_256, %dma_start3A_260] : memref<10000x128xf32, #tpu.memory_space<vmem_shared>> -> memref<16x128xf32, #tpu.memory_space<vmem_shared>>
        tpu.enqueue_dma source(%dma_start3A_261 : memref<16x128xf32, #tpu.memory_space<vmem_shared>>) target(%dma_start3A_259 : memref<16x128xf32, #tpu.memory_space<hbm>>) target_semaphore(%run_scoped3A : memref<!tpu.dma_semaphore, #tpu.memory_space<semaphore_mem>>)
        %dma_wait3A_262 = arith.constant 0 : i32
        %dma_wait3A_263 = tpu.memref_slice %arg8[%arg0, %add3A_256, %dma_wait3A_262] : memref<2x10000x128xf32, #tpu.memory_space<hbm>> -> memref<1x16x128xf32, #tpu.memory_space<hbm>>
        %dma_wait3A_264 = tpu.memref_squeeze %dma_wait3A_263 : memref<1x16x128xf32, #tpu.memory_space<hbm>> -> memref<16x128xf32, #tpu.memory_space<hbm>>
        %dma_wait3A_265 = arith.constant 0 : i32
        %dma_wait3A_266 = tpu.memref_slice %arg26[%add3A_256, %dma_wait3A_265] : memref<10000x128xf32, #tpu.memory_space<vmem_shared>> -> memref<16x128xf32, #tpu.memory_space<vmem_shared>>
        tpu.wait_dma2 semaphore(%run_scoped3A : memref<!tpu.dma_semaphore, #tpu.memory_space<semaphore_mem>>) src(%dma_wait3A_266 : memref<16x128xf32, #tpu.memory_space<vmem_shared>>) dst(%dma_wait3A_264 : memref<16x128xf32, #tpu.memory_space<hbm>>)
        tpu.yield
      }) : () -> ()
    }
    %while3A_253 = arith.constant 1 : i32
    scf.for %while3A_254 = %while3A_251 to %while3A_247 step %while3A_253  : i32 {
      %mul3A_255 = arith.muli %while3A_254, %while3A_244 : i32
      %add3A_256 = arith.addi %mul3A_4, %mul3A_255 : i32
      "tpu.region"() ({
        %run_scoped3A = tpu.sem_alloc : memref<!tpu.dma_semaphore, #tpu.memory_space<semaphore_mem>>
        %dma_start3A_257 = arith.constant 0 : i32
        %dma_start3A_258 = tpu.memref_slice %arg8[%arg0, %add3A_256, %dma_start3A_257] : memref<2x10000x128xf32, #tpu.memory_space<hbm>> -> memref<1x16x128xf32, #tpu.memory_space<hbm>>
        %dma_start3A_259 = tpu.memref_squeeze %dma_start3A_258 : memref<1x16x128xf32, #tpu.memory_space<hbm>> -> memref<16x128xf32, #tpu.memory_space<hbm>>
        %dma_start3A_260 = arith.constant 0 : i32
        %dma_start3A_261 = tpu.memref_slice %arg26[%add3A_256, %dma_start3A_260] : memref<10000x128xf32, #tpu.memory_space<vmem_shared>> -> memref<16x128xf32, #tpu.memory_space<vmem_shared>>
        tpu.enqueue_dma source(%dma_start3A_261 : memref<16x128xf32, #tpu.memory_space<vmem_shared>>) target(%dma_start3A_259 : memref<16x128xf32, #tpu.memory_space<hbm>>) target_semaphore(%run_scoped3A : memref<!tpu.dma_semaphore, #tpu.memory_space<semaphore_mem>>)
        %dma_wait3A_262 = arith.constant 0 : i32
        %dma_wait3A_263 = tpu.memref_slice %arg8[%arg0, %add3A_256, %dma_wait3A_262] : memref<2x10000x128xf32, #tpu.memory_space<hbm>> -> memref<1x16x128xf32, #tpu.memory_space<hbm>>
        %dma_wait3A_264 = tpu.memref_squeeze %dma_wait3A_263 : memref<1x16x128xf32, #tpu.memory_space<hbm>> -> memref<16x128xf32, #tpu.memory_space<hbm>>
        %dma_wait3A_265 = arith.constant 0 : i32
        %dma_wait3A_266 = tpu.memref_slice %arg26[%add3A_256, %dma_wait3A_265] : memref<10000x128xf32, #tpu.memory_space<vmem_shared>> -> memref<16x128xf32, #tpu.memory_space<vmem_shared>>
        tpu.wait_dma2 semaphore(%run_scoped3A : memref<!tpu.dma_semaphore, #tpu.memory_space<semaphore_mem>>) src(%dma_wait3A_266 : memref<16x128xf32, #tpu.memory_space<vmem_shared>>) dst(%dma_wait3A_264 : memref<16x128xf32, #tpu.memory_space<hbm>>)
        tpu.yield
      }) : () -> ()
    }
    return
  }
}

module attributes {stable_mosaic.version = 14 : i64} {
  func.func @_qkv_body(%arg0: i32, %arg1: memref<2000x128xf32, #tpu.memory_space<vmem>>, %arg2: memref<128x128xf32, #tpu.memory_space<vmem>>, %arg3: memref<128x128xf32, #tpu.memory_space<vmem>>, %arg4: memref<128x128xf32, #tpu.memory_space<vmem>>, %arg5: memref<2000x128xf32, #tpu.memory_space<vmem>>, %arg6: memref<2000x128xf32, #tpu.memory_space<vmem>>) attributes {dimension_semantics = [#tpu.dimension_semantics<arbitrary>], iteration_bounds = array<i64: 5>, scalar_prefetch = 0 : i64, scratch_operands = 0 : i64, tpu.core_type = #tpu.core_type<tc>, window_params = [{transform_indices = @transform_0, window_bounds = array<i64: 2000, 128>}, {pipeline_mode = #tpu.pipeline_mode<synchronous>, transform_indices = @transform_1, window_bounds = array<i64: 128, 128>}, {pipeline_mode = #tpu.pipeline_mode<synchronous>, transform_indices = @transform_2, window_bounds = array<i64: 128, 128>}, {pipeline_mode = #tpu.pipeline_mode<synchronous>, transform_indices = @transform_3, window_bounds = array<i64: 128, 128>}, {transform_indices = @transform_4, window_bounds = array<i64: 2000, 128>}, {transform_indices = @transform_5, window_bounds = array<i64: 2000, 128>}]} {
    %get3A = arith.constant 0 : index
    %get3A_0 = arith.constant 0 : index
    %get3A_1 = vector.load %arg1[%get3A, %get3A_0] : memref<2000x128xf32, #tpu.memory_space<vmem>>, vector<2000x128xf32>
    %convert_element_type3A = arith.truncf %get3A_1 : vector<2000x128xf32> to vector<2000x128xbf16>
    %get3A_2 = arith.constant 0 : index
    %get3A_3 = arith.constant 0 : index
    %get3A_4 = vector.load %arg2[%get3A_2, %get3A_3] : memref<128x128xf32, #tpu.memory_space<vmem>>, vector<128x128xf32>
    %convert_element_type3A_5 = arith.truncf %get3A_4 : vector<128x128xf32> to vector<128x128xbf16>
    %dot_general3A = arith.constant dense<0.000000e+00> : vector<2000x128xf32>
    %dot_general3A_6 = tpu.matmul %convert_element_type3A, %convert_element_type3A_5, %dot_general3A {dimension_numbers = #tpu.dot_dimension_numbers<[1], [0], [0], [1], [0, 0, 1, 1], [], []>, transpose_lhs_hint = false} : vector<2000x128xbf16>, vector<128x128xbf16>, vector<2000x128xf32> -> vector<2000x128xf32>
    %swap3A = arith.constant 0 : index
    %swap3A_7 = arith.constant 0 : index
    %swap3A_8 = vector.load %arg5[%swap3A, %swap3A_7] : memref<2000x128xf32, #tpu.memory_space<vmem>>, vector<2000x128xf32>
    tpu.vector_store %arg5[%swap3A, %swap3A_7], %dot_general3A_6 {strides = array<i32>} : memref<2000x128xf32, #tpu.memory_space<vmem>>, vector<2000x128xf32>,
    %get3A_9 = arith.constant 0 : index
    %get3A_10 = arith.constant 0 : index
    %get3A_11 = vector.load %arg3[%get3A_9, %get3A_10] : memref<128x128xf32, #tpu.memory_space<vmem>>, vector<128x128xf32>
    %convert_element_type3A_12 = arith.truncf %get3A_11 : vector<128x128xf32> to vector<128x128xbf16>
    %dot_general3A_13 = arith.constant dense<0.000000e+00> : vector<2000x128xf32>
    %dot_general3A_14 = tpu.matmul %convert_element_type3A, %convert_element_type3A_12, %dot_general3A_13 {dimension_numbers = #tpu.dot_dimension_numbers<[1], [0], [0], [1], [0, 0, 1, 1], [], []>, transpose_lhs_hint = false} : vector<2000x128xbf16>, vector<128x128xbf16>, vector<2000x128xf32> -> vector<2000x128xf32>
    %bitcast_convert_type3A = tpu.bitcast %dot_general3A_14 : vector<2000x128xf32> -> vector<2000x128xi32>
    %add3A = arith.constant 32768 : i32
    %add3A_15 = vector.broadcast %add3A : i32 to vector<2000x128xi32>
    %add3A_16 = arith.addi %bitcast_convert_type3A, %add3A_15 : vector<2000x128xi32>
    %and3A = arith.constant -65536 : i32
    %and3A_17 = vector.broadcast %and3A : i32 to vector<2000x128xi32>
    %and3A_18 = arith.andi %add3A_16, %and3A_17 : vector<2000x128xi32>
    %slice3A = vector.extract_strided_slice %and3A_18 {offsets = [0, 0], sizes = [2000, 64], strides = [1, 1]} : vector<2000x128xi32> to vector<2000x64xi32>
    %slice3A_19 = vector.extract_strided_slice %and3A_18 {offsets = [0, 64], sizes = [2000, 64], strides = [1, 1]} : vector<2000x128xi32> to vector<2000x64xi32>
    %shift_right_logical3A = arith.constant 16 : i32
    %shift_right_logical3A_20 = vector.broadcast %shift_right_logical3A : i32 to vector<2000x64xi32>
    %shift_right_logical3A_21 = arith.shrui %slice3A_19, %shift_right_logical3A_20 : vector<2000x64xi32>
    %or3A = arith.ori %slice3A, %shift_right_logical3A_21 : vector<2000x64xi32>
    %bitcast_convert_type3A_22 = tpu.bitcast %or3A : vector<2000x64xi32> -> vector<2000x64xf32>
    %swap3A_23 = arith.constant 0 : index
    %swap3A_24 = arith.constant 0 : index
    %swap3A_25 = vector.load %arg6[%swap3A_23, %swap3A_24] : memref<2000x128xf32, #tpu.memory_space<vmem>>, vector<2000x64xf32>
    tpu.vector_store %arg6[%swap3A_23, %swap3A_24], %bitcast_convert_type3A_22 {strides = array<i32>} : memref<2000x128xf32, #tpu.memory_space<vmem>>, vector<2000x64xf32>,
    %get3A_26 = arith.constant 0 : index
    %get3A_27 = arith.constant 0 : index
    %get3A_28 = vector.load %arg4[%get3A_26, %get3A_27] : memref<128x128xf32, #tpu.memory_space<vmem>>, vector<128x128xf32>
    %convert_element_type3A_29 = arith.truncf %get3A_28 : vector<128x128xf32> to vector<128x128xbf16>
    %dot_general3A_30 = arith.constant dense<0.000000e+00> : vector<2000x128xf32>
    %dot_general3A_31 = tpu.matmul %convert_element_type3A, %convert_element_type3A_29, %dot_general3A_30 {dimension_numbers = #tpu.dot_dimension_numbers<[1], [0], [0], [1], [0, 0, 1, 1], [], []>, transpose_lhs_hint = false} : vector<2000x128xbf16>, vector<128x128xbf16>, vector<2000x128xf32> -> vector<2000x128xf32>
    %bitcast_convert_type3A_32 = tpu.bitcast %dot_general3A_31 : vector<2000x128xf32> -> vector<2000x128xi32>
    %add3A_33 = arith.constant 32768 : i32
    %add3A_34 = vector.broadcast %add3A_33 : i32 to vector<2000x128xi32>
    %add3A_35 = arith.addi %bitcast_convert_type3A_32, %add3A_34 : vector<2000x128xi32>
    %and3A_36 = arith.constant -65536 : i32
    %and3A_37 = vector.broadcast %and3A_36 : i32 to vector<2000x128xi32>
    %and3A_38 = arith.andi %add3A_35, %and3A_37 : vector<2000x128xi32>
    %slice3A_39 = vector.extract_strided_slice %and3A_38 {offsets = [0, 0], sizes = [2000, 64], strides = [1, 1]} : vector<2000x128xi32> to vector<2000x64xi32>
    %slice3A_40 = vector.extract_strided_slice %and3A_38 {offsets = [0, 64], sizes = [2000, 64], strides = [1, 1]} : vector<2000x128xi32> to vector<2000x64xi32>
    %shift_right_logical3A_41 = arith.constant 16 : i32
    %shift_right_logical3A_42 = vector.broadcast %shift_right_logical3A_41 : i32 to vector<2000x64xi32>
    %shift_right_logical3A_43 = arith.shrui %slice3A_40, %shift_right_logical3A_42 : vector<2000x64xi32>
    %or3A_44 = arith.ori %slice3A_39, %shift_right_logical3A_43 : vector<2000x64xi32>
    %bitcast_convert_type3A_45 = tpu.bitcast %or3A_44 : vector<2000x64xi32> -> vector<2000x64xf32>
    %swap3A_46 = arith.constant 0 : index
    %swap3A_47 = arith.constant 64 : index
    %swap3A_48 = vector.load %arg6[%swap3A_46, %swap3A_47] : memref<2000x128xf32, #tpu.memory_space<vmem>>, vector<2000x64xf32>
    tpu.vector_store %arg6[%swap3A_46, %swap3A_47], %bitcast_convert_type3A_45 {strides = array<i32>} : memref<2000x128xf32, #tpu.memory_space<vmem>>, vector<2000x64xf32>,
    return
  }
  func.func @transform_0(%arg0: i32) -> (i32, i32) {
    %c0_i32 = arith.constant 0 : i32
    %c0_i32_0 = arith.constant 0 : i32
    return %arg0, %c0_i32 : i32, i32
  }
  func.func @transform_1(%arg0: i32) -> (i32, i32) {
    %c0_i32 = arith.constant 0 : i32
    %c0_i32_0 = arith.constant 0 : i32
    %c0_i32_1 = arith.constant 0 : i32
    return %c0_i32, %c0_i32_0 : i32, i32
  }
  func.func @transform_2(%arg0: i32) -> (i32, i32) {
    %c0_i32 = arith.constant 0 : i32
    %c0_i32_0 = arith.constant 0 : i32
    %c0_i32_1 = arith.constant 0 : i32
    return %c0_i32, %c0_i32_0 : i32, i32
  }
  func.func @transform_3(%arg0: i32) -> (i32, i32) {
    %c0_i32 = arith.constant 0 : i32
    %c0_i32_0 = arith.constant 0 : i32
    %c0_i32_1 = arith.constant 0 : i32
    return %c0_i32, %c0_i32_0 : i32, i32
  }
  func.func @transform_4(%arg0: i32) -> (i32, i32) {
    %c0_i32 = arith.constant 0 : i32
    %c0_i32_0 = arith.constant 0 : i32
    return %arg0, %c0_i32 : i32, i32
  }
  func.func @transform_5(%arg0: i32) -> (i32, i32) {
    %c0_i32 = arith.constant 0 : i32
    %c0_i32_0 = arith.constant 0 : i32
    return %arg0, %c0_i32 : i32, i32
  }
}

module attributes {stable_mosaic.version = 14 : i64} {
  func.func @_wij_body(%arg0: i32, %arg1: memref<320000x16xf32, #tpu.memory_space<any>>, %arg2: memref<320000x16xf32, #tpu.memory_space<any>>, %arg3: memref<32x192xf32, #tpu.memory_space<vmem>>, %arg4: memref<1x192xf32, #tpu.memory_space<vmem>>, %arg5: memref<192x128xf32, #tpu.memory_space<vmem>>, %arg6: memref<1x128xf32, #tpu.memory_space<vmem>>, %arg7: memref<4000x128xf32, #tpu.memory_space<vmem>>, %arg8: memref<2x4000x16xf32, #tpu.memory_space<vmem>>, %arg9: memref<2x4000x16xf32, #tpu.memory_space<vmem>>, %arg10: memref<2x!tpu.dma_semaphore, #tpu.memory_space<semaphore_mem>>) attributes {dimension_semantics = [#tpu.dimension_semantics<arbitrary>], iteration_bounds = array<i64: 80>, scalar_prefetch = 0 : i64, scratch_operands = 3 : i64, tpu.core_type = #tpu.core_type<tc>, window_params = [{}, {}, {pipeline_mode = #tpu.pipeline_mode<synchronous>, transform_indices = @transform_2, window_bounds = array<i64: 32, 192>}, {pipeline_mode = #tpu.pipeline_mode<synchronous>, transform_indices = @transform_3, window_bounds = array<i64: 1, 192>}, {pipeline_mode = #tpu.pipeline_mode<synchronous>, transform_indices = @transform_4, window_bounds = array<i64: 192, 128>}, {pipeline_mode = #tpu.pipeline_mode<synchronous>, transform_indices = @transform_5, window_bounds = array<i64: 1, 128>}, {transform_indices = @transform_6, window_bounds = array<i64: 4000, 128>}]} {
    %eq3A = arith.constant 0 : i32
    %eq3A_0 = arith.cmpi eq, %arg0, %eq3A : i32
    %convert_element_type3A = arith.extui %eq3A_0 : i1 to i32
    %cond3A = arith.constant 0 : i32
    %cond3A_1 = arith.cmpi ne, %convert_element_type3A, %cond3A : i32
    scf.if %cond3A_1 {
      %dma_start3A = arith.constant 0 : i32
      %dma_start3A_66 = arith.constant 0 : i32
      %dma_start3A_67 = tpu.memref_slice %arg10[%dma_start3A_66] : memref<2x!tpu.dma_semaphore, #tpu.memory_space<semaphore_mem>> -> memref<1x!tpu.dma_semaphore, #tpu.memory_space<semaphore_mem>>
      %dma_start3A_68 = tpu.memref_squeeze %dma_start3A_67 : memref<1x!tpu.dma_semaphore, #tpu.memory_space<semaphore_mem>> -> memref<!tpu.dma_semaphore, #tpu.memory_space<semaphore_mem>>
      %dma_start3A_69 = arith.constant 0 : i32
      %dma_start3A_70 = arith.constant 0 : i32
      %dma_start3A_71 = tpu.memref_slice %arg8[%dma_start3A, %dma_start3A_69, %dma_start3A_70] : memref<2x4000x16xf32, #tpu.memory_space<vmem>> -> memref<1x4000x16xf32, #tpu.memory_space<vmem>>
      %dma_start3A_72 = tpu.memref_squeeze %dma_start3A_71 : memref<1x4000x16xf32, #tpu.memory_space<vmem>> -> memref<4000x16xf32, #tpu.memory_space<vmem>>
      %dma_start3A_73 = arith.constant 0 : i32
      %dma_start3A_74 = arith.constant 0 : i32
      %dma_start3A_75 = tpu.memref_slice %arg1[%dma_start3A_73, %dma_start3A_74] : memref<320000x16xf32, #tpu.memory_space<any>> -> memref<4000x16xf32, #tpu.memory_space<any>>
      tpu.enqueue_dma source(%dma_start3A_75 : memref<4000x16xf32, #tpu.memory_space<any>>) target(%dma_start3A_72 : memref<4000x16xf32, #tpu.memory_space<vmem>>) target_semaphore(%dma_start3A_68 : memref<!tpu.dma_semaphore, #tpu.memory_space<semaphore_mem>>)
      %dma_start3A_76 = arith.constant 0 : i32
      %dma_start3A_77 = arith.constant 0 : i32
      %dma_start3A_78 = tpu.memref_slice %arg10[%dma_start3A_77] : memref<2x!tpu.dma_semaphore, #tpu.memory_space<semaphore_mem>> -> memref<1x!tpu.dma_semaphore, #tpu.memory_space<semaphore_mem>>
      %dma_start3A_79 = tpu.memref_squeeze %dma_start3A_78 : memref<1x!tpu.dma_semaphore, #tpu.memory_space<semaphore_mem>> -> memref<!tpu.dma_semaphore, #tpu.memory_space<semaphore_mem>>
      %dma_start3A_80 = arith.constant 0 : i32
      %dma_start3A_81 = arith.constant 0 : i32
      %dma_start3A_82 = tpu.memref_slice %arg9[%dma_start3A_76, %dma_start3A_80, %dma_start3A_81] : memref<2x4000x16xf32, #tpu.memory_space<vmem>> -> memref<1x4000x16xf32, #tpu.memory_space<vmem>>
      %dma_start3A_83 = tpu.memref_squeeze %dma_start3A_82 : memref<1x4000x16xf32, #tpu.memory_space<vmem>> -> memref<4000x16xf32, #tpu.memory_space<vmem>>
      %dma_start3A_84 = arith.constant 0 : i32
      %dma_start3A_85 = arith.constant 0 : i32
      %dma_start3A_86 = tpu.memref_slice %arg2[%dma_start3A_84, %dma_start3A_85] : memref<320000x16xf32, #tpu.memory_space<any>> -> memref<4000x16xf32, #tpu.memory_space<any>>
      tpu.enqueue_dma source(%dma_start3A_86 : memref<4000x16xf32, #tpu.memory_space<any>>) target(%dma_start3A_83 : memref<4000x16xf32, #tpu.memory_space<vmem>>) target_semaphore(%dma_start3A_79 : memref<!tpu.dma_semaphore, #tpu.memory_space<semaphore_mem>>)
    } else {
    }
    %add3A = arith.constant 1 : i32
    %add3A_2 = arith.addi %arg0, %add3A : i32
    %lt3A = arith.constant 80 : i32
    %lt3A_3 = arith.cmpi slt, %add3A_2, %lt3A : i32
    %convert_element_type3A_4 = arith.extui %lt3A_3 : i1 to i32
    %cond3A_5 = arith.constant 0 : i32
    %cond3A_6 = arith.cmpi ne, %convert_element_type3A_4, %cond3A_5 : i32
    scf.if %cond3A_6 {
      %add3A_66 = arith.constant 1 : i32
      %add3A_67 = arith.addi %arg0, %add3A_66 : i32
      %add3A_68 = arith.constant 1 : i32
      %add3A_69 = arith.addi %arg0, %add3A_68 : i32
      %rem3A_70 = arith.constant 2 : i32
      %rem3A_71 = arith.remsi %add3A_69, %rem3A_70 : i32
      %mul3A_72 = arith.constant 4000 : i32
      %mul3A_73 = arith.muli %add3A_67, %mul3A_72 : i32
      %mul3A_74 = arith.constant 4000 : i32
      %mul3A_75 = arith.muli %add3A_67, %mul3A_74 : i32
      %dma_start3A = tpu.memref_slice %arg10[%rem3A_71] : memref<2x!tpu.dma_semaphore, #tpu.memory_space<semaphore_mem>> -> memref<1x!tpu.dma_semaphore, #tpu.memory_space<semaphore_mem>>
      %dma_start3A_76 = tpu.memref_squeeze %dma_start3A : memref<1x!tpu.dma_semaphore, #tpu.memory_space<semaphore_mem>> -> memref<!tpu.dma_semaphore, #tpu.memory_space<semaphore_mem>>
      %dma_start3A_77 = arith.constant 0 : i32
      %dma_start3A_78 = arith.constant 0 : i32
      %dma_start3A_79 = tpu.memref_slice %arg8[%rem3A_71, %dma_start3A_77, %dma_start3A_78] : memref<2x4000x16xf32, #tpu.memory_space<vmem>> -> memref<1x4000x16xf32, #tpu.memory_space<vmem>>
      %dma_start3A_80 = tpu.memref_squeeze %dma_start3A_79 : memref<1x4000x16xf32, #tpu.memory_space<vmem>> -> memref<4000x16xf32, #tpu.memory_space<vmem>>
      %dma_start3A_81 = arith.constant 0 : i32
      %dma_start3A_82 = tpu.memref_slice %arg1[%mul3A_73, %dma_start3A_81] : memref<320000x16xf32, #tpu.memory_space<any>> -> memref<4000x16xf32, #tpu.memory_space<any>>
      tpu.enqueue_dma source(%dma_start3A_82 : memref<4000x16xf32, #tpu.memory_space<any>>) target(%dma_start3A_80 : memref<4000x16xf32, #tpu.memory_space<vmem>>) target_semaphore(%dma_start3A_76 : memref<!tpu.dma_semaphore, #tpu.memory_space<semaphore_mem>>)
      %dma_start3A_83 = tpu.memref_slice %arg10[%rem3A_71] : memref<2x!tpu.dma_semaphore, #tpu.memory_space<semaphore_mem>> -> memref<1x!tpu.dma_semaphore, #tpu.memory_space<semaphore_mem>>
      %dma_start3A_84 = tpu.memref_squeeze %dma_start3A_83 : memref<1x!tpu.dma_semaphore, #tpu.memory_space<semaphore_mem>> -> memref<!tpu.dma_semaphore, #tpu.memory_space<semaphore_mem>>
      %dma_start3A_85 = arith.constant 0 : i32
      %dma_start3A_86 = arith.constant 0 : i32
      %dma_start3A_87 = tpu.memref_slice %arg9[%rem3A_71, %dma_start3A_85, %dma_start3A_86] : memref<2x4000x16xf32, #tpu.memory_space<vmem>> -> memref<1x4000x16xf32, #tpu.memory_space<vmem>>
      %dma_start3A_88 = tpu.memref_squeeze %dma_start3A_87 : memref<1x4000x16xf32, #tpu.memory_space<vmem>> -> memref<4000x16xf32, #tpu.memory_space<vmem>>
      %dma_start3A_89 = arith.constant 0 : i32
      %dma_start3A_90 = tpu.memref_slice %arg2[%mul3A_75, %dma_start3A_89] : memref<320000x16xf32, #tpu.memory_space<any>> -> memref<4000x16xf32, #tpu.memory_space<any>>
      tpu.enqueue_dma source(%dma_start3A_90 : memref<4000x16xf32, #tpu.memory_space<any>>) target(%dma_start3A_88 : memref<4000x16xf32, #tpu.memory_space<vmem>>) target_semaphore(%dma_start3A_84 : memref<!tpu.dma_semaphore, #tpu.memory_space<semaphore_mem>>)
    } else {
    }
    %rem3A = arith.constant 2 : i32
    %rem3A_7 = arith.remsi %arg0, %rem3A : i32
    %mul3A = arith.constant 4000 : i32
    %mul3A_8 = arith.muli %arg0, %mul3A : i32
    %mul3A_9 = arith.constant 4000 : i32
    %mul3A_10 = arith.muli %arg0, %mul3A_9 : i32
    %dma_wait3A = tpu.memref_slice %arg10[%rem3A_7] : memref<2x!tpu.dma_semaphore, #tpu.memory_space<semaphore_mem>> -> memref<1x!tpu.dma_semaphore, #tpu.memory_space<semaphore_mem>>
    %dma_wait3A_11 = tpu.memref_squeeze %dma_wait3A : memref<1x!tpu.dma_semaphore, #tpu.memory_space<semaphore_mem>> -> memref<!tpu.dma_semaphore, #tpu.memory_space<semaphore_mem>>
    %dma_wait3A_12 = arith.constant 0 : i32
    %dma_wait3A_13 = arith.constant 0 : i32
    %dma_wait3A_14 = tpu.memref_slice %arg8[%rem3A_7, %dma_wait3A_12, %dma_wait3A_13] : memref<2x4000x16xf32, #tpu.memory_space<vmem>> -> memref<1x4000x16xf32, #tpu.memory_space<vmem>>
    %dma_wait3A_15 = tpu.memref_squeeze %dma_wait3A_14 : memref<1x4000x16xf32, #tpu.memory_space<vmem>> -> memref<4000x16xf32, #tpu.memory_space<vmem>>
    %dma_wait3A_16 = arith.constant 0 : i32
    %dma_wait3A_17 = tpu.memref_slice %arg1[%mul3A_8, %dma_wait3A_16] : memref<320000x16xf32, #tpu.memory_space<any>> -> memref<4000x16xf32, #tpu.memory_space<any>>
    tpu.wait_dma2 semaphore(%dma_wait3A_11 : memref<!tpu.dma_semaphore, #tpu.memory_space<semaphore_mem>>) src(%dma_wait3A_17 : memref<4000x16xf32, #tpu.memory_space<any>>) dst(%dma_wait3A_15 : memref<4000x16xf32, #tpu.memory_space<vmem>>)
    %dma_wait3A_18 = tpu.memref_slice %arg10[%rem3A_7] : memref<2x!tpu.dma_semaphore, #tpu.memory_space<semaphore_mem>> -> memref<1x!tpu.dma_semaphore, #tpu.memory_space<semaphore_mem>>
    %dma_wait3A_19 = tpu.memref_squeeze %dma_wait3A_18 : memref<1x!tpu.dma_semaphore, #tpu.memory_space<semaphore_mem>> -> memref<!tpu.dma_semaphore, #tpu.memory_space<semaphore_mem>>
    %dma_wait3A_20 = arith.constant 0 : i32
    %dma_wait3A_21 = arith.constant 0 : i32
    %dma_wait3A_22 = tpu.memref_slice %arg9[%rem3A_7, %dma_wait3A_20, %dma_wait3A_21] : memref<2x4000x16xf32, #tpu.memory_space<vmem>> -> memref<1x4000x16xf32, #tpu.memory_space<vmem>>
    %dma_wait3A_23 = tpu.memref_squeeze %dma_wait3A_22 : memref<1x4000x16xf32, #tpu.memory_space<vmem>> -> memref<4000x16xf32, #tpu.memory_space<vmem>>
    %dma_wait3A_24 = arith.constant 0 : i32
    %dma_wait3A_25 = tpu.memref_slice %arg2[%mul3A_10, %dma_wait3A_24] : memref<320000x16xf32, #tpu.memory_space<any>> -> memref<4000x16xf32, #tpu.memory_space<any>>
    tpu.wait_dma2 semaphore(%dma_wait3A_19 : memref<!tpu.dma_semaphore, #tpu.memory_space<semaphore_mem>>) src(%dma_wait3A_25 : memref<4000x16xf32, #tpu.memory_space<any>>) dst(%dma_wait3A_23 : memref<4000x16xf32, #tpu.memory_space<vmem>>)
    %get3A = arith.index_cast %rem3A_7 : i32 to index
    %get3A_26 = arith.constant 0 : index
    %get3A_27 = arith.constant 0 : index
    %get3A_28 = vector.load %arg8[%get3A, %get3A_26, %get3A_27] : memref<2x4000x16xf32, #tpu.memory_space<vmem>>, vector<1x4000x16xf32>
    %get3A_29 = vector.shape_cast %get3A_28 : vector<1x4000x16xf32> to vector<4000x16xf32>
    %get3A_30 = arith.index_cast %rem3A_7 : i32 to index
    %get3A_31 = arith.constant 0 : index
    %get3A_32 = arith.constant 0 : index
    %get3A_33 = vector.load %arg9[%get3A_30, %get3A_31, %get3A_32] : memref<2x4000x16xf32, #tpu.memory_space<vmem>>, vector<1x4000x16xf32>
    %get3A_34 = vector.shape_cast %get3A_33 : vector<1x4000x16xf32> to vector<4000x16xf32>
    %concatenate3A = tpu.concatenate %get3A_29, %get3A_34 in 1 : vector<4000x16xf32>, vector<4000x16xf32> -> vector<4000x32xf32>
    %convert_element_type3A_35 = arith.truncf %concatenate3A : vector<4000x32xf32> to vector<4000x32xbf16>
    %get3A_36 = arith.constant 0 : index
    %get3A_37 = arith.constant 0 : index
    %get3A_38 = vector.load %arg3[%get3A_36, %get3A_37] : memref<32x192xf32, #tpu.memory_space<vmem>>, vector<32x192xf32>
    %convert_element_type3A_39 = arith.truncf %get3A_38 : vector<32x192xf32> to vector<32x192xbf16>
    %dot_general3A = arith.constant dense<0.000000e+00> : vector<4000x192xf32>
    %dot_general3A_40 = tpu.matmul %convert_element_type3A_35, %convert_element_type3A_39, %dot_general3A {dimension_numbers = #tpu.dot_dimension_numbers<[1], [0], [0], [1], [0, 0, 1, 1], [], []>, transpose_lhs_hint = false} : vector<4000x32xbf16>, vector<32x192xbf16>, vector<4000x192xf32> -> vector<4000x192xf32>
    %get3A_41 = arith.constant 0 : index
    %get3A_42 = arith.constant 0 : index
    %get3A_43 = vector.load %arg4[%get3A_41, %get3A_42] : memref<1x192xf32, #tpu.memory_space<vmem>>, vector<1x192xf32>
    %add3A_44 = vector.broadcast %get3A_43 : vector<1x192xf32> to vector<4000x192xf32>
    %add3A_45 = arith.addf %dot_general3A_40, %add3A_44 : vector<4000x192xf32>
    %logistic3A = arith.negf %add3A_45 : vector<4000x192xf32>
    %logistic3A_46 = math.exp %logistic3A : vector<4000x192xf32>
    %logistic3A_47 = arith.constant 1.000000e+00 : f32
    %logistic3A_48 = vector.broadcast %logistic3A_47 : f32 to vector<4000x192xf32>
    %logistic3A_49 = arith.addf %logistic3A_48, %logistic3A_46 : vector<4000x192xf32>
    %logistic3A_50 = arith.divf %logistic3A_48, %logistic3A_49 : vector<4000x192xf32>
    %mul3A_51 = arith.mulf %add3A_45, %logistic3A_50 : vector<4000x192xf32>
    %convert_element_type3A_52 = arith.truncf %mul3A_51 : vector<4000x192xf32> to vector<4000x192xbf16>
    %get3A_53 = arith.constant 0 : index
    %get3A_54 = arith.constant 0 : index
    %get3A_55 = vector.load %arg5[%get3A_53, %get3A_54] : memref<192x128xf32, #tpu.memory_space<vmem>>, vector<192x128xf32>
    %convert_element_type3A_56 = arith.truncf %get3A_55 : vector<192x128xf32> to vector<192x128xbf16>
    %dot_general3A_57 = arith.constant dense<0.000000e+00> : vector<4000x128xf32>
    %dot_general3A_58 = tpu.matmul %convert_element_type3A_52, %convert_element_type3A_56, %dot_general3A_57 {dimension_numbers = #tpu.dot_dimension_numbers<[1], [0], [0], [1], [0, 0, 1, 1], [], []>, transpose_lhs_hint = false} : vector<4000x192xbf16>, vector<192x128xbf16>, vector<4000x128xf32> -> vector<4000x128xf32>
    %get3A_59 = arith.constant 0 : index
    %get3A_60 = arith.constant 0 : index
    %get3A_61 = vector.load %arg6[%get3A_59, %get3A_60] : memref<1x128xf32, #tpu.memory_space<vmem>>, vector<1x128xf32>
    %add3A_62 = vector.broadcast %get3A_61 : vector<1x128xf32> to vector<4000x128xf32>
    %add3A_63 = arith.addf %dot_general3A_58, %add3A_62 : vector<4000x128xf32>
    %swap3A = arith.constant 0 : index
    %swap3A_64 = arith.constant 0 : index
    %swap3A_65 = vector.load %arg7[%swap3A, %swap3A_64] : memref<4000x128xf32, #tpu.memory_space<vmem>>, vector<4000x128xf32>
    tpu.vector_store %arg7[%swap3A, %swap3A_64], %add3A_63 {strides = array<i32>} : memref<4000x128xf32, #tpu.memory_space<vmem>>, vector<4000x128xf32>,
    return
  }
  func.func @transform_2(%arg0: i32) -> (i32, i32) {
    %c0_i32 = arith.constant 0 : i32
    %c0_i32_0 = arith.constant 0 : i32
    %c0_i32_1 = arith.constant 0 : i32
    return %c0_i32, %c0_i32_0 : i32, i32
  }
  func.func @transform_3(%arg0: i32) -> (i32, i32) {
    %c0_i32 = arith.constant 0 : i32
    %c0_i32_0 = arith.constant 0 : i32
    %c0_i32_1 = arith.constant 0 : i32
    return %c0_i32, %c0_i32_0 : i32, i32
  }
  func.func @transform_4(%arg0: i32) -> (i32, i32) {
    %c0_i32 = arith.constant 0 : i32
    %c0_i32_0 = arith.constant 0 : i32
    %c0_i32_1 = arith.constant 0 : i32
    return %c0_i32, %c0_i32_0 : i32, i32
  }
  func.func @transform_5(%arg0: i32) -> (i32, i32) {
    %c0_i32 = arith.constant 0 : i32
    %c0_i32_0 = arith.constant 0 : i32
    %c0_i32_1 = arith.constant 0 : i32
    return %c0_i32, %c0_i32_0 : i32, i32
  }
  func.func @transform_6(%arg0: i32) -> (i32, i32) {
    %c0_i32 = arith.constant 0 : i32
    %c0_i32_0 = arith.constant 0 : i32
    return %arg0, %c0_i32 : i32, i32
  }
}

module attributes {stable_mosaic.version = 14 : i64} {
  func.func @_add_body(%arg0: i32, %arg1: memref<2x2000x128xf32, #tpu.memory_space<vmem>>, %arg2: memref<2000x128xf32, #tpu.memory_space<vmem>>) attributes {dimension_semantics = [#tpu.dimension_semantics<arbitrary>], iteration_bounds = array<i64: 5>, scalar_prefetch = 0 : i64, scratch_operands = 0 : i64, tpu.core_type = #tpu.core_type<tc>, window_params = [{transform_indices = @transform_0, window_bounds = array<i64: 2, 2000, 128>}, {transform_indices = @transform_1, window_bounds = array<i64: 2000, 128>}]} {
    %get3A = arith.constant 0 : index
    %get3A_0 = arith.constant 0 : index
    %get3A_1 = arith.constant 0 : index
    %get3A_2 = vector.load %arg1[%get3A, %get3A_0, %get3A_1] : memref<2x2000x128xf32, #tpu.memory_space<vmem>>, vector<1x2000x128xf32>
    %get3A_3 = vector.shape_cast %get3A_2 : vector<1x2000x128xf32> to vector<2000x128xf32>
    %get3A_4 = arith.constant 1 : index
    %get3A_5 = arith.constant 0 : index
    %get3A_6 = arith.constant 0 : index
    %get3A_7 = vector.load %arg1[%get3A_4, %get3A_5, %get3A_6] : memref<2x2000x128xf32, #tpu.memory_space<vmem>>, vector<1x2000x128xf32>
    %get3A_8 = vector.shape_cast %get3A_7 : vector<1x2000x128xf32> to vector<2000x128xf32>
    %add3A = arith.addf %get3A_3, %get3A_8 : vector<2000x128xf32>
    %swap3A = arith.constant 0 : index
    %swap3A_9 = arith.constant 0 : index
    %swap3A_10 = vector.load %arg2[%swap3A, %swap3A_9] : memref<2000x128xf32, #tpu.memory_space<vmem>>, vector<2000x128xf32>
    tpu.vector_store %arg2[%swap3A, %swap3A_9], %add3A {strides = array<i32>} : memref<2000x128xf32, #tpu.memory_space<vmem>>, vector<2000x128xf32>,
    return
  }
  func.func @transform_0(%arg0: i32) -> (i32, i32, i32) {
    %c0_i32 = arith.constant 0 : i32
    %c0_i32_0 = arith.constant 0 : i32
    %c0_i32_1 = arith.constant 0 : i32
    return %c0_i32, %arg0, %c0_i32_0 : i32, i32, i32
  }
  func.func @transform_1(%arg0: i32) -> (i32, i32) {
    %c0_i32 = arith.constant 0 : i32
    %c0_i32_0 = arith.constant 0 : i32
    return %arg0, %c0_i32 : i32, i32
  }
}

</mosaic_0001>

<sc_bundles>
// kernel: kernel.6.cloned.1.call-start
scs
__scs_entry_jumppad:
0x0: {  	(pc) =	sbr.rel $0x88, $3  }
0x1: {  	(tag) =	ssettag $0x0;
	lr =	simm.s32 $0x1  }
0x2: {  	[smem:$0x3F90] =	sst lr;
	_ =	strace $0xD0000000  }
0x3: {  	_ = 	snop  }
0x4: {  	_ = 	snop  }
0x5: {  	_ = 	snop  }
0x6: {  	_ = 	snop  }
0x7: {  	_ = 	snop  }
__scs_overlays_trampoline_lowered:
0x8: {  	[smem:$0x3F9F] =	sst s0  }
0x9: {  	[smem:$0x3FA0] =	sst s1  }
0xa: {  	[smem:$0x3FA1] =	sst s2  }
0xb: {  	[smem:$0x3FA2] =	sst s3  }
0xc: {  	[smem:$0x3FA3] =	sst s4  }
0xd: {  	[smem:$0x3FA4] =	sst s5  }
0xe: {  	[smem:$0x3FA5] =	sst s6  }
0xf: {  	[smem:$0x3FA6] =	sst s7  }
0x10: {  	[smem:$0x3FA7] =	sst s8  }
0x11: {  	[smem:$0x3FA8] =	sst s9;
	s0 =	simm.s32 @!p0 $0x0  }
0x12: {  	s1 =	sld [smem:$0x3F8E];
	s0 =	simm.s32 @p0 $0x1  }
0x13: {  	[smem:$0x3FA9] =	sst s0;
	s0 =	simm.s32 @!p1 $0x0  }
0x14: {  	s2 =	sld [smem:$0x3F8D];
	s0 =	simm.s32 @p1 $0x1  }
0x15: {  	[smem:$0x3FAA] =	sst s0;
	s0 =	simm.s32 @!p2 $0x0  }
0x16: {  	s3 =	sld [smem:$0x3FDB];
	s0 =	simm.s32 @p2 $0x1  }
0x17: {  	s4 =	simm.s32 $0x1BF5;
	[smem:$0x3FAC] =	sst s0  }
0x18: {  	s0 =	sld [smem:$0x3F8F];
	_ =	swait.ge [sflag:s4], $0x0  }
0x19: {  	s7 =	sld [smem:$0x3F90]  }
0x1a: {  	s8 =	sadd.s32 $0xFFFFE003, lr  }
0x1b: {  	s9 =	sadd.s32 $0xFFFFFEF7, lr;
	s5 =	simm.s32 $0xFFFFFFFF;
	p2 =	slt.u32 s8, $0xFFFFF086  }
0x1c: {  	p1 =	slt.u32 s9, $0xF7A;
	s5 =	simm.s32 @!p2 $0x0  }
0x1d: {  	s5 =	simm.s32 @p1 $0x1;
	p0 =	seq.s32 s7, s2  }
0x1e: {  	s7 =	smul.u32 @!p0 $0xF7A, s2;
	p2 =	seq.s32 @!p0 s5, $0x0  }
0x1f: {  	s9 =	smul.u32 $0xF7A, s1;
	s8 =	simm.s32 @!p0 $0x1BF5;
	p2 =	por !p2, p0  }
0x20: {  	[sflag:s8] =	ssyncset.s32 @!p0 $0xFFFFF086;
	s6 =	sadd.s32 @!p0 s3, s7;
	s7 =	simm.s32 @!p0 $0x108  }
0x21: {  	s3 =	sadd.s32 s3, s9;
	s6 =	sadd.s32 @!p0 $0x88, s6;
	s7 =	simm.s32 @p2 $0x1082  }
0x22: {  	[simem:s7], [sflag:s8] =	dma.local @!p0 [hbm:s6], $0xF7A  }
0x23: {  	s9 =	sor.u32 $0xD0000000, s2;
	s6 =	simm.s32 $0x108;
	_ =	swait.ge @!p0 [sflag:s8], $0x0  }
0x24: {  	s3 =	sadd.s32 $0x88, s3;
	s6 =	simm.s32 @!p1 $0x1082;
	[sflag:s4] =	ssyncset.s32 $0xFFFFF086  }
0x25: {  	[simem:s6], [sflag:s4] =	dma.local [hbm:s3], $0xF7A  }
0x26: {  	[smem:$0x3F90] =	sst s1;
	(tag) =	ssettag s2;
	_ =	strace s9  }
0x27: {  	s1 =	sld [smem:$0x3FA0]  }
0x28: {  	s2 =	sld [smem:$0x3FA1]  }
0x29: {  	s4 =	sld [smem:$0x3FA3]  }
0x2a: {  	p0 =	seq.s32 s5, $0x0;
	s5 =	sld [smem:$0x3FA4]  }
0x2b: {  	s6 =	sld [smem:$0x3FA5]  }
0x2c: {  	s7 =	sld [smem:$0x3FA6]  }
0x2d: {  	s3 =	simm.s32 $0x108;
	s8 =	sld [smem:$0x3FA7]  }
0x2e: {  	s3 =	simm.s32 @!p0 $0x1082;
	s9 =	sld [smem:$0x3FA8]  }
0x2f: {  	lr =	sadd.s32 s0, s3;
	s0 =	sld [smem:$0x3F9F]  }
0x30: {  	s3 =	sld [smem:$0x3FA2]  }
0x31: {  	[smem:$0x3FAB] =	sst s10  }
0x32: {  	s10 =	sld [smem:$0x3FA9];
	_ =	sdelay $0x3  }
0x33: {  	p0 =	seq.s32 s10, $0x1;
	s10 =	sld [smem:$0x3FAB];
	_ =	sdelay $0x3  }
0x34: {  	[smem:$0x3FAB] =	sst s10  }
0x35: {  	s10 =	sld [smem:$0x3FAA];
	_ =	sdelay $0x3  }
0x36: {  	p1 =	seq.s32 s10, $0x1;
	s10 =	sld [smem:$0x3FAB];
	_ =	sdelay $0x3  }
0x37: {  	[smem:$0x3FAB] =	sst s10  }
0x38: {  	s10 =	sld [smem:$0x3FAC]  }
0x39: {  	_ = 	snop;
	(pc) =	sbr.ind lr, $3  }
0x3a: {  	_ = 	snop  }
0x3b: {  	_ = 	snop  }
0x3c: {  	p2 =	seq.s32 s10, $0x1;
	s10 =	sld [smem:$0x3FAB]  }
0x3d: {  	_ =	shalt  }
0x3e: {  	_ =	shalt  }
0x3f: {  	_ =	shalt  }
0x40: {  	_ =	shalt  }
0x41: {  	_ =	shalt  }
0x42: {  	_ =	shalt  }
0x43: {  	_ =	shalt  }
0x44: {  	_ =	shalt  }
0x45: {  	_ =	shalt  }
0x46: {  	_ =	shalt  }
0x47: {  	_ =	shalt  }
0x48: {  	_ =	shalt  }
0x49: {  	_ =	shalt  }
0x4a: {  	_ =	shalt  }
0x4b: {  	_ =	shalt  }
0x4c: {  	_ =	shalt  }
0x4d: {  	_ =	shalt  }
0x4e: {  	_ =	shalt  }
0x4f: {  	_ =	shalt  }
0x50: {  	_ =	shalt  }
0x51: {  	_ =	shalt  }
0x52: {  	_ =	shalt  }
0x53: {  	_ =	shalt  }
0x54: {  	_ =	shalt  }
0x55: {  	_ =	shalt  }
0x56: {  	_ =	shalt  }
0x57: {  	_ =	shalt  }
0x58: {  	_ =	shalt  }
0x59: {  	_ =	shalt  }
0x5a: {  	_ =	shalt  }
0x5b: {  	_ =	shalt  }
0x5c: {  	_ =	shalt  }
0x5d: {  	_ =	shalt  }
0x5e: {  	_ =	shalt  }
0x5f: {  	_ =	shalt  }
0x60: {  	_ =	shalt  }
0x61: {  	_ =	shalt  }
0x62: {  	_ =	shalt  }
0x63: {  	_ =	shalt  }
0x64: {  	_ =	shalt  }
0x65: {  	_ =	shalt  }
0x66: {  	_ =	shalt  }
0x67: {  	_ =	shalt  }
0x68: {  	_ =	shalt  }
0x69: {  	_ =	shalt  }
0x6a: {  	_ =	shalt  }
0x6b: {  	_ =	shalt  }
0x6c: {  	_ =	shalt  }
0x6d: {  	_ =	shalt  }
0x6e: {  	_ =	shalt  }
0x6f: {  	_ =	shalt  }
0x70: {  	_ =	shalt  }
0x71: {  	_ =	shalt  }
0x72: {  	_ =	shalt  }
0x73: {  	_ =	shalt  }
0x74: {  	_ =	shalt  }
0x75: {  	_ =	shalt  }
0x76: {  	_ =	shalt  }
0x77: {  	_ =	shalt  }
0x78: {  	_ =	shalt  }
0x79: {  	_ =	shalt  }
0x7a: {  	_ =	shalt  }
0x7b: {  	_ =	shalt  }
0x7c: {  	_ =	shalt  }
0x7d: {  	_ =	shalt  }
0x7e: {  	_ =	shalt  }
0x7f: {  	_ =	shalt  }
0x80: {  	_ =	shalt  }
0x81: {  	_ =	shalt  }
0x82: {  	_ =	shalt  }
0x83: {  	_ =	shalt  }
0x84: {  	_ =	shalt  }
0x85: {  	_ =	shalt  }
0x86: {  	_ =	shalt  }
0x87: {  	_ =	shalt  }
.Lfunc_end0:
.L_simem_size_0:
called_computation_lowered:
.L_overlay_start_0:
0x88: {  	s2 =	sld [smem:$0x3FD9]  }
0x89: {  	s3 =	sld [smem:$0x3FFE];
	_ =	sdelay $0x1  }
0x8a: {  	s1 =	srdreg.scid  }
0x8b: {  	s0 =	sand.u32 $0x1, s1  }
0x8c: {  	s17 =	sshll.u32 s0, $0xA;
	s2 =	sadd.s32 s3, s2  }
0x8d: {  	s2 =	sadd.s32 s2, s17  }
0x8e: {  	[smem:$0x3FB7] =	sst s2  }
0x8f: {  	_ = 	snop  }
0x90: {  	s2 =	sld [smem:$0x3FC6]  }
0x91: {  	s18 =	sld [smem:$0x3FC5]  }
0x92: {  	s4 =	sld [smem:$0x3FC4]  }
0x93: {  	s5 =	sld [smem:$0x3FD0];
	(tm) =	ssettm $0x1  }
0x94: {  	s6 =	sld [smem:$0x3FFB];
	_ =	sdelay $0x3  }
0x95: {  	_ =	strace s6  }
0x96: {  	s6 =	sld [smem:$0x3FFC];
	_ =	sdelay $0x3  }
0x97: {  	_ =	strace s6  }
0x98: {  	s6 =	sld [smem:$0x3FFD];
	_ =	sdelay $0x3  }
0x99: {  	_ =	strace s6  }
0x9a: {  	_ =	strace $0x8FFFFFFF  }
0x9b: {  	s19 =	sld [smem:$0x3FDB];
	_ =	sdelay $0x1  }
0x9c: {  	s7 =	simm.s32 $_scs_section_size  }
0x9d: {  	s8 =	simm.s32 $_size__tile_overlayer_lowered;
	s9 =	simm.s32 $_tile_overlayer_lowered  }
0x9e: {  	s22 =	simm.s32 $0x1BFF;
	s21 =	sshll.u32 s9, $0x1;
	s6 =	sadd.s32 s7, s19  }
0x9f: {  	s10 =	simm.s32 $0x0;
	s20 =	sshll.u32 s8, $0x1;
	s8 =	sadd.s32 s21, s6  }
0xa0: {  	[timem:s10], [sflag:s22] =	dma.local [hbm:s8], s20  }
0xa1: {  	_ =	swait.ge [sflag:s22], s20  }
0xa2: {  	s7 =	ssub.s32 $0x0, s20;
	[sflag:s22] =	ssyncset.done $0x0  }
0xa3: {  	[sflag:s22] =	ssyncadd.s32 s7;
	_ =	sdelay $0x1  }
0xa4: {  	s23 =	simm.s32 $0x1B8B  }
0xa5: {  	_ =	swait.ge [sflag:s23], $0x1  }
0xa6: {  	[sflag:s23] =	ssyncset.done $0x0  }
0xa7: {  	s25 =	simm.s32 $0x1B8E;
	s24 =	sld [smem:$0x3FFE];
	[sflag:s23] =	ssyncadd.s32 $0xFFFFFFFF  }
0xa8: {  	s26 =	simm.s32 $execute0_lowered;
	[smem:$0x3FD2] =	sst s25  }
0xa9: {  	s8 =	sshll.u32 s26, $0x1;
	_ =	strace $0x80000046;
	[dreg:$0x1] =	wrdreg $0xFFFFFFFF  }
0xaa: {  	s28 =	simm.s32 $_size_execute0_lowered;
	s6 =	sadd.s32 s6, s8;
	[dreg:$0x0] =	wrdreg $0x0  }
0xab: {  	s8 =	sshll.u32 s28, $0x1;
	[dreg:$0x2] =	wrdreg s6  }
0xac: {  	[dreg:$0x3] =	wrdreg s8  }
0xad: {  	[dreg:$0x4] =	wrdreg $0xC0  }
0xae: {  	_ =	task [dreg:s10], $0x5FFFF  }
0xaf: {  	[dreg:$0x1] =	wrdreg $0xFFFFFFFF  }
0xb0: {  	[dreg:$0x0] =	wrdreg $0x60  }
0xb1: {  	[dreg:$0x2] =	wrdreg s5  }
0xb2: {  	[dreg:$0x3] =	wrdreg s24  }
0xb3: {  	[dreg:$0x4] =	wrdreg s18  }
0xb4: {  	[dreg:$0x5] =	wrdreg s4  }
0xb5: {  	[dreg:$0x6] =	wrdreg s2  }
0xb6: {  	[dreg:$0x7] =	wrdreg $0x95000  }
0xb7: {  	[dreg:$0x8] =	wrdreg $0x9  }
0xb8: {  	_ =	task.clear_ibuf [dreg:s10], $0x9FFFF;
	_ =	strace $0x90000046  }
0xb9: {  	s29 =	simm.s32 $0x9;
	_ =	strace $0x80000048  }
0xba: {  	_ =	swait.ge [sflag:s29], $0x1  }
0xbb: {  	[sflag:s29] =	ssyncadd.s32 $0xFFFFFFFF  }
0xbc: {  	_ =	strace $0x90000048  }
0xbd: {  	_ =	sfence  }
0xbe: {  	s30 =	sld [smem:$0x0];
	_ =	sdelay $0x2  }
0xbf: {  	s31 =	sshll.u32 s1, $0xD;
	s1 =	sshrl.u32 s1, $0x2  }
0xc0: {  	s3 =	sand.u32 $0x4000, s31;
	s1 =	sadd.s32 s1, s30  }
0xc1: {  	s0 =	sor.u32 s3, s0;
	s1 =	sshll.u32 s1, $0x11  }
0xc2: {  	s0 =	sor.u32 s1, s0  }
0xc3: {  	s0 =	sadd.s32 $0x8F2B, s0  }
0xc4: {  	[sflag:s0] =	ssyncadd.remote.s32 $0x1  }
0xc5: {  	_ =	sfence.sel $0xFFFF  }
0xc6: {  	[dreg:$0x0] =	wrdreg $0xFFFFFFFF;
	(pc) =	sbr.abs _section_cstart, $3  }
0xc7: {  	[dreg:$0x1] =	wrdreg $0xFFFFFFFF  }
0xc8: {  	_ =	task.clear_ibuf [dreg:s10], $0x2FFFF;
	_ =	strace $0x9FFFFFFF  }
0xc9: {  	(tm) =	ssettm $0x7FFFFFFF  }
tec
execute0_lowered:
.L_overlay_start_1:
0x0: {  	(tag) =	ssettag $0x1  }
0x1: {  	s29 =	rddreg [dreg:$0x0]  }
0x2: {  	s0 =	rddreg [dreg:$0x1]  }
0x3: {  	s6 =	rddreg [dreg:$0x2]  }
0x4: {  	s7 =	rddreg [dreg:$0x3]  }
0x5: {  	s8 =	rddreg [dreg:$0x4]  }
0x6: {  	s1 =	srdreg.scid;
	s9 =	rddreg [dreg:$0x5]  }
0x7: {  	s5 =	stileid.u32;
	s10 =	simm.s32 $0x0;
	s12 =	simm.s32 $0x28  }
0x8: {  	s28 =	simm.s32 $0x5;
	s30 =	simm.s32 $0x480;
	s1 =	sand.u32 $0x1, s1  }
0x9: {  	s3 =	smul.u32 $0x13800, s5;
	[smem:$0x7FF] =	sst s10;
	s4 =	sadd.s32 $0x9C6800, s0  }
0xa: {  	s11 =	sadd.s32 $0x9EDA00, s0;
	s16 =	smul.u32 $0x4E000, s5;
	p0 =	seq.s32 s5, $0xF  }
0xb: {  	s31 =	simm.s32 $0x3;
	s2 =	smul.u32 $0x138800, s1;
	_ =	strace $0x80000047  }
0xc: {  	[dreg:$0x8] =	wrdreg s4;
	s14 =	ssub.s32 $0x2, s1;
	s1 =	sshll.u32 s1, $0x4  }
0xd: {  	s12 =	simm.s32 @!p0 $0x27;
	[dreg:$0x9] =	wrdreg s11;
	s1 =	sor.u32 s5, s1  }
0xe: {  	s2 =	sadd.s32 s3, s2;
	s17 =	smul.u32 $0x2710, s1;
	s3 =	sshrl.u32 s16, $0x2  }
0xf: {  	[dreg:$0xa] =	wrdreg s12;
	s19 =	smul.u32 $0x27100, s1;
	s9 =	sadd.s32 s3, s9  }
0x10: {  	s15 =	sshrl.u32 s14, $0x1;
	s20 =	sadd.s32 $0x28, s17;
	[dreg:$0xb] =	wrdreg s9  }
0x11: {  	s1 =	smul.u32 $0x138800, s1;
	s5 =	sadd.s32 s11, s19;
	[dreg:$0xd] =	wrdreg s20  }
0x12: {  	s2 =	sshrl.u32 s2, $0x3;
	s24 =	sadd.s32 $0x50, s17;
	[dreg:$0x10] =	wrdreg s5  }
0x13: {  	s18 =	sshrl.u32 s17, $0x3;
	s25 =	sadd.s32 $0x78, s17;
	[dreg:$0x14] =	wrdreg s24  }
0x14: {  	s0 =	sadd.s32 s2, s0;
	s13 =	sadd.s32 s6, s18;
	[dreg:$0x15] =	wrdreg s25  }
0x15: {  	s2 =	ssub.s32 s14, s15;
	s14 =	sadd.s32 s7, s18;
	[dreg:$0xc] =	wrdreg s13  }
0x16: {  	s1 =	sshrl.u32 s1, $0x3;
	s3 =	sadd.s32 s8, s18;
	[dreg:$0xe] =	wrdreg s14  }
0x17: {  	s21 =	sshrl.u32 s20, $0x3;
	s26 =	smax.u32 s2, $0x1;
	[dreg:$0xf] =	wrdreg s3  }
0x18: {  	s1 =	sadd.s32 s11, s1;
	s0 =	sadd.s32 $0x2800, s0;
	[dreg:$0x17] =	wrdreg s26  }
0x19: {  	s11 =	simm.s32 $0x80;
	s22 =	sadd.s32 s6, s21;
	[dreg:$0x18] =	wrdreg s0  }
0x1a: {  	s18 =	simm.s32 $0x4;
	s23 =	sadd.s32 s7, s21;
	[dreg:$0x11] =	wrdreg s22  }
0x1b: {  	s24 =	simm.s32 $0x1;
	s3 =	sadd.s32 s8, s21;
	[dreg:$0x12] =	wrdreg s23  }
0x1c: {  	s25 =	simm.s32 $0x400;
	s1 =	sadd.s32 $0x26E80, s1;
	[dreg:$0x13] =	wrdreg s3  }
0x1d: {  	v0 =	vimm.f32 $0.0e+00;
	v1 =	vimm.s32 $0x0;
	s26 =	simm.s32 $0x7D00;
	s7 =	simm.s32 $0x2;
	[dreg:$0x16] =	wrdreg s1  }
.LBB2_1:
0x1e: {  	s0 =	simm.s32 $0x0;
	s1 =	simm.s32 $0x200  }
.LBB2_2:
0x1f: {  	p0 =	sne.s32 s1, $0x1E00;
	[tilespmem:s0+$0x7D70] =	vst v0  }
0x20: {  	[tilespmem:s0+$0x7D00] =	vst v0  }
0x21: {  	[tilespmem:s0+$0x7D10] =	vst v0  }
.Ltmp0:
0x22: {  	[tilespmem:s0+$0x7D20] =	vst v0;
	(pc) =	sbr.rel @p0 .LBB2_2-.Ltmp0, $4  }
0x23: {  	[tilespmem:s0+$0x7D30] =	vst v0  }
0x24: {  	[tilespmem:s0+$0x7D40] =	vst v0  }
0x25: {  	[tilespmem:s0+$0x7D50] =	vst v0  }
0x26: {  	[tilespmem:s0+$0x7D60] =	vst v0;
	s0 =	sshra.s32 s1, $0x2;
	s1 =	sadd.s32 $0x200, s1  }
0x27: {  	[tilespmem:s0+$0x7D70] =	vst v0  }
0x28: {  	[tilespmem:s0+$0x7D00] =	vst v0  }
0x29: {  	[tilespmem:s0+$0x7D10] =	vst v0  }
0x2a: {  	[tilespmem:s0+$0x7D20] =	vst v0  }
0x2b: {  	[tilespmem:s0+$0x7D30] =	vst v0  }
0x2c: {  	[tilespmem:s0+$0x7D40] =	vst v0;
	p0 =	sne.s32 s12, $0x1  }
.Ltmp1:
0x2d: {  	[tilespmem:s0+$0x7D50] =	vst v0;
	(pc) =	sbr.rel @!p0 .LBB2_5-.Ltmp1, $4  }
0x2e: {  	[dreg:$0x7] =	wrdreg s10;
	[tilespmem:s0+$0x7D60] =	vst v0  }
0x2f: {  	[spmem:s9] =	stream.linear.scatter [tilespmem:s26], [sflag:$0x5], $0x800, $0x38;
	[tilespmem:$0x1CD80] =	vst v63  }
0x30: {  	_ =	swait.ge [sflag:s28], $0x800  }
0x31: {  	s0 =	sadd.s32 $0xFFFFFFFF, s12;
	s1 =	smov.u32 s9;
	[sflag:s28] =	ssyncset.done $0x0  }
.LBB2_4:
0x32: {  	p1 =	sne.s32 s0, $0x1;
	[sflag:s28] =	ssyncadd.s32 $0xFFFFF800;
	s1 =	sadd.s32 $0x800, s1  }
.Ltmp2:
0x33: {  	s0 =	sadd.s32 $0xFFFFFFFF, s0;
	(pc) =	sbr.rel @p1 .LBB2_4-.Ltmp2, $4  }
0x34: {  	_ = 	snop  }
0x35: {  	[spmem:s1] =	stream.linear.scatter [tilespmem:s26], [sflag:$0x5], $0x800, $0x38;
	[tilespmem:$0x1CD80] =	vst v63  }
0x36: {  	_ =	swait.ge [sflag:s28], $0x800  }
0x37: {  	[sflag:s28] =	ssyncset.done $0x0  }
.LBB2_5:
0x38: {  	[sflag:s28] =	ssyncadd.s32 $0xFFFFF800  }
0x39: {  	[tilespmem:$0x9100] =	vst v0  }
0x3a: {  	[tilespmem:$0x9110] =	vst v0  }
0x3b: {  	[tilespmem:$0x9120] =	vst v0  }
0x3c: {  	[tilespmem:$0x9130] =	vst v0  }
0x3d: {  	[tilespmem:$0x9140] =	vst v0  }
0x3e: {  	[tilespmem:$0x9150] =	vst v0  }
0x3f: {  	[tilespmem:$0x9160] =	vst v0  }
0x40: {  	[tilespmem:$0x9170] =	vst v0  }
0x41: {  	[tilespmem:$0x9180] =	vst v0  }
0x42: {  	[tilespmem:$0x9190] =	vst v0  }
0x43: {  	[tilespmem:$0x91A0] =	vst v0  }
0x44: {  	[tilespmem:$0x91B0] =	vst v0  }
0x45: {  	[tilespmem:$0x91C0] =	vst v0  }
0x46: {  	[tilespmem:$0x91D0] =	vst v0  }
0x47: {  	[tilespmem:$0x91E0] =	vst v0  }
0x48: {  	[tilespmem:$0x91F0] =	vst v0  }
0x49: {  	[tilespmem:$0x9200] =	vst v0  }
0x4a: {  	[tilespmem:$0x9210] =	vst v0  }
0x4b: {  	[tilespmem:$0x9220] =	vst v0  }
0x4c: {  	[tilespmem:$0x9230] =	vst v0  }
0x4d: {  	[tilespmem:$0x9240] =	vst v0  }
0x4e: {  	[tilespmem:$0x9250] =	vst v0  }
0x4f: {  	[tilespmem:$0x9260] =	vst v0  }
0x50: {  	[tilespmem:$0x9270] =	vst v0  }
0x51: {  	[tilespmem:$0x9280] =	vst v0  }
0x52: {  	[tilespmem:$0x9290] =	vst v0  }
0x53: {  	[tilespmem:$0x92A0] =	vst v0  }
0x54: {  	[tilespmem:$0x92B0] =	vst v0  }
0x55: {  	[tilespmem:$0x92C0] =	vst v0  }
0x56: {  	[tilespmem:$0x92D0] =	vst v0  }
0x57: {  	[tilespmem:$0x92E0] =	vst v0  }
0x58: {  	[tilespmem:$0x92F0] =	vst v0  }
0x59: {  	[tilespmem:$0x9300] =	vst v0  }
0x5a: {  	[tilespmem:$0x9310] =	vst v0  }
0x5b: {  	[tilespmem:$0x9320] =	vst v0  }
0x5c: {  	[tilespmem:$0x9330] =	vst v0  }
0x5d: {  	[tilespmem:$0x9340] =	vst v0  }
0x5e: {  	[tilespmem:$0x9350] =	vst v0  }
0x5f: {  	[tilespmem:$0x9360] =	vst v0  }
0x60: {  	[tilespmem:$0x9370] =	vst v0  }
0x61: {  	[tilespmem:$0x9380] =	vst v0  }
0x62: {  	[tilespmem:$0x9390] =	vst v0  }
0x63: {  	[tilespmem:$0x93A0] =	vst v0  }
0x64: {  	[tilespmem:$0x93B0] =	vst v0  }
0x65: {  	[tilespmem:$0x93C0] =	vst v0  }
0x66: {  	[tilespmem:$0x93D0] =	vst v0  }
0x67: {  	[tilespmem:$0x93E0] =	vst v0  }
0x68: {  	[tilespmem:$0x93F0] =	vst v0  }
0x69: {  	[tilespmem:$0x9400] =	vst v0  }
0x6a: {  	[tilespmem:$0x9410] =	vst v0  }
0x6b: {  	[tilespmem:$0x9420] =	vst v0  }
0x6c: {  	[tilespmem:$0x9430] =	vst v0  }
0x6d: {  	[tilespmem:$0x9440] =	vst v0  }
0x6e: {  	[tilespmem:$0x9450] =	vst v0  }
0x6f: {  	[tilespmem:$0x9460] =	vst v0  }
0x70: {  	[tilespmem:$0x9470] =	vst v0  }
0x71: {  	[tilespmem:$0x9480] =	vst v0  }
0x72: {  	[tilespmem:$0x9490] =	vst v0  }
0x73: {  	[tilespmem:$0x94A0] =	vst v0  }
0x74: {  	[tilespmem:$0x94B0] =	vst v0  }
0x75: {  	[tilespmem:$0x94C0] =	vst v0  }
0x76: {  	[tilespmem:$0x94D0] =	vst v0  }
0x77: {  	[tilespmem:$0x94E0] =	vst v0  }
0x78: {  	[tilespmem:$0x94F0] =	vst v0  }
0x79: {  	[tilespmem:$0x100] =	vst v1  }
0x7a: {  	[tilespmem:$0x110] =	vst v1  }
0x7b: {  	[tilespmem:$0x120] =	vst v1  }
0x7c: {  	[tilespmem:$0x180] =	vst v1  }
0x7d: {  	[tilespmem:$0x190] =	vst v1  }
0x7e: {  	[tilespmem:$0x1A0] =	vst v1  }
0x7f: {  	[bflag:$0x0] =	sbarrier.arrive $0xFFFF  }
0x80: {  	s4 =	simm.s32 $0x0;
	s0 =	rddreg [dreg:$0xc]  }
0x81: {  	[tilespmem:s4], [sflag:$0x3] =	stream.linear.gather [hbm4b:s0+s4], $0x28, $0x38;
	[tilespmem:$0x1CD80] =	vst v63  }
0x82: {  	s2 =	simm.s32 $0x100;
	s10 =	rddreg [dreg:$0xe]  }
0x83: {  	[tilespmem:s2], [sflag:$0x3] =	stream.linear.gather [hbm4b:s10+s4], $0x28, $0x38;
	[tilespmem:$0x1CD80] =	vst v63  }
0x84: {  	s1 =	simm.s32 $0x300;
	s12 =	rddreg [dreg:$0xf]  }
0x85: {  	[tilespmem:s1], [sflag:$0x3] =	stream.linear.gather [hbm4b:s12+s4], $0x28, $0x38;
	[tilespmem:$0x1CD80] =	vst v63  }
0x86: {  	_ =	swait.ge [sflag:s31], $0x28  }
0x87: {  	[sflag:s31] =	ssyncset.done $0x0  }
0x88: {  	[sflag:s31] =	ssyncadd.s32 $0xFFFFFFD8  }
0x89: {  	_ =	swait.ge [sflag:s31], $0x28  }
0x8a: {  	[sflag:s31] =	ssyncset.done $0x0  }
0x8b: {  	[sflag:s31] =	ssyncadd.s32 $0xFFFFFFD8  }
0x8c: {  	_ =	swait.ge [sflag:s31], $0x28  }
0x8d: {  	s14 =	simm.s32 $0x28;
	[sflag:s31] =	ssyncset.done $0x0  }
0x8e: {  	s3 =	simm.s32 $0x500;
	s13 =	rddreg [dreg:$0x8];
	[sflag:s31] =	ssyncadd.s32 $0xFFFFFFD8  }
0x8f: {  	[tilespmem:s3], [sflag:$0x1] =	stream.indirect.gather [hbm4b:s13+s14], $0x80, s4, s14, $0xb8;
	[tilespmem:$0x1CD80] =	vst v63  }
0x90: {  	s15 =	simm.s32 $0x2D00  }
0x91: {  	[tilespmem:s15], [sflag:$0x1] =	stream.indirect.gather [hbm4b:s29+s14], $0x80, s2, s14, $0xb8;
	[tilespmem:$0x1CD80] =	vst v63  }
0x92: {  	s17 =	simm.s32 $0x5500;
	s16 =	rddreg [dreg:$0x10]  }
0x93: {  	[tilespmem:s17], [sflag:$0x1] =	stream.linear.gather [hbm4b:s16+s4], $0x1400, $0x38;
	[tilespmem:$0x1CD80] =	vst v63  }
0x94: {  	s19 =	rddreg [dreg:$0x11]  }
0x95: {  	[tilespmem:s11], [sflag:$0x4] =	stream.linear.gather [hbm4b:s19+s4], $0x28, $0x38;
	[tilespmem:$0x1CD80] =	vst v63  }
0x96: {  	s21 =	simm.s32 $0x180;
	s20 =	rddreg [dreg:$0x12]  }
0x97: {  	[tilespmem:s21], [sflag:$0x4] =	stream.linear.gather [hbm4b:s20+s4], $0x28, $0x38;
	[tilespmem:$0x1CD80] =	vst v63  }
0x98: {  	s23 =	simm.s32 $0x380;
	s22 =	rddreg [dreg:$0x13];
	s13 =	simm.s32 $0x0  }
0x99: {  	[tilespmem:s23], [sflag:$0x4] =	stream.linear.gather [hbm4b:s22+s4], $0x28, $0x38;
	[tilespmem:$0x1CD80] =	vst v63  }
.LBB2_6:
0x9a: {  	_ =	swait.ge [sflag:s18], $0x28  }
0x9b: {  	[sflag:s18] =	ssyncset.done $0x0  }
0x9c: {  	[sflag:s18] =	ssyncadd.s32 $0xFFFFFFD8  }
0x9d: {  	_ =	swait.ge [sflag:s18], $0x28  }
0x9e: {  	[sflag:s18] =	ssyncset.done $0x0  }
0x9f: {  	[sflag:s18] =	ssyncadd.s32 $0xFFFFFFD8  }
0xa0: {  	s1 =	simm.s32 $0x28;
	_ =	swait.ge [sflag:s18], $0x28  }
0xa1: {  	s2 =	simm.s32 $0x1900;
	[sflag:s18] =	ssyncset.done $0x0;
	s0 =	rddreg [dreg:$0x8]  }
0xa2: {  	s17 =	smul.u32 $0x50, s13;
	s15 =	rddreg [dreg:$0xd];
	[sflag:s18] =	ssyncadd.s32 $0xFFFFFFD8  }
0xa3: {  	[tilespmem:s2], [sflag:$0x2] =	stream.indirect.gather [hbm4b:s0+s1], $0x80, s11, s1, $0xb8;
	[tilespmem:$0x1CD80] =	vst v63  }
0xa4: {  	s12 =	simm.s32 $0x180;
	s0 =	sadd.s32 s17, s15  }
0xa5: {  	s14 =	simm.s32 $0x4100;
	s16 =	rddreg [dreg:$0x9];
	s0 =	sshll.u32 s0, $0x4  }
0xa6: {  	[tilespmem:s14], [sflag:$0x2] =	stream.indirect.gather [hbm4b:s29+s1], $0x80, s12, s1, $0xb8;
	[tilespmem:$0x1CD80] =	vst v63  }
0xa7: {  	s19 =	simm.s32 $0x6900;
	s0 =	sadd.s32 s16, s0  }
0xa8: {  	[tilespmem:s19], [sflag:$0x2] =	stream.linear.gather [hbm4b:s0+s4], $0x1400, $0x38;
	[tilespmem:$0x1CD80] =	vst v63  }
0xa9: {  	_ =	swait.ge [sflag:s24], $0x1400  }
0xaa: {  	[sflag:s24] =	ssyncset.done $0x0  }
0xab: {  	[sflag:s24] =	ssyncadd.s32 $0xFFFFEC00  }
0xac: {  	_ =	swait.ge [sflag:s24], $0x1400  }
0xad: {  	[sflag:s24] =	ssyncset.done $0x0  }
0xae: {  	[sflag:s24] =	ssyncadd.s32 $0xFFFFEC00  }
0xaf: {  	_ =	swait.ge [sflag:s24], $0x1400  }
0xb0: {  	[sflag:s24] =	ssyncset.done $0x0  }
0xb1: {  	[sflag:s24] =	ssyncadd.s32 $0xFFFFEC00  }
0xb2: {  	v2 =	vld [tilespmem:$0x100]  }
0xb3: {  	v3 =	vld [tilespmem:$0x300]  }
0xb4: {  	v4 =	vld [tilespmem:$0x110]  }
0xb5: {  	v5 =	vld [tilespmem:$0x310]  }
0xb6: {  	v6 =	vld [tilespmem:$0x120]  }
0xb7: {  	[tilespmem:$0x200] =	vst v2;
	v2 =	vld [tilespmem:$0x320]  }
0xb8: {  	[tilespmem:$0x400] =	vst v3  }
0xb9: {  	s20 =	rddreg [dreg:$0x14];
	[tilespmem:$0x210] =	vst v4  }
0xba: {  	s19 =	sadd.s32 s17, s20;
	[tilespmem:$0x410] =	vst v5  }
0xbb: {  	s0 =	sshrl.u32 s19, $0x3;
	s21 =	rddreg [dreg:$0x2];
	[tilespmem:$0x220] =	vst v6  }
0xbc: {  	s22 =	rddreg [dreg:$0x3];
	s1 =	sadd.s32 s21, s0;
	[tilespmem:$0x420] =	vst v2  }
0xbd: {  	[tilespmem:s4], [sflag:$0x3] =	stream.linear.gather [hbm4b:s1+s4], $0x28, $0x38;
	[tilespmem:$0x1CD80] =	vst v63  }
0xbe: {  	s23 =	simm.s32 $0x100;
	s2 =	rddreg [dreg:$0x4];
	s1 =	sadd.s32 s22, s0  }
0xbf: {  	[tilespmem:s23], [sflag:$0x3] =	stream.linear.gather [hbm4b:s1+s4], $0x28, $0x38;
	[tilespmem:$0x1CD80] =	vst v63  }
0xc0: {  	s3 =	simm.s32 $0x300;
	s16 =	simm.s32 $0x2D80;
	s0 =	sadd.s32 s2, s0  }
0xc1: {  	[tilespmem:s3], [sflag:$0x3] =	stream.linear.gather [hbm4b:s0+s4], $0x28, $0x38;
	[tilespmem:$0x1CD80] =	vst v63  }
0xc2: {  	s15 =	simm.s32 $0x5580;
	v2 =	vld [tilespmem:s16+$0x0]  }
0xc3: {  	s10 =	simm.s32 $0x580;
	v3 =	vld [tilespmem:s15+$0x0]  }
0xc4: {  	v4 =	vld [tilespmem:s10+$0x0]  }
0xc5: {  	v5 =	vld [tilespmem:s16+$0x10]  }
0xc6: {  	v6 =	vld [tilespmem:s15+$0x10];
	_ =	sdelay $0x3  }
0xc7: {  	v2 =	vmul.f32 v3, v2  }
0xc8: {  	v3 =	vunpack.i.u.bf16.f32 v4;
	v5 =	vmul.f32 v6, v5  }
0xc9: {  	v2 =	vmul.f32 v2, v3;
	v3 =	vunpack.i.l.bf16.f32 v4  }
0xca: {  	v3 =	vmul.f32 v5, v3  }
0xcb: {  	(xrf2) =	vadd.scan.msk.f32 $0xffff, v2  }
0xcc: {  	(xrf2) =	vadd.scan.msk.f32 $0xffff, v3  }
0xcd: {  	s5 =	simm.s32 $0x1  }
0xce: {  	v2 =	vmov s5;
	_ =	sdelay $0x4  }
0xcf: {  	v9 =	vld.idx.msk [tilespmem:v2+s25+$0x0], $0xffff  }
0xd0: {  	v2 =	vld [tilespmem:s10+$0x40]  }
0xd1: {  	v3, _, _ =	vpop (xrf2)  }
0xd2: {  	v3 =	vbroadcast v3, $0xF;
	v4, _, _ =	vpop (xrf2)  }
0xd3: {  	v4 =	vbroadcast v4, $0xF  }
0xd4: {  	v3 =	vmul.f32 v3, v9  }
0xd5: {  	v7 =	vld [tilespmem:s15+$0xFFFFFF80];
	v6 =	vunpack.i.u.bf16.f32 v2;
	v4 =	vmul.f32 v4, v9  }
0xd6: {  	v5 =	vld [tilespmem:s16+$0xFFFFFF80];
	v2 =	vunpack.i.l.bf16.f32 v2;
	v3 =	vmul.f32 v3, v6  }
0xd7: {  	s21 =	simm.s32 $0x7D80;
	v6 =	vld [tilespmem:s16+$0xFFFFFF90];
	v2 =	vmul.f32 v4, v2  }
0xd8: {  	v4 =	vld [tilespmem:s15+$0xFFFFFF90];
	[tilespmem:s21+$0x0] =	vst v3  }
0xd9: {  	v3 =	vld [tilespmem:s10+$0xFFFFFF80];
	[tilespmem:s21+$0x10] =	vst v2  }
0xda: {  	v2 =	vld [tilespmem:s16+$0x20]  }
0xdb: {  	v8 =	vld [tilespmem:s15+$0x20]  }
0xdc: {  	v10 =	vld [tilespmem:s10+$0x10]  }
0xdd: {  	v11 =	vld [tilespmem:s16+$0x30]  }
0xde: {  	v12 =	vld [tilespmem:s15+$0x30];
	_ =	sdelay $0x1  }
0xdf: {  	v5 =	vmul.f32 v7, v5  }
0xe0: {  	v4 =	vmul.f32 v4, v6;
	v6 =	vunpack.i.u.bf16.f32 v3  }
0xe1: {  	v3 =	vunpack.i.l.bf16.f32 v3;
	v5 =	vmul.f32 v5, v6;
	v2 =	vmul.f32 v8, v2  }
0xe2: {  	v3 =	vmul.f32 v4, v3;
	v4 =	vunpack.i.u.bf16.f32 v10;
	v6 =	vmul.f32 v12, v11  }
0xe3: {  	(xrf2) =	vadd.scan.msk.f32 $0xffff, v5;
	v2 =	vmul.f32 v2, v4;
	v4 =	vunpack.i.l.bf16.f32 v10  }
0xe4: {  	(xrf2) =	vadd.scan.msk.f32 $0xffff, v3;
	v3 =	vmul.f32 v6, v4  }
0xe5: {  	(xrf2) =	vadd.scan.msk.f32 $0xffff, v2  }
0xe6: {  	(xrf2) =	vadd.scan.msk.f32 $0xffff, v3;
	_ =	sdelay $0x1  }
0xe7: {  	s20 =	simm.s32 $0x680  }
0xe8: {  	s2 =	simm.s32 $0x2E80;
	v8 =	vld [tilespmem:s20+$0x0]  }
0xe9: {  	s1 =	simm.s32 $0x5680;
	v11 =	vld [tilespmem:s2+$0x10]  }
0xea: {  	v12 =	vld [tilespmem:s1+$0x10];
	v3 =	vmov s4  }
0xeb: {  	v5 =	vld [tilespmem:s1+$0x0];
	v3 =	vand.u32 $0xFFFFFFFE, v3  }
0xec: {  	v2 =	vld [tilespmem:s2+$0x0];
	v3 =	vbroadcast v3, $0x0;
	v6, _, _ =	vpop (xrf2)  }
0xed: {  	v4 =	vld [tilespmem:s10+$0x50];
	v10, _, _ =	vpop (xrf2)  }
0xee: {  	v7, _, _ =	vpop (xrf2)  }
0xef: {  	v7 =	vbroadcast v7, $0xF;
	v13, _, _ =	vpop (xrf2)  }
0xf0: {  	v11 =	vmul.f32 v12, v11;
	v13 =	vbroadcast v13, $0xF  }
0xf1: {  	v15 =	vunpack.i.u.bf16.f32 v8;
	v2 =	vmul.f32 v5, v2;
	v14 =	vmul.f32 v7, v9  }
0xf2: {  	v8 =	vunpack.i.l.bf16.f32 v8;
	v7 =	vld.idx.msk [tilespmem:v3+s25+$0x0], $0xffff;
	v3 =	vunpack.i.u.bf16.f32 v4;
	v13 =	vmul.f32 v13, v9  }
0xf3: {  	v5 =	vld [tilespmem:s10+$0xFFFFFFC0];
	v2 =	vmul.f32 v2, v15;
	v4 =	vunpack.i.l.bf16.f32 v4;
	v3 =	vmul.f32 v14, v3  }
0xf4: {  	v8 =	vmul.f32 v11, v8;
	v4 =	vmul.f32 v13, v4  }
0xf5: {  	v6 =	vbroadcast v6, $0xF;
	v10 =	vbroadcast v10, $0xF;
	(xrf2) =	vadd.scan.msk.f32 $0xffff, v2;
	[tilespmem:s21+$0x20] =	vst v3  }
0xf6: {  	(xrf2) =	vadd.scan.msk.f32 $0xffff, v8;
	[tilespmem:s21+$0x30] =	vst v4  }
0xf7: {  	s6 =	simm.s32 $0x3;
	v2 =	vmul.f32 v6, v7;
	v4 =	vmul.f32 v10, v7;
	v6 =	vld [tilespmem:s10+$0x20]  }
0xf8: {  	v8 =	vmov s6;
	v3 =	vunpack.i.u.bf16.f32 v5;
	v5 =	vunpack.i.l.bf16.f32 v5;
	v10 =	vld [tilespmem:s16+$0x50]  }
0xf9: {  	v2 =	vmul.f32 v2, v3;
	v3 =	vld [tilespmem:s16+$0x40];
	v4 =	vmul.f32 v4, v5  }
0xfa: {  	v5 =	vld [tilespmem:s15+$0x40]  }
0xfb: {  	[tilespmem:s21+$0xFFFFFF90] =	vst v4;
	v4 =	vld [tilespmem:s15+$0x50]  }
0xfc: {  	v16 =	vld [tilespmem:s2+$0xFFFFFF90]  }
0xfd: {  	[tilespmem:s21+$0xFFFFFF80] =	vst v2;
	v2 =	vld.idx.msk [tilespmem:v8+s25+$0x0], $0xffff  }
0xfe: {  	v8 =	vld [tilespmem:s20+$0x40]  }
0xff: {  	v11 =	vld [tilespmem:s16+$0xFFFFFFA0];
	v3 =	vmul.f32 v5, v3;
	v5, _, _ =	vpop (xrf2)  }
0x100: {  	v12 =	vld [tilespmem:s15+$0xFFFFFFA0];
	v14 =	vunpack.i.u.bf16.f32 v6;
	v5 =	vbroadcast v5, $0xF;
	v4 =	vmul.f32 v4, v10;
	v10, _, _ =	vpop (xrf2)  }
0x101: {  	v13 =	vld [tilespmem:s16+$0xFFFFFFB0];
	v6 =	vunpack.i.l.bf16.f32 v6;
	v3 =	vmul.f32 v3, v14;
	v10 =	vbroadcast v10, $0xF  }
0x102: {  	v15 =	vld [tilespmem:s15+$0xFFFFFFB0];
	v5 =	vmul.f32 v5, v2;
	v4 =	vmul.f32 v4, v6  }
0x103: {  	v14 =	vld [tilespmem:s2+$0xFFFFFF80];
	(xrf2) =	vadd.scan.msk.f32 $0xffff, v3;
	v3 =	vunpack.i.u.bf16.f32 v8;
	v10 =	vmul.f32 v10, v2  }
0x104: {  	v6 =	vld [tilespmem:s1+$0xFFFFFF80];
	v3 =	vmul.f32 v5, v3;
	(xrf2) =	vadd.scan.msk.f32 $0xffff, v4;
	v4 =	vunpack.i.l.bf16.f32 v8  }
0x105: {  	s23 =	simm.s32 $0x7E80;
	v5 =	vld [tilespmem:s1+$0xFFFFFF90];
	v4 =	vmul.f32 v10, v4  }
0x106: {  	v8 =	vld [tilespmem:s20+$0xFFFFFF80];
	[tilespmem:s23+$0x0] =	vst v3  }
0x107: {  	v3 =	vld [tilespmem:s10+$0xFFFFFF90];
	[tilespmem:s23+$0x10] =	vst v4  }
0x108: {  	v4 =	vld [tilespmem:s2+$0x20]  }
0x109: {  	v18 =	vld [tilespmem:s1+$0x20]  }
0x10a: {  	v6 =	vmul.f32 v6, v14;
	v14 =	vld [tilespmem:s20+$0x10]  }
0x10b: {  	v5 =	vmul.f32 v5, v16;
	v16 =	vld [tilespmem:s2+$0x30]  }
0x10c: {  	s8 =	simm.s32 $0x2;
	v11 =	vmul.f32 v12, v11;
	v13 =	vmul.f32 v15, v13;
	v15 =	vld [tilespmem:s1+$0x30];
	v12 =	vunpack.i.u.bf16.f32 v8  }
0x10d: {  	v10 =	vmov s8;
	v8 =	vunpack.i.l.bf16.f32 v8;
	v6 =	vmul.f32 v6, v12  }
0x10e: {  	v10 =	vand.u32 $0xFFFFFFFE, v10;
	v5 =	vmul.f32 v5, v8;
	v8 =	vunpack.i.u.bf16.f32 v3  }
0x10f: {  	v17 =	vld [tilespmem:s10+$0x60];
	v10 =	vbroadcast v10, $0x0;
	v3 =	vunpack.i.l.bf16.f32 v3;
	v8 =	vmul.f32 v11, v8;
	(xrf2) =	vadd.scan.msk.f32 $0xffff, v6  }
0x110: {  	v3 =	vmul.f32 v13, v3;
	v12, _, _ =	vpop (xrf2);
	v4 =	vmul.f32 v18, v4  }
0x111: {  	v12 =	vbroadcast v12, $0xF;
	(xrf2) =	vadd.scan.msk.f32 $0xffff, v5;
	v13 =	vunpack.i.u.bf16.f32 v14;
	v15 =	vmul.f32 v15, v16;
	v19, _, _ =	vpop (xrf2)  }
0x112: {  	(xrf2) =	vadd.scan.msk.f32 $0xffff, v8;
	v8 =	vunpack.i.l.bf16.f32 v14;
	v11 =	vbroadcast v19, $0xF;
	v4 =	vmul.f32 v4, v13  }
0x113: {  	s14 =	simm.s32 $0x5780;
	v6 =	vmul.f32 v12, v9;
	(xrf2) =	vadd.scan.msk.f32 $0xffff, v3;
	v8 =	vmul.f32 v15, v8  }
0x114: {  	v20 =	vld [tilespmem:s14+$0x10];
	v12 =	vunpack.i.u.bf16.f32 v17;
	v11 =	vmul.f32 v11, v9;
	(xrf2) =	vadd.scan.msk.f32 $0xffff, v4  }
0x115: {  	v5 =	vunpack.i.l.bf16.f32 v17;
	v14 =	vld [tilespmem:s14+$0x0];
	v6 =	vmul.f32 v6, v12;
	(xrf2) =	vadd.scan.msk.f32 $0xffff, v8  }
0x116: {  	v4 =	vld [tilespmem:s20+$0xFFFFFFC0];
	v5 =	vmul.f32 v11, v5  }
0x117: {  	s5 =	simm.s32 $0x2F80;
	v3 =	vld.idx.msk [tilespmem:v10+s25+$0x0], $0xffff;
	[tilespmem:s21+$0x40] =	vst v6  }
0x118: {  	v11 =	vld [tilespmem:s5+$0x0];
	[tilespmem:s21+$0x50] =	vst v5  }
0x119: {  	v5 =	vld [tilespmem:s16+$0x70];
	v10, _, _ =	vpop (xrf2)  }
0x11a: {  	v6 =	vld [tilespmem:s15+$0x70];
	v10 =	vbroadcast v10, $0xF  }
0x11b: {  	s12 =	simm.s32 $0x780;
	v8 =	vld [tilespmem:s10+$0x30];
	v17 =	vunpack.i.u.bf16.f32 v4;
	v13, _, _ =	vpop (xrf2)  }
0x11c: {  	v16 =	vld [tilespmem:s12+$0x0];
	v13 =	vbroadcast v13, $0xF;
	v15, _, _ =	vpop (xrf2);
	v10 =	vmul.f32 v10, v3  }
0x11d: {  	v12 =	vld [tilespmem:s20+$0x50];
	v11 =	vmul.f32 v14, v11;
	v18, _, _ =	vpop (xrf2)  }
0x11e: {  	v19 =	vld [tilespmem:s5+$0x10];
	v13 =	vmul.f32 v13, v3;
	v10 =	vmul.f32 v10, v17;
	v17, _, _ =	vpop (xrf2)  }
0x11f: {  	v4 =	vunpack.i.l.bf16.f32 v4;
	v5 =	vmul.f32 v6, v5;
	v6 =	vbroadcast v17, $0xF;
	v17, _, _ =	vpop (xrf2)  }
0x120: {  	v4 =	vmul.f32 v13, v4;
	v13 =	vunpack.i.l.bf16.f32 v8;
	v17 =	vbroadcast v17, $0xF  }
0x121: {  	v5 =	vmul.f32 v5, v13;
	v6 =	vmul.f32 v6, v2  }
0x122: {  	v13 =	vunpack.i.u.bf16.f32 v12;
	v12 =	vunpack.i.l.bf16.f32 v12;
	v17 =	vmul.f32 v17, v2  }
0x123: {  	[tilespmem:s23+$0xFFFFFF80] =	vst v10;
	v10 =	vunpack.i.u.bf16.f32 v16;
	v6 =	vmul.f32 v6, v13;
	v13 =	vmul.f32 v20, v19  }
0x124: {  	v14 =	vld [tilespmem:s10+$0xFFFFFFD0];
	[tilespmem:s23+$0xFFFFFF90] =	vst v4;
	v10 =	vmul.f32 v11, v10;
	v11 =	vunpack.i.l.bf16.f32 v16;
	v4 =	vmul.f32 v17, v12  }
0x125: {  	v16 =	vld [tilespmem:s2+$0xFFFFFFA0];
	(xrf2) =	vadd.scan.msk.f32 $0xffff, v5;
	[tilespmem:s23+$0x20] =	vst v6;
	v5 =	vmul.f32 v13, v11  }
0x126: {  	(xrf2) =	vadd.scan.msk.f32 $0xffff, v10;
	v19 =	vld [tilespmem:s12+$0xFFFFFF80];
	[tilespmem:s23+$0x30] =	vst v4  }
0x127: {  	v10 =	vld [tilespmem:s20+$0x20];
	(xrf2) =	vadd.scan.msk.f32 $0xffff, v5  }
0x128: {  	s9 =	simm.s32 $0x5;
	v5 =	vld [tilespmem:s2+$0x40]  }
0x129: {  	v12 =	vbroadcast v15, $0xF;
	v4 =	vmov s9;
	v11 =	vld [tilespmem:s1+$0x40]  }
0x12a: {  	v13 =	vld [tilespmem:s2+$0x50]  }
0x12b: {  	v12 =	vmul.f32 v12, v7;
	v15 =	vld [tilespmem:s1+$0x50]  }
0x12c: {  	v17 =	vbroadcast v18, $0xF;
	v18 =	vld [tilespmem:s14+$0xFFFFFF80]  }
0x12d: {  	v6 =	vld [tilespmem:s5+$0xFFFFFF80]  }
0x12e: {  	v20 =	vunpack.i.u.bf16.f32 v14;
	v17 =	vmul.f32 v17, v7;
	v4 =	vld.idx.msk [tilespmem:v4+s25+$0x0], $0xffff  }
0x12f: {  	v14 =	vunpack.i.l.bf16.f32 v14;
	v20 =	vmul.f32 v12, v20;
	v12, _, _ =	vpop (xrf2);
	v5 =	vmul.f32 v11, v5;
	v11 =	vld [tilespmem:s12+$0x40]  }
0x130: {  	v14 =	vmul.f32 v17, v14;
	v17 =	vld [tilespmem:s5+$0xFFFFFF90];
	v21 =	vunpack.i.u.bf16.f32 v10;
	v13 =	vmul.f32 v15, v13;
	v22, _, _ =	vpop (xrf2)  }
0x131: {  	v15 =	vld [tilespmem:s14+$0xFFFFFF90];
	v10 =	vunpack.i.l.bf16.f32 v10;
	v5 =	vmul.f32 v5, v21;
	v21 =	vbroadcast v22, $0xF;
	v22, _, _ =	vpop (xrf2)  }
0x132: {  	v23 =	vld [tilespmem:s1+$0xFFFFFFA0];
	v10 =	vmul.f32 v13, v10;
	v13 =	vbroadcast v22, $0xF  }
0x133: {  	v6 =	vmul.f32 v18, v6;
	v18 =	vld [tilespmem:s1+$0xFFFFFFB0];
	(xrf2) =	vadd.scan.msk.f32 $0xffff, v5;
	v5 =	vmul.f32 v21, v4  }
0x134: {  	[tilespmem:s21+$0xFFFFFFB0] =	vst v14;
	v14 =	vld [tilespmem:s20+$0xFFFFFF90];
	(xrf2) =	vadd.scan.msk.f32 $0xffff, v10;
	v10 =	vunpack.i.u.bf16.f32 v11;
	v13 =	vmul.f32 v13, v4  }
0x135: {  	[tilespmem:s21+$0xFFFFFFA0] =	vst v20;
	v11 =	vunpack.i.l.bf16.f32 v11;
	v22 =	vld [tilespmem:s2+$0xFFFFFFB0];
	v5 =	vmul.f32 v5, v10  }
0x136: {  	s22 =	simm.s32 $0x4;
	s3 =	simm.s32 $0x7F80;
	v20 =	vunpack.i.u.bf16.f32 v19;
	v10 =	vmul.f32 v15, v17;
	v15 =	vld [tilespmem:s16+$0xFFFFFFC0];
	v11 =	vmul.f32 v13, v11  }
0x137: {  	v6 =	vmul.f32 v6, v20;
	v17 =	vunpack.i.l.bf16.f32 v19;
	v19 =	vld [tilespmem:s15+$0xFFFFFFC0];
	[tilespmem:s3+$0x0] =	vst v5;
	v13 =	vmov s22  }
0x138: {  	v5 =	vand.u32 $0xFFFFFFFE, v13;
	v13 =	vld [tilespmem:s10+$0xFFFFFFA0];
	[tilespmem:s3+$0x10] =	vst v11  }
0x139: {  	(xrf2) =	vadd.scan.msk.f32 $0xffff, v6;
	v6 =	vmul.f32 v10, v17;
	v10 =	vld [tilespmem:s5+$0x20]  }
0x13a: {  	v17 =	vld [tilespmem:s14+$0x20]  }
0x13b: {  	v11 =	vmul.f32 v23, v16;
	v16 =	vmul.f32 v18, v22;
	v20 =	vld [tilespmem:s12+$0x10]  }
0x13c: {  	(xrf2) =	vadd.scan.msk.f32 $0xffff, v6;
	v18 =	vunpack.i.u.bf16.f32 v14;
	v14 =	vunpack.i.l.bf16.f32 v14;
	v21 =	vld [tilespmem:s14+$0x30]  }
0x13d: {  	v14 =	vmul.f32 v16, v14;
	v16 =	vld [tilespmem:s5+$0x30];
	_ =	sdelay $0x1  }
0x13e: {  	s0 =	simm.s32 $0x3080;
	v5 =	vbroadcast v5, $0x0  }
0x13f: {  	v32 =	vld [tilespmem:s0+$0x10];
	s6 =	simm.s32 $0x6;
	v15 =	vmul.f32 v19, v15;
	v18 =	vmul.f32 v11, v18  }
0x140: {  	v35 =	vld [tilespmem:s0+$0xFFFFFF80];
	v24 =	vmov s6;
	v22 =	vunpack.i.u.bf16.f32 v13;
	v10 =	vmul.f32 v17, v10  }
0x141: {  	s6 =	simm.s32 $0x5880;
	v6 =	vld [tilespmem:s20+$0x60];
	v11, _, _ =	vpop (xrf2);
	(xrf2) =	vadd.scan.msk.f32 $0xffff, v18;
	v15 =	vmul.f32 v15, v22;
	v18 =	vunpack.i.u.bf16.f32 v20;
	v16 =	vmul.f32 v21, v16  }
0x142: {  	v28 =	vld [tilespmem:s6+$0x0];
	v19 =	vbroadcast v11, $0xF;
	v11, _, _ =	vpop (xrf2);
	(xrf2) =	vadd.scan.msk.f32 $0xffff, v14;
	v20 =	vunpack.i.l.bf16.f32 v20;
	v10 =	vmul.f32 v10, v18  }
0x143: {  	v45 =	vld [tilespmem:s6+$0xFFFFFF90];
	v23 =	vbroadcast v11, $0xF;
	(xrf2) =	vadd.scan.msk.f32 $0xffff, v15;
	v16 =	vmul.f32 v16, v20  }
0x144: {  	v22 =	vand.u32 $0xFFFFFFFE, v24;
	v5 =	vld.idx.msk [tilespmem:v5+s25+$0x0], $0xffff;
	v25, _, _ =	vpop (xrf2);
	(xrf2) =	vadd.scan.msk.f32 $0xffff, v10  }
0x145: {  	s22 =	simm.s32 $0x880;
	v17 =	vld [tilespmem:s12+$0xFFFFFFC0];
	v14 =	vbroadcast v22, $0x0;
	v23 =	vmul.f32 v23, v2;
	v18, _, _ =	vpop (xrf2);
	(xrf2) =	vadd.scan.msk.f32 $0xffff, v16  }
0x146: {  	v30 =	vld [tilespmem:s22+$0x0];
	v26 =	vunpack.i.u.bf16.f32 v6;
	v6 =	vunpack.i.l.bf16.f32 v6;
	v19 =	vmul.f32 v19, v2  }
0x147: {  	v46 =	vld [tilespmem:s22+$0xFFFFFF80];
	v6 =	vmul.f32 v23, v6;
	v18 =	vbroadcast v18, $0xF  }
0x148: {  	v22 =	vld [tilespmem:s16+$0xFFFFFFD0];
	v25 =	vbroadcast v25, $0xF;
	v19 =	vmul.f32 v19, v26  }
0x149: {  	v20 =	vld [tilespmem:s15+$0xFFFFFFD0];
	[tilespmem:s23+$0x50] =	vst v6;
	v6 =	vmul.f32 v18, v5  }
0x14a: {  	[tilespmem:s23+$0x40] =	vst v19;
	v19 =	vmul.f32 v25, v5;
	v16 =	vunpack.i.l.bf16.f32 v17;
	v25 =	vld [tilespmem:s12+$0x50]  }
0x14b: {  	v16 =	vmul.f32 v6, v16;
	v6 =	vld.idx.msk [tilespmem:v14+s25+$0x0], $0xffff;
	v14, _, _ =	vpop (xrf2)  }
0x14c: {  	v10 =	vunpack.i.u.bf16.f32 v17;
	v17 =	vld [tilespmem:s2+$0x70];
	v23, _, _ =	vpop (xrf2)  }
0x14d: {  	v18 =	vmul.f32 v19, v10;
	v19 =	vld [tilespmem:s1+$0x70];
	v27, _, _ =	vpop (xrf2)  }
0x14e: {  	v10 =	vld [tilespmem:s20+$0x30];
	v29, _, _ =	vpop (xrf2)  }
0x14f: {  	[tilespmem:s3+$0xFFFFFF80] =	vst v18;
	v18 =	vld [tilespmem:s0+$0x0];
	v29 =	vbroadcast v29, $0xF;
	v31, _, _ =	vpop (xrf2)  }
0x150: {  	v20 =	vmul.f32 v20, v22;
	v22 =	vbroadcast v31, $0xF;
	v31 =	vld [tilespmem:s6+$0x10]  }
0x151: {  	v13 =	vunpack.i.l.bf16.f32 v13;
	v24 =	vld [tilespmem:s16+$0x60];
	v29 =	vmul.f32 v29, v4  }
0x152: {  	v11 =	vld [tilespmem:s10+$0x70];
	v13 =	vmul.f32 v20, v13;
	v34 =	vunpack.i.u.bf16.f32 v25;
	v22 =	vmul.f32 v22, v4  }
0x153: {  	v21 =	vld [tilespmem:s20+$0xFFFFFFD0];
	v25 =	vunpack.i.l.bf16.f32 v25;
	v17 =	vmul.f32 v19, v17;
	v29 =	vmul.f32 v29, v34  }
0x154: {  	v15 =	vld [tilespmem:s10+$0xFFFFFFE0];
	[tilespmem:s3+$0xFFFFFF90] =	vst v16;
	v44 =	vunpack.i.l.bf16.f32 v10;
	v18 =	vmul.f32 v28, v18;
	v22 =	vmul.f32 v22, v25  }
0x155: {  	v26 =	vld [tilespmem:s15+$0x60];
	v17 =	vmul.f32 v17, v44;
	v28 =	vunpack.i.u.bf16.f32 v30;
	[tilespmem:s3+$0x20] =	vst v29;
	v29 =	vmul.f32 v31, v32  }
0x156: {  	v16 =	vld [tilespmem:s5+$0xFFFFFFA0];
	(xrf2) =	vadd.scan.msk.f32 $0xffff, v13;
	v13 =	vmul.f32 v18, v28;
	v18 =	vunpack.i.l.bf16.f32 v30;
	[tilespmem:s3+$0x30] =	vst v22  }
0x157: {  	(xrf2) =	vadd.scan.msk.f32 $0xffff, v17;
	v17 =	vld [tilespmem:s12+$0x20];
	v18 =	vmul.f32 v29, v18  }
0x158: {  	(xrf2) =	vadd.scan.msk.f32 $0xffff, v13;
	v22 =	vld [tilespmem:s5+$0x40]  }
0x159: {  	v28 =	vld [tilespmem:s14+$0x40];
	(xrf2) =	vadd.scan.msk.f32 $0xffff, v18  }
0x15a: {  	s9 =	simm.s32 $0x7;
	v24 =	vmul.f32 v26, v24;
	v30 =	vld [tilespmem:s14+$0x50]  }
0x15b: {  	v8 =	vunpack.i.u.bf16.f32 v8;
	v14 =	vbroadcast v14, $0xF;
	v29 =	vmov s9;
	v18 =	vld [tilespmem:s5+$0x50]  }
0x15c: {  	v24 =	vmul.f32 v24, v8;
	v33 =	vld [tilespmem:s14+$0xFFFFFFA0]  }
0x15d: {  	v47 =	vld [tilespmem:s1+$0x60];
	v23 =	vbroadcast v23, $0xF;
	v8 =	vmul.f32 v14, v3  }
0x15e: {  	v26 =	vbroadcast v12, $0xF;
	v14 =	vunpack.i.u.bf16.f32 v21;
	v25 =	vld [tilespmem:s6+$0xFFFFFF80];
	v22 =	vmul.f32 v28, v22  }
0x15f: {  	v23 =	vmul.f32 v23, v3;
	v14 =	vmul.f32 v8, v14;
	v31 =	vld [tilespmem:s0+$0xFFFFFF90];
	v36 =	vunpack.i.u.bf16.f32 v17  }
0x160: {  	v28, _, _ =	vpop (xrf2);
	v8 =	vld.idx.msk [tilespmem:v29+s25+$0x0], $0xffff;
	v18 =	vmul.f32 v30, v18;
	v22 =	vmul.f32 v22, v36  }
0x161: {  	v27 =	vbroadcast v27, $0xF;
	v16 =	vmul.f32 v33, v16;
	(xrf2) =	vadd.scan.msk.f32 $0xffff, v24;
	v17 =	vunpack.i.l.bf16.f32 v17;
	v29, _, _ =	vpop (xrf2);
	v30 =	vld [tilespmem:s22+$0x40]  }
0x162: {  	v12 =	vld [tilespmem:s2+$0x60];
	v21 =	vunpack.i.l.bf16.f32 v21;
	v28 =	vbroadcast v28, $0xF;
	v24, _, _ =	vpop (xrf2);
	v17 =	vmul.f32 v18, v17;
	(xrf2) =	vadd.scan.msk.f32 $0xffff, v22  }
0x163: {  	v20 =	vld [tilespmem:s5+$0xFFFFFFB0];
	v18 =	vmul.f32 v23, v21;
	v22 =	vbroadcast v24, $0xF;
	v23, _, _ =	vpop (xrf2)  }
0x164: {  	v19 =	vld [tilespmem:s14+$0xFFFFFFB0];
	[tilespmem:s23+$0xFFFFFFA0] =	vst v14;
	v24 =	vmul.f32 v25, v35;
	(xrf2) =	vadd.scan.msk.f32 $0xffff, v17;
	v23 =	vbroadcast v23, $0xF  }
0x165: {  	v14 =	vld [tilespmem:s12+$0xFFFFFFD0];
	[tilespmem:s23+$0xFFFFFFB0] =	vst v18;
	v17 =	vmul.f32 v45, v31;
	v18 =	vunpack.i.u.bf16.f32 v46;
	v22 =	vmul.f32 v22, v8  }
0x166: {  	v21 =	vld [tilespmem:s22+$0xFFFFFFC0];
	v31 =	vunpack.i.l.bf16.f32 v46;
	v49 =	vunpack.i.u.bf16.f32 v30;
	v23 =	vmul.f32 v23, v8  }
0x167: {  	v25 =	vld [tilespmem:s12+$0xFFFFFF90];
	v18 =	vmul.f32 v24, v18;
	v30 =	vunpack.i.l.bf16.f32 v30;
	v22 =	vmul.f32 v22, v49  }
0x168: {  	s11 =	smov.u32 s29;
	s29 =	simm.s32 $0x8080;
	v48 =	vld [tilespmem:s2+$0xFFFFFFC0];
	v17 =	vmul.f32 v17, v31;
	v23 =	vmul.f32 v23, v30  }
0x169: {  	v24 =	vld [tilespmem:s1+$0xFFFFFFC0];
	(xrf2) =	vadd.scan.msk.f32 $0xffff, v18;
	v18 =	vmul.f32 v26, v9;
	[tilespmem:s29+$0x0] =	vst v22;
	v22 =	vmul.f32 v27, v7  }
0x16a: {  	v26 =	vld [tilespmem:s20+$0xFFFFFFA0];
	(xrf2) =	vadd.scan.msk.f32 $0xffff, v17;
	v17 =	vunpack.i.u.bf16.f32 v15;
	[tilespmem:s29+$0x10] =	vst v23;
	v23 =	vmul.f32 v28, v7  }
0x16b: {  	v19 =	vmul.f32 v19, v20;
	v20, _, _ =	vpop (xrf2);
	v15 =	vunpack.i.l.bf16.f32 v15;
	v17 =	vmul.f32 v22, v17;
	v22 =	vld [tilespmem:s12+$0x60]  }
0x16c: {  	v28 =	vbroadcast v29, $0xF;
	v29, _, _ =	vpop (xrf2);
	v27 =	vld [tilespmem:s0+$0x20];
	v15 =	vmul.f32 v23, v15;
	v23 =	vunpack.i.u.bf16.f32 v25  }
0x16d: {  	v50 =	vld [tilespmem:s6+$0x20];
	v25 =	vunpack.i.l.bf16.f32 v25;
	v16 =	vmul.f32 v16, v23;
	v23 =	vbroadcast v29, $0xF  }
0x16e: {  	[tilespmem:s21+$0xFFFFFFC0] =	vst v17;
	v17 =	vmul.f32 v24, v48;
	v51 =	vld [tilespmem:s0+$0x30];
	v29, _, _ =	vpop (xrf2);
	v19 =	vmul.f32 v19, v25  }
0x16f: {  	v24 =	vld [tilespmem:s22+$0x10];
	v25 =	vbroadcast v29, $0xF;
	v23 =	vmul.f32 v23, v4  }
0x170: {  	v12 =	vmul.f32 v47, v12;
	v20 =	vbroadcast v20, $0xF;
	v37 =	vunpack.i.u.bf16.f32 v22;
	v29 =	vld [tilespmem:s6+$0x30]  }
0x171: {  	v52 =	vunpack.i.l.bf16.f32 v11;
	v31 =	vld [tilespmem:s2+$0xFFFFFFD0];
	v25 =	vmul.f32 v25, v4;
	v23 =	vmul.f32 v23, v37  }
0x172: {  	s8 =	simm.s32 $0x8;
	v18 =	vmul.f32 v18, v52;
	v9 =	vmul.f32 v20, v9;
	v30 =	vld [tilespmem:s1+$0xFFFFFFD0];
	v22 =	vunpack.i.l.bf16.f32 v22;
	[tilespmem:s21+$0xFFFFFFD0] =	vst v15  }
0x173: {  	v53 =	vunpack.i.u.bf16.f32 v26;
	v54 =	vld [tilespmem:s16+$0xFFFFFFE0];
	(xrf2) =	vadd.scan.msk.f32 $0xffff, v16;
	v16 =	vmov s8;
	v22 =	vmul.f32 v25, v22  }
0x174: {  	v17 =	vmul.f32 v17, v53;
	v55 =	vld [tilespmem:s15+$0xFFFFFFE0];
	v56, _, _ =	vpop (xrf2);
	v27 =	vmul.f32 v50, v27;
	v16 =	vand.u32 $0xFFFFFFFE, v16;
	[tilespmem:s3+$0x40] =	vst v23  }
0x175: {  	v57 =	vld [tilespmem:s15+$0xFFFFFFF0];
	v33 =	vbroadcast v56, $0xF;
	v29 =	vmul.f32 v29, v51;
	[tilespmem:s3+$0x50] =	vst v22;
	v22 =	vunpack.i.u.bf16.f32 v24;
	v23, _, _ =	vpop (xrf2)  }
0x176: {  	(xrf2) =	vadd.scan.msk.f32 $0xffff, v19;
	v24 =	vunpack.i.l.bf16.f32 v24;
	v19 =	vmul.f32 v27, v22;
	v27 =	vld [tilespmem:s5+$0x70];
	v23 =	vbroadcast v23, $0xF  }
0x177: {  	v16 =	vbroadcast v16, $0x0;
	(xrf2) =	vadd.scan.msk.f32 $0xffff, v17;
	v24 =	vmul.f32 v29, v24;
	v29 =	vld [tilespmem:s14+$0x70]  }
0x178: {  	v11 =	vunpack.i.u.bf16.f32 v11;
	(xrf2) =	vadd.scan.msk.f32 $0xffff, v19;
	v19 =	vmul.f32 v28, v2;
	v28 =	vld [tilespmem:s12+$0x30];
	v23 =	vmul.f32 v23, v6  }
0x179: {  	v17 =	vunpack.i.u.bf16.f32 v21;
	v21 =	vunpack.i.l.bf16.f32 v21;
	v25 =	vld [tilespmem:s16+$0xFFFFFFF0];
	v22 =	vmul.f32 v33, v6  }
0x17a: {  	v13 =	vld [tilespmem:s20+$0x70];
	v11 =	vmul.f32 v9, v11;
	(xrf2) =	vadd.scan.msk.f32 $0xffff, v24;
	v21 =	vmul.f32 v23, v21  }
0x17b: {  	v58 =	vld [tilespmem:s22+$0x50];
	v9 =	vmul.f32 v55, v54;
	v17 =	vmul.f32 v22, v17  }
0x17c: {  	v24 =	vmul.f32 v30, v31;
	v23 =	vld [tilespmem:s10+$0xFFFFFFB0];
	[tilespmem:s29+$0xFFFFFF90] =	vst v21;
	v21 =	vmul.f32 v29, v27  }
0x17d: {  	[tilespmem:s29+$0xFFFFFF80] =	vst v17;
	v17 =	vunpack.i.u.bf16.f32 v10;
	v10 =	vld.idx.msk [tilespmem:v16+s25+$0x0], $0xffff;
	v16 =	vunpack.i.l.bf16.f32 v26;
	v26 =	vunpack.i.l.bf16.f32 v28  }
0x17e: {  	v15 =	vld [tilespmem:s20+$0xFFFFFFE0];
	s16 =	simm.s32 $0x3180;
	v25 =	vmul.f32 v57, v25;
	v20, _, _ =	vpop (xrf2);
	v21 =	vmul.f32 v21, v26  }
0x17f: {  	v22 =	vunpack.i.l.bf16.f32 v13;
	v31 =	vld [tilespmem:s16+$0x0];
	v16 =	vmul.f32 v24, v16;
	v20 =	vbroadcast v20, $0xF  }
0x180: {  	v19 =	vmul.f32 v19, v22;
	v22 =	vld [tilespmem:s10+$0xFFFFFFF0];
	v12 =	vmul.f32 v12, v17;
	v30, _, _ =	vpop (xrf2)  }
0x181: {  	v30 =	vbroadcast v30, $0xF;
	(xrf2) =	vadd.scan.msk.f32 $0xffff, v16;
	v20 =	vmul.f32 v20, v5;
	v17 =	vld [tilespmem:s0+$0xFFFFFFA0];
	v29 =	vunpack.i.u.bf16.f32 v23  }
0x182: {  	v24 =	vld [tilespmem:s6+$0xFFFFFFA0];
	v26 =	vunpack.i.u.bf16.f32 v14;
	v23 =	vunpack.i.l.bf16.f32 v23;
	(xrf2) =	vadd.scan.msk.f32 $0xffff, v21;
	v29 =	vmul.f32 v9, v29;
	v21, _, _ =	vpop (xrf2)  }
0x183: {  	v27 =	vld [tilespmem:s0+$0xFFFFFFB0];
	v23 =	vmul.f32 v25, v23;
	v9 =	vunpack.i.u.bf16.f32 v13;
	v13 =	vmul.f32 v30, v5;
	v25, _, _ =	vpop (xrf2)  }
0x184: {  	s10 =	simm.s32 $0x5980;
	v16 =	vld [tilespmem:s6+$0xFFFFFFB0];
	v14 =	vunpack.i.l.bf16.f32 v14;
	v20 =	vmul.f32 v20, v26;
	v25 =	vbroadcast v25, $0xF;
	v59, _, _ =	vpop (xrf2)  }
0x185: {  	s15 =	simm.s32 $0x980;
	v26 =	vld [tilespmem:s10+$0x0];
	v61 =	vmul.f32 v13, v14;
	v33 =	vbroadcast v59, $0xF  }
0x186: {  	v30 =	vld [tilespmem:s15+$0x0];
	(xrf2) =	vadd.scan.msk.f32 $0xffff, v29;
	v21 =	vbroadcast v21, $0xF;
	v25 =	vmul.f32 v25, v8  }
0x187: {  	v13 =	vld [tilespmem:s10+$0x10];
	v14 =	vmul.f32 v24, v17;
	(xrf2) =	vadd.scan.msk.f32 $0xffff, v23;
	v23 =	vunpack.i.u.bf16.f32 v58;
	v24 =	vmul.f32 v33, v8  }
0x188: {  	[tilespmem:s21+$0x70] =	vst v18;
	v29 =	vld [tilespmem:s16+$0x10];
	v18 =	vmul.f32 v21, v3;
	v21 =	vmul.f32 v25, v23;
	v25 =	vunpack.i.l.bf16.f32 v58  }
0x189: {  	v63 =	vld [tilespmem:s10+$0xFFFFFF90];
	v24 =	vmul.f32 v24, v25  }
0x18a: {  	[tilespmem:s21+$0x60] =	vst v11;
	v60 =	vunpack.i.u.bf16.f32 v15;
	v17 =	vld [tilespmem:s16+$0xFFFFFF80];
	v26 =	vmul.f32 v26, v31  }
0x18b: {  	[tilespmem:s23+$0x70] =	vst v19;
	v19 =	vunpack.i.l.bf16.f32 v15;
	v15 =	vmul.f32 v16, v27;
	v23 =	vld [tilespmem:s10+$0xFFFFFF80];
	v25 =	vunpack.i.u.bf16.f32 v30  }
0x18c: {  	v16, _, _ =	vpop (xrf2);
	v62 =	vmul.f32 v18, v60;
	[tilespmem:s29+$0x20] =	vst v21;
	v21 =	vld [tilespmem:s12+$0x70];
	v26 =	vmul.f32 v26, v25  }
0x18d: {  	v31 =	vld [tilespmem:s16+$0xFFFFFF90];
	v18 =	vunpack.i.u.bf16.f32 v22;
	v27 =	vbroadcast v16, $0xF;
	v11 =	vmul.f32 v13, v29;
	[tilespmem:s29+$0x30] =	vst v24;
	v24, _, _ =	vpop (xrf2)  }
0x18e: {  	v16 =	vunpack.i.l.bf16.f32 v22;
	v25 =	vunpack.i.l.bf16.f32 v30;
	v22 =	vld [tilespmem:s22+$0x20];
	(xrf2) =	vadd.scan.msk.f32 $0xffff, v26;
	v29 =	vbroadcast v24, $0xF  }
0x18f: {  	[tilespmem:s3+$0xFFFFFFA0] =	vst v20;
	v27 =	vmul.f32 v27, v3;
	v11 =	vmul.f32 v11, v25;
	v25 =	vld [tilespmem:s6+$0x40]  }
0x190: {  	[tilespmem:s3+$0xFFFFFFB0] =	vst v61;
	v13 =	vunpack.i.u.bf16.f32 v28;
	v20 =	vmul.f32 v23, v17;
	v24 =	vld [tilespmem:s0+$0x40];
	v28, _, _ =	vpop (xrf2);
	v17 =	vmul.f32 v29, v4  }
0x191: {  	s8 =	simm.s32 $0x9;
	v19 =	vmul.f32 v27, v19;
	v23 =	vld [tilespmem:s0+$0x50];
	(xrf2) =	vadd.scan.msk.f32 $0xffff, v11;
	v27 =	vunpack.i.l.bf16.f32 v21;
	v29 =	vbroadcast v28, $0xF  }
0x192: {  	[tilespmem:s23+$0xFFFFFFC0] =	vst v62;
	v26 =	vld [tilespmem:s6+$0x50];
	v28 =	vmov s8;
	v27 =	vmul.f32 v17, v27  }
0x193: {  	s9 =	simm.s32 $0xA;
	[tilespmem:s23+$0xFFFFFFD0] =	vst v19;
	v11 =	vunpack.i.u.bf16.f32 v21;
	v21 =	vmul.f32 v63, v31;
	v30, _, _ =	vpop (xrf2);
	v17 =	vld [tilespmem:s5+$0x60];
	v29 =	vmul.f32 v29, v7  }
.LBB2_7:
0x194: {  	p1 =	slt.u32 s9, $0x26;
	v19 =	vld [tilespmem:s14+$0x60];
	[tilespmem:s3+$0x70] =	vst v27;
	(xrf2) =	vadd.scan.msk.f32 $0xffff, v12;
	v12 =	vbroadcast v30, $0xF  }
0x195: {  	v27 =	vld [tilespmem:s15+$0xFFFFFF80];
	v24 =	vmul.f32 v25, v24;
	v18 =	vmul.f32 v29, v18  }
0x196: {  	v29 =	vunpack.i.u.bf16.f32 v22;
	v25 =	vld [tilespmem:s15+$0xFFFFFFC0];
	v12 =	vmul.f32 v12, v7;
	v7 =	vmovc v3;
	v3 =	vmovc v5;
	v5 =	vmov v6  }
0x197: {  	v6 =	vmov v10;
	v28 =	vld.idx.msk [tilespmem:v28+s25+$0x0], $0xffff;
	v24 =	vmul.f32 v24, v29;
	[tilespmem:s21+$0xFFFFFFE0] =	vst v18  }
0x198: {  	v23 =	vmul.f32 v26, v23;
	v10, _, _ =	vpop (xrf2);
	v18 =	vld [tilespmem:s22+$0xFFFFFF90];
	v12 =	vmul.f32 v12, v16  }
0x199: {  	v22 =	vunpack.i.l.bf16.f32 v22;
	v16 =	vld [tilespmem:s15+$0x40];
	(xrf2) =	vadd.scan.msk.f32 $0xffff, v24;
	v17 =	vmul.f32 v19, v17  }
0x19a: {  	v22 =	vmul.f32 v23, v22;
	v29 =	vunpack.i.u.bf16.f32 v27;
	v24 =	vunpack.i.l.bf16.f32 v27;
	v26 =	vld [tilespmem:s22+$0xFFFFFFD0];
	[tilespmem:s21+$0xFFFFFFF0] =	vst v12;
	s21 =	smov.u32 s23;
	s23 =	smov.u32 s3;
	s3 =	smov.u32 s29  }
0x19b: {  	v10 =	vbroadcast v10, $0xF;
	v23 =	vunpack.i.u.bf16.f32 v25;
	v12 =	vmul.f32 v20, v29;
	v19, _, _ =	vpop (xrf2);
	v20 =	vld [tilespmem:s5+$0xFFFFFFC0]  }
0x19c: {  	v25 =	vunpack.i.l.bf16.f32 v25;
	v21 =	vmul.f32 v21, v24;
	v19 =	vbroadcast v19, $0xF;
	(xrf2) =	vadd.scan.msk.f32 $0xffff, v22;
	v22 =	vld [tilespmem:s14+$0xFFFFFFC0]  }
0x19d: {  	v10 =	vmul.f32 v10, v28;
	v24 =	vunpack.i.u.bf16.f32 v18;
	v18 =	vunpack.i.l.bf16.f32 v18;
	v27 =	vld [tilespmem:s5+$0xFFFFFFD0]  }
0x19e: {  	v29 =	vunpack.i.u.bf16.f32 v16;
	v19 =	vmul.f32 v19, v28;
	v24 =	vmul.f32 v14, v24;
	v30 =	vld [tilespmem:s14+$0xFFFFFFD0];
	v31, _, _ =	vpop (xrf2)  }
0x19f: {  	v14 =	vunpack.i.l.bf16.f32 v16;
	v15 =	vmul.f32 v15, v18;
	v10 =	vmul.f32 v10, v29;
	(xrf2) =	vadd.scan.msk.f32 $0xffff, v12;
	v16 =	vld [tilespmem:s12+$0xFFFFFFA0]  }
0x1a0: {  	s29 =	sadd.s32 $0x100, s29;
	v18 =	vmul.f32 v19, v14;
	v19 =	vunpack.i.u.bf16.f32 v26;
	v14 =	vunpack.i.l.bf16.f32 v26;
	v26 =	vld [tilespmem:s12+$0xFFFFFFE0]  }
0x1a1: {  	v12 =	vmul.f32 v17, v13;
	[tilespmem:s29+$0x0] =	vst v10;
	v10 =	vmul.f32 v22, v20;
	v13 =	vld [tilespmem:s2+$0xFFFFFFE0]  }
0x1a2: {  	v17 =	vbroadcast v31, $0xF;
	[tilespmem:s29+$0x10] =	vst v18;
	(xrf2) =	vadd.scan.msk.f32 $0xffff, v21;
	v18 =	vld [tilespmem:s1+$0xFFFFFFE0]  }
0x1a3: {  	v20 =	vld [tilespmem:s16+$0x20];
	v21, _, _ =	vpop (xrf2);
	v22 =	vmul.f32 v30, v27  }
0x1a4: {  	v30 =	vmul.f32 v17, v2;
	v2 =	vmovc v4;
	v4 =	vmovc v8;
	v27 =	vld [tilespmem:s22+$0x60];
	v29 =	vunpack.i.u.bf16.f32 v16;
	v16 =	vunpack.i.l.bf16.f32 v16  }
0x1a5: {  	v8 =	vmovc v28;
	v31 =	vld [tilespmem:s10+$0x20];
	(xrf2) =	vadd.scan.msk.f32 $0xffff, v24;
	v24 =	vunpack.i.u.bf16.f32 v26;
	v10 =	vmul.f32 v10, v29;
	v22 =	vmul.f32 v22, v16  }
0x1a6: {  	v21 =	vbroadcast v21, $0xF;
	v17 =	vunpack.i.l.bf16.f32 v26;
	v26 =	vmul.f32 v30, v9;
	v16 =	vld [tilespmem:s15+$0x10];
	v28, _, _ =	vpop (xrf2)  }
0x1a7: {  	v9 =	vmov v11;
	v29 =	vld [tilespmem:s16+$0x30];
	v28 =	vbroadcast v28, $0xF;
	v13 =	vmul.f32 v18, v13  }
0x1a8: {  	v11 =	vmov s9;
	v21 =	vmul.f32 v21, v4;
	v18 =	vld [tilespmem:s10+$0x30];
	(xrf2) =	vadd.scan.msk.f32 $0xffff, v15;
	[tilespmem:s21+$0x60] =	vst v26  }
0x1a9: {  	v11 =	vand.u32 $0xFFFFFFFE, v11;
	v15, _, _ =	vpop (xrf2);
	v26 =	vunpack.i.u.bf16.f32 v27;
	v32 =	vmul.f32 v28, v4;
	v30 =	vld [tilespmem:s2+$0xFFFFFFF0];
	s2 =	smov.u32 s5;
	s5 =	smov.u32 s0;
	s0 =	smov.u32 s16  }
0x1aa: {  	v27 =	vunpack.i.l.bf16.f32 v27;
	v20 =	vmul.f32 v31, v20;
	v21 =	vmul.f32 v21, v26;
	v26 =	vld [tilespmem:s1+$0xFFFFFFF0];
	s1 =	smov.u32 s14;
	s14 =	smov.u32 s6;
	s6 =	smov.u32 s10  }
0x1ab: {  	v15 =	vbroadcast v15, $0xF;
	v31 =	vunpack.i.u.bf16.f32 v16;
	v27 =	vmul.f32 v32, v27;
	(xrf2) =	vadd.scan.msk.f32 $0xffff, v10;
	v10 =	vld [tilespmem:s20+$0xFFFFFFB0]  }
0x1ac: {  	v11 =	vbroadcast v11, $0x0;
	v20 =	vmul.f32 v20, v31;
	v28, _, _ =	vpop (xrf2);
	[tilespmem:s3+$0x40] =	vst v21;
	v21 =	vld [tilespmem:s20+$0xFFFFFFF0];
	s20 =	smov.u32 s12;
	s12 =	smov.u32 s22;
	s22 =	smov.u32 s15  }
0x1ad: {  	v28 =	vbroadcast v28, $0xF;
	v29 =	vmul.f32 v18, v29;
	[tilespmem:s3+$0x50] =	vst v27  }
0x1ae: {  	v16 =	vunpack.i.l.bf16.f32 v16;
	v15 =	vmul.f32 v15, v6;
	(xrf2) =	vadd.scan.msk.f32 $0xffff, v20;
	v20 =	vld [tilespmem:s5+$0x70]  }
0x1af: {  	v27 =	vmul.f32 v28, v6;
	v31 =	vmul.f32 v29, v16;
	v28 =	vld [tilespmem:s14+$0x70];
	v18, _, _ =	vpop (xrf2)  }
0x1b0: {  	v15 =	vmul.f32 v15, v23;
	v18 =	vbroadcast v18, $0xF;
	v23 =	vld [tilespmem:s12+$0x30];
	v29 =	vunpack.i.u.bf16.f32 v10  }
0x1b1: {  	v26 =	vmul.f32 v26, v30;
	v25 =	vmul.f32 v27, v25;
	(xrf2) =	vadd.scan.msk.f32 $0xffff, v31;
	v27 =	vunpack.i.l.bf16.f32 v10  }
0x1b2: {  	v29 =	vmul.f32 v13, v29;
	[tilespmem:s29+$0xFFFFFF80] =	vst v15;
	v15 =	vmul.f32 v18, v5;
	v16, _, _ =	vpop (xrf2);
	v18 =	vunpack.i.u.bf16.f32 v21  }
0x1b3: {  	v10 =	vld.idx.msk [tilespmem:v11+s25+$0x0], $0xffff;
	[tilespmem:s29+$0xFFFFFF90] =	vst v25;
	v11 =	vbroadcast v16, $0xF;
	v16 =	vunpack.i.l.bf16.f32 v21;
	v21 =	vmul.f32 v26, v27  }
0x1b4: {  	v25 =	vld [tilespmem:s16+$0xFFFFFFA0];
	v15 =	vmul.f32 v15, v19;
	v19 =	vmul.f32 v28, v20;
	(xrf2) =	vadd.scan.msk.f32 $0xffff, v22  }
0x1b5: {  	v20 =	vld [tilespmem:s10+$0xFFFFFFA0];
	v11 =	vmul.f32 v11, v5;
	v13 =	vunpack.i.u.bf16.f32 v23;
	v22 =	vunpack.i.l.bf16.f32 v23;
	v23, _, _ =	vpop (xrf2)  }
0x1b6: {  	v26 =	vld [tilespmem:s16+$0xFFFFFFB0];
	[tilespmem:s3+$0xFFFFFFA0] =	vst v15;
	v15 =	vmul.f32 v19, v22;
	v19 =	vbroadcast v23, $0xF  }
0x1b7: {  	s16 =	sadd.s32 $0x100, s16;
	v22 =	vld [tilespmem:s10+$0xFFFFFFB0];
	v11 =	vmul.f32 v11, v14  }
0x1b8: {  	v23 =	vld [tilespmem:s16+$0x0];
	v27, _, _ =	vpop (xrf2);
	(xrf2) =	vadd.scan.msk.f32 $0xffff, v15;
	v15 =	vmul.f32 v19, v3  }
0x1b9: {  	s10 =	sadd.s32 $0x100, s10;
	v19 =	vld [tilespmem:s15+$0x50];
	[tilespmem:s3+$0xFFFFFFB0] =	vst v11  }
0x1ba: {  	s15 =	sadd.s32 $0x100, s15;
	v11 =	vld [tilespmem:s10+$0x0];
	v14 =	vmul.f32 v20, v25;
	v20 =	vmul.f32 v15, v24  }
0x1bb: {  	v25 =	vbroadcast v27, $0xF;
	v24 =	vld [tilespmem:s15+$0x0];
	v27, _, _ =	vpop (xrf2);
	(xrf2) =	vadd.scan.msk.f32 $0xffff, v29  }
0x1bc: {  	v28 =	vld [tilespmem:s16+$0x10];
	v15 =	vmul.f32 v22, v26;
	v22 =	vbroadcast v27, $0xF;
	[tilespmem:s23+$0xFFFFFFC0] =	vst v20  }
0x1bd: {  	v25 =	vmul.f32 v25, v8;
	v20 =	vld [tilespmem:s10+$0x10]  }
0x1be: {  	v26 =	vld [tilespmem:s16+$0xFFFFFF80];
	v27 =	vunpack.i.u.bf16.f32 v19;
	v22 =	vmul.f32 v22, v8;
	v29, _, _ =	vpop (xrf2);
	(xrf2) =	vadd.scan.msk.f32 $0xffff, v21  }
0x1bf: {  	v19 =	vunpack.i.l.bf16.f32 v19;
	v21 =	vld [tilespmem:s10+$0xFFFFFF80];
	v11 =	vmul.f32 v11, v23;
	v23 =	vmul.f32 v25, v27  }
0x1c0: {  	v27 =	vld [tilespmem:s16+$0xFFFFFF90];
	v25 =	vunpack.i.u.bf16.f32 v24;
	v31 =	vmul.f32 v22, v19;
	v22 =	vbroadcast v29, $0xF  }
0x1c1: {  	v11 =	vmul.f32 v11, v25;
	[tilespmem:s29+$0x20] =	vst v23;
	v29 =	vld [tilespmem:s12+$0x70]  }
0x1c2: {  	v30 =	vld [tilespmem:s10+$0xFFFFFF90];
	v23 =	vmul.f32 v20, v28;
	[tilespmem:s29+$0x30] =	vst v31;
	v19, _, _ =	vpop (xrf2);
	v28 =	vmul.f32 v22, v3  }
0x1c3: {  	v24 =	vunpack.i.l.bf16.f32 v24;
	(xrf2) =	vadd.scan.msk.f32 $0xffff, v11;
	v22 =	vld [tilespmem:s22+$0x20];
	v11 =	vbroadcast v19, $0xF  }
.Ltmp3:
0x1c4: {  	v20 =	vmul.f32 v21, v26;
	v19 =	vmul.f32 v23, v24;
	v24 =	vld [tilespmem:s0+$0x40];
	(pc) =	sbr.rel @p1 .LBB2_7-.Ltmp3, $4  }
0x1c5: {  	v17 =	vmul.f32 v28, v17;
	v25 =	vld [tilespmem:s6+$0x40];
	v31 =	vmul.f32 v11, v4;
	v21, _, _ =	vpop (xrf2)  }
0x1c6: {  	s8 =	sadd.s32 $0x1, s9;
	(xrf2) =	vadd.scan.msk.f32 $0xffff, v19;
	v23 =	vld [tilespmem:s0+$0x50];
	v11 =	vunpack.i.u.bf16.f32 v29;
	v19 =	vunpack.i.l.bf16.f32 v29;
	v29 =	vbroadcast v21, $0xF  }
0x1c7: {  	v28 =	vmov s8;
	v21 =	vmul.f32 v30, v27;
	v26 =	vld [tilespmem:s6+$0x50];
	v27 =	vmul.f32 v31, v19;
	[tilespmem:s23+$0xFFFFFFD0] =	vst v17  }
0x1c8: {  	s9 =	sadd.s32 $0x2, s9;
	v17 =	vld [tilespmem:s5+$0x60];
	v29 =	vmul.f32 v29, v7;
	v30, _, _ =	vpop (xrf2)  }
0x1c9: {  	_ =	sdelay $0x3  }
0x1ca: {  	(xrf2) =	vadd.scan.msk.f32 $0xffff, v12;
	v12 =	vld.idx.msk [tilespmem:v28+s25+$0x0], $0xffff;
	v28 =	vbroadcast v30, $0xF;
	_ =	sdelay $0x1  }
0x1cb: {  	v31 =	vld [tilespmem:s15+$0xFFFFFF80];
	v24 =	vmul.f32 v25, v24  }
0x1cc: {  	v30 =	vld [tilespmem:s15+$0x40];
	v29 =	vmul.f32 v29, v18;
	v18 =	vunpack.i.u.bf16.f32 v22  }
0x1cd: {  	v7 =	vmul.f32 v28, v7;
	v24 =	vmul.f32 v24, v18;
	v28, _, _ =	vpop (xrf2)  }
0x1ce: {  	v23 =	vmul.f32 v26, v23;
	v26 =	vbroadcast v28, $0xF;
	v28, _, _ =	vpop (xrf2)  }
0x1cf: {  	v7 =	vmul.f32 v7, v16;
	v16 =	vunpack.i.l.bf16.f32 v22;
	v22 =	vbroadcast v28, $0xF  }
0x1d0: {  	v19 =	vld [tilespmem:s14+$0x60];
	[tilespmem:s3+$0x70] =	vst v27;
	v27 =	vunpack.i.u.bf16.f32 v31;
	v16 =	vmul.f32 v23, v16;
	v23 =	vmul.f32 v26, v12  }
0x1d1: {  	v32 =	vld [tilespmem:s15+$0xFFFFFFC0];
	v20 =	vmul.f32 v20, v27;
	(xrf2) =	vadd.scan.msk.f32 $0xffff, v24;
	v24 =	vunpack.i.u.bf16.f32 v30;
	v22 =	vmul.f32 v22, v12  }
0x1d2: {  	v33 =	vld [tilespmem:s5+$0xFFFFFFC0];
	(xrf2) =	vadd.scan.msk.f32 $0xffff, v16;
	v16 =	vunpack.i.l.bf16.f32 v30;
	v23 =	vmul.f32 v23, v24  }
0x1d3: {  	s9 =	sadd.s32 $0x100, s29;
	v25 =	vld [tilespmem:s22+$0xFFFFFF90];
	[tilespmem:s21+$0xFFFFFFF0] =	vst v7;
	v7, _, _ =	vpop (xrf2);
	(xrf2) =	vadd.scan.msk.f32 $0xffff, v20;
	v20 =	vmul.f32 v22, v16  }
0x1d4: {  	v28 =	vld [tilespmem:s14+$0xFFFFFFC0];
	[tilespmem:s9+$0x0] =	vst v23  }
0x1d5: {  	v24 =	vld [tilespmem:s12+$0xFFFFFFA0];
	[tilespmem:s9+$0x10] =	vst v20  }
0x1d6: {  	v20 =	vld [tilespmem:s16+$0x20]  }
0x1d7: {  	v22 =	vld [tilespmem:s10+$0x20]  }
0x1d8: {  	v23 =	vld [tilespmem:s15+$0x10]  }
0x1d9: {  	[tilespmem:s21+$0xFFFFFFE0] =	vst v29;
	v29 =	vld [tilespmem:s16+$0x30]  }
0x1da: {  	v30 =	vld [tilespmem:s10+$0x30]  }
0x1db: {  	v18 =	vld [tilespmem:s22+$0xFFFFFFD0];
	v31 =	vunpack.i.l.bf16.f32 v31  }
0x1dc: {  	v27 =	vld [tilespmem:s14+$0xFFFFFFD0];
	v21 =	vmul.f32 v21, v31;
	v31 =	vunpack.i.u.bf16.f32 v25  }
0x1dd: {  	v25 =	vunpack.i.l.bf16.f32 v25;
	v26 =	vld [tilespmem:s5+$0xFFFFFFD0];
	v14 =	vmul.f32 v14, v31;
	v28 =	vmul.f32 v28, v33  }
0x1de: {  	v15 =	vmul.f32 v15, v25;
	v16 =	vld [tilespmem:s12+$0xFFFFFFE0];
	(xrf2) =	vadd.scan.msk.f32 $0xffff, v21;
	v21 =	vunpack.i.u.bf16.f32 v24;
	v20 =	vmul.f32 v22, v20  }
0x1df: {  	(xrf2) =	vadd.scan.msk.f32 $0xffff, v14;
	v14 =	vmul.f32 v28, v21;
	v21 =	vunpack.i.u.bf16.f32 v23;
	v22 =	vmul.f32 v30, v29  }
0x1e0: {  	(xrf2) =	vadd.scan.msk.f32 $0xffff, v15;
	v15 =	vmul.f32 v20, v21;
	v20 =	vunpack.i.l.bf16.f32 v23  }
0x1e1: {  	(xrf2) =	vadd.scan.msk.f32 $0xffff, v14;
	v14 =	vmul.f32 v22, v20  }
0x1e2: {  	(xrf2) =	vadd.scan.msk.f32 $0xffff, v15  }
0x1e3: {  	v15 =	vld [tilespmem:s22+$0x60];
	(xrf2) =	vadd.scan.msk.f32 $0xffff, v14;
	_ =	sdelay $0x1  }
0x1e4: {  	v14, _, _ =	vpop (xrf2)  }
0x1e5: {  	v20, _, _ =	vpop (xrf2)  }
0x1e6: {  	v14 =	vbroadcast v14, $0xF;
	v21, _, _ =	vpop (xrf2)  }
0x1e7: {  	v20 =	vbroadcast v20, $0xF;
	v28 =	vunpack.i.u.bf16.f32 v15;
	v22, _, _ =	vpop (xrf2)  }
0x1e8: {  	v14 =	vmul.f32 v14, v8;
	v23, _, _ =	vpop (xrf2)  }
0x1e9: {  	v20 =	vmul.f32 v20, v8;
	v29, _, _ =	vpop (xrf2)  }
0x1ea: {  	v30 =	vld [tilespmem:s15+$0x50];
	v15 =	vunpack.i.l.bf16.f32 v15;
	v21 =	vbroadcast v21, $0xF;
	v14 =	vmul.f32 v14, v28;
	v28, _, _ =	vpop (xrf2)  }
0x1eb: {  	v25 =	vld [tilespmem:s2+$0xFFFFFFE0];
	v15 =	vmul.f32 v20, v15;
	v20 =	vbroadcast v22, $0xF;
	v22, _, _ =	vpop (xrf2)  }
0x1ec: {  	v31 =	vld [tilespmem:s2+$0xFFFFFFF0];
	v21 =	vmul.f32 v21, v10;
	v22 =	vbroadcast v22, $0xF;
	v34, _, _ =	vpop (xrf2)  }
0x1ed: {  	v35 =	vunpack.i.u.bf16.f32 v32;
	v48 =	vld [tilespmem:s1+$0xFFFFFFE0];
	[tilespmem:s29+$0x40] =	vst v14;
	v14 =	vmul.f32 v20, v10;
	v20 =	vbroadcast v34, $0xF  }
0x1ee: {  	v32 =	vunpack.i.l.bf16.f32 v32;
	v36 =	vld [tilespmem:s1+$0xFFFFFFF0];
	[tilespmem:s29+$0x50] =	vst v15;
	v15 =	vmul.f32 v21, v35;
	v21 =	vmul.f32 v22, v12  }
0x1ef: {  	v49 =	vld [tilespmem:s20+$0xFFFFFFB0];
	v50 =	vunpack.i.u.bf16.f32 v30;
	v14 =	vmul.f32 v14, v32;
	v20 =	vmul.f32 v20, v12  }
0x1f0: {  	v30 =	vunpack.i.l.bf16.f32 v30;
	v51 =	vld [tilespmem:s6+$0x70];
	[tilespmem:s9+$0xFFFFFF80] =	vst v15;
	v21 =	vmul.f32 v21, v50  }
0x1f1: {  	v22 =	vld [tilespmem:s0+$0x70];
	[tilespmem:s9+$0xFFFFFF90] =	vst v14;
	v14 =	vmul.f32 v20, v30  }
0x1f2: {  	v15 =	vld [tilespmem:s22+$0x30];
	[tilespmem:s9+$0x20] =	vst v21  }
0x1f3: {  	v20 =	vld [tilespmem:s16+$0xFFFFFFA0];
	[tilespmem:s9+$0x30] =	vst v14  }
0x1f4: {  	v14 =	vld [tilespmem:s15+$0x20]  }
0x1f5: {  	v30 =	vld [tilespmem:s16+$0x40]  }
0x1f6: {  	v52 =	vld [tilespmem:s10+$0x40]  }
0x1f7: {  	v26 =	vmul.f32 v27, v26;
	v27 =	vld [tilespmem:s16+$0x50]  }
0x1f8: {  	v24 =	vunpack.i.l.bf16.f32 v24;
	v22 =	vmul.f32 v51, v22;
	v53 =	vld [tilespmem:s10+$0x50]  }
0x1f9: {  	v24 =	vmul.f32 v26, v24;
	v25 =	vmul.f32 v48, v25;
	v21 =	vld [tilespmem:s10+$0xFFFFFFA0];
	v26 =	vunpack.i.l.bf16.f32 v15  }
0x1fa: {  	v37 =	vunpack.i.u.bf16.f32 v49;
	v31 =	vmul.f32 v36, v31;
	v54 =	vld [tilespmem:s16+$0xFFFFFFB0];
	v22 =	vmul.f32 v22, v26  }
0x1fb: {  	v17 =	vmul.f32 v19, v17;
	v19 =	vunpack.i.l.bf16.f32 v49;
	v25 =	vmul.f32 v25, v37;
	(xrf2) =	vadd.scan.msk.f32 $0xffff, v24;
	v26 =	vld [tilespmem:s10+$0xFFFFFFB0]  }
0x1fc: {  	v19 =	vmul.f32 v31, v19;
	v24 =	vld [tilespmem:s15+$0xFFFFFF90];
	(xrf2) =	vadd.scan.msk.f32 $0xffff, v22;
	v22 =	vmul.f32 v52, v30  }
0x1fd: {  	v13 =	vmul.f32 v17, v13;
	(xrf2) =	vadd.scan.msk.f32 $0xffff, v25;
	v17 =	vunpack.i.u.bf16.f32 v14;
	v25 =	vmul.f32 v53, v27  }
0x1fe: {  	(xrf2) =	vadd.scan.msk.f32 $0xffff, v19;
	v14 =	vunpack.i.l.bf16.f32 v14;
	v19 =	vmul.f32 v21, v20;
	v17 =	vmul.f32 v22, v17  }
0x1ff: {  	(xrf2) =	vadd.scan.msk.f32 $0xffff, v13;
	v13 =	vmul.f32 v25, v14;
	v14 =	vbroadcast v23, $0xF  }
0x200: {  	v21 =	vbroadcast v29, $0xF;
	v20 =	vmul.f32 v26, v54;
	(xrf2) =	vadd.scan.msk.f32 $0xffff, v17  }
0x201: {  	v17 =	vunpack.i.u.bf16.f32 v24;
	v14 =	vmul.f32 v14, v6;
	(xrf2) =	vadd.scan.msk.f32 $0xffff, v13;
	v13 =	vunpack.i.l.bf16.f32 v24  }
0x202: {  	v17 =	vmul.f32 v19, v17;
	v13 =	vmul.f32 v20, v13  }
0x203: {  	v19 =	vunpack.i.u.bf16.f32 v18;
	v20 =	vmul.f32 v21, v6  }
0x204: {  	v14 =	vmul.f32 v14, v19;
	(xrf2) =	vadd.scan.msk.f32 $0xffff, v17;
	v17 =	vunpack.i.l.bf16.f32 v18  }
0x205: {  	v17 =	vmul.f32 v20, v17  }
0x206: {  	(xrf2) =	vadd.scan.msk.f32 $0xffff, v13;
	[tilespmem:s29+$0xFFFFFFA0] =	vst v14;
	v14 =	vbroadcast v28, $0xF;
	v13, _, _ =	vpop (xrf2)  }
0x207: {  	v26 =	vld [tilespmem:s15+$0x60];
	v13 =	vbroadcast v13, $0xF  }
0x208: {  	v19 =	vld [tilespmem:s0+$0x60];
	v18, _, _ =	vpop (xrf2)  }
0x209: {  	v21 =	vld [tilespmem:s15+$0xFFFFFFD0];
	[tilespmem:s29+$0xFFFFFFB0] =	vst v17;
	v22 =	vmul.f32 v14, v5;
	v17, _, _ =	vpop (xrf2)  }
0x20a: {  	v24 =	vunpack.i.u.bf16.f32 v16;
	v20 =	vld [tilespmem:s6+$0x60];
	v14, _, _ =	vpop (xrf2)  }
0x20b: {  	v23 =	vld [tilespmem:s0+$0xFFFFFFC0];
	v22 =	vmul.f32 v22, v24;
	v25 =	vmul.f32 v13, v5;
	v13, _, _ =	vpop (xrf2)  }
0x20c: {  	v16 =	vunpack.i.l.bf16.f32 v16;
	v24 =	vld [tilespmem:s6+$0xFFFFFFC0];
	v27, _, _ =	vpop (xrf2)  }
0x20d: {  	[tilespmem:s3+$0xFFFFFFC0] =	vst v22;
	v22 =	vld [tilespmem:s6+$0xFFFFFFD0];
	v16 =	vmul.f32 v25, v16;
	v27 =	vbroadcast v27, $0xF;
	v28, _, _ =	vpop (xrf2)  }
0x20e: {  	v25 =	vld [tilespmem:s0+$0xFFFFFFD0];
	v28 =	vbroadcast v28, $0xF  }
0x20f: {  	[tilespmem:s3+$0xFFFFFFD0] =	vst v16;
	v16 =	vld [tilespmem:s22+$0xFFFFFFA0];
	v29, _, _ =	vpop (xrf2);
	v27 =	vmul.f32 v27, v12  }
0x210: {  	v31 =	vunpack.i.u.bf16.f32 v26;
	v30 =	vld [tilespmem:s5+$0xFFFFFFE0];
	v29 =	vbroadcast v29, $0xF;
	v55, _, _ =	vpop (xrf2);
	v28 =	vmul.f32 v28, v12  }
0x211: {  	v26 =	vunpack.i.l.bf16.f32 v26;
	v56 =	vld [tilespmem:s14+$0xFFFFFFE0];
	v27 =	vmul.f32 v27, v31;
	v31 =	vbroadcast v55, $0xF  }
0x212: {  	v57 =	vld [tilespmem:s5+$0xFFFFFFF0];
	v26 =	vmul.f32 v28, v26;
	v28 =	vmul.f32 v29, v10  }
0x213: {  	v58 =	vld [tilespmem:s14+$0xFFFFFFF0];
	v29 =	vunpack.i.u.bf16.f32 v21;
	[tilespmem:s9+$0x40] =	vst v27;
	v27 =	vmul.f32 v31, v10  }
0x214: {  	v21 =	vunpack.i.l.bf16.f32 v21;
	v31 =	vld [tilespmem:s12+$0xFFFFFFB0];
	[tilespmem:s9+$0x50] =	vst v26;
	v26 =	vmul.f32 v28, v29  }
0x215: {  	v28 =	vld [tilespmem:s16+$0x70];
	v21 =	vmul.f32 v27, v21  }
0x216: {  	v27 =	vld [tilespmem:s10+$0x70];
	[tilespmem:s9+$0xFFFFFFA0] =	vst v26  }
0x217: {  	v26 =	vld [tilespmem:s15+$0x30];
	[tilespmem:s9+$0xFFFFFFB0] =	vst v21  }
0x218: {  	v21 =	vld [tilespmem:s16+$0xFFFFFFC0]  }
0x219: {  	v29 =	vld [tilespmem:s10+$0xFFFFFFC0]  }
0x21a: {  	v23 =	vmul.f32 v24, v23;
	v24 =	vld [tilespmem:s16+$0xFFFFFFD0]  }
0x21b: {  	v22 =	vmul.f32 v22, v25;
	v25 =	vunpack.i.u.bf16.f32 v16;
	v59 =	vld [tilespmem:s10+$0xFFFFFFD0]  }
0x21c: {  	v16 =	vunpack.i.l.bf16.f32 v16;
	v23 =	vmul.f32 v23, v25;
	v25 =	vmul.f32 v27, v28;
	v27 =	vld [tilespmem:s15+$0xFFFFFFA0]  }
0x21d: {  	v16 =	vmul.f32 v22, v16;
	v22 =	vmul.f32 v56, v30;
	v28 =	vunpack.i.l.bf16.f32 v26  }
0x21e: {  	v30 =	vmul.f32 v58, v57;
	(xrf2) =	vadd.scan.msk.f32 $0xffff, v23;
	v23 =	vunpack.i.u.bf16.f32 v31;
	v25 =	vmul.f32 v25, v28  }
0x21f: {  	v19 =	vmul.f32 v20, v19;
	(xrf2) =	vadd.scan.msk.f32 $0xffff, v16;
	v20 =	vunpack.i.l.bf16.f32 v31;
	v22 =	vmul.f32 v22, v23  }
0x220: {  	v15 =	vunpack.i.u.bf16.f32 v15;
	v16 =	vmul.f32 v30, v20;
	v20 =	vmul.f32 v29, v21;
	(xrf2) =	vadd.scan.msk.f32 $0xffff, v25  }
0x221: {  	v15 =	vmul.f32 v19, v15;
	v19 =	vmul.f32 v59, v24;
	(xrf2) =	vadd.scan.msk.f32 $0xffff, v22;
	v21 =	vunpack.i.u.bf16.f32 v27  }
0x222: {  	(xrf2) =	vadd.scan.msk.f32 $0xffff, v16;
	v16 =	vunpack.i.l.bf16.f32 v27;
	v20 =	vmul.f32 v20, v21  }
0x223: {  	(xrf2) =	vadd.scan.msk.f32 $0xffff, v15;
	v15 =	vmul.f32 v19, v16  }
0x224: {  	(xrf2) =	vadd.scan.msk.f32 $0xffff, v20  }
0x225: {  	(xrf2) =	vadd.scan.msk.f32 $0xffff, v15  }
0x226: {  	v16 =	vld [tilespmem:s22+$0xFFFFFFE0];
	_ =	sdelay $0x1  }
0x227: {  	v15, _, _ =	vpop (xrf2)  }
0x228: {  	v19, _, _ =	vpop (xrf2)  }
0x229: {  	v15 =	vbroadcast v15, $0xF;
	v20, _, _ =	vpop (xrf2)  }
0x22a: {  	v23 =	vunpack.i.u.bf16.f32 v16;
	v19 =	vbroadcast v19, $0xF;
	v21, _, _ =	vpop (xrf2)  }
0x22b: {  	v15 =	vmul.f32 v15, v6;
	v22, _, _ =	vpop (xrf2)  }
0x22c: {  	v25 =	vld [tilespmem:s15+$0xFFFFFFE0];
	v19 =	vmul.f32 v19, v6;
	v24, _, _ =	vpop (xrf2)  }
0x22d: {  	v16 =	vunpack.i.l.bf16.f32 v16;
	v15 =	vmul.f32 v15, v23;
	v23, _, _ =	vpop (xrf2)  }
0x22e: {  	v16 =	vmul.f32 v19, v16;
	v19 =	vbroadcast v23, $0xF;
	v23, _, _ =	vpop (xrf2)  }
0x22f: {  	[tilespmem:s29+$0xFFFFFFC0] =	vst v15;
	v15 =	vld [tilespmem:s16+$0x60];
	v23 =	vbroadcast v23, $0xF  }
0x230: {  	[tilespmem:s29+$0xFFFFFFD0] =	vst v16;
	v16 =	vld [tilespmem:s10+$0x60];
	v19 =	vmul.f32 v19, v10  }
0x231: {  	v29 =	vunpack.i.u.bf16.f32 v25;
	v28 =	vld [tilespmem:s0+$0xFFFFFFE0];
	v23 =	vmul.f32 v23, v10  }
0x232: {  	v25 =	vunpack.i.l.bf16.f32 v25;
	v30 =	vld [tilespmem:s6+$0xFFFFFFE0];
	v19 =	vmul.f32 v19, v29  }
0x233: {  	v29 =	vld [tilespmem:s0+$0xFFFFFFF0];
	v23 =	vmul.f32 v23, v25  }
0x234: {  	[tilespmem:s9+$0xFFFFFFC0] =	vst v19;
	v19 =	vld [tilespmem:s22+$0xFFFFFFB0]  }
0x235: {  	v7 =	vbroadcast v7, $0xF;
	v25 =	vld [tilespmem:s6+$0xFFFFFFF0];
	[tilespmem:s9+$0xFFFFFFD0] =	vst v23  }
0x236: {  	v23 =	vld [tilespmem:s16+$0xFFFFFFE0]  }
0x237: {  	v2 =	vmul.f32 v7, v2;
	v31 =	vld [tilespmem:s10+$0xFFFFFFE0]  }
0x238: {  	v7 =	vbroadcast v18, $0xF;
	v28 =	vmul.f32 v30, v28;
	v18 =	vld [tilespmem:s16+$0xFFFFFFF0]  }
0x239: {  	v2 =	vmul.f32 v2, v9;
	v17 =	vbroadcast v17, $0xF;
	v30 =	vld [tilespmem:s10+$0xFFFFFFF0];
	v9 =	vunpack.i.u.bf16.f32 v19  }
0x23a: {  	v60 =	vld [tilespmem:s15+$0xFFFFFFB0];
	v9 =	vmul.f32 v28, v9  }
0x23b: {  	v14 =	vbroadcast v14, $0xF;
	v17 =	vmul.f32 v17, v3  }
0x23c: {  	v13 =	vbroadcast v13, $0xF;
	v25 =	vmul.f32 v25, v29;
	(xrf2) =	vadd.scan.msk.f32 $0xffff, v9  }
0x23d: {  	v3 =	vmul.f32 v14, v3;
	v15 =	vmul.f32 v16, v15;
	v16 =	vunpack.i.l.bf16.f32 v19  }
0x23e: {  	v27 =	vld [tilespmem:s22+$0x70];
	v16 =	vmul.f32 v25, v16;
	v19 =	vmul.f32 v31, v23;
	v9 =	vunpack.i.u.bf16.f32 v26  }
0x23f: {  	v18 =	vmul.f32 v30, v18;
	v23 =	vld [tilespmem:s15+$0x70];
	v9 =	vmul.f32 v15, v9;
	v15 =	vunpack.i.u.bf16.f32 v60  }
0x240: {  	v4 =	vmul.f32 v13, v4;
	v28 =	vld [tilespmem:s20+$0xFFFFFFF0];
	(xrf2) =	vadd.scan.msk.f32 $0xffff, v16;
	v16 =	vunpack.i.l.bf16.f32 v60;
	v15 =	vmul.f32 v19, v15  }
0x241: {  	v14 =	vbroadcast v20, $0xF;
	(xrf2) =	vadd.scan.msk.f32 $0xffff, v9;
	v9 =	vmul.f32 v18, v16  }
0x242: {  	v7 =	vmul.f32 v7, v8;
	(xrf2) =	vadd.scan.msk.f32 $0xffff, v15  }
0x243: {  	v4 =	vmul.f32 v4, v11;
	v61 =	vunpack.i.l.bf16.f32 v27;
	(xrf2) =	vadd.scan.msk.f32 $0xffff, v9;
	v9 =	vmul.f32 v14, v12  }
0x244: {  	v13 =	vld [tilespmem:s12+$0xFFFFFFF0];
	v7 =	vmul.f32 v7, v61;
	v11 =	vunpack.i.l.bf16.f32 v23;
	v14 =	vbroadcast v21, $0xF  }
0x245: {  	v16 =	vunpack.i.u.bf16.f32 v28;
	v9 =	vmul.f32 v9, v11;
	v11 =	vbroadcast v22, $0xF  }
0x246: {  	[tilespmem:s23+$0x60] =	vst v2;
	v16 =	vmul.f32 v17, v16;
	v2 =	vmul.f32 v14, v5;
	v17, _, _ =	vpop (xrf2)  }
0x247: {  	v5 =	vmul.f32 v11, v5;
	v11 =	vbroadcast v17, $0xF  }
0x248: {  	v15 =	vunpack.i.l.bf16.f32 v28;
	v14 =	vbroadcast v24, $0xF  }
0x249: {  	[tilespmem:s29+$0x70] =	vst v7;
	v7 =	vunpack.i.u.bf16.f32 v13;
	v3 =	vmul.f32 v3, v15;
	v15 =	vld [tilespmem:s22+$0xFFFFFFF0]  }
0x24a: {  	v13 =	vunpack.i.l.bf16.f32 v13;
	v2 =	vmul.f32 v2, v7;
	v7 =	vmul.f32 v14, v8  }
0x24b: {  	[tilespmem:s23+$0xFFFFFFF0] =	vst v3;
	v8 =	vunpack.i.u.bf16.f32 v27;
	v3 =	vmul.f32 v5, v13;
	v5 =	vmul.f32 v11, v6;
	v11, _, _ =	vpop (xrf2)  }
0x24c: {  	[tilespmem:s3+$0x60] =	vst v4;
	v4 =	vmul.f32 v7, v8;
	v8 =	vbroadcast v11, $0xF;
	_ =	sdelay $0x1  }
0x24d: {  	[tilespmem:s23+$0xFFFFFFE0] =	vst v16;
	v7 =	vunpack.i.u.bf16.f32 v15;
	v13 =	vld [tilespmem:s15+$0xFFFFFFF0];
	v11, _, _ =	vpop (xrf2)  }
0x24e: {  	[tilespmem:s9+$0x70] =	vst v9;
	v5 =	vmul.f32 v5, v7;
	v7 =	vbroadcast v11, $0xF;
	v9, _, _ =	vpop (xrf2)  }
0x24f: {  	[tilespmem:s3+$0xFFFFFFE0] =	vst v2;
	v2 =	vmul.f32 v8, v6;
	v6 =	vbroadcast v9, $0xF;
	v8, _, _ =	vpop (xrf2)  }
0x250: {  	[tilespmem:s3+$0xFFFFFFF0] =	vst v3;
	v3 =	vunpack.i.l.bf16.f32 v15;
	v7 =	vmul.f32 v7, v12;
	v8 =	vbroadcast v8, $0xF  }
0x251: {  	[tilespmem:s29+$0x60] =	vst v4;
	v9 =	vunpack.i.u.bf16.f32 v23;
	v2 =	vmul.f32 v2, v3;
	v3 =	vmul.f32 v6, v10  }
0x252: {  	[tilespmem:s29+$0xFFFFFFE0] =	vst v5;
	v5 =	vunpack.i.u.bf16.f32 v13;
	v4 =	vmul.f32 v7, v9;
	v6 =	vmul.f32 v8, v10  }
0x253: {  	[tilespmem:s29+$0xFFFFFFF0] =	vst v2;
	v2 =	vunpack.i.l.bf16.f32 v13;
	v3 =	vmul.f32 v3, v5  }
0x254: {  	[tilespmem:s9+$0x60] =	vst v4;
	v2 =	vmul.f32 v6, v2  }
0x255: {  	[tilespmem:s9+$0xFFFFFFE0] =	vst v3  }
0x256: {  	s21 =	simm.s32 $0x30;
	s20 =	rddreg [dreg:$0x5];
	s22 =	simm.s32 $0x200;
	[tilespmem:s9+$0xFFFFFFF0] =	vst v2  }
0x257: {  	[spmem:s20] =	stream.indirect.scatter.add.f32 [tilespmem:s26], [sflag:$0x5], $0x80, s22, s21, $0xb8;
	[tilespmem:$0x1CD80] =	vst v63  }
0x258: {  	_ =	swait.ge [sflag:s28], $0x1800  }
0x259: {  	[sflag:s28] =	ssyncset.done $0x0  }
0x25a: {  	[sflag:s28] =	ssyncadd.s32 $0xFFFFE800  }
0x25b: {  	_ =	swait.ge [sflag:s31], $0x28  }
0x25c: {  	[sflag:s31] =	ssyncset.done $0x0  }
0x25d: {  	[sflag:s31] =	ssyncadd.s32 $0xFFFFFFD8  }
0x25e: {  	_ =	swait.ge [sflag:s31], $0x28  }
0x25f: {  	[sflag:s31] =	ssyncset.done $0x0  }
0x260: {  	[sflag:s31] =	ssyncadd.s32 $0xFFFFFFD8  }
0x261: {  	_ =	swait.ge [sflag:s31], $0x28  }
0x262: {  	s8 =	simm.s32 $0x500;
	s6 =	simm.s32 $0x28;
	[sflag:s31] =	ssyncset.done $0x0  }
0x263: {  	s23 =	simm.s32 $0x0;
	s5 =	rddreg [dreg:$0x8];
	[sflag:s31] =	ssyncadd.s32 $0xFFFFFFD8  }
0x264: {  	[tilespmem:s8], [sflag:$0x1] =	stream.indirect.gather [hbm4b:s5+s6], $0x80, s23, s6, $0xb8;
	[tilespmem:$0x1CD80] =	vst v63  }
0x265: {  	s10 =	simm.s32 $0x2D00;
	s9 =	simm.s32 $0x100  }
0x266: {  	[tilespmem:s10], [sflag:$0x1] =	stream.indirect.gather [hbm4b:s11+s6], $0x80, s9, s6, $0xb8;
	[tilespmem:$0x1CD80] =	vst v63  }
0x267: {  	s29 =	smov.u32 s11;
	s12 =	rddreg [dreg:$0x9];
	s11 =	sshll.u32 s19, $0x4  }
0x268: {  	s14 =	simm.s32 $0x5500;
	s1 =	sadd.s32 s12, s11  }
0x269: {  	[tilespmem:s14], [sflag:$0x1] =	stream.linear.gather [hbm4b:s1+s23], $0x1400, $0x38;
	[tilespmem:$0x1CD80] =	vst v63  }
0x26a: {  	_ =	swait.ge [sflag:s7], $0x1400  }
0x26b: {  	[sflag:s7] =	ssyncset.done $0x0  }
0x26c: {  	[sflag:s7] =	ssyncadd.s32 $0xFFFFEC00  }
0x26d: {  	_ =	swait.ge [sflag:s7], $0x1400  }
0x26e: {  	[sflag:s7] =	ssyncset.done $0x0  }
0x26f: {  	[sflag:s7] =	ssyncadd.s32 $0xFFFFEC00  }
0x270: {  	_ =	swait.ge [sflag:s7], $0x1400  }
0x271: {  	[sflag:s7] =	ssyncset.done $0x0  }
0x272: {  	[sflag:s7] =	ssyncadd.s32 $0xFFFFEC00  }
0x273: {  	v2 =	vld [tilespmem:$0x180]  }
0x274: {  	v3 =	vld [tilespmem:$0x380]  }
0x275: {  	v4 =	vld [tilespmem:$0x190]  }
0x276: {  	v5 =	vld [tilespmem:$0x390]  }
0x277: {  	v6 =	vld [tilespmem:$0x1A0]  }
0x278: {  	[tilespmem:$0x280] =	vst v2;
	v2 =	vld [tilespmem:$0x3A0]  }
0x279: {  	[tilespmem:$0x480] =	vst v3  }
0x27a: {  	s15 =	rddreg [dreg:$0x15];
	[tilespmem:$0x290] =	vst v4  }
0x27b: {  	s1 =	sadd.s32 s17, s15;
	[tilespmem:$0x490] =	vst v5  }
0x27c: {  	s1 =	sshrl.u32 s1, $0x3;
	s16 =	rddreg [dreg:$0x2];
	[tilespmem:$0x2A0] =	vst v6  }
0x27d: {  	s11 =	simm.s32 $0x80;
	s17 =	rddreg [dreg:$0x3];
	s2 =	sadd.s32 s16, s1;
	[tilespmem:$0x4A0] =	vst v2  }
0x27e: {  	[tilespmem:s11], [sflag:$0x4] =	stream.linear.gather [hbm4b:s2+s23], $0x28, $0x38;
	[tilespmem:$0x1CD80] =	vst v63  }
0x27f: {  	s19 =	simm.s32 $0x180;
	s20 =	rddreg [dreg:$0x4];
	s2 =	sadd.s32 s17, s1  }
0x280: {  	[tilespmem:s19], [sflag:$0x4] =	stream.linear.gather [hbm4b:s2+s23], $0x28, $0x38;
	[tilespmem:$0x1CD80] =	vst v63  }
0x281: {  	s21 =	simm.s32 $0x380;
	s16 =	simm.s32 $0x4180;
	s1 =	sadd.s32 s20, s1  }
0x282: {  	[tilespmem:s21], [sflag:$0x4] =	stream.linear.gather [hbm4b:s1+s23], $0x28, $0x38;
	[tilespmem:$0x1CD80] =	vst v63  }
0x283: {  	s15 =	simm.s32 $0x6980;
	v2 =	vld [tilespmem:s16+$0x0]  }
0x284: {  	s10 =	simm.s32 $0x1980;
	v3 =	vld [tilespmem:s15+$0x0]  }
0x285: {  	v4 =	vld [tilespmem:s10+$0x0]  }
0x286: {  	v5 =	vld [tilespmem:s16+$0x10]  }
0x287: {  	v6 =	vld [tilespmem:s15+$0x10];
	_ =	sdelay $0x3  }
0x288: {  	v2 =	vmul.f32 v3, v2  }
0x289: {  	v3 =	vunpack.i.u.bf16.f32 v4;
	v5 =	vmul.f32 v6, v5  }
0x28a: {  	v2 =	vmul.f32 v2, v3;
	v3 =	vunpack.i.l.bf16.f32 v4  }
0x28b: {  	v3 =	vmul.f32 v5, v3  }
0x28c: {  	(xrf2) =	vadd.scan.msk.f32 $0xffff, v2  }
0x28d: {  	(xrf2) =	vadd.scan.msk.f32 $0xffff, v3  }
0x28e: {  	s22 =	simm.s32 $0x1  }
0x28f: {  	v2 =	vmov s22;
	_ =	sdelay $0x4  }
0x290: {  	v9 =	vld.idx.msk [tilespmem:v2+s30+$0x0], $0xffff  }
0x291: {  	v2 =	vld [tilespmem:s10+$0x40]  }
0x292: {  	v3, _, _ =	vpop (xrf2)  }
0x293: {  	v3 =	vbroadcast v3, $0xF;
	v4, _, _ =	vpop (xrf2)  }
0x294: {  	v4 =	vbroadcast v4, $0xF  }
0x295: {  	v3 =	vmul.f32 v3, v9  }
0x296: {  	v7 =	vld [tilespmem:s15+$0xFFFFFF80];
	v6 =	vunpack.i.u.bf16.f32 v2;
	v4 =	vmul.f32 v4, v9  }
0x297: {  	v5 =	vld [tilespmem:s16+$0xFFFFFF80];
	v2 =	vunpack.i.l.bf16.f32 v2;
	v3 =	vmul.f32 v3, v6  }
0x298: {  	s17 =	simm.s32 $0x7D80;
	v6 =	vld [tilespmem:s16+$0xFFFFFF90];
	v2 =	vmul.f32 v4, v2  }
0x299: {  	v4 =	vld [tilespmem:s15+$0xFFFFFF90];
	[tilespmem:s17+$0x0] =	vst v3  }
0x29a: {  	v3 =	vld [tilespmem:s10+$0xFFFFFF80];
	[tilespmem:s17+$0x10] =	vst v2  }
0x29b: {  	v2 =	vld [tilespmem:s16+$0x20]  }
0x29c: {  	v8 =	vld [tilespmem:s15+$0x20]  }
0x29d: {  	v10 =	vld [tilespmem:s10+$0x10]  }
0x29e: {  	v11 =	vld [tilespmem:s16+$0x30]  }
0x29f: {  	v12 =	vld [tilespmem:s15+$0x30];
	_ =	sdelay $0x1  }
0x2a0: {  	v5 =	vmul.f32 v7, v5  }
0x2a1: {  	v4 =	vmul.f32 v4, v6;
	v6 =	vunpack.i.u.bf16.f32 v3  }
0x2a2: {  	v3 =	vunpack.i.l.bf16.f32 v3;
	v5 =	vmul.f32 v5, v6;
	v2 =	vmul.f32 v8, v2  }
0x2a3: {  	v3 =	vmul.f32 v4, v3;
	v4 =	vunpack.i.u.bf16.f32 v10;
	v6 =	vmul.f32 v12, v11  }
0x2a4: {  	(xrf2) =	vadd.scan.msk.f32 $0xffff, v5;
	v2 =	vmul.f32 v2, v4;
	v4 =	vunpack.i.l.bf16.f32 v10  }
0x2a5: {  	(xrf2) =	vadd.scan.msk.f32 $0xffff, v3;
	v3 =	vmul.f32 v6, v4  }
0x2a6: {  	(xrf2) =	vadd.scan.msk.f32 $0xffff, v2  }
0x2a7: {  	(xrf2) =	vadd.scan.msk.f32 $0xffff, v3;
	_ =	sdelay $0x1  }
0x2a8: {  	s19 =	simm.s32 $0x1A80  }
0x2a9: {  	s1 =	simm.s32 $0x6A80;
	v7 =	vld [tilespmem:s19+$0x0]  }
0x2aa: {  	v12 =	vld [tilespmem:s1+$0x10];
	v2 =	vmov s23  }
0x2ab: {  	s14 =	simm.s32 $0x4280;
	v5 =	vld [tilespmem:s1+$0x0];
	v2 =	vand.u32 $0xFFFFFFFE, v2  }
0x2ac: {  	v10 =	vld [tilespmem:s14+$0x10];
	v2 =	vbroadcast v2, $0x0  }
0x2ad: {  	v3 =	vld [tilespmem:s14+$0x0];
	v6, _, _ =	vpop (xrf2)  }
0x2ae: {  	v4 =	vld [tilespmem:s10+$0x50];
	v8, _, _ =	vpop (xrf2)  }
0x2af: {  	v11, _, _ =	vpop (xrf2)  }
0x2b0: {  	v11 =	vbroadcast v11, $0xF;
	v13, _, _ =	vpop (xrf2)  }
0x2b1: {  	v15 =	vunpack.i.u.bf16.f32 v7;
	v10 =	vmul.f32 v12, v10;
	v13 =	vbroadcast v13, $0xF  }
0x2b2: {  	v7 =	vunpack.i.l.bf16.f32 v7;
	v3 =	vmul.f32 v5, v3;
	v2 =	vld.idx.msk [tilespmem:v2+s30+$0x0], $0xffff;
	v11 =	vmul.f32 v11, v9  }
0x2b3: {  	v14 =	vunpack.i.u.bf16.f32 v4;
	v7 =	vmul.f32 v10, v7;
	v5 =	vld [tilespmem:s10+$0xFFFFFFC0];
	v13 =	vmul.f32 v13, v9  }
0x2b4: {  	v4 =	vunpack.i.l.bf16.f32 v4;
	v3 =	vmul.f32 v3, v15;
	v11 =	vmul.f32 v11, v14  }
0x2b5: {  	v6 =	vbroadcast v6, $0xF;
	v4 =	vmul.f32 v13, v4  }
0x2b6: {  	v8 =	vbroadcast v8, $0xF;
	(xrf2) =	vadd.scan.msk.f32 $0xffff, v3;
	[tilespmem:s17+$0x20] =	vst v11  }
0x2b7: {  	(xrf2) =	vadd.scan.msk.f32 $0xffff, v7;
	v3 =	vmul.f32 v6, v2;
	[tilespmem:s17+$0x30] =	vst v4  }
0x2b8: {  	s23 =	simm.s32 $0x3;
	v6 =	vmul.f32 v8, v2;
	v4 =	vunpack.i.u.bf16.f32 v5;
	v7 =	vld [tilespmem:s10+$0x20]  }
0x2b9: {  	v8 =	vmov s23;
	v5 =	vunpack.i.l.bf16.f32 v5;
	v3 =	vmul.f32 v3, v4;
	v4 =	vld [tilespmem:s16+$0x40]  }
0x2ba: {  	v5 =	vmul.f32 v6, v5;
	v6 =	vld [tilespmem:s15+$0x40]  }
0x2bb: {  	v10 =	vld [tilespmem:s16+$0x50]  }
0x2bc: {  	[tilespmem:s17+$0xFFFFFF90] =	vst v5;
	v5 =	vld [tilespmem:s15+$0x50]  }
0x2bd: {  	v16 =	vld [tilespmem:s14+$0xFFFFFF90]  }
0x2be: {  	[tilespmem:s17+$0xFFFFFF80] =	vst v3;
	v3 =	vld.idx.msk [tilespmem:v8+s30+$0x0], $0xffff  }
0x2bf: {  	v8 =	vld [tilespmem:s19+$0x40]  }
0x2c0: {  	v11 =	vld [tilespmem:s16+$0xFFFFFFA0];
	v4 =	vmul.f32 v6, v4;
	v6, _, _ =	vpop (xrf2)  }
0x2c1: {  	v12 =	vld [tilespmem:s15+$0xFFFFFFA0];
	v14 =	vunpack.i.u.bf16.f32 v7;
	v6 =	vbroadcast v6, $0xF;
	v5 =	vmul.f32 v5, v10;
	v10, _, _ =	vpop (xrf2)  }
0x2c2: {  	v13 =	vld [tilespmem:s16+$0xFFFFFFB0];
	v7 =	vunpack.i.l.bf16.f32 v7;
	v4 =	vmul.f32 v4, v14;
	v10 =	vbroadcast v10, $0xF  }
0x2c3: {  	v15 =	vld [tilespmem:s15+$0xFFFFFFB0];
	v6 =	vmul.f32 v6, v3;
	v5 =	vmul.f32 v5, v7  }
0x2c4: {  	v14 =	vld [tilespmem:s14+$0xFFFFFF80];
	(xrf2) =	vadd.scan.msk.f32 $0xffff, v4;
	v4 =	vunpack.i.u.bf16.f32 v8;
	v10 =	vmul.f32 v10, v3  }
0x2c5: {  	v7 =	vld [tilespmem:s1+$0xFFFFFF80];
	v4 =	vmul.f32 v6, v4;
	(xrf2) =	vadd.scan.msk.f32 $0xffff, v5;
	v5 =	vunpack.i.l.bf16.f32 v8  }
0x2c6: {  	s20 =	simm.s32 $0x7E80;
	v6 =	vld [tilespmem:s1+$0xFFFFFF90];
	v5 =	vmul.f32 v10, v5  }
0x2c7: {  	v8 =	vld [tilespmem:s19+$0xFFFFFF80];
	[tilespmem:s20+$0x0] =	vst v4  }
0x2c8: {  	v4 =	vld [tilespmem:s10+$0xFFFFFF90];
	[tilespmem:s20+$0x10] =	vst v5  }
0x2c9: {  	v5 =	vld [tilespmem:s14+$0x20]  }
0x2ca: {  	v18 =	vld [tilespmem:s1+$0x20]  }
0x2cb: {  	v7 =	vmul.f32 v7, v14;
	v14 =	vld [tilespmem:s19+$0x10]  }
0x2cc: {  	v6 =	vmul.f32 v6, v16;
	v16 =	vld [tilespmem:s14+$0x30]  }
0x2cd: {  	s2 =	simm.s32 $0x2;
	v11 =	vmul.f32 v12, v11;
	v13 =	vmul.f32 v15, v13;
	v15 =	vld [tilespmem:s1+$0x30];
	v12 =	vunpack.i.u.bf16.f32 v8  }
0x2ce: {  	v10 =	vmov s2;
	v8 =	vunpack.i.l.bf16.f32 v8;
	v7 =	vmul.f32 v7, v12  }
0x2cf: {  	v10 =	vand.u32 $0xFFFFFFFE, v10;
	v6 =	vmul.f32 v6, v8;
	v8 =	vunpack.i.u.bf16.f32 v4  }
0x2d0: {  	v17 =	vld [tilespmem:s10+$0x60];
	v10 =	vbroadcast v10, $0x0;
	v4 =	vunpack.i.l.bf16.f32 v4;
	v8 =	vmul.f32 v11, v8;
	(xrf2) =	vadd.scan.msk.f32 $0xffff, v7  }
0x2d1: {  	v4 =	vmul.f32 v13, v4;
	v12, _, _ =	vpop (xrf2);
	v5 =	vmul.f32 v18, v5  }
0x2d2: {  	v12 =	vbroadcast v12, $0xF;
	(xrf2) =	vadd.scan.msk.f32 $0xffff, v6;
	v13 =	vunpack.i.u.bf16.f32 v14;
	v15 =	vmul.f32 v15, v16;
	v19, _, _ =	vpop (xrf2)  }
0x2d3: {  	(xrf2) =	vadd.scan.msk.f32 $0xffff, v8;
	v8 =	vunpack.i.l.bf16.f32 v14;
	v11 =	vbroadcast v19, $0xF;
	v5 =	vmul.f32 v5, v13  }
0x2d4: {  	s5 =	simm.s32 $0x6B80;
	v7 =	vmul.f32 v12, v9;
	(xrf2) =	vadd.scan.msk.f32 $0xffff, v4;
	v8 =	vmul.f32 v15, v8  }
0x2d5: {  	v20 =	vld [tilespmem:s5+$0x10];
	v12 =	vunpack.i.u.bf16.f32 v17;
	v11 =	vmul.f32 v11, v9;
	(xrf2) =	vadd.scan.msk.f32 $0xffff, v5  }
0x2d6: {  	v6 =	vunpack.i.l.bf16.f32 v17;
	v14 =	vld [tilespmem:s5+$0x0];
	v7 =	vmul.f32 v7, v12;
	(xrf2) =	vadd.scan.msk.f32 $0xffff, v8  }
0x2d7: {  	v5 =	vld [tilespmem:s19+$0xFFFFFFC0];
	v6 =	vmul.f32 v11, v6  }
0x2d8: {  	s2 =	simm.s32 $0x4380;
	v4 =	vld.idx.msk [tilespmem:v10+s30+$0x0], $0xffff;
	[tilespmem:s17+$0x40] =	vst v7  }
0x2d9: {  	v11 =	vld [tilespmem:s2+$0x0];
	[tilespmem:s17+$0x50] =	vst v6  }
0x2da: {  	v6 =	vld [tilespmem:s16+$0x70];
	v10, _, _ =	vpop (xrf2)  }
0x2db: {  	v7 =	vld [tilespmem:s15+$0x70];
	v10 =	vbroadcast v10, $0xF  }
0x2dc: {  	s12 =	simm.s32 $0x1B80;
	v8 =	vld [tilespmem:s10+$0x30];
	v17 =	vunpack.i.u.bf16.f32 v5;
	v13, _, _ =	vpop (xrf2)  }
0x2dd: {  	v16 =	vld [tilespmem:s12+$0x0];
	v13 =	vbroadcast v13, $0xF;
	v15, _, _ =	vpop (xrf2);
	v10 =	vmul.f32 v10, v4  }
0x2de: {  	v12 =	vld [tilespmem:s19+$0x50];
	v11 =	vmul.f32 v14, v11;
	v18, _, _ =	vpop (xrf2)  }
0x2df: {  	v19 =	vld [tilespmem:s2+$0x10];
	v13 =	vmul.f32 v13, v4;
	v10 =	vmul.f32 v10, v17;
	v17, _, _ =	vpop (xrf2)  }
0x2e0: {  	v5 =	vunpack.i.l.bf16.f32 v5;
	v6 =	vmul.f32 v7, v6;
	v7 =	vbroadcast v17, $0xF;
	v17, _, _ =	vpop (xrf2)  }
0x2e1: {  	v5 =	vmul.f32 v13, v5;
	v13 =	vunpack.i.l.bf16.f32 v8;
	v17 =	vbroadcast v17, $0xF  }
0x2e2: {  	v6 =	vmul.f32 v6, v13;
	v7 =	vmul.f32 v7, v3  }
0x2e3: {  	v13 =	vunpack.i.u.bf16.f32 v12;
	v12 =	vunpack.i.l.bf16.f32 v12;
	v17 =	vmul.f32 v17, v3  }
0x2e4: {  	[tilespmem:s20+$0xFFFFFF80] =	vst v10;
	v10 =	vunpack.i.u.bf16.f32 v16;
	v7 =	vmul.f32 v7, v13;
	v13 =	vmul.f32 v20, v19  }
0x2e5: {  	v14 =	vld [tilespmem:s10+$0xFFFFFFD0];
	[tilespmem:s20+$0xFFFFFF90] =	vst v5;
	v10 =	vmul.f32 v11, v10;
	v11 =	vunpack.i.l.bf16.f32 v16;
	v5 =	vmul.f32 v17, v12  }
0x2e6: {  	(xrf2) =	vadd.scan.msk.f32 $0xffff, v6;
	v17 =	vbroadcast v18, $0xF;
	v18 =	vld [tilespmem:s5+$0xFFFFFF80];
	[tilespmem:s20+$0x20] =	vst v7;
	v6 =	vmul.f32 v13, v11  }
0x2e7: {  	(xrf2) =	vadd.scan.msk.f32 $0xffff, v10;
	v7 =	vld [tilespmem:s2+$0xFFFFFF80];
	[tilespmem:s20+$0x30] =	vst v5  }
0x2e8: {  	v10 =	vld [tilespmem:s19+$0x20];
	(xrf2) =	vadd.scan.msk.f32 $0xffff, v6  }
0x2e9: {  	s3 =	simm.s32 $0x5;
	v6 =	vld [tilespmem:s14+$0x40]  }
0x2ea: {  	v13 =	vbroadcast v15, $0xF;
	v5 =	vmov s3;
	v11 =	vld [tilespmem:s1+$0x40]  }
0x2eb: {  	v16 =	vld [tilespmem:s14+$0x50]  }
0x2ec: {  	v17 =	vmul.f32 v17, v2;
	v15 =	vld [tilespmem:s1+$0x50];
	v13 =	vmul.f32 v13, v2  }
0x2ed: {  	v19 =	vld [tilespmem:s12+$0xFFFFFF80];
	v20 =	vunpack.i.u.bf16.f32 v14;
	v14 =	vunpack.i.l.bf16.f32 v14  }
0x2ee: {  	v14 =	vmul.f32 v17, v14;
	v17 =	vld [tilespmem:s2+$0xFFFFFF90]  }
0x2ef: {  	v5 =	vld.idx.msk [tilespmem:v5+s30+$0x0], $0xffff  }
0x2f0: {  	v20 =	vmul.f32 v13, v20;
	v13, _, _ =	vpop (xrf2);
	v6 =	vmul.f32 v11, v6;
	v11 =	vld [tilespmem:s12+$0x40]  }
0x2f1: {  	v7 =	vmul.f32 v18, v7;
	v21 =	vunpack.i.u.bf16.f32 v10;
	v15 =	vmul.f32 v15, v16;
	v16 =	vld [tilespmem:s5+$0xFFFFFF90];
	v22, _, _ =	vpop (xrf2)  }
0x2f2: {  	v23 =	vld [tilespmem:s1+$0xFFFFFFA0];
	v10 =	vunpack.i.l.bf16.f32 v10;
	v6 =	vmul.f32 v6, v21;
	v21 =	vbroadcast v22, $0xF;
	v22, _, _ =	vpop (xrf2)  }
0x2f3: {  	v12 =	vld [tilespmem:s14+$0xFFFFFFA0];
	[tilespmem:s17+$0xFFFFFFB0] =	vst v14;
	v10 =	vmul.f32 v15, v10;
	v15 =	vbroadcast v22, $0xF  }
0x2f4: {  	v18 =	vld [tilespmem:s1+$0xFFFFFFB0];
	[tilespmem:s17+$0xFFFFFFA0] =	vst v20;
	v20 =	vunpack.i.u.bf16.f32 v19;
	(xrf2) =	vadd.scan.msk.f32 $0xffff, v6;
	v6 =	vmul.f32 v21, v5  }
0x2f5: {  	v14 =	vld [tilespmem:s19+$0xFFFFFF90];
	v7 =	vmul.f32 v7, v20;
	(xrf2) =	vadd.scan.msk.f32 $0xffff, v10;
	v10 =	vunpack.i.u.bf16.f32 v11;
	v15 =	vmul.f32 v15, v5  }
0x2f6: {  	v11 =	vunpack.i.l.bf16.f32 v11;
	v22 =	vld [tilespmem:s14+$0xFFFFFFB0];
	v6 =	vmul.f32 v6, v10;
	v10 =	vmul.f32 v16, v17  }
0x2f7: {  	s6 =	simm.s32 $0x4;
	s3 =	simm.s32 $0x7F80;
	v16 =	vld [tilespmem:s16+$0xFFFFFFC0];
	v17 =	vunpack.i.l.bf16.f32 v19;
	v11 =	vmul.f32 v15, v11  }
0x2f8: {  	v19 =	vld [tilespmem:s15+$0xFFFFFFC0];
	(xrf2) =	vadd.scan.msk.f32 $0xffff, v7;
	[tilespmem:s3+$0x0] =	vst v6;
	v7 =	vmul.f32 v10, v17;
	v15 =	vmov s6  }
0x2f9: {  	v6 =	vand.u32 $0xFFFFFFFE, v15;
	v15 =	vld [tilespmem:s10+$0xFFFFFFA0];
	[tilespmem:s3+$0x10] =	vst v11  }
0x2fa: {  	(xrf2) =	vadd.scan.msk.f32 $0xffff, v7;
	v10 =	vld [tilespmem:s2+$0x20]  }
0x2fb: {  	v17 =	vld [tilespmem:s5+$0x20]  }
0x2fc: {  	v11 =	vmul.f32 v23, v12;
	v12 =	vmul.f32 v18, v22;
	v20 =	vld [tilespmem:s12+$0x10]  }
0x2fd: {  	v18 =	vunpack.i.u.bf16.f32 v14;
	v14 =	vunpack.i.l.bf16.f32 v14;
	v21 =	vld [tilespmem:s5+$0x30]  }
0x2fe: {  	v12 =	vmul.f32 v12, v14;
	v14 =	vld [tilespmem:s2+$0x30]  }
0x2ff: {  	s21 =	simm.s32 $0x1C80;
	v18 =	vmul.f32 v11, v18  }
0x300: {  	v30 =	vld [tilespmem:s21+$0x0];
	v6 =	vbroadcast v6, $0x0  }
0x301: {  	v42 =	vld [tilespmem:s21+$0xFFFFFF80];
	s22 =	simm.s32 $0x6C80;
	v16 =	vmul.f32 v19, v16;
	v11, _, _ =	vpop (xrf2);
	(xrf2) =	vadd.scan.msk.f32 $0xffff, v18;
	v18 =	vunpack.i.u.bf16.f32 v20  }
0x302: {  	v28 =	vld [tilespmem:s22+$0x0];
	v22 =	vunpack.i.u.bf16.f32 v15;
	v19 =	vbroadcast v11, $0xF;
	v11, _, _ =	vpop (xrf2);
	v10 =	vmul.f32 v17, v10  }
0x303: {  	v7 =	vld [tilespmem:s19+$0x60];
	s6 =	simm.s32 $0x4480;
	v16 =	vmul.f32 v16, v22;
	v25, _, _ =	vpop (xrf2);
	v14 =	vmul.f32 v21, v14  }
0x304: {  	s8 =	simm.s32 $0x6;
	v62 =	vld [tilespmem:s6+$0x10];
	(xrf2) =	vadd.scan.msk.f32 $0xffff, v12;
	v23 =	vbroadcast v11, $0xF;
	v20 =	vunpack.i.l.bf16.f32 v20;
	v10 =	vmul.f32 v10, v18;
	v18, _, _ =	vpop (xrf2)  }
0x305: {  	v24 =	vmov s8;
	v40 =	vld [tilespmem:s6+$0xFFFFFF80];
	(xrf2) =	vadd.scan.msk.f32 $0xffff, v16;
	v16 =	vbroadcast v18, $0xF;
	v18 =	vmul.f32 v14, v20  }
0x306: {  	v22 =	vand.u32 $0xFFFFFFFE, v24;
	v6 =	vld.idx.msk [tilespmem:v6+s30+$0x0], $0xffff;
	(xrf2) =	vadd.scan.msk.f32 $0xffff, v10  }
0x307: {  	v17 =	vld [tilespmem:s12+$0xFFFFFFC0];
	v12 =	vbroadcast v22, $0x0;
	v23 =	vmul.f32 v23, v3;
	(xrf2) =	vadd.scan.msk.f32 $0xffff, v18  }
0x308: {  	v26 =	vunpack.i.u.bf16.f32 v7;
	v7 =	vunpack.i.l.bf16.f32 v7;
	v24 =	vld [tilespmem:s16+$0x60]  }
0x309: {  	v11 =	vld [tilespmem:s10+$0x70];
	v7 =	vmul.f32 v23, v7  }
0x30a: {  	v22 =	vld [tilespmem:s16+$0xFFFFFFD0];
	v19 =	vmul.f32 v19, v3  }
0x30b: {  	v21 =	vld [tilespmem:s19+$0xFFFFFFD0];
	[tilespmem:s20+$0x50] =	vst v7;
	v7 =	vmul.f32 v16, v6  }
0x30c: {  	v25 =	vbroadcast v25, $0xF;
	v19 =	vmul.f32 v19, v26;
	v20 =	vld [tilespmem:s15+$0xFFFFFFD0];
	v16 =	vunpack.i.l.bf16.f32 v17  }
0x30d: {  	v16 =	vmul.f32 v7, v16;
	v7 =	vld.idx.msk [tilespmem:v12+s30+$0x0], $0xffff;
	v12, _, _ =	vpop (xrf2)  }
0x30e: {  	[tilespmem:s20+$0x40] =	vst v19;
	v19 =	vmul.f32 v25, v6;
	v25 =	vld [tilespmem:s12+$0x50];
	v23, _, _ =	vpop (xrf2)  }
0x30f: {  	v10 =	vunpack.i.u.bf16.f32 v17;
	v17 =	vld [tilespmem:s14+$0x70];
	v27, _, _ =	vpop (xrf2)  }
0x310: {  	v18 =	vmul.f32 v19, v10;
	v19 =	vld [tilespmem:s1+$0x70];
	v29, _, _ =	vpop (xrf2)  }
0x311: {  	v10 =	vld [tilespmem:s19+$0x30];
	v29 =	vbroadcast v29, $0xF;
	v31, _, _ =	vpop (xrf2)  }
0x312: {  	[tilespmem:s3+$0xFFFFFF80] =	vst v18;
	v18 =	vld [tilespmem:s6+$0x0];
	v20 =	vmul.f32 v20, v22;
	v22 =	vbroadcast v31, $0xF  }
0x313: {  	v31 =	vld [tilespmem:s22+$0x10];
	v29 =	vmul.f32 v29, v5  }
0x314: {  	v15 =	vunpack.i.l.bf16.f32 v15;
	v26 =	vld [tilespmem:s15+$0x60];
	v38 =	vunpack.i.u.bf16.f32 v25;
	v22 =	vmul.f32 v22, v5  }
0x315: {  	v14 =	vld [tilespmem:s10+$0xFFFFFFE0];
	v25 =	vunpack.i.l.bf16.f32 v25;
	v17 =	vmul.f32 v19, v17;
	v29 =	vmul.f32 v29, v38  }
0x316: {  	v44 =	vld [tilespmem:s1+$0x60];
	[tilespmem:s3+$0xFFFFFF90] =	vst v16;
	v15 =	vmul.f32 v20, v15;
	v39 =	vunpack.i.l.bf16.f32 v10;
	v22 =	vmul.f32 v22, v25  }
0x317: {  	v16 =	vld [tilespmem:s2+$0xFFFFFFA0];
	v18 =	vmul.f32 v28, v18;
	v17 =	vmul.f32 v17, v39;
	[tilespmem:s3+$0x20] =	vst v29  }
0x318: {  	v63 =	vld [tilespmem:s5+$0xFFFFFFA0];
	(xrf2) =	vadd.scan.msk.f32 $0xffff, v15;
	v28 =	vunpack.i.u.bf16.f32 v30;
	v29 =	vmul.f32 v31, v62;
	[tilespmem:s3+$0x30] =	vst v22  }
0x319: {  	v15 =	vmul.f32 v18, v28;
	v18 =	vunpack.i.l.bf16.f32 v30;
	(xrf2) =	vadd.scan.msk.f32 $0xffff, v17;
	v17 =	vld [tilespmem:s12+$0x20]  }
0x31a: {  	v18 =	vmul.f32 v29, v18;
	v22 =	vld [tilespmem:s2+$0x40]  }
0x31b: {  	(xrf2) =	vadd.scan.msk.f32 $0xffff, v15;
	v28 =	vld [tilespmem:s5+$0x40]  }
0x31c: {  	v23 =	vbroadcast v23, $0xF;
	v30 =	vld [tilespmem:s5+$0x50];
	(xrf2) =	vadd.scan.msk.f32 $0xffff, v18  }
0x31d: {  	s9 =	simm.s32 $0x7;
	v18 =	vld [tilespmem:s2+$0x50]  }
0x31e: {  	v20 =	vld [tilespmem:s2+$0xFFFFFFB0];
	v23 =	vmul.f32 v23, v4;
	v15 =	vmul.f32 v26, v24;
	v29 =	vmov s9  }
0x31f: {  	v8 =	vunpack.i.u.bf16.f32 v8;
	v19 =	vld [tilespmem:s5+$0xFFFFFFB0];
	v27 =	vbroadcast v27, $0xF;
	v24 =	vbroadcast v12, $0xF  }
0x320: {  	v26 =	vbroadcast v13, $0xF;
	v41 =	vmul.f32 v15, v8;
	v25 =	vld [tilespmem:s22+$0xFFFFFF80]  }
0x321: {  	v13 =	vld [tilespmem:s22+$0xFFFFFF90];
	v8 =	vmul.f32 v24, v4;
	v22 =	vmul.f32 v28, v22  }
0x322: {  	v24 =	vunpack.i.u.bf16.f32 v21;
	v31 =	vld [tilespmem:s6+$0xFFFFFF90];
	v43 =	vunpack.i.u.bf16.f32 v17;
	v18 =	vmul.f32 v30, v18  }
0x323: {  	v24 =	vmul.f32 v8, v24;
	v28, _, _ =	vpop (xrf2);
	v8 =	vld.idx.msk [tilespmem:v29+s30+$0x0], $0xffff;
	v17 =	vunpack.i.l.bf16.f32 v17;
	v22 =	vmul.f32 v22, v43  }
0x324: {  	v16 =	vmul.f32 v63, v16;
	(xrf2) =	vadd.scan.msk.f32 $0xffff, v41;
	v29, _, _ =	vpop (xrf2);
	v30 =	vld [tilespmem:s21+$0x40];
	v17 =	vmul.f32 v18, v17  }
0x325: {  	v12 =	vld [tilespmem:s19+$0x70];
	v21 =	vunpack.i.l.bf16.f32 v21;
	[tilespmem:s20+$0xFFFFFFA0] =	vst v24;
	v24 =	vmul.f32 v25, v40;
	v45, _, _ =	vpop (xrf2);
	(xrf2) =	vadd.scan.msk.f32 $0xffff, v22  }
0x326: {  	v15 =	vld [tilespmem:s14+$0x60];
	v18 =	vmul.f32 v23, v21;
	v22 =	vbroadcast v45, $0xF;
	(xrf2) =	vadd.scan.msk.f32 $0xffff, v17;
	v23, _, _ =	vpop (xrf2)  }
0x327: {  	v25 =	vld [tilespmem:s12+$0xFFFFFF90];
	v28 =	vbroadcast v28, $0xF;
	v23 =	vbroadcast v23, $0xF  }
0x328: {  	v21 =	vld [tilespmem:s21+$0xFFFFFFC0];
	[tilespmem:s20+$0xFFFFFFB0] =	vst v18;
	v17 =	vmul.f32 v13, v31;
	v18 =	vunpack.i.u.bf16.f32 v42;
	v22 =	vmul.f32 v22, v8  }
0x329: {  	v13 =	vld [tilespmem:s12+$0xFFFFFFD0];
	v31 =	vunpack.i.l.bf16.f32 v42;
	v47 =	vunpack.i.u.bf16.f32 v30;
	v23 =	vmul.f32 v23, v8  }
0x32a: {  	v46 =	vld [tilespmem:s14+$0xFFFFFFC0];
	v18 =	vmul.f32 v24, v18;
	v30 =	vunpack.i.l.bf16.f32 v30;
	v22 =	vmul.f32 v22, v47  }
0x32b: {  	s0 =	simm.s32 $0x8080;
	v24 =	vld [tilespmem:s1+$0xFFFFFFC0];
	v17 =	vmul.f32 v17, v31;
	v23 =	vmul.f32 v23, v30  }
0x32c: {  	v31 =	vld [tilespmem:s14+$0xFFFFFFD0];
	(xrf2) =	vadd.scan.msk.f32 $0xffff, v18;
	v18 =	vmul.f32 v26, v9;
	[tilespmem:s0+$0x0] =	vst v22;
	v22 =	vmul.f32 v27, v2  }
0x32d: {  	v26 =	vld [tilespmem:s19+$0xFFFFFFA0];
	(xrf2) =	vadd.scan.msk.f32 $0xffff, v17;
	v17 =	vunpack.i.u.bf16.f32 v14;
	[tilespmem:s0+$0x10] =	vst v23;
	v23 =	vmul.f32 v28, v2  }
0x32e: {  	v19 =	vmul.f32 v19, v20;
	v20, _, _ =	vpop (xrf2);
	v14 =	vunpack.i.l.bf16.f32 v14;
	v17 =	vmul.f32 v22, v17;
	v22 =	vld [tilespmem:s12+$0x60]  }
0x32f: {  	v28 =	vbroadcast v29, $0xF;
	v29, _, _ =	vpop (xrf2);
	v27 =	vld [tilespmem:s6+$0x20];
	v14 =	vmul.f32 v23, v14;
	v23 =	vunpack.i.u.bf16.f32 v25  }
0x330: {  	v48 =	vld [tilespmem:s22+$0x20];
	v25 =	vunpack.i.l.bf16.f32 v25;
	v16 =	vmul.f32 v16, v23;
	v23 =	vbroadcast v29, $0xF;
	v29, _, _ =	vpop (xrf2)  }
0x331: {  	v49 =	vld [tilespmem:s6+$0x30];
	v19 =	vmul.f32 v19, v25;
	v25 =	vbroadcast v29, $0xF  }
0x332: {  	[tilespmem:s17+$0xFFFFFFC0] =	vst v17;
	v17 =	vmul.f32 v24, v46;
	v24 =	vld [tilespmem:s21+$0x10];
	v23 =	vmul.f32 v23, v5  }
0x333: {  	v20 =	vbroadcast v20, $0xF;
	v52 =	vunpack.i.u.bf16.f32 v22;
	v29 =	vld [tilespmem:s22+$0x30];
	v25 =	vmul.f32 v25, v5  }
0x334: {  	v50 =	vunpack.i.l.bf16.f32 v11;
	v30 =	vld [tilespmem:s1+$0xFFFFFFD0];
	v22 =	vunpack.i.l.bf16.f32 v22;
	v23 =	vmul.f32 v23, v52  }
0x335: {  	s8 =	simm.s32 $0x8;
	v9 =	vmul.f32 v20, v9;
	v51 =	vunpack.i.u.bf16.f32 v26;
	v57 =	vld [tilespmem:s21+$0x50];
	(xrf2) =	vadd.scan.msk.f32 $0xffff, v16;
	v22 =	vmul.f32 v25, v22  }
0x336: {  	v17 =	vmul.f32 v17, v51;
	[tilespmem:s17+$0xFFFFFFD0] =	vst v14;
	v14 =	vld [tilespmem:s19+$0xFFFFFFE0];
	v16 =	vmov s8;
	v55, _, _ =	vpop (xrf2);
	v27 =	vmul.f32 v48, v27  }
0x337: {  	v53 =	vld [tilespmem:s16+$0xFFFFFFE0];
	v16 =	vand.u32 $0xFFFFFFFE, v16;
	v33 =	vbroadcast v55, $0xF;
	[tilespmem:s3+$0x50] =	vst v22;
	v22 =	vunpack.i.u.bf16.f32 v24  }
0x338: {  	v54 =	vld [tilespmem:s15+$0xFFFFFFE0];
	(xrf2) =	vadd.scan.msk.f32 $0xffff, v19;
	[tilespmem:s3+$0x40] =	vst v23;
	v29 =	vmul.f32 v29, v49;
	v23, _, _ =	vpop (xrf2);
	v19 =	vmul.f32 v27, v22  }
0x339: {  	v24 =	vunpack.i.l.bf16.f32 v24;
	v22 =	vmul.f32 v33, v7;
	v27 =	vld [tilespmem:s2+$0x70];
	v23 =	vbroadcast v23, $0xF  }
0x33a: {  	v16 =	vbroadcast v16, $0x0;
	(xrf2) =	vadd.scan.msk.f32 $0xffff, v17;
	v17 =	vunpack.i.u.bf16.f32 v21;
	v24 =	vmul.f32 v29, v24;
	v29 =	vld [tilespmem:s5+$0x70]  }
0x33b: {  	v11 =	vunpack.i.u.bf16.f32 v11;
	v17 =	vmul.f32 v22, v17;
	v22 =	vld [tilespmem:s12+$0x30];
	v23 =	vmul.f32 v23, v7  }
0x33c: {  	v15 =	vmul.f32 v44, v15;
	v11 =	vmul.f32 v9, v11;
	v56 =	vld [tilespmem:s15+$0xFFFFFFF0];
	v21 =	vunpack.i.l.bf16.f32 v21;
	(xrf2) =	vadd.scan.msk.f32 $0xffff, v19  }
0x33d: {  	v25 =	vld [tilespmem:s16+$0xFFFFFFF0];
	v9 =	vmul.f32 v54, v53;
	v21 =	vmul.f32 v23, v21  }
0x33e: {  	s16 =	simm.s32 $0x4580;
	v19 =	vmul.f32 v28, v3;
	v28 =	vmul.f32 v30, v31;
	(xrf2) =	vadd.scan.msk.f32 $0xffff, v24;
	v24 =	vld [tilespmem:s10+$0xFFFFFFB0];
	[tilespmem:s0+$0xFFFFFF80] =	vst v17  }
0x33f: {  	v31 =	vld [tilespmem:s16+$0x0];
	v17 =	vunpack.i.u.bf16.f32 v10;
	v20, _, _ =	vpop (xrf2);
	v23 =	vunpack.i.l.bf16.f32 v12;
	[tilespmem:s0+$0xFFFFFF90] =	vst v21;
	v21 =	vmul.f32 v29, v27  }
0x340: {  	v10 =	vld.idx.msk [tilespmem:v16+s30+$0x0], $0xffff;
	v16 =	vmul.f32 v15, v17;
	v20 =	vbroadcast v20, $0xF;
	v27 =	vunpack.i.l.bf16.f32 v22  }
0x341: {  	v15 =	vunpack.i.l.bf16.f32 v26;
	v19 =	vmul.f32 v19, v23;
	v23 =	vld [tilespmem:s10+$0xFFFFFFF0];
	s10 =	simm.s32 $0x6D80;
	v21 =	vmul.f32 v21, v27  }
0x342: {  	v30, _, _ =	vpop (xrf2);
	v15 =	vmul.f32 v28, v15;
	v20 =	vmul.f32 v20, v6;
	v61 =	vld [tilespmem:s10+$0x10]  }
0x343: {  	v25 =	vmul.f32 v56, v25;
	v30 =	vbroadcast v30, $0xF;
	v17 =	vld [tilespmem:s6+$0xFFFFFFA0];
	v29 =	vunpack.i.u.bf16.f32 v24  }
0x344: {  	v26 =	vld [tilespmem:s22+$0xFFFFFFA0];
	(xrf2) =	vadd.scan.msk.f32 $0xffff, v15;
	v24 =	vunpack.i.l.bf16.f32 v24;
	v27 =	vunpack.i.u.bf16.f32 v13;
	v29 =	vmul.f32 v9, v29  }
0x345: {  	s15 =	simm.s32 $0x1D80;
	v24 =	vmul.f32 v25, v24;
	v25 =	vmul.f32 v20, v27;
	v27 =	vld [tilespmem:s10+$0x0];
	(xrf2) =	vadd.scan.msk.f32 $0xffff, v21;
	v21, _, _ =	vpop (xrf2)  }
0x346: {  	v9 =	vunpack.i.u.bf16.f32 v12;
	v12 =	vmul.f32 v30, v6;
	v30 =	vld [tilespmem:s15+$0x0];
	v20, _, _ =	vpop (xrf2);
	(xrf2) =	vadd.scan.msk.f32 $0xffff, v29  }
0x347: {  	v18 =	vmul.f32 v18, v50;
	v28 =	vld [tilespmem:s6+$0xFFFFFFB0];
	v13 =	vunpack.i.l.bf16.f32 v13  }
0x348: {  	v15 =	vld [tilespmem:s22+$0xFFFFFFB0];
	v60 =	vmul.f32 v12, v13;
	v20 =	vbroadcast v20, $0xF;
	v58, _, _ =	vpop (xrf2)  }
0x349: {  	[tilespmem:s17+$0x70] =	vst v18;
	v21 =	vbroadcast v21, $0xF;
	v29 =	vld [tilespmem:s16+$0x10];
	v33 =	vbroadcast v58, $0xF  }
0x34a: {  	[tilespmem:s20+$0x70] =	vst v19;
	v13 =	vunpack.i.u.bf16.f32 v57;
	v19 =	vmul.f32 v27, v31;
	v12 =	vmul.f32 v20, v8  }
0x34b: {  	v62 =	vld [tilespmem:s12+$0x70];
	(xrf2) =	vadd.scan.msk.f32 $0xffff, v24;
	v27 =	vunpack.i.u.bf16.f32 v30;
	v18 =	vmul.f32 v21, v4;
	v24 =	vmul.f32 v33, v8  }
0x34c: {  	[tilespmem:s17+$0x60] =	vst v11;
	v20 =	vmul.f32 v26, v17;
	v17 =	vld [tilespmem:s16+$0xFFFFFF80];
	v12 =	vmul.f32 v12, v13;
	v13 =	vunpack.i.l.bf16.f32 v57  }
0x34d: {  	[tilespmem:s3+$0xFFFFFFA0] =	vst v25;
	v25 =	vunpack.i.l.bf16.f32 v30;
	v21 =	vmul.f32 v15, v28;
	v26 =	vld [tilespmem:s10+$0xFFFFFF80];
	v24 =	vmul.f32 v24, v13  }
0x34e: {  	v59 =	vunpack.i.u.bf16.f32 v14;
	v63 =	vld [tilespmem:s10+$0xFFFFFF90];
	v19 =	vmul.f32 v19, v27;
	v15, _, _ =	vpop (xrf2);
	v11 =	vmul.f32 v61, v29;
	[tilespmem:s0+$0x20] =	vst v12  }
0x34f: {  	v14 =	vunpack.i.l.bf16.f32 v14;
	v31 =	vld [tilespmem:s16+$0xFFFFFF90];
	v18 =	vmul.f32 v18, v59;
	v15 =	vbroadcast v15, $0xF;
	v27, _, _ =	vpop (xrf2);
	[tilespmem:s0+$0x30] =	vst v24  }
0x350: {  	v13 =	vunpack.i.u.bf16.f32 v23;
	v11 =	vmul.f32 v11, v25;
	(xrf2) =	vadd.scan.msk.f32 $0xffff, v19;
	v29 =	vbroadcast v27, $0xF;
	v24 =	vld [tilespmem:s21+$0x20];
	v25, _, _ =	vpop (xrf2)  }
0x351: {  	v12 =	vunpack.i.l.bf16.f32 v23;
	v15 =	vmul.f32 v15, v4;
	v27 =	vld [tilespmem:s6+$0x40];
	v19 =	vbroadcast v25, $0xF  }
0x352: {  	v23 =	vmul.f32 v26, v17;
	v17 =	vunpack.i.u.bf16.f32 v22;
	v28 =	vld [tilespmem:s22+$0x40];
	v22 =	vmul.f32 v29, v5  }
0x353: {  	s23 =	simm.s32 $0x9;
	[tilespmem:s20+$0xFFFFFFC0] =	vst v18;
	v18 =	vmul.f32 v15, v14;
	v26 =	vld [tilespmem:s6+$0x50];
	(xrf2) =	vadd.scan.msk.f32 $0xffff, v11;
	v15 =	vunpack.i.l.bf16.f32 v62  }
0x354: {  	[tilespmem:s3+$0xFFFFFFB0] =	vst v60;
	v14 =	vmov s23;
	v29 =	vld [tilespmem:s22+$0x50];
	v15 =	vmul.f32 v22, v15  }
0x355: {  	s9 =	simm.s32 $0xA;
	v11 =	vunpack.i.u.bf16.f32 v62;
	v25 =	vmul.f32 v63, v31;
	[tilespmem:s20+$0xFFFFFFD0] =	vst v18;
	v22 =	vld [tilespmem:s2+$0x60];
	v18 =	vmul.f32 v19, v2;
	v19, _, _ =	vpop (xrf2)  }
.LBB2_9:
0x356: {  	p1 =	slt.u32 s9, $0x26;
	v30 =	vld [tilespmem:s5+$0x60];
	[tilespmem:s3+$0x70] =	vst v15;
	(xrf2) =	vadd.scan.msk.f32 $0xffff, v16;
	v15 =	vbroadcast v19, $0xF  }
0x357: {  	v16 =	vld [tilespmem:s15+$0xFFFFFF80];
	v19 =	vmul.f32 v28, v27;
	v13 =	vmul.f32 v18, v13  }
0x358: {  	v27 =	vunpack.i.u.bf16.f32 v24;
	v18 =	vld [tilespmem:s15+$0xFFFFFFC0];
	v15 =	vmul.f32 v15, v2;
	v2 =	vmovc v4;
	v4 =	vmovc v6;
	v6 =	vmov v7  }
0x359: {  	v7 =	vmov v10;
	v14 =	vld.idx.msk [tilespmem:v14+s30+$0x0], $0xffff;
	v19 =	vmul.f32 v19, v27;
	[tilespmem:s17+$0xFFFFFFE0] =	vst v13  }
0x35a: {  	v26 =	vmul.f32 v29, v26;
	v10, _, _ =	vpop (xrf2);
	v13 =	vld [tilespmem:s21+$0xFFFFFF90];
	v12 =	vmul.f32 v15, v12  }
0x35b: {  	v24 =	vunpack.i.l.bf16.f32 v24;
	v15 =	vld [tilespmem:s15+$0x40];
	(xrf2) =	vadd.scan.msk.f32 $0xffff, v19;
	v19 =	vmul.f32 v30, v22  }
0x35c: {  	v24 =	vmul.f32 v26, v24;
	v22 =	vunpack.i.u.bf16.f32 v16;
	v16 =	vunpack.i.l.bf16.f32 v16;
	v27 =	vld [tilespmem:s21+$0xFFFFFFD0];
	[tilespmem:s17+$0xFFFFFFF0] =	vst v12;
	s17 =	smov.u32 s20;
	s20 =	smov.u32 s3;
	s3 =	smov.u32 s0  }
0x35d: {  	v10 =	vbroadcast v10, $0xF;
	v12 =	vunpack.i.u.bf16.f32 v18;
	v22 =	vmul.f32 v23, v22;
	v23, _, _ =	vpop (xrf2);
	v26 =	vld [tilespmem:s2+$0xFFFFFFC0]  }
0x35e: {  	v18 =	vunpack.i.l.bf16.f32 v18;
	v25 =	vmul.f32 v25, v16;
	v16 =	vbroadcast v23, $0xF;
	(xrf2) =	vadd.scan.msk.f32 $0xffff, v24;
	v23 =	vld [tilespmem:s5+$0xFFFFFFC0]  }
0x35f: {  	v10 =	vmul.f32 v10, v14;
	v24 =	vunpack.i.u.bf16.f32 v13;
	v13 =	vunpack.i.l.bf16.f32 v13;
	v28 =	vld [tilespmem:s2+$0xFFFFFFD0]  }
0x360: {  	v29 =	vunpack.i.u.bf16.f32 v15;
	v16 =	vmul.f32 v16, v14;
	v20 =	vmul.f32 v20, v24;
	v24 =	vld [tilespmem:s5+$0xFFFFFFD0];
	v30, _, _ =	vpop (xrf2)  }
0x361: {  	v15 =	vunpack.i.l.bf16.f32 v15;
	v13 =	vmul.f32 v21, v13;
	v10 =	vmul.f32 v10, v29;
	(xrf2) =	vadd.scan.msk.f32 $0xffff, v22;
	v21 =	vld [tilespmem:s12+$0xFFFFFFA0]  }
0x362: {  	s0 =	sadd.s32 $0x100, s0;
	v29 =	vunpack.i.u.bf16.f32 v27;
	v22 =	vmul.f32 v16, v15;
	v15 =	vunpack.i.l.bf16.f32 v27;
	v27 =	vld [tilespmem:s12+$0xFFFFFFE0]  }
0x363: {  	v16 =	vmul.f32 v19, v17;
	[tilespmem:s0+$0x0] =	vst v10;
	v10 =	vmul.f32 v23, v26;
	v17 =	vld [tilespmem:s14+$0xFFFFFFE0]  }
0x364: {  	[tilespmem:s0+$0x10] =	vst v22;
	(xrf2) =	vadd.scan.msk.f32 $0xffff, v25;
	v19 =	vld [tilespmem:s1+$0xFFFFFFE0];
	v22 =	vbroadcast v30, $0xF  }
0x365: {  	v23 =	vld [tilespmem:s16+$0x20];
	v25, _, _ =	vpop (xrf2);
	v24 =	vmul.f32 v24, v28  }
0x366: {  	v26 =	vld [tilespmem:s21+$0x60];
	v28 =	vunpack.i.u.bf16.f32 v21;
	v21 =	vunpack.i.l.bf16.f32 v21;
	v22 =	vmul.f32 v22, v3;
	v3 =	vmovc v5;
	v5 =	vmovc v8  }
0x367: {  	v8 =	vmovc v14;
	v30 =	vld [tilespmem:s10+$0x20];
	(xrf2) =	vadd.scan.msk.f32 $0xffff, v20;
	v31 =	vunpack.i.u.bf16.f32 v27;
	v10 =	vmul.f32 v10, v28;
	v20 =	vmul.f32 v24, v21  }
0x368: {  	v24 =	vbroadcast v25, $0xF;
	v14 =	vunpack.i.l.bf16.f32 v27;
	v21 =	vld [tilespmem:s15+$0x10];
	v25, _, _ =	vpop (xrf2);
	v22 =	vmul.f32 v22, v9  }
0x369: {  	v9 =	vmov v11;
	v27 =	vld [tilespmem:s16+$0x30];
	v25 =	vbroadcast v25, $0xF;
	v17 =	vmul.f32 v19, v17  }
0x36a: {  	v11 =	vmov s9;
	v24 =	vmul.f32 v24, v5;
	v19 =	vld [tilespmem:s10+$0x30];
	(xrf2) =	vadd.scan.msk.f32 $0xffff, v13;
	[tilespmem:s17+$0x60] =	vst v22  }
0x36b: {  	v11 =	vand.u32 $0xFFFFFFFE, v11;
	v13, _, _ =	vpop (xrf2);
	v22 =	vunpack.i.u.bf16.f32 v26;
	v25 =	vmul.f32 v25, v5;
	v28 =	vld [tilespmem:s14+$0xFFFFFFF0];
	s14 =	smov.u32 s2;
	s2 =	smov.u32 s6;
	s6 =	smov.u32 s16  }
0x36c: {  	v32 =	vunpack.i.l.bf16.f32 v26;
	v23 =	vmul.f32 v30, v23;
	v22 =	vmul.f32 v24, v22;
	v24 =	vld [tilespmem:s1+$0xFFFFFFF0];
	s1 =	smov.u32 s5;
	s5 =	smov.u32 s22;
	s22 =	smov.u32 s10  }
0x36d: {  	v13 =	vbroadcast v13, $0xF;
	v30 =	vunpack.i.u.bf16.f32 v21;
	v25 =	vmul.f32 v25, v32;
	(xrf2) =	vadd.scan.msk.f32 $0xffff, v10;
	v10 =	vld [tilespmem:s19+$0xFFFFFFB0]  }
0x36e: {  	v11 =	vbroadcast v11, $0x0;
	v23 =	vmul.f32 v23, v30;
	v26, _, _ =	vpop (xrf2);
	[tilespmem:s3+$0x40] =	vst v22;
	v22 =	vld [tilespmem:s19+$0xFFFFFFF0];
	s19 =	smov.u32 s12;
	s12 =	smov.u32 s21;
	s21 =	smov.u32 s15  }
0x36f: {  	v30 =	vbroadcast v26, $0xF;
	v19 =	vmul.f32 v19, v27;
	[tilespmem:s3+$0x50] =	vst v25  }
0x370: {  	v21 =	vunpack.i.l.bf16.f32 v21;
	v13 =	vmul.f32 v13, v7;
	(xrf2) =	vadd.scan.msk.f32 $0xffff, v23;
	v23 =	vld [tilespmem:s2+$0x70]  }
0x371: {  	v25 =	vmul.f32 v30, v7;
	v19 =	vmul.f32 v19, v21;
	v21 =	vld [tilespmem:s5+$0x70];
	v26, _, _ =	vpop (xrf2)  }
0x372: {  	v30 =	vmul.f32 v13, v12;
	v13 =	vbroadcast v26, $0xF;
	v26 =	vld [tilespmem:s12+$0x30];
	v27 =	vunpack.i.u.bf16.f32 v10  }
0x373: {  	v24 =	vmul.f32 v24, v28;
	v18 =	vmul.f32 v25, v18;
	(xrf2) =	vadd.scan.msk.f32 $0xffff, v19;
	v19 =	vunpack.i.l.bf16.f32 v10  }
0x374: {  	v27 =	vmul.f32 v17, v27;
	[tilespmem:s0+$0xFFFFFF80] =	vst v30;
	v25 =	vmul.f32 v13, v6;
	v12, _, _ =	vpop (xrf2);
	v13 =	vunpack.i.u.bf16.f32 v22  }
0x375: {  	v10 =	vld.idx.msk [tilespmem:v11+s30+$0x0], $0xffff;
	[tilespmem:s0+$0xFFFFFF90] =	vst v18;
	v11 =	vbroadcast v12, $0xF;
	v12 =	vunpack.i.l.bf16.f32 v22;
	v18 =	vmul.f32 v24, v19  }
0x376: {  	v19 =	vld [tilespmem:s16+$0xFFFFFFA0];
	v22 =	vmul.f32 v25, v29;
	v21 =	vmul.f32 v21, v23;
	(xrf2) =	vadd.scan.msk.f32 $0xffff, v20  }
0x377: {  	v20 =	vld [tilespmem:s10+$0xFFFFFFA0];
	v11 =	vmul.f32 v11, v6;
	v17 =	vunpack.i.u.bf16.f32 v26;
	v23 =	vunpack.i.l.bf16.f32 v26;
	v24, _, _ =	vpop (xrf2)  }
0x378: {  	v25 =	vld [tilespmem:s16+$0xFFFFFFB0];
	[tilespmem:s3+$0xFFFFFFA0] =	vst v22;
	v21 =	vmul.f32 v21, v23;
	v22 =	vbroadcast v24, $0xF  }
0x379: {  	s16 =	sadd.s32 $0x100, s16;
	v23 =	vld [tilespmem:s10+$0xFFFFFFB0];
	v11 =	vmul.f32 v11, v15  }
0x37a: {  	v15 =	vld [tilespmem:s16+$0x0];
	v24, _, _ =	vpop (xrf2);
	(xrf2) =	vadd.scan.msk.f32 $0xffff, v21;
	v21 =	vmul.f32 v22, v4  }
0x37b: {  	s10 =	sadd.s32 $0x100, s10;
	v22 =	vld [tilespmem:s15+$0x50];
	[tilespmem:s3+$0xFFFFFFB0] =	vst v11  }
0x37c: {  	s15 =	sadd.s32 $0x100, s15;
	v11 =	vld [tilespmem:s10+$0x0];
	v20 =	vmul.f32 v20, v19;
	v19 =	vmul.f32 v21, v31  }
0x37d: {  	v24 =	vbroadcast v24, $0xF;
	v26 =	vld [tilespmem:s15+$0x0];
	v28, _, _ =	vpop (xrf2);
	(xrf2) =	vadd.scan.msk.f32 $0xffff, v27  }
0x37e: {  	v27 =	vld [tilespmem:s16+$0x10];
	v21 =	vmul.f32 v23, v25;
	v23 =	vbroadcast v28, $0xF;
	[tilespmem:s20+$0xFFFFFFC0] =	vst v19  }
0x37f: {  	v24 =	vmul.f32 v24, v8;
	v19 =	vld [tilespmem:s10+$0x10]  }
0x380: {  	v25 =	vld [tilespmem:s16+$0xFFFFFF80];
	v28 =	vunpack.i.u.bf16.f32 v22;
	v23 =	vmul.f32 v23, v8;
	v29, _, _ =	vpop (xrf2);
	(xrf2) =	vadd.scan.msk.f32 $0xffff, v18  }
0x381: {  	v18 =	vld [tilespmem:s10+$0xFFFFFF80];
	v11 =	vmul.f32 v11, v15;
	v15 =	vunpack.i.l.bf16.f32 v22;
	v22 =	vmul.f32 v24, v28  }
0x382: {  	v30 =	vld [tilespmem:s16+$0xFFFFFF90];
	v24 =	vunpack.i.u.bf16.f32 v26;
	v28 =	vmul.f32 v23, v15;
	v23 =	vbroadcast v29, $0xF  }
0x383: {  	v11 =	vmul.f32 v11, v24;
	[tilespmem:s0+$0x20] =	vst v22;
	v22 =	vld [tilespmem:s12+$0x70]  }
0x384: {  	v29 =	vld [tilespmem:s10+$0xFFFFFF90];
	v19 =	vmul.f32 v19, v27;
	[tilespmem:s0+$0x30] =	vst v28;
	v15, _, _ =	vpop (xrf2);
	v31 =	vmul.f32 v23, v4  }
0x385: {  	v26 =	vunpack.i.l.bf16.f32 v26;
	(xrf2) =	vadd.scan.msk.f32 $0xffff, v11;
	v24 =	vld [tilespmem:s21+$0x20];
	v11 =	vbroadcast v15, $0xF  }
.Ltmp4:
0x386: {  	v23 =	vmul.f32 v18, v25;
	v15 =	vmul.f32 v19, v26;
	v27 =	vld [tilespmem:s6+$0x40];
	(pc) =	sbr.rel @p1 .LBB2_9-.Ltmp4, $4  }
0x387: {  	v32 =	vmul.f32 v31, v14;
	v28 =	vld [tilespmem:s22+$0x40];
	v18 =	vmul.f32 v11, v5;
	v14, _, _ =	vpop (xrf2)  }
0x388: {  	s8 =	sadd.s32 $0x1, s9;
	(xrf2) =	vadd.scan.msk.f32 $0xffff, v15;
	v26 =	vld [tilespmem:s6+$0x50];
	v11 =	vunpack.i.u.bf16.f32 v22;
	v15 =	vunpack.i.l.bf16.f32 v22;
	v31 =	vbroadcast v14, $0xF  }
0x389: {  	v14 =	vmov s8;
	v25 =	vmul.f32 v29, v30;
	v29 =	vld [tilespmem:s22+$0x50];
	v15 =	vmul.f32 v18, v15;
	[tilespmem:s20+$0xFFFFFFD0] =	vst v32  }
0x38a: {  	s9 =	sadd.s32 $0x2, s9;
	v22 =	vld [tilespmem:s2+$0x60];
	v18 =	vmul.f32 v31, v2;
	v19, _, _ =	vpop (xrf2)  }
0x38b: {  	_ =	sdelay $0x3  }
0x38c: {  	v14 =	vld.idx.msk [tilespmem:v14+s30+$0x0], $0xffff  }
0x38d: {  	v30 =	vld [tilespmem:s15+$0x40]  }
0x38e: {  	v31, _, _ =	vpop (xrf2)  }
0x38f: {  	v31 =	vbroadcast v31, $0xF;
	v32, _, _ =	vpop (xrf2)  }
0x390: {  	v32 =	vbroadcast v32, $0xF  }
0x391: {  	v31 =	vmul.f32 v31, v14  }
0x392: {  	v33 =	vld [tilespmem:s15+$0xFFFFFF80];
	v34 =	vunpack.i.u.bf16.f32 v30;
	v32 =	vmul.f32 v32, v14  }
0x393: {  	v35 =	vld [tilespmem:s21+$0xFFFFFF90];
	v30 =	vunpack.i.l.bf16.f32 v30;
	v31 =	vmul.f32 v31, v34  }
0x394: {  	v58 =	vld [tilespmem:s2+$0xFFFFFFC0];
	s23 =	sadd.s32 $0x100, s0;
	v30 =	vmul.f32 v32, v30  }
0x395: {  	v59 =	vld [tilespmem:s5+$0xFFFFFFC0];
	[tilespmem:s23+$0x0] =	vst v31  }
0x396: {  	v31 =	vld [tilespmem:s12+$0xFFFFFFA0];
	[tilespmem:s23+$0x10] =	vst v30  }
0x397: {  	v30 =	vld [tilespmem:s16+$0x20]  }
0x398: {  	v27 =	vmul.f32 v28, v27;
	v60 =	vld [tilespmem:s10+$0x20]  }
0x399: {  	v36 =	vunpack.i.u.bf16.f32 v24;
	v26 =	vmul.f32 v29, v26;
	v61 =	vld [tilespmem:s15+$0x10]  }
0x39a: {  	v62 =	vunpack.i.l.bf16.f32 v24;
	v27 =	vmul.f32 v27, v36;
	v63 =	vld [tilespmem:s16+$0x30]  }
0x39b: {  	v40 =	vunpack.i.u.bf16.f32 v33;
	v24 =	vmul.f32 v26, v62;
	(xrf2) =	vadd.scan.msk.f32 $0xffff, v16;
	v41 =	vld [tilespmem:s10+$0x30]  }
0x39c: {  	v42 =	vunpack.i.l.bf16.f32 v33;
	v16 =	vmul.f32 v23, v40;
	(xrf2) =	vadd.scan.msk.f32 $0xffff, v27  }
0x39d: {  	v44 =	vunpack.i.u.bf16.f32 v35;
	v43 =	vmul.f32 v25, v42;
	(xrf2) =	vadd.scan.msk.f32 $0xffff, v24  }
0x39e: {  	v45 =	vunpack.i.l.bf16.f32 v35;
	v46 =	vmul.f32 v59, v58;
	v20 =	vmul.f32 v20, v44;
	(xrf2) =	vadd.scan.msk.f32 $0xffff, v16  }
0x39f: {  	v21 =	vmul.f32 v21, v45;
	(xrf2) =	vadd.scan.msk.f32 $0xffff, v43;
	v47 =	vunpack.i.u.bf16.f32 v31;
	v48 =	vmul.f32 v60, v30  }
0x3a0: {  	(xrf2) =	vadd.scan.msk.f32 $0xffff, v20;
	v16 =	vmul.f32 v46, v47;
	v49 =	vunpack.i.u.bf16.f32 v61;
	v50 =	vmul.f32 v41, v63  }
0x3a1: {  	(xrf2) =	vadd.scan.msk.f32 $0xffff, v21;
	v51 =	vunpack.i.l.bf16.f32 v61;
	v20 =	vmul.f32 v48, v49  }
0x3a2: {  	(xrf2) =	vadd.scan.msk.f32 $0xffff, v16;
	v52 =	vmul.f32 v50, v51  }
0x3a3: {  	(xrf2) =	vadd.scan.msk.f32 $0xffff, v20  }
0x3a4: {  	(xrf2) =	vadd.scan.msk.f32 $0xffff, v52  }
0x3a5: {  	v16, _, _ =	vpop (xrf2)  }
0x3a6: {  	v54 =	vld [tilespmem:s21+$0x60];
	v53, _, _ =	vpop (xrf2)  }
0x3a7: {  	v37 =	vld [tilespmem:s1+$0xFFFFFFE0];
	v55, _, _ =	vpop (xrf2)  }
0x3a8: {  	v58 =	vld [tilespmem:s15+$0xFFFFFFC0];
	v56, _, _ =	vpop (xrf2)  }
0x3a9: {  	v59 =	vld [tilespmem:s2+$0xFFFFFFD0];
	v20 =	vbroadcast v53, $0xF;
	v57, _, _ =	vpop (xrf2)  }
0x3aa: {  	v62 =	vld [tilespmem:s5+$0xFFFFFFD0];
	v23 =	vbroadcast v55, $0xF;
	v30, _, _ =	vpop (xrf2)  }
0x3ab: {  	v25 =	vld [tilespmem:s14+$0xFFFFFFF0];
	v26 =	vbroadcast v56, $0xF;
	v20 =	vmul.f32 v20, v8;
	v34, _, _ =	vpop (xrf2)  }
0x3ac: {  	v60 =	vunpack.i.u.bf16.f32 v54;
	v61 =	vld [tilespmem:s15+$0x50];
	v23 =	vmul.f32 v23, v8;
	v63 =	vbroadcast v57, $0xF;
	v33, _, _ =	vpop (xrf2)  }
0x3ad: {  	v40 =	vld [tilespmem:s1+$0xFFFFFFF0];
	v21 =	vunpack.i.l.bf16.f32 v54;
	v26 =	vmul.f32 v26, v10;
	v20 =	vmul.f32 v20, v60;
	v43, _, _ =	vpop (xrf2)  }
0x3ae: {  	v27 =	vld [tilespmem:s5+$0x60];
	v21 =	vmul.f32 v23, v21;
	v28 =	vbroadcast v43, $0xF;
	v38, _, _ =	vpop (xrf2)  }
0x3af: {  	v24 =	vld [tilespmem:s14+$0xFFFFFFE0];
	v39 =	vunpack.i.u.bf16.f32 v58;
	v44 =	vmul.f32 v63, v10;
	[tilespmem:s0+$0x40] =	vst v20;
	v45 =	vbroadcast v38, $0xF  }
0x3b0: {  	v29 =	vunpack.i.l.bf16.f32 v58;
	v46 =	vld [tilespmem:s19+$0xFFFFFFB0];
	v47 =	vmul.f32 v26, v39;
	[tilespmem:s0+$0x50] =	vst v21;
	v48 =	vmul.f32 v28, v14  }
0x3b1: {  	v50 =	vunpack.i.u.bf16.f32 v61;
	v20 =	vmul.f32 v44, v29;
	v49 =	vld [tilespmem:s6+$0x70];
	v51 =	vmul.f32 v45, v14  }
0x3b2: {  	v52 =	vunpack.i.l.bf16.f32 v61;
	v41 =	vld [tilespmem:s22+$0x70];
	[tilespmem:s23+$0xFFFFFF80] =	vst v47;
	v26 =	vmul.f32 v48, v50  }
0x3b3: {  	v23 =	vld [tilespmem:s21+$0x30];
	[tilespmem:s23+$0xFFFFFF90] =	vst v20;
	v53 =	vmul.f32 v51, v52  }
0x3b4: {  	v54 =	vld [tilespmem:s16+$0xFFFFFFA0];
	[tilespmem:s23+$0x20] =	vst v26  }
0x3b5: {  	v55 =	vld [tilespmem:s10+$0xFFFFFFA0];
	[tilespmem:s23+$0x30] =	vst v53  }
0x3b6: {  	v20 =	vld [tilespmem:s15+$0x20]  }
0x3b7: {  	v56 =	vld [tilespmem:s16+$0x40]  }
0x3b8: {  	v32 =	vmul.f32 v62, v59;
	v57 =	vld [tilespmem:s10+$0x40]  }
0x3b9: {  	v31 =	vunpack.i.l.bf16.f32 v31;
	v58 =	vld [tilespmem:s16+$0x50]  }
0x3ba: {  	v31 =	vmul.f32 v32, v31;
	v28 =	vmul.f32 v41, v49;
	v59 =	vld [tilespmem:s10+$0x50]  }
0x3bb: {  	v24 =	vmul.f32 v37, v24;
	v61 =	vld [tilespmem:s16+$0xFFFFFFB0];
	v60 =	vunpack.i.l.bf16.f32 v23  }
0x3bc: {  	v25 =	vmul.f32 v40, v25;
	v62 =	vunpack.i.u.bf16.f32 v46;
	(xrf2) =	vadd.scan.msk.f32 $0xffff, v31;
	v63 =	vld [tilespmem:s10+$0xFFFFFFB0];
	v28 =	vmul.f32 v28, v60  }
0x3bd: {  	v22 =	vmul.f32 v27, v22;
	v40 =	vunpack.i.l.bf16.f32 v46;
	v24 =	vmul.f32 v24, v62;
	v41 =	vld [tilespmem:s15+$0xFFFFFF90]  }
0x3be: {  	v25 =	vmul.f32 v25, v40;
	(xrf2) =	vadd.scan.msk.f32 $0xffff, v28;
	v42 =	vmul.f32 v57, v56  }
0x3bf: {  	v17 =	vmul.f32 v22, v17;
	v45 =	vld [tilespmem:s21+$0xFFFFFFD0];
	(xrf2) =	vadd.scan.msk.f32 $0xffff, v24;
	v43 =	vunpack.i.u.bf16.f32 v20;
	v44 =	vmul.f32 v59, v58  }
0x3c0: {  	v21 =	vmul.f32 v55, v54;
	(xrf2) =	vadd.scan.msk.f32 $0xffff, v25;
	v20 =	vunpack.i.l.bf16.f32 v20;
	v22 =	vmul.f32 v42, v43  }
0x3c1: {  	v50 =	vbroadcast v34, $0xF;
	(xrf2) =	vadd.scan.msk.f32 $0xffff, v17;
	v46 =	vmul.f32 v44, v20  }
0x3c2: {  	v47 =	vbroadcast v30, $0xF;
	v48 =	vmul.f32 v63, v61;
	v49 =	vunpack.i.u.bf16.f32 v41;
	(xrf2) =	vadd.scan.msk.f32 $0xffff, v22  }
0x3c3: {  	v51 =	vunpack.i.l.bf16.f32 v41;
	v53 =	vmul.f32 v50, v7;
	v21 =	vmul.f32 v21, v49;
	(xrf2) =	vadd.scan.msk.f32 $0xffff, v46  }
0x3c4: {  	v54 =	vunpack.i.l.bf16.f32 v45;
	v17 =	vmul.f32 v48, v51;
	v20 =	vmul.f32 v47, v7  }
0x3c5: {  	v52 =	vunpack.i.u.bf16.f32 v45;
	(xrf2) =	vadd.scan.msk.f32 $0xffff, v21;
	v21 =	vmul.f32 v53, v54  }
0x3c6: {  	v55 =	vld [tilespmem:s12+$0xFFFFFFE0];
	v56, _, _ =	vpop (xrf2);
	v20 =	vmul.f32 v20, v52;
	(xrf2) =	vadd.scan.msk.f32 $0xffff, v17  }
0x3c7: {  	v26 =	vld [tilespmem:s22+$0x60];
	v17 =	vbroadcast v56, $0xF  }
0x3c8: {  	v24 =	vld [tilespmem:s6+$0x60];
	v57 =	vbroadcast v33, $0xF;
	v22, _, _ =	vpop (xrf2)  }
0x3c9: {  	v62 =	vld [tilespmem:s15+$0x60];
	[tilespmem:s0+$0xFFFFFFB0] =	vst v21;
	v21, _, _ =	vpop (xrf2)  }
0x3ca: {  	v58 =	vld [tilespmem:s15+$0xFFFFFFD0];
	v59 =	vmul.f32 v57, v6;
	[tilespmem:s0+$0xFFFFFFA0] =	vst v20;
	v20, _, _ =	vpop (xrf2)  }
0x3cb: {  	v60 =	vunpack.i.u.bf16.f32 v55;
	v29 =	vld [tilespmem:s6+$0xFFFFFFC0];
	v61 =	vmul.f32 v17, v6;
	v17, _, _ =	vpop (xrf2)  }
0x3cc: {  	v25 =	vunpack.i.l.bf16.f32 v55;
	v28 =	vmul.f32 v59, v60;
	v63 =	vld [tilespmem:s22+$0xFFFFFFC0];
	v43, _, _ =	vpop (xrf2)  }
0x3cd: {  	v31 =	vld [tilespmem:s6+$0xFFFFFFD0];
	v25 =	vmul.f32 v61, v25;
	v33 =	vbroadcast v43, $0xF;
	v44, _, _ =	vpop (xrf2)  }
0x3ce: {  	[tilespmem:s3+$0xFFFFFFC0] =	vst v28;
	v45 =	vld [tilespmem:s22+$0xFFFFFFD0];
	v34 =	vbroadcast v44, $0xF  }
0x3cf: {  	v46 =	vld [tilespmem:s21+$0xFFFFFFA0];
	[tilespmem:s3+$0xFFFFFFD0] =	vst v25;
	v47, _, _ =	vpop (xrf2);
	v33 =	vmul.f32 v33, v14  }
0x3d0: {  	v49 =	vunpack.i.u.bf16.f32 v62;
	v48 =	vld [tilespmem:s2+$0xFFFFFFE0];
	v35 =	vbroadcast v47, $0xF;
	v50, _, _ =	vpop (xrf2);
	v34 =	vmul.f32 v34, v14  }
0x3d1: {  	v32 =	vunpack.i.l.bf16.f32 v62;
	v51 =	vld [tilespmem:s5+$0xFFFFFFE0];
	v52 =	vbroadcast v50, $0xF;
	v33 =	vmul.f32 v33, v49  }
0x3d2: {  	v53 =	vld [tilespmem:s2+$0xFFFFFFF0];
	v54 =	vmul.f32 v35, v10;
	v32 =	vmul.f32 v34, v32  }
0x3d3: {  	v55 =	vunpack.i.u.bf16.f32 v58;
	v56 =	vld [tilespmem:s5+$0xFFFFFFF0];
	v57 =	vmul.f32 v52, v10;
	[tilespmem:s23+$0x40] =	vst v33  }
0x3d4: {  	v27 =	vunpack.i.l.bf16.f32 v58;
	v58 =	vld [tilespmem:s12+$0xFFFFFFB0];
	v59 =	vmul.f32 v54, v55;
	[tilespmem:s23+$0x50] =	vst v32  }
0x3d5: {  	v27 =	vmul.f32 v57, v27;
	v60 =	vld [tilespmem:s16+$0x70]  }
0x3d6: {  	v61 =	vld [tilespmem:s10+$0x70];
	[tilespmem:s23+$0xFFFFFFA0] =	vst v59  }
0x3d7: {  	v32 =	vld [tilespmem:s15+$0x30];
	[tilespmem:s23+$0xFFFFFFB0] =	vst v27  }
0x3d8: {  	v27 =	vld [tilespmem:s16+$0xFFFFFFC0]  }
0x3d9: {  	v62 =	vld [tilespmem:s10+$0xFFFFFFC0]  }
0x3da: {  	v29 =	vmul.f32 v63, v29;
	v63 =	vld [tilespmem:s16+$0xFFFFFFD0]  }
0x3db: {  	v28 =	vmul.f32 v45, v31;
	v44 =	vunpack.i.u.bf16.f32 v46;
	v45 =	vld [tilespmem:s10+$0xFFFFFFD0]  }
0x3dc: {  	v25 =	vunpack.i.l.bf16.f32 v46;
	v29 =	vmul.f32 v29, v44;
	v47 =	vld [tilespmem:s15+$0xFFFFFFA0];
	v46 =	vmul.f32 v61, v60  }
0x3dd: {  	v25 =	vmul.f32 v28, v25;
	v48 =	vmul.f32 v51, v48;
	v49 =	vunpack.i.l.bf16.f32 v32  }
0x3de: {  	(xrf2) =	vadd.scan.msk.f32 $0xffff, v29;
	v50 =	vmul.f32 v56, v53;
	v51 =	vunpack.i.u.bf16.f32 v58;
	v31 =	vmul.f32 v46, v49  }
0x3df: {  	v24 =	vmul.f32 v26, v24;
	v52 =	vunpack.i.l.bf16.f32 v58;
	(xrf2) =	vadd.scan.msk.f32 $0xffff, v25;
	v28 =	vmul.f32 v48, v51  }
0x3e0: {  	v23 =	vunpack.i.u.bf16.f32 v23;
	v53 =	vmul.f32 v50, v52;
	v54 =	vmul.f32 v62, v27;
	(xrf2) =	vadd.scan.msk.f32 $0xffff, v31  }
0x3e1: {  	v23 =	vmul.f32 v24, v23;
	v55 =	vmul.f32 v45, v63;
	v56 =	vunpack.i.u.bf16.f32 v47;
	(xrf2) =	vadd.scan.msk.f32 $0xffff, v28  }
0x3e2: {  	v57 =	vunpack.i.l.bf16.f32 v47;
	v26 =	vmul.f32 v54, v56;
	(xrf2) =	vadd.scan.msk.f32 $0xffff, v53  }
0x3e3: {  	v58 =	vmul.f32 v55, v57;
	(xrf2) =	vadd.scan.msk.f32 $0xffff, v23  }
0x3e4: {  	(xrf2) =	vadd.scan.msk.f32 $0xffff, v26  }
0x3e5: {  	(xrf2) =	vadd.scan.msk.f32 $0xffff, v58;
	_ =	sdelay $0x2  }
0x3e6: {  	v60 =	vld [tilespmem:s21+$0xFFFFFFE0];
	v59, _, _ =	vpop (xrf2)  }
0x3e7: {  	v61, _, _ =	vpop (xrf2)  }
0x3e8: {  	v25 =	vbroadcast v61, $0xF;
	v26, _, _ =	vpop (xrf2)  }
0x3e9: {  	v23 =	vbroadcast v59, $0xF;
	v27, _, _ =	vpop (xrf2)  }
0x3ea: {  	v25 =	vmul.f32 v25, v7;
	v28, _, _ =	vpop (xrf2)  }
0x3eb: {  	v63 =	vld [tilespmem:s15+$0xFFFFFFE0];
	v24 =	vunpack.i.l.bf16.f32 v60;
	v23 =	vmul.f32 v23, v7;
	v30, _, _ =	vpop (xrf2)  }
0x3ec: {  	v62 =	vunpack.i.u.bf16.f32 v60;
	v24 =	vmul.f32 v25, v24;
	v37, _, _ =	vpop (xrf2)  }
0x3ed: {  	v23 =	vmul.f32 v23, v62;
	v38 =	vbroadcast v37, $0xF;
	v39, _, _ =	vpop (xrf2)  }
0x3ee: {  	v40 =	vld [tilespmem:s16+$0x60];
	[tilespmem:s0+$0xFFFFFFD0] =	vst v24;
	v29 =	vbroadcast v39, $0xF  }
0x3ef: {  	v41 =	vld [tilespmem:s10+$0x60];
	[tilespmem:s0+$0xFFFFFFC0] =	vst v23;
	v25 =	vmul.f32 v38, v10  }
0x3f0: {  	v43 =	vunpack.i.u.bf16.f32 v63;
	v42 =	vld [tilespmem:s6+$0xFFFFFFE0];
	v29 =	vmul.f32 v29, v10  }
0x3f1: {  	v31 =	vunpack.i.l.bf16.f32 v63;
	v44 =	vld [tilespmem:s22+$0xFFFFFFE0];
	v25 =	vmul.f32 v25, v43  }
0x3f2: {  	v45 =	vld [tilespmem:s6+$0xFFFFFFF0];
	v29 =	vmul.f32 v29, v31  }
0x3f3: {  	v19 =	vbroadcast v19, $0xF;
	v46 =	vld [tilespmem:s22+$0xFFFFFFF0];
	[tilespmem:s23+$0xFFFFFFC0] =	vst v25  }
0x3f4: {  	v47 =	vld [tilespmem:s21+$0xFFFFFFB0];
	[tilespmem:s23+$0xFFFFFFD0] =	vst v29  }
0x3f5: {  	v2 =	vmul.f32 v19, v2;
	v16 =	vbroadcast v16, $0xF;
	v29 =	vld [tilespmem:s16+$0xFFFFFFE0]  }
0x3f6: {  	v13 =	vmul.f32 v18, v13;
	v48 =	vld [tilespmem:s10+$0xFFFFFFE0]  }
0x3f7: {  	v2 =	vmul.f32 v2, v12;
	v3 =	vmul.f32 v16, v3;
	v50 =	vld [tilespmem:s16+$0xFFFFFFF0]  }
0x3f8: {  	v17 =	vbroadcast v17, $0xF;
	v51 =	vmul.f32 v44, v42;
	v52 =	vld [tilespmem:s10+$0xFFFFFFF0]  }
0x3f9: {  	v3 =	vmul.f32 v3, v9;
	v20 =	vbroadcast v20, $0xF;
	v54 =	vunpack.i.u.bf16.f32 v47;
	v55 =	vld [tilespmem:s15+$0xFFFFFFB0]  }
0x3fa: {  	v5 =	vmul.f32 v17, v5;
	v12 =	vmul.f32 v51, v54  }
0x3fb: {  	v49 =	vbroadcast v22, $0xF;
	v31 =	vmul.f32 v46, v45  }
0x3fc: {  	v33 =	vld [tilespmem:s21+$0x70];
	v57 =	vbroadcast v21, $0xF;
	v23 =	vmul.f32 v41, v40;
	v58 =	vunpack.i.l.bf16.f32 v47;
	(xrf2) =	vadd.scan.msk.f32 $0xffff, v12  }
0x3fd: {  	v60 =	vunpack.i.u.bf16.f32 v32;
	v21 =	vmul.f32 v31, v58;
	v18 =	vmul.f32 v48, v29  }
0x3fe: {  	v32 =	vld [tilespmem:s12+$0xFFFFFFF0];
	v23 =	vmul.f32 v23, v60;
	v61 =	vunpack.i.u.bf16.f32 v55;
	v19 =	vmul.f32 v52, v50  }
0x3ff: {  	v5 =	vmul.f32 v5, v11;
	(xrf2) =	vadd.scan.msk.f32 $0xffff, v21;
	v63 =	vunpack.i.l.bf16.f32 v55;
	v18 =	vmul.f32 v18, v61  }
0x400: {  	v53 =	vmul.f32 v49, v8;
	(xrf2) =	vadd.scan.msk.f32 $0xffff, v23;
	v19 =	vmul.f32 v19, v63  }
0x401: {  	v56 =	vunpack.i.l.bf16.f32 v33;
	v59 =	vld [tilespmem:s19+$0xFFFFFFF0];
	v36 =	vbroadcast v27, $0xF;
	v37 =	vbroadcast v28, $0xF;
	(xrf2) =	vadd.scan.msk.f32 $0xffff, v18  }
0x402: {  	v16 =	vmul.f32 v57, v4;
	v9 =	vmul.f32 v53, v56;
	v62 =	vld [tilespmem:s15+$0x70];
	(xrf2) =	vadd.scan.msk.f32 $0xffff, v19  }
0x403: {  	[tilespmem:s20+$0x60] =	vst v3;
	v41 =	vunpack.i.u.bf16.f32 v32;
	v3 =	vmul.f32 v36, v6;
	v42 =	vmul.f32 v37, v6  }
0x404: {  	[tilespmem:s17+$0xFFFFFFE0] =	vst v13;
	v40 =	vbroadcast v30, $0xF;
	v44 =	vunpack.i.l.bf16.f32 v32;
	v31 =	vbroadcast v26, $0xF  }
0x405: {  	[tilespmem:s17+$0xFFFFFFF0] =	vst v2;
	v3 =	vmul.f32 v3, v41;
	v38 =	vld [tilespmem:s21+$0xFFFFFFF0];
	v47 =	vmul.f32 v42, v44  }
0x406: {  	[tilespmem:s3+$0x70] =	vst v15;
	v45 =	vmul.f32 v40, v8;
	v25 =	vunpack.i.u.bf16.f32 v59;
	v34 =	vmul.f32 v31, v14;
	v39, _, _ =	vpop (xrf2)  }
0x407: {  	[tilespmem:s3+$0x60] =	vst v5;
	v35 =	vunpack.i.l.bf16.f32 v62;
	v16 =	vmul.f32 v16, v25;
	v43 =	vbroadcast v39, $0xF  }
0x408: {  	[tilespmem:s0+$0x70] =	vst v9;
	v46 =	vunpack.i.u.bf16.f32 v33;
	v2 =	vmul.f32 v34, v35;
	v29 =	vmul.f32 v20, v4  }
0x409: {  	[tilespmem:s3+$0xFFFFFFE0] =	vst v3;
	v12 =	vunpack.i.l.bf16.f32 v59;
	v50 =	vmul.f32 v45, v46;
	v48 =	vmul.f32 v43, v7;
	v49, _, _ =	vpop (xrf2)  }
0x40a: {  	[tilespmem:s3+$0xFFFFFFF0] =	vst v47;
	v51 =	vunpack.i.u.bf16.f32 v38;
	v54 =	vld [tilespmem:s15+$0xFFFFFFF0];
	v4 =	vmul.f32 v29, v12;
	v52 =	vbroadcast v49, $0xF;
	v53, _, _ =	vpop (xrf2)  }
0x40b: {  	[tilespmem:s23+$0x70] =	vst v2;
	v2 =	vmul.f32 v48, v51;
	v55 =	vbroadcast v53, $0xF;
	v56, _, _ =	vpop (xrf2)  }
0x40c: {  	[tilespmem:s20+$0xFFFFFFE0] =	vst v16;
	v3 =	vmul.f32 v52, v7;
	v57 =	vbroadcast v56, $0xF;
	v58, _, _ =	vpop (xrf2)  }
0x40d: {  	v59 =	vunpack.i.l.bf16.f32 v38;
	[tilespmem:s0+$0x60] =	vst v50;
	v6 =	vmul.f32 v55, v14;
	v8 =	vbroadcast v58, $0xF  }
0x40e: {  	v60 =	vunpack.i.u.bf16.f32 v62;
	[tilespmem:s20+$0xFFFFFFF0] =	vst v4;
	v3 =	vmul.f32 v3, v59;
	v61 =	vmul.f32 v57, v10  }
0x40f: {  	v62 =	vunpack.i.u.bf16.f32 v54;
	[tilespmem:s0+$0xFFFFFFE0] =	vst v2;
	v2 =	vmul.f32 v6, v60;
	v63 =	vmul.f32 v8, v10  }
0x410: {  	[tilespmem:s0+$0xFFFFFFF0] =	vst v3;
	v3 =	vunpack.i.l.bf16.f32 v54;
	v4 =	vmul.f32 v61, v62  }
0x411: {  	s13 =	sadd.s32 $0x1, s13;
	[tilespmem:s23+$0x60] =	vst v2;
	v2 =	vmul.f32 v63, v3  }
0x412: {  	p1 =	sne.s32 s13, $0x7C;
	s22 =	simm.s32 $0x30;
	[tilespmem:s23+$0xFFFFFFE0] =	vst v4  }
.Ltmp5:
0x413: {  	s21 =	rddreg [dreg:$0x5];
	[tilespmem:s23+$0xFFFFFFF0] =	vst v2;
	s23 =	simm.s32 $0x280;
	(pc) =	sbr.rel @p1 .LBB2_6-.Ltmp5, $4  }
0x414: {  	[spmem:s21] =	stream.indirect.scatter.add.f32 [tilespmem:s26], [sflag:$0x5], $0x80, s23, s22, $0xb8;
	[tilespmem:$0x1CD80] =	vst v63  }
0x415: {  	_ =	swait.ge [sflag:s28], $0x1800  }
0x416: {  	[sflag:s28] =	ssyncset.done $0x0  }
0x417: {  	[sflag:s28] =	ssyncadd.s32 $0xFFFFE800  }
0x418: {  	_ =	swait.ge [sflag:s18], $0x28  }
0x419: {  	[sflag:s18] =	ssyncset.done $0x0  }
0x41a: {  	[sflag:s18] =	ssyncadd.s32 $0xFFFFFFD8  }
0x41b: {  	_ =	swait.ge [sflag:s18], $0x28  }
0x41c: {  	[sflag:s18] =	ssyncset.done $0x0  }
0x41d: {  	[sflag:s18] =	ssyncadd.s32 $0xFFFFFFD8  }
0x41e: {  	_ =	swait.ge [sflag:s18], $0x28  }
0x41f: {  	s1 =	simm.s32 $0x28;
	[sflag:s18] =	ssyncset.done $0x0  }
0x420: {  	s2 =	simm.s32 $0x1900;
	s0 =	rddreg [dreg:$0x8];
	[sflag:s18] =	ssyncadd.s32 $0xFFFFFFD8  }
0x421: {  	[tilespmem:s2], [sflag:$0x2] =	stream.indirect.gather [hbm4b:s0+s1], $0x80, s11, s1, $0xb8;
	[tilespmem:$0x1CD80] =	vst v63  }
0x422: {  	s6 =	simm.s32 $0x180;
	s8 =	simm.s32 $0x4100  }
0x423: {  	[tilespmem:s8], [sflag:$0x2] =	stream.indirect.gather [hbm4b:s29+s1], $0x80, s6, s1, $0xb8;
	[tilespmem:$0x1CD80] =	vst v63  }
0x424: {  	s9 =	simm.s32 $0x0;
	s13 =	simm.s32 $0x6900;
	s12 =	rddreg [dreg:$0x16]  }
0x425: {  	[tilespmem:s13], [sflag:$0x2] =	stream.linear.gather [hbm4b:s12+s9], $0x1400, $0x38;
	[tilespmem:$0x1CD80] =	vst v63  }
0x426: {  	_ =	swait.ge [sflag:s24], $0x1400  }
0x427: {  	[sflag:s24] =	ssyncset.done $0x0  }
0x428: {  	[sflag:s24] =	ssyncadd.s32 $0xFFFFEC00  }
0x429: {  	_ =	swait.ge [sflag:s24], $0x1400  }
0x42a: {  	[sflag:s24] =	ssyncset.done $0x0  }
0x42b: {  	[sflag:s24] =	ssyncadd.s32 $0xFFFFEC00  }
0x42c: {  	_ =	swait.ge [sflag:s24], $0x1400  }
0x42d: {  	[sflag:s24] =	ssyncset.done $0x0  }
0x42e: {  	[sflag:s24] =	ssyncadd.s32 $0xFFFFEC00  }
0x42f: {  	v2 =	vld [tilespmem:$0x100]  }
0x430: {  	v3 =	vld [tilespmem:$0x300]  }
0x431: {  	v4 =	vld [tilespmem:$0x110]  }
0x432: {  	v5 =	vld [tilespmem:$0x310]  }
0x433: {  	v6 =	vld [tilespmem:$0x120]  }
0x434: {  	[tilespmem:$0x200] =	vst v2;
	v2 =	vld [tilespmem:$0x320]  }
0x435: {  	[tilespmem:$0x400] =	vst v3  }
0x436: {  	[tilespmem:$0x210] =	vst v4  }
0x437: {  	[tilespmem:$0x410] =	vst v5  }
0x438: {  	[tilespmem:$0x220] =	vst v6  }
0x439: {  	s16 =	simm.s32 $0x2D80;
	[tilespmem:$0x420] =	vst v2  }
0x43a: {  	s15 =	simm.s32 $0x5580;
	v2 =	vld [tilespmem:s16+$0x0]  }
0x43b: {  	s10 =	simm.s32 $0x580;
	v3 =	vld [tilespmem:s15+$0x0]  }
0x43c: {  	v4 =	vld [tilespmem:s10+$0x0]  }
0x43d: {  	v5 =	vld [tilespmem:s16+$0x10]  }
0x43e: {  	v6 =	vld [tilespmem:s15+$0x10];
	_ =	sdelay $0x3  }
0x43f: {  	v2 =	vmul.f32 v3, v2  }
0x440: {  	v3 =	vunpack.i.u.bf16.f32 v4;
	v5 =	vmul.f32 v6, v5  }
0x441: {  	v2 =	vmul.f32 v2, v3;
	v3 =	vunpack.i.l.bf16.f32 v4  }
0x442: {  	v3 =	vmul.f32 v5, v3  }
0x443: {  	(xrf2) =	vadd.scan.msk.f32 $0xffff, v2  }
0x444: {  	(xrf2) =	vadd.scan.msk.f32 $0xffff, v3  }
0x445: {  	s14 =	simm.s32 $0x1  }
0x446: {  	v2 =	vmov s14;
	_ =	sdelay $0x4  }
0x447: {  	v9 =	vld.idx.msk [tilespmem:v2+s25+$0x0], $0xffff  }
0x448: {  	v2 =	vld [tilespmem:s10+$0x40]  }
0x449: {  	v3, _, _ =	vpop (xrf2)  }
0x44a: {  	v3 =	vbroadcast v3, $0xF;
	v4, _, _ =	vpop (xrf2)  }
0x44b: {  	v4 =	vbroadcast v4, $0xF  }
0x44c: {  	v3 =	vmul.f32 v3, v9  }
0x44d: {  	v7 =	vld [tilespmem:s15+$0xFFFFFF80];
	v6 =	vunpack.i.u.bf16.f32 v2;
	v4 =	vmul.f32 v4, v9  }
0x44e: {  	v5 =	vld [tilespmem:s16+$0xFFFFFF80];
	v2 =	vunpack.i.l.bf16.f32 v2;
	v3 =	vmul.f32 v3, v6  }
0x44f: {  	s4 =	simm.s32 $0x7D80;
	v6 =	vld [tilespmem:s16+$0xFFFFFF90];
	v2 =	vmul.f32 v4, v2  }
0x450: {  	v4 =	vld [tilespmem:s15+$0xFFFFFF90];
	[tilespmem:s4+$0x0] =	vst v3  }
0x451: {  	v3 =	vld [tilespmem:s10+$0xFFFFFF80];
	[tilespmem:s4+$0x10] =	vst v2  }
0x452: {  	v2 =	vld [tilespmem:s16+$0x20]  }
0x453: {  	v8 =	vld [tilespmem:s15+$0x20]  }
0x454: {  	v10 =	vld [tilespmem:s10+$0x10]  }
0x455: {  	v11 =	vld [tilespmem:s16+$0x30]  }
0x456: {  	v12 =	vld [tilespmem:s15+$0x30];
	_ =	sdelay $0x1  }
0x457: {  	v5 =	vmul.f32 v7, v5  }
0x458: {  	v4 =	vmul.f32 v4, v6;
	v6 =	vunpack.i.u.bf16.f32 v3  }
0x459: {  	v3 =	vunpack.i.l.bf16.f32 v3;
	v5 =	vmul.f32 v5, v6;
	v2 =	vmul.f32 v8, v2  }
0x45a: {  	v3 =	vmul.f32 v4, v3;
	v4 =	vunpack.i.u.bf16.f32 v10;
	v6 =	vmul.f32 v12, v11  }
0x45b: {  	(xrf2) =	vadd.scan.msk.f32 $0xffff, v5;
	v2 =	vmul.f32 v2, v4;
	v4 =	vunpack.i.l.bf16.f32 v10  }
0x45c: {  	(xrf2) =	vadd.scan.msk.f32 $0xffff, v3;
	v3 =	vmul.f32 v6, v4  }
0x45d: {  	(xrf2) =	vadd.scan.msk.f32 $0xffff, v2  }
0x45e: {  	(xrf2) =	vadd.scan.msk.f32 $0xffff, v3;
	_ =	sdelay $0x1  }
0x45f: {  	s13 =	simm.s32 $0x680  }
0x460: {  	s1 =	simm.s32 $0x5680;
	v7 =	vld [tilespmem:s13+$0x0]  }
0x461: {  	v12 =	vld [tilespmem:s1+$0x10];
	v2 =	vmov s9  }
0x462: {  	s2 =	simm.s32 $0x2E80;
	v5 =	vld [tilespmem:s1+$0x0];
	v2 =	vand.u32 $0xFFFFFFFE, v2  }
0x463: {  	v10 =	vld [tilespmem:s2+$0x10];
	v2 =	vbroadcast v2, $0x0  }
0x464: {  	v3 =	vld [tilespmem:s2+$0x0];
	v6, _, _ =	vpop (xrf2)  }
0x465: {  	v4 =	vld [tilespmem:s10+$0x50];
	v8, _, _ =	vpop (xrf2)  }
0x466: {  	v11, _, _ =	vpop (xrf2)  }
0x467: {  	v11 =	vbroadcast v11, $0xF;
	v13, _, _ =	vpop (xrf2)  }
0x468: {  	v15 =	vunpack.i.u.bf16.f32 v7;
	v10 =	vmul.f32 v12, v10;
	v13 =	vbroadcast v13, $0xF  }
0x469: {  	v7 =	vunpack.i.l.bf16.f32 v7;
	v3 =	vmul.f32 v5, v3;
	v2 =	vld.idx.msk [tilespmem:v2+s25+$0x0], $0xffff;
	v11 =	vmul.f32 v11, v9  }
0x46a: {  	v14 =	vunpack.i.u.bf16.f32 v4;
	v7 =	vmul.f32 v10, v7;
	v5 =	vld [tilespmem:s10+$0xFFFFFFC0];
	v13 =	vmul.f32 v13, v9  }
0x46b: {  	v4 =	vunpack.i.l.bf16.f32 v4;
	v3 =	vmul.f32 v3, v15;
	v11 =	vmul.f32 v11, v14  }
0x46c: {  	v6 =	vbroadcast v6, $0xF;
	v4 =	vmul.f32 v13, v4  }
0x46d: {  	v8 =	vbroadcast v8, $0xF;
	(xrf2) =	vadd.scan.msk.f32 $0xffff, v3;
	[tilespmem:s4+$0x20] =	vst v11  }
0x46e: {  	(xrf2) =	vadd.scan.msk.f32 $0xffff, v7;
	v3 =	vmul.f32 v6, v2;
	[tilespmem:s4+$0x30] =	vst v4  }
0x46f: {  	s17 =	simm.s32 $0x3;
	v6 =	vmul.f32 v8, v2;
	v4 =	vunpack.i.u.bf16.f32 v5;
	v7 =	vld [tilespmem:s10+$0x20]  }
0x470: {  	v8 =	vmov s17;
	v5 =	vunpack.i.l.bf16.f32 v5;
	v3 =	vmul.f32 v3, v4;
	v4 =	vld [tilespmem:s16+$0x40]  }
0x471: {  	v5 =	vmul.f32 v6, v5;
	v6 =	vld [tilespmem:s15+$0x40]  }
0x472: {  	v10 =	vld [tilespmem:s16+$0x50]  }
0x473: {  	[tilespmem:s4+$0xFFFFFF90] =	vst v5;
	v5 =	vld [tilespmem:s15+$0x50]  }
0x474: {  	v16 =	vld [tilespmem:s2+$0xFFFFFF90]  }
0x475: {  	[tilespmem:s4+$0xFFFFFF80] =	vst v3;
	v3 =	vld.idx.msk [tilespmem:v8+s25+$0x0], $0xffff  }
0x476: {  	v8 =	vld [tilespmem:s13+$0x40]  }
0x477: {  	v11 =	vld [tilespmem:s16+$0xFFFFFFA0];
	v4 =	vmul.f32 v6, v4;
	v6, _, _ =	vpop (xrf2)  }
0x478: {  	v12 =	vld [tilespmem:s15+$0xFFFFFFA0];
	v14 =	vunpack.i.u.bf16.f32 v7;
	v6 =	vbroadcast v6, $0xF;
	v5 =	vmul.f32 v5, v10;
	v10, _, _ =	vpop (xrf2)  }
0x479: {  	v13 =	vld [tilespmem:s16+$0xFFFFFFB0];
	v7 =	vunpack.i.l.bf16.f32 v7;
	v4 =	vmul.f32 v4, v14;
	v10 =	vbroadcast v10, $0xF  }
0x47a: {  	v15 =	vld [tilespmem:s15+$0xFFFFFFB0];
	v6 =	vmul.f32 v6, v3;
	v5 =	vmul.f32 v5, v7  }
0x47b: {  	v14 =	vld [tilespmem:s2+$0xFFFFFF80];
	(xrf2) =	vadd.scan.msk.f32 $0xffff, v4;
	v4 =	vunpack.i.u.bf16.f32 v8;
	v10 =	vmul.f32 v10, v3  }
0x47c: {  	v7 =	vld [tilespmem:s1+$0xFFFFFF80];
	v4 =	vmul.f32 v6, v4;
	(xrf2) =	vadd.scan.msk.f32 $0xffff, v5;
	v5 =	vunpack.i.l.bf16.f32 v8  }
0x47d: {  	s17 =	simm.s32 $0x7E80;
	v6 =	vld [tilespmem:s1+$0xFFFFFF90];
	v5 =	vmul.f32 v10, v5  }
0x47e: {  	v8 =	vld [tilespmem:s13+$0xFFFFFF80];
	[tilespmem:s17+$0x0] =	vst v4  }
0x47f: {  	v4 =	vld [tilespmem:s10+$0xFFFFFF90];
	[tilespmem:s17+$0x10] =	vst v5  }
0x480: {  	v5 =	vld [tilespmem:s2+$0x20]  }
0x481: {  	v18 =	vld [tilespmem:s1+$0x20]  }
0x482: {  	v7 =	vmul.f32 v7, v14;
	v14 =	vld [tilespmem:s13+$0x10]  }
0x483: {  	v6 =	vmul.f32 v6, v16;
	v16 =	vld [tilespmem:s2+$0x30]  }
0x484: {  	s19 =	simm.s32 $0x2;
	v11 =	vmul.f32 v12, v11;
	v13 =	vmul.f32 v15, v13;
	v15 =	vld [tilespmem:s1+$0x30];
	v12 =	vunpack.i.u.bf16.f32 v8  }
0x485: {  	v10 =	vmov s19;
	v8 =	vunpack.i.l.bf16.f32 v8;
	v7 =	vmul.f32 v7, v12  }
0x486: {  	v10 =	vand.u32 $0xFFFFFFFE, v10;
	v6 =	vmul.f32 v6, v8;
	v8 =	vunpack.i.u.bf16.f32 v4  }
0x487: {  	v17 =	vld [tilespmem:s10+$0x60];
	v10 =	vbroadcast v10, $0x0;
	v4 =	vunpack.i.l.bf16.f32 v4;
	v8 =	vmul.f32 v11, v8;
	(xrf2) =	vadd.scan.msk.f32 $0xffff, v7  }
0x488: {  	v4 =	vmul.f32 v13, v4;
	v12, _, _ =	vpop (xrf2);
	v5 =	vmul.f32 v18, v5  }
0x489: {  	v12 =	vbroadcast v12, $0xF;
	(xrf2) =	vadd.scan.msk.f32 $0xffff, v6;
	v13 =	vunpack.i.u.bf16.f32 v14;
	v15 =	vmul.f32 v15, v16;
	v19, _, _ =	vpop (xrf2)  }
0x48a: {  	(xrf2) =	vadd.scan.msk.f32 $0xffff, v8;
	v8 =	vunpack.i.l.bf16.f32 v14;
	v11 =	vbroadcast v19, $0xF;
	v5 =	vmul.f32 v5, v13  }
0x48b: {  	s14 =	simm.s32 $0x5780;
	v7 =	vmul.f32 v12, v9;
	(xrf2) =	vadd.scan.msk.f32 $0xffff, v4;
	v8 =	vmul.f32 v15, v8  }
0x48c: {  	v20 =	vld [tilespmem:s14+$0x10];
	v12 =	vunpack.i.u.bf16.f32 v17;
	v11 =	vmul.f32 v11, v9;
	(xrf2) =	vadd.scan.msk.f32 $0xffff, v5  }
0x48d: {  	v6 =	vunpack.i.l.bf16.f32 v17;
	v14 =	vld [tilespmem:s14+$0x0];
	v7 =	vmul.f32 v7, v12;
	(xrf2) =	vadd.scan.msk.f32 $0xffff, v8  }
0x48e: {  	v5 =	vld [tilespmem:s13+$0xFFFFFFC0];
	v6 =	vmul.f32 v11, v6  }
0x48f: {  	s5 =	simm.s32 $0x2F80;
	v4 =	vld.idx.msk [tilespmem:v10+s25+$0x0], $0xffff;
	[tilespmem:s4+$0x40] =	vst v7  }
0x490: {  	v11 =	vld [tilespmem:s5+$0x0];
	[tilespmem:s4+$0x50] =	vst v6  }
0x491: {  	v6 =	vld [tilespmem:s16+$0x70];
	v10, _, _ =	vpop (xrf2)  }
0x492: {  	v7 =	vld [tilespmem:s15+$0x70];
	v10 =	vbroadcast v10, $0xF  }
0x493: {  	s12 =	simm.s32 $0x780;
	v8 =	vld [tilespmem:s10+$0x30];
	v17 =	vunpack.i.u.bf16.f32 v5;
	v13, _, _ =	vpop (xrf2)  }
0x494: {  	v16 =	vld [tilespmem:s12+$0x0];
	v13 =	vbroadcast v13, $0xF;
	v15, _, _ =	vpop (xrf2);
	v10 =	vmul.f32 v10, v4  }
0x495: {  	v12 =	vld [tilespmem:s13+$0x50];
	v11 =	vmul.f32 v14, v11;
	v18, _, _ =	vpop (xrf2)  }
0x496: {  	v19 =	vld [tilespmem:s5+$0x10];
	v13 =	vmul.f32 v13, v4;
	v10 =	vmul.f32 v10, v17;
	v17, _, _ =	vpop (xrf2)  }
0x497: {  	v5 =	vunpack.i.l.bf16.f32 v5;
	v6 =	vmul.f32 v7, v6;
	v7 =	vbroadcast v17, $0xF;
	v17, _, _ =	vpop (xrf2)  }
0x498: {  	v5 =	vmul.f32 v13, v5;
	v13 =	vunpack.i.l.bf16.f32 v8;
	v17 =	vbroadcast v17, $0xF  }
0x499: {  	v6 =	vmul.f32 v6, v13;
	v7 =	vmul.f32 v7, v3  }
0x49a: {  	v13 =	vunpack.i.u.bf16.f32 v12;
	v12 =	vunpack.i.l.bf16.f32 v12;
	v17 =	vmul.f32 v17, v3  }
0x49b: {  	[tilespmem:s17+$0xFFFFFF80] =	vst v10;
	v10 =	vunpack.i.u.bf16.f32 v16;
	v7 =	vmul.f32 v7, v13;
	v13 =	vmul.f32 v20, v19  }
0x49c: {  	v14 =	vld [tilespmem:s10+$0xFFFFFFD0];
	[tilespmem:s17+$0xFFFFFF90] =	vst v5;
	v10 =	vmul.f32 v11, v10;
	v11 =	vunpack.i.l.bf16.f32 v16;
	v5 =	vmul.f32 v17, v12  }
0x49d: {  	(xrf2) =	vadd.scan.msk.f32 $0xffff, v6;
	v17 =	vbroadcast v18, $0xF;
	v18 =	vld [tilespmem:s14+$0xFFFFFF80];
	[tilespmem:s17+$0x20] =	vst v7;
	v6 =	vmul.f32 v13, v11  }
0x49e: {  	(xrf2) =	vadd.scan.msk.f32 $0xffff, v10;
	v7 =	vld [tilespmem:s5+$0xFFFFFF80];
	[tilespmem:s17+$0x30] =	vst v5  }
0x49f: {  	v10 =	vld [tilespmem:s13+$0x20];
	(xrf2) =	vadd.scan.msk.f32 $0xffff, v6  }
0x4a0: {  	s20 =	simm.s32 $0x5;
	v6 =	vld [tilespmem:s2+$0x40]  }
0x4a1: {  	v13 =	vbroadcast v15, $0xF;
	v5 =	vmov s20;
	v11 =	vld [tilespmem:s1+$0x40]  }
0x4a2: {  	v16 =	vld [tilespmem:s2+$0x50]  }
0x4a3: {  	v17 =	vmul.f32 v17, v2;
	v15 =	vld [tilespmem:s1+$0x50];
	v13 =	vmul.f32 v13, v2  }
0x4a4: {  	v19 =	vld [tilespmem:s12+$0xFFFFFF80];
	v20 =	vunpack.i.u.bf16.f32 v14;
	v14 =	vunpack.i.l.bf16.f32 v14  }
0x4a5: {  	v14 =	vmul.f32 v17, v14;
	v17 =	vld [tilespmem:s5+$0xFFFFFF90]  }
0x4a6: {  	v5 =	vld.idx.msk [tilespmem:v5+s25+$0x0], $0xffff  }
0x4a7: {  	v20 =	vmul.f32 v13, v20;
	v13, _, _ =	vpop (xrf2);
	v6 =	vmul.f32 v11, v6;
	v11 =	vld [tilespmem:s12+$0x40]  }
0x4a8: {  	v7 =	vmul.f32 v18, v7;
	v21 =	vunpack.i.u.bf16.f32 v10;
	v15 =	vmul.f32 v15, v16;
	v16 =	vld [tilespmem:s14+$0xFFFFFF90];
	v22, _, _ =	vpop (xrf2)  }
0x4a9: {  	v23 =	vld [tilespmem:s1+$0xFFFFFFA0];
	v10 =	vunpack.i.l.bf16.f32 v10;
	v6 =	vmul.f32 v6, v21;
	v21 =	vbroadcast v22, $0xF;
	v22, _, _ =	vpop (xrf2)  }
0x4aa: {  	v12 =	vld [tilespmem:s2+$0xFFFFFFA0];
	[tilespmem:s4+$0xFFFFFFB0] =	vst v14;
	v10 =	vmul.f32 v15, v10;
	v15 =	vbroadcast v22, $0xF  }
0x4ab: {  	v18 =	vld [tilespmem:s1+$0xFFFFFFB0];
	[tilespmem:s4+$0xFFFFFFA0] =	vst v20;
	v20 =	vunpack.i.u.bf16.f32 v19;
	(xrf2) =	vadd.scan.msk.f32 $0xffff, v6;
	v6 =	vmul.f32 v21, v5  }
0x4ac: {  	v14 =	vld [tilespmem:s13+$0xFFFFFF90];
	v7 =	vmul.f32 v7, v20;
	(xrf2) =	vadd.scan.msk.f32 $0xffff, v10;
	v10 =	vunpack.i.u.bf16.f32 v11;
	v15 =	vmul.f32 v15, v5  }
0x4ad: {  	v11 =	vunpack.i.l.bf16.f32 v11;
	v22 =	vld [tilespmem:s2+$0xFFFFFFB0];
	v6 =	vmul.f32 v6, v10;
	v10 =	vmul.f32 v16, v17  }
0x4ae: {  	s21 =	simm.s32 $0x4;
	s3 =	simm.s32 $0x7F80;
	v16 =	vld [tilespmem:s16+$0xFFFFFFC0];
	v17 =	vunpack.i.l.bf16.f32 v19;
	v11 =	vmul.f32 v15, v11  }
0x4af: {  	v19 =	vld [tilespmem:s15+$0xFFFFFFC0];
	(xrf2) =	vadd.scan.msk.f32 $0xffff, v7;
	[tilespmem:s3+$0x0] =	vst v6;
	v7 =	vmul.f32 v10, v17;
	v15 =	vmov s21  }
0x4b0: {  	v6 =	vand.u32 $0xFFFFFFFE, v15;
	v15 =	vld [tilespmem:s10+$0xFFFFFFA0];
	[tilespmem:s3+$0x10] =	vst v11  }
0x4b1: {  	(xrf2) =	vadd.scan.msk.f32 $0xffff, v7;
	v10 =	vld [tilespmem:s5+$0x20]  }
0x4b2: {  	v17 =	vld [tilespmem:s14+$0x20]  }
0x4b3: {  	v11 =	vmul.f32 v23, v12;
	v12 =	vmul.f32 v18, v22;
	v20 =	vld [tilespmem:s12+$0x10]  }
0x4b4: {  	v18 =	vunpack.i.u.bf16.f32 v14;
	v14 =	vunpack.i.l.bf16.f32 v14;
	v21 =	vld [tilespmem:s14+$0x30]  }
0x4b5: {  	v12 =	vmul.f32 v12, v14;
	v14 =	vld [tilespmem:s5+$0x30]  }
0x4b6: {  	v18 =	vmul.f32 v11, v18  }
0x4b7: {  	s0 =	simm.s32 $0x3080;
	v6 =	vbroadcast v6, $0x0  }
0x4b8: {  	v32 =	vld [tilespmem:s0+$0x10];
	v16 =	vmul.f32 v19, v16;
	v11, _, _ =	vpop (xrf2);
	(xrf2) =	vadd.scan.msk.f32 $0xffff, v18;
	v18 =	vunpack.i.u.bf16.f32 v20  }
0x4b9: {  	v35 =	vld [tilespmem:s0+$0xFFFFFF80];
	v22 =	vunpack.i.u.bf16.f32 v15;
	v19 =	vbroadcast v11, $0xF;
	v11, _, _ =	vpop (xrf2);
	v10 =	vmul.f32 v17, v10  }
0x4ba: {  	s19 =	simm.s32 $0x880;
	v7 =	vld [tilespmem:s13+$0x60];
	v16 =	vmul.f32 v16, v22;
	v25, _, _ =	vpop (xrf2);
	v14 =	vmul.f32 v21, v14  }
0x4bb: {  	s22 =	simm.s32 $0x6;
	v30 =	vld [tilespmem:s19+$0x0];
	(xrf2) =	vadd.scan.msk.f32 $0xffff, v12;
	v23 =	vbroadcast v11, $0xF;
	v20 =	vunpack.i.l.bf16.f32 v20;
	v10 =	vmul.f32 v10, v18;
	v18, _, _ =	vpop (xrf2)  }
0x4bc: {  	v24 =	vmov s22;
	v44 =	vld [tilespmem:s19+$0xFFFFFF80];
	(xrf2) =	vadd.scan.msk.f32 $0xffff, v16;
	v16 =	vbroadcast v18, $0xF;
	v18 =	vmul.f32 v14, v20  }
0x4bd: {  	v22 =	vand.u32 $0xFFFFFFFE, v24;
	v6 =	vld.idx.msk [tilespmem:v6+s25+$0x0], $0xffff;
	(xrf2) =	vadd.scan.msk.f32 $0xffff, v10  }
0x4be: {  	s20 =	simm.s32 $0x5880;
	v17 =	vld [tilespmem:s12+$0xFFFFFFC0];
	v12 =	vbroadcast v22, $0x0;
	v23 =	vmul.f32 v23, v3;
	(xrf2) =	vadd.scan.msk.f32 $0xffff, v18  }
0x4bf: {  	v28 =	vld [tilespmem:s20+$0x0];
	v26 =	vunpack.i.u.bf16.f32 v7;
	v7 =	vunpack.i.l.bf16.f32 v7  }
0x4c0: {  	v24 =	vld [tilespmem:s16+$0x60];
	v7 =	vmul.f32 v23, v7  }
0x4c1: {  	v11 =	vld [tilespmem:s10+$0x70];
	v19 =	vmul.f32 v19, v3  }
0x4c2: {  	v22 =	vld [tilespmem:s16+$0xFFFFFFD0];
	[tilespmem:s17+$0x50] =	vst v7;
	v7 =	vmul.f32 v16, v6  }
0x4c3: {  	v25 =	vbroadcast v25, $0xF;
	v19 =	vmul.f32 v19, v26;
	v20 =	vld [tilespmem:s15+$0xFFFFFFD0];
	v16 =	vunpack.i.l.bf16.f32 v17  }
0x4c4: {  	v16 =	vmul.f32 v7, v16;
	v7 =	vld.idx.msk [tilespmem:v12+s25+$0x0], $0xffff;
	v12, _, _ =	vpop (xrf2)  }
0x4c5: {  	[tilespmem:s17+$0x40] =	vst v19;
	v19 =	vmul.f32 v25, v6;
	v25 =	vld [tilespmem:s12+$0x50];
	v23, _, _ =	vpop (xrf2)  }
0x4c6: {  	v10 =	vunpack.i.u.bf16.f32 v17;
	v17 =	vld [tilespmem:s2+$0x70];
	v27, _, _ =	vpop (xrf2)  }
0x4c7: {  	v18 =	vmul.f32 v19, v10;
	v19 =	vld [tilespmem:s1+$0x70];
	v29, _, _ =	vpop (xrf2)  }
0x4c8: {  	v10 =	vld [tilespmem:s13+$0x30];
	v29 =	vbroadcast v29, $0xF;
	v31, _, _ =	vpop (xrf2)  }
0x4c9: {  	[tilespmem:s3+$0xFFFFFF80] =	vst v18;
	v18 =	vld [tilespmem:s0+$0x0];
	v20 =	vmul.f32 v20, v22;
	v22 =	vbroadcast v31, $0xF  }
0x4ca: {  	v31 =	vld [tilespmem:s20+$0x10];
	v29 =	vmul.f32 v29, v5  }
0x4cb: {  	v15 =	vunpack.i.l.bf16.f32 v15;
	v21 =	vld [tilespmem:s13+$0xFFFFFFD0];
	v34 =	vunpack.i.u.bf16.f32 v25;
	v22 =	vmul.f32 v22, v5  }
0x4cc: {  	v26 =	vld [tilespmem:s15+$0x60];
	v25 =	vunpack.i.l.bf16.f32 v25;
	v17 =	vmul.f32 v19, v17;
	v29 =	vmul.f32 v29, v34  }
0x4cd: {  	v14 =	vld [tilespmem:s10+$0xFFFFFFE0];
	[tilespmem:s3+$0xFFFFFF90] =	vst v16;
	v15 =	vmul.f32 v20, v15;
	v42 =	vunpack.i.l.bf16.f32 v10;
	v22 =	vmul.f32 v22, v25  }
0x4ce: {  	v16 =	vld [tilespmem:s5+$0xFFFFFFA0];
	v18 =	vmul.f32 v28, v18;
	v17 =	vmul.f32 v17, v42;
	[tilespmem:s3+$0x20] =	vst v29  }
0x4cf: {  	v33 =	vld [tilespmem:s14+$0xFFFFFFA0];
	(xrf2) =	vadd.scan.msk.f32 $0xffff, v15;
	v28 =	vunpack.i.u.bf16.f32 v30;
	v29 =	vmul.f32 v31, v32;
	[tilespmem:s3+$0x30] =	vst v22  }
0x4d0: {  	v15 =	vmul.f32 v18, v28;
	v18 =	vunpack.i.l.bf16.f32 v30;
	(xrf2) =	vadd.scan.msk.f32 $0xffff, v17;
	v17 =	vld [tilespmem:s12+$0x20]  }
0x4d1: {  	v18 =	vmul.f32 v29, v18;
	v22 =	vld [tilespmem:s5+$0x40]  }
0x4d2: {  	v23 =	vbroadcast v23, $0xF;
	(xrf2) =	vadd.scan.msk.f32 $0xffff, v15;
	v28 =	vld [tilespmem:s14+$0x40]  }
0x4d3: {  	v30 =	vld [tilespmem:s14+$0x50];
	(xrf2) =	vadd.scan.msk.f32 $0xffff, v18  }
0x4d4: {  	s6 =	simm.s32 $0x7;
	v23 =	vmul.f32 v23, v4;
	v18 =	vld [tilespmem:s5+$0x50]  }
0x4d5: {  	v20 =	vld [tilespmem:s5+$0xFFFFFFB0];
	v27 =	vbroadcast v27, $0xF;
	v15 =	vmul.f32 v26, v24;
	v29 =	vmov s6  }
0x4d6: {  	v8 =	vunpack.i.u.bf16.f32 v8;
	v19 =	vld [tilespmem:s14+$0xFFFFFFB0];
	v16 =	vmul.f32 v33, v16;
	v24 =	vbroadcast v12, $0xF  }
0x4d7: {  	v26 =	vbroadcast v13, $0xF;
	v43 =	vmul.f32 v15, v8;
	v25 =	vld [tilespmem:s20+$0xFFFFFF80]  }
0x4d8: {  	v13 =	vld [tilespmem:s20+$0xFFFFFF90];
	v8 =	vmul.f32 v24, v4;
	v22 =	vmul.f32 v28, v22  }
0x4d9: {  	v24 =	vunpack.i.u.bf16.f32 v21;
	v31 =	vld [tilespmem:s0+$0xFFFFFF90];
	v36 =	vunpack.i.u.bf16.f32 v17;
	v18 =	vmul.f32 v30, v18  }
0x4da: {  	v24 =	vmul.f32 v8, v24;
	(xrf2) =	vadd.scan.msk.f32 $0xffff, v43;
	v28, _, _ =	vpop (xrf2);
	v8 =	vld.idx.msk [tilespmem:v29+s25+$0x0], $0xffff;
	v17 =	vunpack.i.l.bf16.f32 v17;
	v22 =	vmul.f32 v22, v36  }
0x4db: {  	v19 =	vmul.f32 v19, v20;
	v29, _, _ =	vpop (xrf2);
	v30 =	vld [tilespmem:s19+$0x40];
	v17 =	vmul.f32 v18, v17  }
0x4dc: {  	v45 =	vld [tilespmem:s1+$0x60];
	v21 =	vunpack.i.l.bf16.f32 v21;
	[tilespmem:s17+$0xFFFFFFA0] =	vst v24;
	v24 =	vmul.f32 v25, v35;
	v46, _, _ =	vpop (xrf2);
	(xrf2) =	vadd.scan.msk.f32 $0xffff, v22  }
0x4dd: {  	v12 =	vld [tilespmem:s13+$0x70];
	v18 =	vmul.f32 v23, v21;
	v22 =	vbroadcast v46, $0xF;
	(xrf2) =	vadd.scan.msk.f32 $0xffff, v17;
	v23, _, _ =	vpop (xrf2)  }
0x4de: {  	v15 =	vld [tilespmem:s2+$0x60];
	v28 =	vbroadcast v28, $0xF;
	v23 =	vbroadcast v23, $0xF  }
0x4df: {  	v25 =	vld [tilespmem:s12+$0xFFFFFF90];
	[tilespmem:s17+$0xFFFFFFB0] =	vst v18;
	v17 =	vmul.f32 v13, v31;
	v18 =	vunpack.i.u.bf16.f32 v44;
	v22 =	vmul.f32 v22, v8  }
0x4e0: {  	v21 =	vld [tilespmem:s19+$0xFFFFFFC0];
	v48 =	vunpack.i.u.bf16.f32 v30;
	v18 =	vmul.f32 v24, v18;
	v23 =	vmul.f32 v23, v8  }
0x4e1: {  	v31 =	vunpack.i.l.bf16.f32 v44;
	v47 =	vld [tilespmem:s2+$0xFFFFFFC0];
	v30 =	vunpack.i.l.bf16.f32 v30;
	v22 =	vmul.f32 v22, v48  }
0x4e2: {  	s6 =	simm.s32 $0x8080;
	v24 =	vld [tilespmem:s1+$0xFFFFFFC0];
	v17 =	vmul.f32 v17, v31;
	(xrf2) =	vadd.scan.msk.f32 $0xffff, v18;
	v23 =	vmul.f32 v23, v30  }
0x4e3: {  	v31 =	vld [tilespmem:s2+$0xFFFFFFD0];
	v18 =	vmul.f32 v26, v9;
	[tilespmem:s6+$0x0] =	vst v22;
	v22 =	vmul.f32 v27, v2  }
0x4e4: {  	v20, _, _ =	vpop (xrf2);
	v26 =	vld [tilespmem:s13+$0xFFFFFFA0];
	(xrf2) =	vadd.scan.msk.f32 $0xffff, v17;
	v17 =	vunpack.i.u.bf16.f32 v14;
	[tilespmem:s6+$0x10] =	vst v23;
	v23 =	vmul.f32 v28, v2  }
0x4e5: {  	v20 =	vbroadcast v20, $0xF;
	v14 =	vunpack.i.l.bf16.f32 v14;
	v17 =	vmul.f32 v22, v17;
	v22 =	vld [tilespmem:s12+$0x60]  }
0x4e6: {  	v28 =	vbroadcast v29, $0xF;
	v29, _, _ =	vpop (xrf2);
	v27 =	vld [tilespmem:s0+$0x20];
	v14 =	vmul.f32 v23, v14;
	v23 =	vunpack.i.u.bf16.f32 v25  }
0x4e7: {  	v49 =	vld [tilespmem:s20+$0x20];
	v25 =	vunpack.i.l.bf16.f32 v25;
	v16 =	vmul.f32 v16, v23;
	v23 =	vbroadcast v29, $0xF;
	v29, _, _ =	vpop (xrf2)  }
0x4e8: {  	v50 =	vld [tilespmem:s0+$0x30];
	v19 =	vmul.f32 v19, v25;
	v25 =	vbroadcast v29, $0xF  }
0x4e9: {  	[tilespmem:s4+$0xFFFFFFC0] =	vst v17;
	v17 =	vmul.f32 v24, v47;
	v24 =	vld [tilespmem:s19+$0x10];
	v23 =	vmul.f32 v23, v5  }
0x4ea: {  	v52 =	vunpack.i.u.bf16.f32 v26;
	v37 =	vunpack.i.u.bf16.f32 v22;
	v29 =	vld [tilespmem:s20+$0x30];
	v25 =	vmul.f32 v25, v5  }
0x4eb: {  	s8 =	simm.s32 $0x8;
	v30 =	vld [tilespmem:s1+$0xFFFFFFD0];
	v22 =	vunpack.i.l.bf16.f32 v22;
	[tilespmem:s4+$0xFFFFFFD0] =	vst v14;
	(xrf2) =	vadd.scan.msk.f32 $0xffff, v16;
	v23 =	vmul.f32 v23, v37  }
0x4ec: {  	v17 =	vmul.f32 v17, v52;
	v53 =	vld [tilespmem:s16+$0xFFFFFFE0];
	v16 =	vmov s8;
	v55, _, _ =	vpop (xrf2);
	v22 =	vmul.f32 v25, v22  }
0x4ed: {  	v54 =	vld [tilespmem:s15+$0xFFFFFFE0];
	v27 =	vmul.f32 v49, v27;
	v16 =	vand.u32 $0xFFFFFFFE, v16;
	v33 =	vbroadcast v55, $0xF  }
0x4ee: {  	v56 =	vld [tilespmem:s15+$0xFFFFFFF0];
	(xrf2) =	vadd.scan.msk.f32 $0xffff, v19;
	v16 =	vbroadcast v16, $0x0;
	[tilespmem:s3+$0x50] =	vst v22;
	v22 =	vunpack.i.u.bf16.f32 v24  }
0x4ef: {  	v51 =	vunpack.i.l.bf16.f32 v11;
	v25 =	vld [tilespmem:s16+$0xFFFFFFF0];
	[tilespmem:s3+$0x40] =	vst v23;
	v29 =	vmul.f32 v29, v50;
	v23, _, _ =	vpop (xrf2);
	v19 =	vmul.f32 v27, v22  }
0x4f0: {  	v24 =	vunpack.i.l.bf16.f32 v24;
	v22 =	vmul.f32 v33, v7;
	v27 =	vld [tilespmem:s5+$0x70];
	v23 =	vbroadcast v23, $0xF  }
0x4f1: {  	v9 =	vmul.f32 v20, v9;
	(xrf2) =	vadd.scan.msk.f32 $0xffff, v17;
	v17 =	vunpack.i.u.bf16.f32 v21;
	v24 =	vmul.f32 v29, v24;
	v29 =	vld [tilespmem:s14+$0x70]  }
0x4f2: {  	v11 =	vunpack.i.u.bf16.f32 v11;
	v17 =	vmul.f32 v22, v17;
	v22 =	vld [tilespmem:s12+$0x30];
	v23 =	vmul.f32 v23, v7  }
0x4f3: {  	v15 =	vmul.f32 v45, v15;
	v13 =	vld [tilespmem:s12+$0xFFFFFFD0];
	v11 =	vmul.f32 v9, v11;
	v21 =	vunpack.i.l.bf16.f32 v21;
	(xrf2) =	vadd.scan.msk.f32 $0xffff, v19  }
0x4f4: {  	v57 =	vld [tilespmem:s19+$0x50];
	v9 =	vmul.f32 v54, v53;
	(xrf2) =	vadd.scan.msk.f32 $0xffff, v24;
	v21 =	vmul.f32 v23, v21  }
0x4f5: {  	v19 =	vmul.f32 v28, v3;
	v28 =	vmul.f32 v30, v31;
	v24 =	vld [tilespmem:s10+$0xFFFFFFB0];
	[tilespmem:s6+$0xFFFFFF80] =	vst v17;
	v17 =	vunpack.i.u.bf16.f32 v10;
	v20, _, _ =	vpop (xrf2)  }
0x4f6: {  	v10 =	vld.idx.msk [tilespmem:v16+s25+$0x0], $0xffff;
	v16 =	vunpack.i.l.bf16.f32 v26;
	v20 =	vbroadcast v20, $0xF;
	[tilespmem:s6+$0xFFFFFF90] =	vst v21;
	v21 =	vmul.f32 v29, v27  }
0x4f7: {  	v14 =	vld [tilespmem:s13+$0xFFFFFFE0];
	s16 =	simm.s32 $0x3180;
	v25 =	vmul.f32 v56, v25;
	v16 =	vmul.f32 v28, v16;
	v27 =	vunpack.i.l.bf16.f32 v22  }
0x4f8: {  	v31 =	vld [tilespmem:s16+$0x0];
	v23 =	vunpack.i.l.bf16.f32 v12;
	v30, _, _ =	vpop (xrf2);
	v20 =	vmul.f32 v20, v6;
	v21 =	vmul.f32 v21, v27  }
0x4f9: {  	v19 =	vmul.f32 v19, v23;
	v23 =	vld [tilespmem:s10+$0xFFFFFFF0];
	v30 =	vbroadcast v30, $0xF;
	s10 =	simm.s32 $0x5980;
	(xrf2) =	vadd.scan.msk.f32 $0xffff, v16;
	v27 =	vunpack.i.u.bf16.f32 v13  }
0x4fa: {  	v18 =	vmul.f32 v18, v51;
	v29 =	vunpack.i.u.bf16.f32 v24;
	v20 =	vmul.f32 v20, v27;
	v27 =	vld [tilespmem:s10+$0x0];
	(xrf2) =	vadd.scan.msk.f32 $0xffff, v21  }
0x4fb: {  	v61 =	vld [tilespmem:s10+$0x10];
	v29 =	vmul.f32 v9, v29;
	v9 =	vunpack.i.u.bf16.f32 v12;
	v12 =	vmul.f32 v30, v6  }
0x4fc: {  	v15 =	vmul.f32 v15, v17;
	v28 =	vld [tilespmem:s0+$0xFFFFFFB0];
	v24 =	vunpack.i.l.bf16.f32 v24;
	v13 =	vunpack.i.l.bf16.f32 v13;
	v21, _, _ =	vpop (xrf2)  }
0x4fd: {  	s15 =	simm.s32 $0x980;
	v16 =	vld [tilespmem:s20+$0xFFFFFFB0];
	v24 =	vmul.f32 v25, v24;
	v60 =	vmul.f32 v12, v13;
	v25, _, _ =	vpop (xrf2)  }
0x4fe: {  	v59 =	vunpack.i.u.bf16.f32 v14;
	[tilespmem:s17+$0x70] =	vst v19;
	v30 =	vld [tilespmem:s15+$0x0];
	v21 =	vbroadcast v21, $0xF;
	v25 =	vbroadcast v25, $0xF;
	v58, _, _ =	vpop (xrf2)  }
0x4ff: {  	v17 =	vld [tilespmem:s0+$0xFFFFFFA0];
	v19 =	vunpack.i.l.bf16.f32 v14;
	(xrf2) =	vadd.scan.msk.f32 $0xffff, v29;
	v14 =	vmul.f32 v27, v31;
	v33 =	vbroadcast v58, $0xF  }
0x500: {  	[tilespmem:s4+$0x70] =	vst v18;
	v26 =	vld [tilespmem:s20+$0xFFFFFFA0];
	v18 =	vmul.f32 v21, v4;
	v12 =	vmul.f32 v25, v8  }
0x501: {  	v13 =	vunpack.i.u.bf16.f32 v57;
	v29 =	vld [tilespmem:s16+$0x10];
	(xrf2) =	vadd.scan.msk.f32 $0xffff, v24;
	v24 =	vmul.f32 v33, v8  }
0x502: {  	v63 =	vld [tilespmem:s10+$0xFFFFFF90];
	v31 =	vmul.f32 v18, v59;
	v12 =	vmul.f32 v12, v13;
	v13 =	vunpack.i.l.bf16.f32 v57  }
0x503: {  	v27 =	vunpack.i.u.bf16.f32 v30;
	v21 =	vld [tilespmem:s10+$0xFFFFFF80];
	v18 =	vmul.f32 v16, v28;
	v16, _, _ =	vpop (xrf2);
	v24 =	vmul.f32 v24, v13  }
0x504: {  	[tilespmem:s4+$0x60] =	vst v11;
	v25 =	vld [tilespmem:s16+$0xFFFFFF80];
	v62 =	vmul.f32 v14, v27;
	v16 =	vbroadcast v16, $0xF;
	v14, _, _ =	vpop (xrf2)  }
0x505: {  	v17 =	vmul.f32 v26, v17;
	v28 =	vld [tilespmem:s12+$0x70];
	[tilespmem:s6+$0x30] =	vst v24;
	v24 =	vbroadcast v14, $0xF  }
0x506: {  	v26 =	vld [tilespmem:s16+$0xFFFFFF90];
	v11 =	vmul.f32 v61, v29;
	[tilespmem:s6+$0x20] =	vst v12;
	v16 =	vmul.f32 v16, v4  }
0x507: {  	v27 =	vunpack.i.l.bf16.f32 v30;
	v13 =	vunpack.i.u.bf16.f32 v23;
	v12 =	vunpack.i.l.bf16.f32 v23;
	(xrf2) =	vadd.scan.msk.f32 $0xffff, v62;
	v23 =	vld [tilespmem:s19+$0x20]  }
0x508: {  	[tilespmem:s3+$0xFFFFFFA0] =	vst v20;
	v11 =	vmul.f32 v11, v27;
	v20 =	vld [tilespmem:s0+$0x40];
	v16 =	vmul.f32 v16, v19  }
0x509: {  	[tilespmem:s3+$0xFFFFFFB0] =	vst v60;
	v14 =	vunpack.i.u.bf16.f32 v22;
	v27 =	vld [tilespmem:s20+$0x40];
	v22 =	vmul.f32 v24, v5;
	v24, _, _ =	vpop (xrf2)  }
0x50a: {  	s23 =	simm.s32 $0x9;
	v21 =	vmul.f32 v21, v25;
	v25 =	vld [tilespmem:s0+$0x50];
	(xrf2) =	vadd.scan.msk.f32 $0xffff, v11;
	v19 =	vunpack.i.l.bf16.f32 v28;
	v30 =	vbroadcast v24, $0xF  }
0x50b: {  	[tilespmem:s17+$0xFFFFFFC0] =	vst v31;
	v11 =	vunpack.i.u.bf16.f32 v28;
	v28 =	vmov s23;
	v29 =	vmul.f32 v22, v19;
	v19 =	vld [tilespmem:s5+$0x60]  }
0x50c: {  	s9 =	simm.s32 $0xA;
	[tilespmem:s17+$0xFFFFFFD0] =	vst v16;
	v24 =	vmul.f32 v63, v26;
	v26 =	vld [tilespmem:s20+$0x50];
	v16, _, _ =	vpop (xrf2);
	v30 =	vmul.f32 v30, v2  }
.LBB2_12:
0x50d: {  	p1 =	slt.u32 s9, $0x26;
	v22 =	vld [tilespmem:s14+$0x60];
	[tilespmem:s3+$0x70] =	vst v29;
	(xrf2) =	vadd.scan.msk.f32 $0xffff, v15;
	v15 =	vbroadcast v16, $0xF  }
0x50e: {  	v16 =	vld [tilespmem:s15+$0xFFFFFF80];
	v20 =	vmul.f32 v27, v20;
	v13 =	vmul.f32 v30, v13  }
0x50f: {  	v29 =	vunpack.i.u.bf16.f32 v23;
	v27 =	vld [tilespmem:s15+$0xFFFFFFC0];
	v15 =	vmul.f32 v15, v2;
	v2 =	vmovc v4;
	v4 =	vmovc v6;
	v6 =	vmov v7  }
0x510: {  	v7 =	vmov v10;
	v28 =	vld.idx.msk [tilespmem:v28+s25+$0x0], $0xffff;
	v20 =	vmul.f32 v20, v29;
	[tilespmem:s4+$0xFFFFFFE0] =	vst v13  }
0x511: {  	v25 =	vmul.f32 v26, v25;
	v10, _, _ =	vpop (xrf2);
	v13 =	vld [tilespmem:s19+$0xFFFFFF90];
	v12 =	vmul.f32 v15, v12  }
0x512: {  	v23 =	vunpack.i.l.bf16.f32 v23;
	v15 =	vld [tilespmem:s15+$0x40];
	(xrf2) =	vadd.scan.msk.f32 $0xffff, v20;
	v19 =	vmul.f32 v22, v19  }
0x513: {  	v23 =	vmul.f32 v25, v23;
	v20 =	vunpack.i.u.bf16.f32 v16;
	v16 =	vunpack.i.l.bf16.f32 v16;
	v22 =	vld [tilespmem:s19+$0xFFFFFFD0];
	[tilespmem:s4+$0xFFFFFFF0] =	vst v12;
	s4 =	smov.u32 s17;
	s17 =	smov.u32 s3;
	s3 =	smov.u32 s6  }
0x514: {  	v10 =	vbroadcast v10, $0xF;
	v12 =	vunpack.i.u.bf16.f32 v27;
	v20 =	vmul.f32 v21, v20;
	v21, _, _ =	vpop (xrf2);
	v25 =	vld [tilespmem:s5+$0xFFFFFFC0]  }
0x515: {  	v26 =	vunpack.i.l.bf16.f32 v27;
	v16 =	vmul.f32 v24, v16;
	v21 =	vbroadcast v21, $0xF;
	(xrf2) =	vadd.scan.msk.f32 $0xffff, v23;
	v23 =	vld [tilespmem:s14+$0xFFFFFFC0]  }
0x516: {  	v10 =	vmul.f32 v10, v28;
	v24 =	vunpack.i.u.bf16.f32 v13;
	v13 =	vunpack.i.l.bf16.f32 v13;
	v27 =	vld [tilespmem:s5+$0xFFFFFFD0]  }
0x517: {  	v29 =	vunpack.i.u.bf16.f32 v15;
	v21 =	vmul.f32 v21, v28;
	v24 =	vmul.f32 v17, v24;
	v30 =	vld [tilespmem:s14+$0xFFFFFFD0];
	v31, _, _ =	vpop (xrf2)  }
0x518: {  	v15 =	vunpack.i.l.bf16.f32 v15;
	v13 =	vmul.f32 v18, v13;
	v10 =	vmul.f32 v10, v29;
	(xrf2) =	vadd.scan.msk.f32 $0xffff, v20;
	v18 =	vld [tilespmem:s12+$0xFFFFFFA0]  }
0x519: {  	s6 =	sadd.s32 $0x100, s6;
	v17 =	vunpack.i.l.bf16.f32 v22;
	v20 =	vmul.f32 v21, v15;
	v21 =	vunpack.i.u.bf16.f32 v22;
	v22 =	vld [tilespmem:s12+$0xFFFFFFE0]  }
0x51a: {  	v15 =	vmul.f32 v19, v14;
	[tilespmem:s6+$0x0] =	vst v10;
	v10 =	vmul.f32 v23, v25;
	v14 =	vld [tilespmem:s2+$0xFFFFFFE0]  }
0x51b: {  	[tilespmem:s6+$0x10] =	vst v20;
	(xrf2) =	vadd.scan.msk.f32 $0xffff, v16;
	v19 =	vld [tilespmem:s1+$0xFFFFFFE0];
	v16 =	vbroadcast v31, $0xF  }
0x51c: {  	v20 =	vld [tilespmem:s16+$0x20];
	v23, _, _ =	vpop (xrf2);
	v25 =	vmul.f32 v30, v27  }
0x51d: {  	v27 =	vld [tilespmem:s19+$0x60];
	v29 =	vunpack.i.u.bf16.f32 v18;
	v18 =	vunpack.i.l.bf16.f32 v18;
	v30 =	vmul.f32 v16, v3;
	v3 =	vmovc v5;
	v5 =	vmovc v8  }
0x51e: {  	v8 =	vmovc v28;
	v31 =	vld [tilespmem:s10+$0x20];
	(xrf2) =	vadd.scan.msk.f32 $0xffff, v24;
	v24 =	vunpack.i.u.bf16.f32 v22;
	v10 =	vmul.f32 v10, v29;
	v18 =	vmul.f32 v25, v18  }
0x51f: {  	v23 =	vbroadcast v23, $0xF;
	v16 =	vunpack.i.l.bf16.f32 v22;
	v25 =	vld [tilespmem:s15+$0x10];
	v28, _, _ =	vpop (xrf2);
	v22 =	vmul.f32 v30, v9  }
0x520: {  	v9 =	vmov v11;
	v29 =	vld [tilespmem:s16+$0x30];
	v28 =	vbroadcast v28, $0xF;
	v14 =	vmul.f32 v19, v14  }
0x521: {  	v11 =	vmov s9;
	v23 =	vmul.f32 v23, v5;
	v19 =	vld [tilespmem:s10+$0x30];
	(xrf2) =	vadd.scan.msk.f32 $0xffff, v13;
	[tilespmem:s4+$0x60] =	vst v22  }
0x522: {  	v11 =	vand.u32 $0xFFFFFFFE, v11;
	v13, _, _ =	vpop (xrf2);
	v22 =	vunpack.i.u.bf16.f32 v27;
	v32 =	vmul.f32 v28, v5;
	v30 =	vld [tilespmem:s2+$0xFFFFFFF0];
	s2 =	smov.u32 s5;
	s5 =	smov.u32 s0;
	s0 =	smov.u32 s16  }
0x523: {  	v27 =	vunpack.i.l.bf16.f32 v27;
	v20 =	vmul.f32 v31, v20;
	v22 =	vmul.f32 v23, v22;
	v23 =	vld [tilespmem:s1+$0xFFFFFFF0];
	s1 =	smov.u32 s14;
	s14 =	smov.u32 s20;
	s20 =	smov.u32 s10  }
0x524: {  	v13 =	vbroadcast v13, $0xF;
	v31 =	vunpack.i.u.bf16.f32 v25;
	v27 =	vmul.f32 v32, v27;
	(xrf2) =	vadd.scan.msk.f32 $0xffff, v10;
	v10 =	vld [tilespmem:s13+$0xFFFFFFB0]  }
0x525: {  	v11 =	vbroadcast v11, $0x0;
	v20 =	vmul.f32 v20, v31;
	v28, _, _ =	vpop (xrf2);
	[tilespmem:s3+$0x40] =	vst v22;
	v22 =	vld [tilespmem:s13+$0xFFFFFFF0];
	s13 =	smov.u32 s12;
	s12 =	smov.u32 s19;
	s19 =	smov.u32 s15  }
0x526: {  	v31 =	vbroadcast v28, $0xF;
	v19 =	vmul.f32 v19, v29;
	[tilespmem:s3+$0x50] =	vst v27  }
0x527: {  	v25 =	vunpack.i.l.bf16.f32 v25;
	v13 =	vmul.f32 v13, v7;
	(xrf2) =	vadd.scan.msk.f32 $0xffff, v20;
	v20 =	vld [tilespmem:s5+$0x70]  }
0x528: {  	v27 =	vmul.f32 v31, v7;
	v19 =	vmul.f32 v19, v25;
	v25 =	vld [tilespmem:s14+$0x70];
	v28, _, _ =	vpop (xrf2)  }
0x529: {  	v31 =	vmul.f32 v13, v12;
	v13 =	vbroadcast v28, $0xF;
	v28 =	vld [tilespmem:s12+$0x30];
	v29 =	vunpack.i.u.bf16.f32 v10  }
0x52a: {  	v23 =	vmul.f32 v23, v30;
	v26 =	vmul.f32 v27, v26;
	(xrf2) =	vadd.scan.msk.f32 $0xffff, v19;
	v19 =	vunpack.i.l.bf16.f32 v10  }
0x52b: {  	v29 =	vmul.f32 v14, v29;
	[tilespmem:s6+$0xFFFFFF80] =	vst v31;
	v27 =	vmul.f32 v13, v6;
	v12, _, _ =	vpop (xrf2);
	v13 =	vunpack.i.u.bf16.f32 v22  }
0x52c: {  	v19 =	vmul.f32 v23, v19;
	v10 =	vld.idx.msk [tilespmem:v11+s25+$0x0], $0xffff;
	[tilespmem:s6+$0xFFFFFF90] =	vst v26;
	v11 =	vbroadcast v12, $0xF;
	v12 =	vunpack.i.l.bf16.f32 v22  }
0x52d: {  	v22 =	vld [tilespmem:s16+$0xFFFFFFA0];
	v21 =	vmul.f32 v27, v21;
	v20 =	vmul.f32 v25, v20;
	(xrf2) =	vadd.scan.msk.f32 $0xffff, v18  }
0x52e: {  	v18 =	vld [tilespmem:s10+$0xFFFFFFA0];
	v11 =	vmul.f32 v11, v6;
	v14 =	vunpack.i.u.bf16.f32 v28;
	v23 =	vunpack.i.l.bf16.f32 v28;
	v25, _, _ =	vpop (xrf2)  }
0x52f: {  	v26 =	vld [tilespmem:s16+$0xFFFFFFB0];
	[tilespmem:s3+$0xFFFFFFA0] =	vst v21;
	v20 =	vmul.f32 v20, v23;
	v21 =	vbroadcast v25, $0xF  }
0x530: {  	s16 =	sadd.s32 $0x100, s16;
	v23 =	vld [tilespmem:s10+$0xFFFFFFB0];
	v11 =	vmul.f32 v11, v17  }
0x531: {  	v25 =	vld [tilespmem:s16+$0x0];
	v27, _, _ =	vpop (xrf2);
	(xrf2) =	vadd.scan.msk.f32 $0xffff, v20;
	v20 =	vmul.f32 v21, v4  }
0x532: {  	s10 =	sadd.s32 $0x100, s10;
	v21 =	vld [tilespmem:s15+$0x50];
	[tilespmem:s3+$0xFFFFFFB0] =	vst v11  }
0x533: {  	s15 =	sadd.s32 $0x100, s15;
	v11 =	vld [tilespmem:s10+$0x0];
	v17 =	vmul.f32 v18, v22;
	v20 =	vmul.f32 v20, v24  }
0x534: {  	v24 =	vbroadcast v27, $0xF;
	v22 =	vld [tilespmem:s15+$0x0];
	v27, _, _ =	vpop (xrf2);
	(xrf2) =	vadd.scan.msk.f32 $0xffff, v29  }
0x535: {  	v28 =	vld [tilespmem:s16+$0x10];
	v18 =	vmul.f32 v23, v26;
	v23 =	vbroadcast v27, $0xF;
	[tilespmem:s17+$0xFFFFFFC0] =	vst v20  }
0x536: {  	v24 =	vmul.f32 v24, v8;
	v20 =	vld [tilespmem:s10+$0x10]  }
0x537: {  	v26 =	vld [tilespmem:s16+$0xFFFFFF80];
	v27 =	vunpack.i.u.bf16.f32 v21;
	v23 =	vmul.f32 v23, v8;
	v29, _, _ =	vpop (xrf2);
	(xrf2) =	vadd.scan.msk.f32 $0xffff, v19  }
0x538: {  	v21 =	vunpack.i.l.bf16.f32 v21;
	v19 =	vld [tilespmem:s10+$0xFFFFFF80];
	v11 =	vmul.f32 v11, v25;
	v24 =	vmul.f32 v24, v27  }
0x539: {  	v30 =	vld [tilespmem:s16+$0xFFFFFF90];
	v25 =	vunpack.i.u.bf16.f32 v22;
	v27 =	vmul.f32 v23, v21;
	v23 =	vbroadcast v29, $0xF  }
0x53a: {  	v11 =	vmul.f32 v11, v25;
	[tilespmem:s6+$0x20] =	vst v24;
	v24 =	vld [tilespmem:s12+$0x70]  }
0x53b: {  	v29 =	vld [tilespmem:s10+$0xFFFFFF90];
	v20 =	vmul.f32 v20, v28;
	[tilespmem:s6+$0x30] =	vst v27;
	v21, _, _ =	vpop (xrf2);
	v25 =	vmul.f32 v23, v4  }
0x53c: {  	v22 =	vunpack.i.l.bf16.f32 v22;
	(xrf2) =	vadd.scan.msk.f32 $0xffff, v11;
	v23 =	vld [tilespmem:s19+$0x20];
	v11 =	vbroadcast v21, $0xF  }
.Ltmp6:
0x53d: {  	v21 =	vmul.f32 v19, v26;
	v19 =	vmul.f32 v20, v22;
	v20 =	vld [tilespmem:s0+$0x40];
	(pc) =	sbr.rel @p1 .LBB2_12-.Ltmp6, $4  }
0x53e: {  	v32 =	vmul.f32 v25, v16;
	v27 =	vld [tilespmem:s20+$0x40];
	v22 =	vmul.f32 v11, v5;
	v26, _, _ =	vpop (xrf2)  }
0x53f: {  	s8 =	sadd.s32 $0x1, s9;
	(xrf2) =	vadd.scan.msk.f32 $0xffff, v19;
	v25 =	vld [tilespmem:s0+$0x50];
	v11 =	vunpack.i.u.bf16.f32 v24;
	v19 =	vunpack.i.l.bf16.f32 v24;
	v31 =	vbroadcast v26, $0xF  }
0x540: {  	v28 =	vmov s8;
	v24 =	vmul.f32 v29, v30;
	v26 =	vld [tilespmem:s20+$0x50];
	v29 =	vmul.f32 v22, v19;
	[tilespmem:s17+$0xFFFFFFD0] =	vst v32  }
0x541: {  	s9 =	sadd.s32 $0x2, s9;
	v19 =	vld [tilespmem:s5+$0x60];
	v30 =	vmul.f32 v31, v2;
	v16, _, _ =	vpop (xrf2)  }
0x542: {  	_ = 	snop  }
0x543: {  	v22 =	vld [tilespmem:s14+$0x60]  }
0x544: {  	v31 =	vld [tilespmem:s15+$0xFFFFFF80];
	v20 =	vmul.f32 v27, v20  }
0x545: {  	v32 =	vunpack.i.u.bf16.f32 v23;
	(xrf2) =	vadd.scan.msk.f32 $0xffff, v15;
	v15 =	vld [tilespmem:s19+$0xFFFFFF90];
	v30 =	vmul.f32 v30, v13  }
0x546: {  	v13 =	vld.idx.msk [tilespmem:v28+s25+$0x0], $0xffff;
	v20 =	vmul.f32 v20, v32  }
0x547: {  	[tilespmem:s3+$0x70] =	vst v29;
	v29 =	vld [tilespmem:s15+$0x40]  }
0x548: {  	v27 =	vld [tilespmem:s15+$0xFFFFFFC0];
	[tilespmem:s4+$0xFFFFFFE0] =	vst v30;
	v28, _, _ =	vpop (xrf2);
	(xrf2) =	vadd.scan.msk.f32 $0xffff, v20  }
0x549: {  	v20 =	vld [tilespmem:s19+$0xFFFFFFD0];
	v28 =	vbroadcast v28, $0xF;
	v30, _, _ =	vpop (xrf2)  }
0x54a: {  	v30 =	vbroadcast v30, $0xF  }
0x54b: {  	v28 =	vmul.f32 v28, v13  }
0x54c: {  	v56 =	vunpack.i.u.bf16.f32 v29;
	v30 =	vmul.f32 v30, v13  }
0x54d: {  	v29 =	vunpack.i.l.bf16.f32 v29;
	v28 =	vmul.f32 v28, v56  }
0x54e: {  	s21 =	sadd.s32 $0x100, s6;
	v57 =	vld [tilespmem:s5+$0xFFFFFFC0];
	v29 =	vmul.f32 v30, v29  }
0x54f: {  	[tilespmem:s21+$0x0] =	vst v28;
	v28 =	vld [tilespmem:s12+$0xFFFFFFA0]  }
0x550: {  	v30 =	vld [tilespmem:s14+$0xFFFFFFC0];
	[tilespmem:s21+$0x10] =	vst v29  }
0x551: {  	v29 =	vld [tilespmem:s16+$0x20]  }
0x552: {  	v33 =	vld [tilespmem:s10+$0x20]  }
0x553: {  	v25 =	vmul.f32 v26, v25;
	v26 =	vld [tilespmem:s15+$0x10]  }
0x554: {  	v23 =	vunpack.i.l.bf16.f32 v23;
	v34 =	vld [tilespmem:s16+$0x30]  }
0x555: {  	v35 =	vunpack.i.u.bf16.f32 v31;
	v23 =	vmul.f32 v25, v23;
	v25 =	vld [tilespmem:s10+$0x30]  }
0x556: {  	v31 =	vunpack.i.l.bf16.f32 v31;
	v21 =	vmul.f32 v21, v35  }
0x557: {  	v24 =	vmul.f32 v24, v31;
	(xrf2) =	vadd.scan.msk.f32 $0xffff, v23;
	v23 =	vunpack.i.u.bf16.f32 v15  }
0x558: {  	v15 =	vunpack.i.l.bf16.f32 v15;
	v17 =	vmul.f32 v17, v23;
	(xrf2) =	vadd.scan.msk.f32 $0xffff, v21;
	v21 =	vmul.f32 v30, v57  }
0x559: {  	v15 =	vmul.f32 v18, v15;
	(xrf2) =	vadd.scan.msk.f32 $0xffff, v24;
	v18 =	vunpack.i.u.bf16.f32 v28;
	v23 =	vmul.f32 v33, v29  }
0x55a: {  	(xrf2) =	vadd.scan.msk.f32 $0xffff, v17;
	v17 =	vmul.f32 v21, v18;
	v18 =	vunpack.i.u.bf16.f32 v26;
	v21 =	vmul.f32 v25, v34  }
0x55b: {  	(xrf2) =	vadd.scan.msk.f32 $0xffff, v15;
	v15 =	vmul.f32 v23, v18;
	v18 =	vunpack.i.l.bf16.f32 v26  }
0x55c: {  	(xrf2) =	vadd.scan.msk.f32 $0xffff, v17;
	v17 =	vmul.f32 v21, v18  }
0x55d: {  	(xrf2) =	vadd.scan.msk.f32 $0xffff, v15  }
0x55e: {  	v18 =	vld [tilespmem:s19+$0x60];
	(xrf2) =	vadd.scan.msk.f32 $0xffff, v17  }
0x55f: {  	v15, _, _ =	vpop (xrf2)  }
0x560: {  	v17, _, _ =	vpop (xrf2)  }
0x561: {  	v21, _, _ =	vpop (xrf2)  }
0x562: {  	v17 =	vbroadcast v17, $0xF;
	v23, _, _ =	vpop (xrf2)  }
0x563: {  	v31 =	vunpack.i.u.bf16.f32 v18;
	v21 =	vbroadcast v21, $0xF;
	v25, _, _ =	vpop (xrf2)  }
0x564: {  	v60 =	vld [tilespmem:s1+$0xFFFFFFE0];
	v17 =	vmul.f32 v17, v8;
	v29, _, _ =	vpop (xrf2)  }
0x565: {  	v61 =	vld [tilespmem:s2+$0xFFFFFFF0];
	v21 =	vmul.f32 v21, v8;
	v58, _, _ =	vpop (xrf2)  }
0x566: {  	v59 =	vld [tilespmem:s15+$0x50];
	v18 =	vunpack.i.l.bf16.f32 v18;
	v23 =	vbroadcast v23, $0xF;
	v17 =	vmul.f32 v17, v31;
	v31, _, _ =	vpop (xrf2)  }
0x567: {  	v38 =	vld [tilespmem:s1+$0xFFFFFFF0];
	v18 =	vmul.f32 v21, v18;
	v21 =	vbroadcast v25, $0xF;
	v25, _, _ =	vpop (xrf2)  }
0x568: {  	v62 =	vld [tilespmem:s13+$0xFFFFFFB0];
	v23 =	vmul.f32 v23, v10;
	v25 =	vbroadcast v25, $0xF;
	v36, _, _ =	vpop (xrf2)  }
0x569: {  	v37 =	vunpack.i.u.bf16.f32 v27;
	v24 =	vld [tilespmem:s5+$0xFFFFFFD0];
	[tilespmem:s6+$0x40] =	vst v17;
	v17 =	vmul.f32 v21, v10;
	v21 =	vbroadcast v36, $0xF  }
0x56a: {  	v27 =	vunpack.i.l.bf16.f32 v27;
	v30 =	vld [tilespmem:s2+$0xFFFFFFE0];
	[tilespmem:s6+$0x50] =	vst v18;
	v18 =	vmul.f32 v23, v37;
	v23 =	vmul.f32 v25, v13  }
0x56b: {  	v26 =	vld [tilespmem:s14+$0xFFFFFFD0];
	v17 =	vmul.f32 v17, v27;
	v27 =	vunpack.i.u.bf16.f32 v59;
	v63 =	vmul.f32 v21, v13  }
0x56c: {  	v39 =	vld [tilespmem:s20+$0x70];
	[tilespmem:s21+$0xFFFFFF80] =	vst v18;
	v18 =	vunpack.i.l.bf16.f32 v59;
	v23 =	vmul.f32 v23, v27  }
0x56d: {  	v25 =	vld [tilespmem:s0+$0x70];
	[tilespmem:s21+$0xFFFFFF90] =	vst v17;
	v17 =	vmul.f32 v63, v18  }
0x56e: {  	v21 =	vld [tilespmem:s19+$0x30];
	[tilespmem:s21+$0x20] =	vst v23  }
0x56f: {  	v18 =	vld [tilespmem:s16+$0xFFFFFFA0];
	[tilespmem:s21+$0x30] =	vst v17  }
0x570: {  	v17 =	vld [tilespmem:s15+$0x20]  }
0x571: {  	v27 =	vld [tilespmem:s16+$0x40]  }
0x572: {  	v40 =	vld [tilespmem:s10+$0x40]  }
0x573: {  	v24 =	vmul.f32 v26, v24;
	v26 =	vld [tilespmem:s16+$0x50]  }
0x574: {  	v28 =	vunpack.i.l.bf16.f32 v28;
	v25 =	vmul.f32 v39, v25;
	v41 =	vld [tilespmem:s10+$0x50]  }
0x575: {  	v24 =	vmul.f32 v24, v28;
	v28 =	vmul.f32 v60, v30;
	v23 =	vld [tilespmem:s10+$0xFFFFFFA0];
	v30 =	vunpack.i.l.bf16.f32 v21  }
0x576: {  	v35 =	vmul.f32 v38, v61;
	v43 =	vunpack.i.u.bf16.f32 v62;
	v42 =	vld [tilespmem:s16+$0xFFFFFFB0];
	v25 =	vmul.f32 v25, v30  }
0x577: {  	v19 =	vmul.f32 v22, v19;
	v22 =	vunpack.i.l.bf16.f32 v62;
	v28 =	vmul.f32 v28, v43;
	(xrf2) =	vadd.scan.msk.f32 $0xffff, v24;
	v30 =	vld [tilespmem:s10+$0xFFFFFFB0]  }
0x578: {  	v22 =	vmul.f32 v35, v22;
	v24 =	vld [tilespmem:s15+$0xFFFFFF90];
	(xrf2) =	vadd.scan.msk.f32 $0xffff, v25;
	v25 =	vmul.f32 v40, v27  }
0x579: {  	v14 =	vmul.f32 v19, v14;
	(xrf2) =	vadd.scan.msk.f32 $0xffff, v28;
	v19 =	vunpack.i.u.bf16.f32 v17;
	v26 =	vmul.f32 v41, v26  }
0x57a: {  	v18 =	vmul.f32 v23, v18;
	(xrf2) =	vadd.scan.msk.f32 $0xffff, v22;
	v17 =	vunpack.i.l.bf16.f32 v17;
	v19 =	vmul.f32 v25, v19  }
0x57b: {  	(xrf2) =	vadd.scan.msk.f32 $0xffff, v14;
	v14 =	vmul.f32 v26, v17;
	v17 =	vbroadcast v29, $0xF  }
0x57c: {  	v23 =	vbroadcast v58, $0xF;
	v22 =	vmul.f32 v30, v42;
	(xrf2) =	vadd.scan.msk.f32 $0xffff, v19  }
0x57d: {  	v19 =	vunpack.i.u.bf16.f32 v24;
	v17 =	vmul.f32 v17, v7;
	(xrf2) =	vadd.scan.msk.f32 $0xffff, v14;
	v14 =	vunpack.i.l.bf16.f32 v24  }
0x57e: {  	v18 =	vmul.f32 v18, v19;
	v14 =	vmul.f32 v22, v14  }
0x57f: {  	v19 =	vunpack.i.u.bf16.f32 v20;
	v22 =	vmul.f32 v23, v7  }
0x580: {  	v17 =	vmul.f32 v17, v19;
	(xrf2) =	vadd.scan.msk.f32 $0xffff, v18;
	v18 =	vunpack.i.l.bf16.f32 v20  }
0x581: {  	v18 =	vmul.f32 v22, v18  }
0x582: {  	v20 =	vld [tilespmem:s12+$0xFFFFFFE0];
	(xrf2) =	vadd.scan.msk.f32 $0xffff, v14;
	[tilespmem:s6+$0xFFFFFFA0] =	vst v17;
	v17 =	vbroadcast v31, $0xF;
	v14, _, _ =	vpop (xrf2)  }
0x583: {  	v29 =	vld [tilespmem:s15+$0x60];
	v14 =	vbroadcast v14, $0xF  }
0x584: {  	v24 =	vld [tilespmem:s15+$0xFFFFFFD0];
	v19, _, _ =	vpop (xrf2)  }
0x585: {  	v23 =	vld [tilespmem:s20+$0x60];
	[tilespmem:s6+$0xFFFFFFB0] =	vst v18;
	v18, _, _ =	vpop (xrf2)  }
0x586: {  	v22 =	vld [tilespmem:s0+$0x60];
	v25 =	vmul.f32 v17, v6;
	v17, _, _ =	vpop (xrf2)  }
0x587: {  	v26 =	vld [tilespmem:s0+$0xFFFFFFC0];
	v27 =	vunpack.i.u.bf16.f32 v20;
	v28 =	vmul.f32 v14, v6;
	v14, _, _ =	vpop (xrf2)  }
0x588: {  	v20 =	vunpack.i.l.bf16.f32 v20;
	v25 =	vmul.f32 v25, v27;
	v27 =	vld [tilespmem:s20+$0xFFFFFFC0];
	v30, _, _ =	vpop (xrf2)  }
0x589: {  	v20 =	vmul.f32 v28, v20;
	v28 =	vld [tilespmem:s0+$0xFFFFFFD0];
	v30 =	vbroadcast v30, $0xF;
	v31, _, _ =	vpop (xrf2)  }
0x58a: {  	[tilespmem:s3+$0xFFFFFFC0] =	vst v25;
	v25 =	vld [tilespmem:s20+$0xFFFFFFD0];
	v31 =	vbroadcast v31, $0xF  }
0x58b: {  	[tilespmem:s3+$0xFFFFFFD0] =	vst v20;
	v20 =	vld [tilespmem:s19+$0xFFFFFFA0];
	v44, _, _ =	vpop (xrf2);
	v30 =	vmul.f32 v30, v13  }
0x58c: {  	v46 =	vunpack.i.u.bf16.f32 v29;
	v45 =	vld [tilespmem:s5+$0xFFFFFFE0];
	v32 =	vbroadcast v44, $0xF;
	v47, _, _ =	vpop (xrf2);
	v31 =	vmul.f32 v31, v13  }
0x58d: {  	v29 =	vunpack.i.l.bf16.f32 v29;
	v48 =	vld [tilespmem:s14+$0xFFFFFFE0];
	v49 =	vbroadcast v47, $0xF;
	v30 =	vmul.f32 v30, v46  }
0x58e: {  	v50 =	vld [tilespmem:s5+$0xFFFFFFF0];
	v29 =	vmul.f32 v31, v29;
	v31 =	vmul.f32 v32, v10  }
0x58f: {  	v51 =	vunpack.i.u.bf16.f32 v24;
	v52 =	vld [tilespmem:s14+$0xFFFFFFF0];
	[tilespmem:s21+$0x40] =	vst v30;
	v30 =	vmul.f32 v49, v10  }
0x590: {  	v24 =	vunpack.i.l.bf16.f32 v24;
	v53 =	vld [tilespmem:s12+$0xFFFFFFB0];
	[tilespmem:s21+$0x50] =	vst v29;
	v29 =	vmul.f32 v31, v51  }
0x591: {  	v31 =	vld [tilespmem:s16+$0x70];
	v24 =	vmul.f32 v30, v24  }
0x592: {  	v30 =	vld [tilespmem:s10+$0x70];
	[tilespmem:s21+$0xFFFFFFA0] =	vst v29  }
0x593: {  	v29 =	vld [tilespmem:s15+$0x30];
	[tilespmem:s21+$0xFFFFFFB0] =	vst v24  }
0x594: {  	v24 =	vld [tilespmem:s16+$0xFFFFFFC0]  }
0x595: {  	v54 =	vld [tilespmem:s10+$0xFFFFFFC0]  }
0x596: {  	v26 =	vmul.f32 v27, v26;
	v27 =	vld [tilespmem:s16+$0xFFFFFFD0]  }
0x597: {  	v25 =	vmul.f32 v25, v28;
	v28 =	vunpack.i.u.bf16.f32 v20;
	v55 =	vld [tilespmem:s10+$0xFFFFFFD0]  }
0x598: {  	v20 =	vunpack.i.l.bf16.f32 v20;
	v26 =	vmul.f32 v26, v28;
	v28 =	vmul.f32 v30, v31;
	v30 =	vld [tilespmem:s15+$0xFFFFFFA0]  }
0x599: {  	v20 =	vmul.f32 v25, v20;
	v25 =	vmul.f32 v48, v45;
	v31 =	vunpack.i.l.bf16.f32 v29  }
0x59a: {  	v56 =	vmul.f32 v52, v50;
	(xrf2) =	vadd.scan.msk.f32 $0xffff, v26;
	v26 =	vunpack.i.u.bf16.f32 v53;
	v28 =	vmul.f32 v28, v31  }
0x59b: {  	v22 =	vmul.f32 v23, v22;
	v23 =	vunpack.i.l.bf16.f32 v53;
	v25 =	vmul.f32 v25, v26;
	(xrf2) =	vadd.scan.msk.f32 $0xffff, v20  }
0x59c: {  	v20 =	vunpack.i.u.bf16.f32 v21;
	v21 =	vmul.f32 v56, v23;
	v23 =	vmul.f32 v54, v24;
	(xrf2) =	vadd.scan.msk.f32 $0xffff, v28  }
0x59d: {  	v20 =	vmul.f32 v22, v20;
	v22 =	vmul.f32 v55, v27;
	(xrf2) =	vadd.scan.msk.f32 $0xffff, v25;
	v24 =	vunpack.i.u.bf16.f32 v30  }
0x59e: {  	(xrf2) =	vadd.scan.msk.f32 $0xffff, v21;
	v21 =	vunpack.i.l.bf16.f32 v30;
	v23 =	vmul.f32 v23, v24  }
0x59f: {  	(xrf2) =	vadd.scan.msk.f32 $0xffff, v20;
	v20 =	vmul.f32 v22, v21  }
0x5a0: {  	(xrf2) =	vadd.scan.msk.f32 $0xffff, v23  }
0x5a1: {  	(xrf2) =	vadd.scan.msk.f32 $0xffff, v20  }
0x5a2: {  	v21 =	vld [tilespmem:s19+$0xFFFFFFE0];
	_ =	sdelay $0x1  }
0x5a3: {  	v20, _, _ =	vpop (xrf2)  }
0x5a4: {  	v22, _, _ =	vpop (xrf2)  }
0x5a5: {  	v20 =	vbroadcast v20, $0xF;
	v23, _, _ =	vpop (xrf2)  }
0x5a6: {  	v26 =	vunpack.i.u.bf16.f32 v21;
	v22 =	vbroadcast v22, $0xF;
	v24, _, _ =	vpop (xrf2)  }
0x5a7: {  	v20 =	vmul.f32 v20, v7;
	v25, _, _ =	vpop (xrf2)  }
0x5a8: {  	v28 =	vld [tilespmem:s15+$0xFFFFFFE0];
	v22 =	vmul.f32 v22, v7;
	v27, _, _ =	vpop (xrf2)  }
0x5a9: {  	v21 =	vunpack.i.l.bf16.f32 v21;
	v20 =	vmul.f32 v20, v26;
	v26, _, _ =	vpop (xrf2)  }
0x5aa: {  	v21 =	vmul.f32 v22, v21;
	v22 =	vbroadcast v26, $0xF;
	v26, _, _ =	vpop (xrf2)  }
0x5ab: {  	[tilespmem:s6+$0xFFFFFFC0] =	vst v20;
	v20 =	vld [tilespmem:s16+$0x60];
	v26 =	vbroadcast v26, $0xF  }
0x5ac: {  	[tilespmem:s6+$0xFFFFFFD0] =	vst v21;
	v21 =	vld [tilespmem:s10+$0x60];
	v22 =	vmul.f32 v22, v10  }
0x5ad: {  	v57 =	vunpack.i.u.bf16.f32 v28;
	v31 =	vld [tilespmem:s0+$0xFFFFFFE0];
	v26 =	vmul.f32 v26, v10  }
0x5ae: {  	v28 =	vunpack.i.l.bf16.f32 v28;
	v58 =	vld [tilespmem:s20+$0xFFFFFFE0];
	v22 =	vmul.f32 v22, v57  }
0x5af: {  	v16 =	vbroadcast v16, $0xF;
	v59 =	vld [tilespmem:s0+$0xFFFFFFF0];
	v26 =	vmul.f32 v26, v28  }
0x5b0: {  	v15 =	vbroadcast v15, $0xF;
	[tilespmem:s21+$0xFFFFFFC0] =	vst v22;
	v22 =	vld [tilespmem:s19+$0xFFFFFFB0]  }
0x5b1: {  	v2 =	vmul.f32 v16, v2;
	v28 =	vld [tilespmem:s20+$0xFFFFFFF0];
	[tilespmem:s21+$0xFFFFFFD0] =	vst v26  }
0x5b2: {  	v3 =	vmul.f32 v15, v3;
	v26 =	vld [tilespmem:s16+$0xFFFFFFE0]  }
0x5b3: {  	v2 =	vmul.f32 v2, v12;
	v15 =	vbroadcast v19, $0xF;
	v16 =	vld [tilespmem:s10+$0xFFFFFFE0]  }
0x5b4: {  	v3 =	vmul.f32 v3, v9;
	v12 =	vmul.f32 v58, v31;
	v19 =	vld [tilespmem:s16+$0xFFFFFFF0]  }
0x5b5: {  	v18 =	vbroadcast v18, $0xF;
	v9 =	vmul.f32 v15, v8;
	v31 =	vld [tilespmem:s10+$0xFFFFFFF0];
	v15 =	vunpack.i.u.bf16.f32 v22  }
0x5b6: {  	v60 =	vld [tilespmem:s15+$0xFFFFFFB0];
	v12 =	vmul.f32 v12, v15  }
0x5b7: {  	v17 =	vbroadcast v17, $0xF;
	v18 =	vmul.f32 v18, v4  }
0x5b8: {  	v14 =	vbroadcast v14, $0xF;
	v15 =	vmul.f32 v28, v59;
	(xrf2) =	vadd.scan.msk.f32 $0xffff, v12  }
0x5b9: {  	v4 =	vmul.f32 v17, v4;
	v30 =	vld [tilespmem:s19+$0x70];
	v20 =	vmul.f32 v21, v20;
	v21 =	vunpack.i.l.bf16.f32 v22  }
0x5ba: {  	v28 =	vld [tilespmem:s13+$0xFFFFFFF0];
	v16 =	vmul.f32 v16, v26;
	v12 =	vunpack.i.u.bf16.f32 v29;
	v15 =	vmul.f32 v15, v21  }
0x5bb: {  	v19 =	vmul.f32 v31, v19;
	v21 =	vld [tilespmem:s15+$0x70];
	v12 =	vmul.f32 v20, v12;
	v20 =	vunpack.i.u.bf16.f32 v60  }
0x5bc: {  	v5 =	vmul.f32 v14, v5;
	(xrf2) =	vadd.scan.msk.f32 $0xffff, v15;
	v15 =	vunpack.i.l.bf16.f32 v60;
	v16 =	vmul.f32 v16, v20  }
0x5bd: {  	v17 =	vbroadcast v23, $0xF;
	(xrf2) =	vadd.scan.msk.f32 $0xffff, v12;
	v12 =	vmul.f32 v19, v15  }
0x5be: {  	v5 =	vmul.f32 v5, v11;
	v61 =	vunpack.i.l.bf16.f32 v30;
	(xrf2) =	vadd.scan.msk.f32 $0xffff, v16  }
0x5bf: {  	v14 =	vld [tilespmem:s12+$0xFFFFFFF0];
	v9 =	vmul.f32 v9, v61;
	v16 =	vunpack.i.l.bf16.f32 v28;
	(xrf2) =	vadd.scan.msk.f32 $0xffff, v12;
	v12 =	vmul.f32 v17, v13  }
0x5c0: {  	v4 =	vmul.f32 v4, v16;
	v11 =	vunpack.i.l.bf16.f32 v21;
	v16 =	vbroadcast v24, $0xF  }
0x5c1: {  	[tilespmem:s4+$0xFFFFFFF0] =	vst v2;
	v2 =	vmul.f32 v12, v11;
	v11 =	vbroadcast v25, $0xF;
	v12 =	vld [tilespmem:s19+$0xFFFFFFF0]  }
0x5c2: {  	[tilespmem:s17+$0x60] =	vst v3;
	v3 =	vmul.f32 v16, v6;
	v16 =	vbroadcast v27, $0xF;
	v17, _, _ =	vpop (xrf2)  }
0x5c3: {  	v6 =	vmul.f32 v11, v6;
	v11 =	vbroadcast v17, $0xF  }
0x5c4: {  	[tilespmem:s6+$0x70] =	vst v9;
	v9 =	vunpack.i.u.bf16.f32 v14;
	v14 =	vunpack.i.l.bf16.f32 v14;
	v8 =	vmul.f32 v16, v8  }
0x5c5: {  	v15 =	vunpack.i.u.bf16.f32 v28;
	v3 =	vmul.f32 v3, v9;
	v9 =	vunpack.i.u.bf16.f32 v30  }
0x5c6: {  	[tilespmem:s3+$0x60] =	vst v5;
	v15 =	vmul.f32 v18, v15;
	v5 =	vmul.f32 v8, v9;
	v8 =	vunpack.i.u.bf16.f32 v12  }
0x5c7: {  	[tilespmem:s17+$0xFFFFFFF0] =	vst v4;
	v4 =	vmul.f32 v6, v14;
	v6 =	vmul.f32 v11, v7;
	v11, _, _ =	vpop (xrf2)  }
0x5c8: {  	[tilespmem:s17+$0xFFFFFFE0] =	vst v15;
	v14 =	vld [tilespmem:s15+$0xFFFFFFF0];
	v9 =	vbroadcast v11, $0xF;
	v11, _, _ =	vpop (xrf2)  }
0x5c9: {  	[tilespmem:s21+$0x70] =	vst v2;
	v2 =	vmul.f32 v6, v8;
	v6 =	vbroadcast v11, $0xF;
	v8, _, _ =	vpop (xrf2)  }
0x5ca: {  	[tilespmem:s3+$0xFFFFFFE0] =	vst v3;
	v3 =	vmul.f32 v9, v7;
	v7 =	vbroadcast v8, $0xF;
	v8, _, _ =	vpop (xrf2)  }
0x5cb: {  	[tilespmem:s3+$0xFFFFFFF0] =	vst v4;
	v4 =	vunpack.i.l.bf16.f32 v12;
	v6 =	vmul.f32 v6, v13;
	v8 =	vbroadcast v8, $0xF  }
0x5cc: {  	[tilespmem:s6+$0x60] =	vst v5;
	v9 =	vunpack.i.u.bf16.f32 v21;
	v3 =	vmul.f32 v3, v4;
	v4 =	vmul.f32 v7, v10  }
0x5cd: {  	v5 =	vunpack.i.u.bf16.f32 v14;
	[tilespmem:s6+$0xFFFFFFE0] =	vst v2;
	v2 =	vmul.f32 v6, v9;
	v6 =	vmul.f32 v8, v10  }
0x5ce: {  	[tilespmem:s6+$0xFFFFFFF0] =	vst v3;
	v3 =	vunpack.i.l.bf16.f32 v14;
	v4 =	vmul.f32 v4, v5  }
0x5cf: {  	[tilespmem:s21+$0x60] =	vst v2;
	v2 =	vmul.f32 v6, v3  }
0x5d0: {  	[tilespmem:s21+$0xFFFFFFE0] =	vst v4  }
0x5d1: {  	s12 =	rddreg [dreg:$0x5];
	s14 =	simm.s32 $0x200;
	s13 =	simm.s32 $0x30;
	[tilespmem:s21+$0xFFFFFFF0] =	vst v2  }
0x5d2: {  	[spmem:s12] =	stream.indirect.scatter.add.f32 [tilespmem:s26], [sflag:$0x5], $0x80, s14, s13, $0xb8;
	[tilespmem:$0x1CD80] =	vst v63  }
0x5d3: {  	_ =	swait.ge [sflag:s28], $0x1800  }
0x5d4: {  	[sflag:s28] =	ssyncset.done $0x0  }
0x5d5: {  	[sflag:s28] =	ssyncadd.s32 $0xFFFFE800  }
0x5d6: {  	_ =	swait.ge [sflag:s7], $0x1400  }
0x5d7: {  	[sflag:s7] =	ssyncset.done $0x0  }
0x5d8: {  	[sflag:s7] =	ssyncadd.s32 $0xFFFFEC00  }
0x5d9: {  	_ =	swait.ge [sflag:s7], $0x1400  }
0x5da: {  	[sflag:s7] =	ssyncset.done $0x0  }
0x5db: {  	[sflag:s7] =	ssyncadd.s32 $0xFFFFEC00  }
0x5dc: {  	_ =	swait.ge [sflag:s7], $0x1400  }
0x5dd: {  	[sflag:s7] =	ssyncset.done $0x0  }
0x5de: {  	[sflag:s7] =	ssyncadd.s32 $0xFFFFEC00  }
0x5df: {  	v2 =	vld [tilespmem:$0x180]  }
0x5e0: {  	v3 =	vld [tilespmem:$0x380]  }
0x5e1: {  	v4 =	vld [tilespmem:$0x190]  }
0x5e2: {  	v5 =	vld [tilespmem:$0x390]  }
0x5e3: {  	v6 =	vld [tilespmem:$0x1A0]  }
0x5e4: {  	[tilespmem:$0x280] =	vst v2;
	v2 =	vld [tilespmem:$0x3A0]  }
0x5e5: {  	[tilespmem:$0x480] =	vst v3  }
0x5e6: {  	[tilespmem:$0x290] =	vst v4  }
0x5e7: {  	[tilespmem:$0x490] =	vst v5  }
0x5e8: {  	[tilespmem:$0x2A0] =	vst v6  }
0x5e9: {  	s15 =	simm.s32 $0x4180;
	[tilespmem:$0x4A0] =	vst v2  }
0x5ea: {  	s10 =	simm.s32 $0x6980;
	v2 =	vld [tilespmem:s15+$0x0]  }
0x5eb: {  	s23 =	simm.s32 $0x1980;
	v3 =	vld [tilespmem:s10+$0x0]  }
0x5ec: {  	v4 =	vld [tilespmem:s23+$0x0]  }
0x5ed: {  	v5 =	vld [tilespmem:s15+$0x10]  }
0x5ee: {  	v6 =	vld [tilespmem:s10+$0x10];
	_ =	sdelay $0x3  }
0x5ef: {  	v2 =	vmul.f32 v3, v2  }
0x5f0: {  	v3 =	vunpack.i.u.bf16.f32 v4;
	v5 =	vmul.f32 v6, v5  }
0x5f1: {  	v2 =	vmul.f32 v2, v3;
	v3 =	vunpack.i.l.bf16.f32 v4  }
0x5f2: {  	v3 =	vmul.f32 v5, v3  }
0x5f3: {  	(xrf2) =	vadd.scan.msk.f32 $0xffff, v2  }
0x5f4: {  	(xrf2) =	vadd.scan.msk.f32 $0xffff, v3  }
0x5f5: {  	s6 =	simm.s32 $0x1  }
0x5f6: {  	v2 =	vmov s6;
	_ =	sdelay $0x4  }
0x5f7: {  	v9 =	vld.idx.msk [tilespmem:v2+s30+$0x0], $0xffff  }
0x5f8: {  	v2 =	vld [tilespmem:s23+$0x40]  }
0x5f9: {  	v3, _, _ =	vpop (xrf2)  }
0x5fa: {  	v3 =	vbroadcast v3, $0xF;
	v4, _, _ =	vpop (xrf2)  }
0x5fb: {  	v4 =	vbroadcast v4, $0xF  }
0x5fc: {  	v3 =	vmul.f32 v3, v9  }
0x5fd: {  	v7 =	vld [tilespmem:s10+$0xFFFFFF80];
	v6 =	vunpack.i.u.bf16.f32 v2;
	v4 =	vmul.f32 v4, v9  }
0x5fe: {  	v5 =	vld [tilespmem:s15+$0xFFFFFF80];
	v2 =	vunpack.i.l.bf16.f32 v2;
	v3 =	vmul.f32 v3, v6  }
0x5ff: {  	s4 =	simm.s32 $0x7D80;
	v6 =	vld [tilespmem:s15+$0xFFFFFF90];
	v2 =	vmul.f32 v4, v2  }
0x600: {  	v4 =	vld [tilespmem:s10+$0xFFFFFF90];
	[tilespmem:s4+$0x0] =	vst v3  }
0x601: {  	v3 =	vld [tilespmem:s23+$0xFFFFFF80];
	[tilespmem:s4+$0x10] =	vst v2  }
0x602: {  	v2 =	vld [tilespmem:s15+$0x20]  }
0x603: {  	v8 =	vld [tilespmem:s10+$0x20]  }
0x604: {  	v10 =	vld [tilespmem:s23+$0x10]  }
0x605: {  	v11 =	vld [tilespmem:s15+$0x30]  }
0x606: {  	v12 =	vld [tilespmem:s10+$0x30];
	_ =	sdelay $0x1  }
0x607: {  	v5 =	vmul.f32 v7, v5  }
0x608: {  	v4 =	vmul.f32 v4, v6;
	v6 =	vunpack.i.u.bf16.f32 v3  }
0x609: {  	v3 =	vunpack.i.l.bf16.f32 v3;
	v5 =	vmul.f32 v5, v6;
	v2 =	vmul.f32 v8, v2  }
0x60a: {  	v3 =	vmul.f32 v4, v3;
	v4 =	vunpack.i.u.bf16.f32 v10;
	v6 =	vmul.f32 v12, v11  }
0x60b: {  	(xrf2) =	vadd.scan.msk.f32 $0xffff, v5;
	v2 =	vmul.f32 v2, v4;
	v4 =	vunpack.i.l.bf16.f32 v10  }
0x60c: {  	(xrf2) =	vadd.scan.msk.f32 $0xffff, v3;
	v3 =	vmul.f32 v6, v4  }
0x60d: {  	(xrf2) =	vadd.scan.msk.f32 $0xffff, v2  }
0x60e: {  	(xrf2) =	vadd.scan.msk.f32 $0xffff, v3;
	_ =	sdelay $0x1  }
0x60f: {  	s13 =	simm.s32 $0x1A80  }
0x610: {  	s8 =	simm.s32 $0x0;
	s1 =	simm.s32 $0x6A80;
	v7 =	vld [tilespmem:s13+$0x0]  }
0x611: {  	v12 =	vld [tilespmem:s1+$0x10];
	v2 =	vmov s8  }
0x612: {  	s14 =	simm.s32 $0x4280;
	v5 =	vld [tilespmem:s1+$0x0];
	v2 =	vand.u32 $0xFFFFFFFE, v2  }
0x613: {  	v10 =	vld [tilespmem:s14+$0x10];
	v2 =	vbroadcast v2, $0x0  }
0x614: {  	v3 =	vld [tilespmem:s14+$0x0];
	v6, _, _ =	vpop (xrf2)  }
0x615: {  	v4 =	vld [tilespmem:s23+$0x50];
	v8, _, _ =	vpop (xrf2)  }
0x616: {  	v11, _, _ =	vpop (xrf2)  }
0x617: {  	v11 =	vbroadcast v11, $0xF;
	v13, _, _ =	vpop (xrf2)  }
0x618: {  	v15 =	vunpack.i.u.bf16.f32 v7;
	v10 =	vmul.f32 v12, v10;
	v13 =	vbroadcast v13, $0xF  }
0x619: {  	v7 =	vunpack.i.l.bf16.f32 v7;
	v3 =	vmul.f32 v5, v3;
	v2 =	vld.idx.msk [tilespmem:v2+s30+$0x0], $0xffff;
	v11 =	vmul.f32 v11, v9  }
0x61a: {  	v14 =	vunpack.i.u.bf16.f32 v4;
	v7 =	vmul.f32 v10, v7;
	v5 =	vld [tilespmem:s23+$0xFFFFFFC0];
	v13 =	vmul.f32 v13, v9  }
0x61b: {  	v4 =	vunpack.i.l.bf16.f32 v4;
	v3 =	vmul.f32 v3, v15;
	v11 =	vmul.f32 v11, v14  }
0x61c: {  	v6 =	vbroadcast v6, $0xF;
	v4 =	vmul.f32 v13, v4  }
0x61d: {  	v8 =	vbroadcast v8, $0xF;
	(xrf2) =	vadd.scan.msk.f32 $0xffff, v3;
	[tilespmem:s4+$0x20] =	vst v11  }
0x61e: {  	(xrf2) =	vadd.scan.msk.f32 $0xffff, v7;
	v3 =	vmul.f32 v6, v2;
	[tilespmem:s4+$0x30] =	vst v4  }
0x61f: {  	s9 =	simm.s32 $0x3;
	v6 =	vmul.f32 v8, v2;
	v4 =	vunpack.i.u.bf16.f32 v5;
	v7 =	vld [tilespmem:s23+$0x20]  }
0x620: {  	v8 =	vmov s9;
	v5 =	vunpack.i.l.bf16.f32 v5;
	v3 =	vmul.f32 v3, v4;
	v4 =	vld [tilespmem:s15+$0x40]  }
0x621: {  	v5 =	vmul.f32 v6, v5;
	v6 =	vld [tilespmem:s10+$0x40]  }
0x622: {  	v10 =	vld [tilespmem:s15+$0x50]  }
0x623: {  	[tilespmem:s4+$0xFFFFFF90] =	vst v5;
	v5 =	vld [tilespmem:s10+$0x50]  }
0x624: {  	v16 =	vld [tilespmem:s14+$0xFFFFFF90]  }
0x625: {  	[tilespmem:s4+$0xFFFFFF80] =	vst v3;
	v3 =	vld.idx.msk [tilespmem:v8+s30+$0x0], $0xffff  }
0x626: {  	v8 =	vld [tilespmem:s13+$0x40]  }
0x627: {  	v11 =	vld [tilespmem:s15+$0xFFFFFFA0];
	v4 =	vmul.f32 v6, v4;
	v6, _, _ =	vpop (xrf2)  }
0x628: {  	v12 =	vld [tilespmem:s10+$0xFFFFFFA0];
	v14 =	vunpack.i.u.bf16.f32 v7;
	v6 =	vbroadcast v6, $0xF;
	v5 =	vmul.f32 v5, v10;
	v10, _, _ =	vpop (xrf2)  }
0x629: {  	v13 =	vld [tilespmem:s15+$0xFFFFFFB0];
	v7 =	vunpack.i.l.bf16.f32 v7;
	v4 =	vmul.f32 v4, v14;
	v10 =	vbroadcast v10, $0xF  }
0x62a: {  	v15 =	vld [tilespmem:s10+$0xFFFFFFB0];
	v6 =	vmul.f32 v6, v3;
	v5 =	vmul.f32 v5, v7  }
0x62b: {  	v14 =	vld [tilespmem:s14+$0xFFFFFF80];
	(xrf2) =	vadd.scan.msk.f32 $0xffff, v4;
	v4 =	vunpack.i.u.bf16.f32 v8;
	v10 =	vmul.f32 v10, v3  }
0x62c: {  	v7 =	vld [tilespmem:s1+$0xFFFFFF80];
	v4 =	vmul.f32 v6, v4;
	(xrf2) =	vadd.scan.msk.f32 $0xffff, v5;
	v5 =	vunpack.i.l.bf16.f32 v8  }
0x62d: {  	s17 =	simm.s32 $0x7E80;
	v6 =	vld [tilespmem:s1+$0xFFFFFF90];
	v5 =	vmul.f32 v10, v5  }
0x62e: {  	v8 =	vld [tilespmem:s13+$0xFFFFFF80];
	[tilespmem:s17+$0x0] =	vst v4  }
0x62f: {  	v4 =	vld [tilespmem:s23+$0xFFFFFF90];
	[tilespmem:s17+$0x10] =	vst v5  }
0x630: {  	v5 =	vld [tilespmem:s14+$0x20]  }
0x631: {  	v18 =	vld [tilespmem:s1+$0x20]  }
0x632: {  	v7 =	vmul.f32 v7, v14;
	v14 =	vld [tilespmem:s13+$0x10]  }
0x633: {  	v6 =	vmul.f32 v6, v16;
	v16 =	vld [tilespmem:s14+$0x30]  }
0x634: {  	s12 =	simm.s32 $0x2;
	v11 =	vmul.f32 v12, v11;
	v13 =	vmul.f32 v15, v13;
	v15 =	vld [tilespmem:s1+$0x30];
	v12 =	vunpack.i.u.bf16.f32 v8  }
0x635: {  	v10 =	vmov s12;
	v8 =	vunpack.i.l.bf16.f32 v8;
	v7 =	vmul.f32 v7, v12  }
0x636: {  	v10 =	vand.u32 $0xFFFFFFFE, v10;
	v6 =	vmul.f32 v6, v8;
	v8 =	vunpack.i.u.bf16.f32 v4  }
0x637: {  	v17 =	vld [tilespmem:s23+$0x60];
	v10 =	vbroadcast v10, $0x0;
	v4 =	vunpack.i.l.bf16.f32 v4;
	v8 =	vmul.f32 v11, v8;
	(xrf2) =	vadd.scan.msk.f32 $0xffff, v7  }
0x638: {  	v4 =	vmul.f32 v13, v4;
	v12, _, _ =	vpop (xrf2);
	v5 =	vmul.f32 v18, v5  }
0x639: {  	v12 =	vbroadcast v12, $0xF;
	(xrf2) =	vadd.scan.msk.f32 $0xffff, v6;
	v13 =	vunpack.i.u.bf16.f32 v14;
	v15 =	vmul.f32 v15, v16;
	v19, _, _ =	vpop (xrf2)  }
0x63a: {  	(xrf2) =	vadd.scan.msk.f32 $0xffff, v8;
	v8 =	vunpack.i.l.bf16.f32 v14;
	v11 =	vbroadcast v19, $0xF;
	v5 =	vmul.f32 v5, v13  }
0x63b: {  	s5 =	simm.s32 $0x6B80;
	v7 =	vmul.f32 v12, v9;
	(xrf2) =	vadd.scan.msk.f32 $0xffff, v4;
	v8 =	vmul.f32 v15, v8  }
0x63c: {  	v20 =	vld [tilespmem:s5+$0x10];
	v12 =	vunpack.i.u.bf16.f32 v17;
	v11 =	vmul.f32 v11, v9;
	(xrf2) =	vadd.scan.msk.f32 $0xffff, v5  }
0x63d: {  	v6 =	vunpack.i.l.bf16.f32 v17;
	v14 =	vld [tilespmem:s5+$0x0];
	v7 =	vmul.f32 v7, v12;
	(xrf2) =	vadd.scan.msk.f32 $0xffff, v8  }
0x63e: {  	v5 =	vld [tilespmem:s13+$0xFFFFFFC0];
	v6 =	vmul.f32 v11, v6  }
0x63f: {  	s2 =	simm.s32 $0x4380;
	v4 =	vld.idx.msk [tilespmem:v10+s30+$0x0], $0xffff;
	[tilespmem:s4+$0x40] =	vst v7  }
0x640: {  	v11 =	vld [tilespmem:s2+$0x0];
	[tilespmem:s4+$0x50] =	vst v6  }
0x641: {  	v6 =	vld [tilespmem:s15+$0x70];
	v10, _, _ =	vpop (xrf2)  }
0x642: {  	v7 =	vld [tilespmem:s10+$0x70];
	v10 =	vbroadcast v10, $0xF  }
0x643: {  	s12 =	simm.s32 $0x1B80;
	v8 =	vld [tilespmem:s23+$0x30];
	v17 =	vunpack.i.u.bf16.f32 v5;
	v13, _, _ =	vpop (xrf2)  }
0x644: {  	v16 =	vld [tilespmem:s12+$0x0];
	v13 =	vbroadcast v13, $0xF;
	v15, _, _ =	vpop (xrf2);
	v10 =	vmul.f32 v10, v4  }
0x645: {  	v12 =	vld [tilespmem:s13+$0x50];
	v11 =	vmul.f32 v14, v11;
	v18, _, _ =	vpop (xrf2)  }
0x646: {  	v19 =	vld [tilespmem:s2+$0x10];
	v13 =	vmul.f32 v13, v4;
	v10 =	vmul.f32 v10, v17;
	v17, _, _ =	vpop (xrf2)  }
0x647: {  	v5 =	vunpack.i.l.bf16.f32 v5;
	v6 =	vmul.f32 v7, v6;
	v7 =	vbroadcast v17, $0xF;
	v17, _, _ =	vpop (xrf2)  }
0x648: {  	v5 =	vmul.f32 v13, v5;
	v13 =	vunpack.i.l.bf16.f32 v8;
	v17 =	vbroadcast v17, $0xF  }
0x649: {  	v6 =	vmul.f32 v6, v13;
	v7 =	vmul.f32 v7, v3  }
0x64a: {  	v13 =	vunpack.i.u.bf16.f32 v12;
	v12 =	vunpack.i.l.bf16.f32 v12;
	v17 =	vmul.f32 v17, v3  }
0x64b: {  	[tilespmem:s17+$0xFFFFFF80] =	vst v10;
	v10 =	vunpack.i.u.bf16.f32 v16;
	v7 =	vmul.f32 v7, v13;
	v13 =	vmul.f32 v20, v19  }
0x64c: {  	v14 =	vld [tilespmem:s23+$0xFFFFFFD0];
	[tilespmem:s17+$0xFFFFFF90] =	vst v5;
	v10 =	vmul.f32 v11, v10;
	v11 =	vunpack.i.l.bf16.f32 v16;
	v5 =	vmul.f32 v17, v12  }
0x64d: {  	(xrf2) =	vadd.scan.msk.f32 $0xffff, v6;
	v17 =	vbroadcast v18, $0xF;
	v18 =	vld [tilespmem:s5+$0xFFFFFF80];
	[tilespmem:s17+$0x20] =	vst v7;
	v6 =	vmul.f32 v13, v11  }
0x64e: {  	(xrf2) =	vadd.scan.msk.f32 $0xffff, v10;
	v7 =	vld [tilespmem:s2+$0xFFFFFF80];
	[tilespmem:s17+$0x30] =	vst v5  }
0x64f: {  	v10 =	vld [tilespmem:s13+$0x20];
	(xrf2) =	vadd.scan.msk.f32 $0xffff, v6  }
0x650: {  	s19 =	simm.s32 $0x5;
	v6 =	vld [tilespmem:s14+$0x40]  }
0x651: {  	v13 =	vbroadcast v15, $0xF;
	v5 =	vmov s19;
	v11 =	vld [tilespmem:s1+$0x40]  }
0x652: {  	v16 =	vld [tilespmem:s14+$0x50]  }
0x653: {  	v17 =	vmul.f32 v17, v2;
	v15 =	vld [tilespmem:s1+$0x50];
	v13 =	vmul.f32 v13, v2  }
0x654: {  	v19 =	vld [tilespmem:s12+$0xFFFFFF80];
	v20 =	vunpack.i.u.bf16.f32 v14;
	v14 =	vunpack.i.l.bf16.f32 v14  }
0x655: {  	v14 =	vmul.f32 v17, v14;
	v17 =	vld [tilespmem:s2+$0xFFFFFF90]  }
0x656: {  	v5 =	vld.idx.msk [tilespmem:v5+s30+$0x0], $0xffff  }
0x657: {  	v20 =	vmul.f32 v13, v20;
	v13, _, _ =	vpop (xrf2);
	v6 =	vmul.f32 v11, v6;
	v11 =	vld [tilespmem:s12+$0x40]  }
0x658: {  	v7 =	vmul.f32 v18, v7;
	v21 =	vunpack.i.u.bf16.f32 v10;
	v15 =	vmul.f32 v15, v16;
	v16 =	vld [tilespmem:s5+$0xFFFFFF90];
	v22, _, _ =	vpop (xrf2)  }
0x659: {  	v23 =	vld [tilespmem:s1+$0xFFFFFFA0];
	v10 =	vunpack.i.l.bf16.f32 v10;
	v6 =	vmul.f32 v6, v21;
	v21 =	vbroadcast v22, $0xF;
	v22, _, _ =	vpop (xrf2)  }
0x65a: {  	v12 =	vld [tilespmem:s14+$0xFFFFFFA0];
	[tilespmem:s4+$0xFFFFFFB0] =	vst v14;
	v10 =	vmul.f32 v15, v10;
	v15 =	vbroadcast v22, $0xF  }
0x65b: {  	v18 =	vld [tilespmem:s1+$0xFFFFFFB0];
	[tilespmem:s4+$0xFFFFFFA0] =	vst v20;
	v20 =	vunpack.i.u.bf16.f32 v19;
	(xrf2) =	vadd.scan.msk.f32 $0xffff, v6;
	v6 =	vmul.f32 v21, v5  }
0x65c: {  	v14 =	vld [tilespmem:s13+$0xFFFFFF90];
	v7 =	vmul.f32 v7, v20;
	(xrf2) =	vadd.scan.msk.f32 $0xffff, v10;
	v10 =	vunpack.i.u.bf16.f32 v11;
	v15 =	vmul.f32 v15, v5  }
0x65d: {  	v11 =	vunpack.i.l.bf16.f32 v11;
	v22 =	vld [tilespmem:s14+$0xFFFFFFB0];
	v6 =	vmul.f32 v6, v10;
	v10 =	vmul.f32 v16, v17  }
0x65e: {  	s20 =	simm.s32 $0x4;
	s3 =	simm.s32 $0x7F80;
	v16 =	vld [tilespmem:s15+$0xFFFFFFC0];
	v17 =	vunpack.i.l.bf16.f32 v19;
	v11 =	vmul.f32 v15, v11  }
0x65f: {  	v19 =	vld [tilespmem:s10+$0xFFFFFFC0];
	(xrf2) =	vadd.scan.msk.f32 $0xffff, v7;
	[tilespmem:s3+$0x0] =	vst v6;
	v7 =	vmul.f32 v10, v17;
	v15 =	vmov s20  }
0x660: {  	v6 =	vand.u32 $0xFFFFFFFE, v15;
	v15 =	vld [tilespmem:s23+$0xFFFFFFA0];
	[tilespmem:s3+$0x10] =	vst v11  }
0x661: {  	(xrf2) =	vadd.scan.msk.f32 $0xffff, v7;
	v10 =	vld [tilespmem:s2+$0x20]  }
0x662: {  	v17 =	vld [tilespmem:s5+$0x20]  }
0x663: {  	v11 =	vmul.f32 v23, v12;
	v12 =	vmul.f32 v18, v22;
	v20 =	vld [tilespmem:s12+$0x10]  }
0x664: {  	v18 =	vunpack.i.u.bf16.f32 v14;
	v14 =	vunpack.i.l.bf16.f32 v14;
	v21 =	vld [tilespmem:s5+$0x30]  }
0x665: {  	v12 =	vmul.f32 v12, v14;
	v14 =	vld [tilespmem:s2+$0x30]  }
0x666: {  	v18 =	vmul.f32 v11, v18  }
0x667: {  	s6 =	simm.s32 $0x4480;
	v6 =	vbroadcast v6, $0x0  }
0x668: {  	v62 =	vld [tilespmem:s6+$0x10];
	v16 =	vmul.f32 v19, v16;
	v11, _, _ =	vpop (xrf2);
	(xrf2) =	vadd.scan.msk.f32 $0xffff, v18;
	v18 =	vunpack.i.u.bf16.f32 v20  }
0x669: {  	v40 =	vld [tilespmem:s6+$0xFFFFFF80];
	v22 =	vunpack.i.u.bf16.f32 v15;
	v19 =	vbroadcast v11, $0xF;
	v11, _, _ =	vpop (xrf2);
	v10 =	vmul.f32 v17, v10  }
0x66a: {  	s19 =	simm.s32 $0x1C80;
	v7 =	vld [tilespmem:s13+$0x60];
	v16 =	vmul.f32 v16, v22;
	v25, _, _ =	vpop (xrf2);
	v14 =	vmul.f32 v21, v14  }
0x66b: {  	s21 =	simm.s32 $0x6;
	v30 =	vld [tilespmem:s19+$0x0];
	(xrf2) =	vadd.scan.msk.f32 $0xffff, v12;
	v23 =	vbroadcast v11, $0xF;
	v20 =	vunpack.i.l.bf16.f32 v20;
	v10 =	vmul.f32 v10, v18;
	v18, _, _ =	vpop (xrf2)  }
0x66c: {  	v24 =	vmov s21;
	v42 =	vld [tilespmem:s19+$0xFFFFFF80];
	(xrf2) =	vadd.scan.msk.f32 $0xffff, v16;
	v16 =	vbroadcast v18, $0xF;
	v18 =	vmul.f32 v14, v20  }
0x66d: {  	v22 =	vand.u32 $0xFFFFFFFE, v24;
	v6 =	vld.idx.msk [tilespmem:v6+s30+$0x0], $0xffff;
	(xrf2) =	vadd.scan.msk.f32 $0xffff, v10  }
0x66e: {  	s20 =	simm.s32 $0x6C80;
	v17 =	vld [tilespmem:s12+$0xFFFFFFC0];
	v12 =	vbroadcast v22, $0x0;
	v23 =	vmul.f32 v23, v3;
	(xrf2) =	vadd.scan.msk.f32 $0xffff, v18  }
0x66f: {  	v28 =	vld [tilespmem:s20+$0x0];
	v26 =	vunpack.i.u.bf16.f32 v7;
	v7 =	vunpack.i.l.bf16.f32 v7  }
0x670: {  	v24 =	vld [tilespmem:s15+$0x60];
	v7 =	vmul.f32 v23, v7  }
0x671: {  	v11 =	vld [tilespmem:s23+$0x70];
	v19 =	vmul.f32 v19, v3  }
0x672: {  	v22 =	vld [tilespmem:s15+$0xFFFFFFD0];
	[tilespmem:s17+$0x50] =	vst v7;
	v7 =	vmul.f32 v16, v6  }
0x673: {  	v25 =	vbroadcast v25, $0xF;
	v19 =	vmul.f32 v19, v26;
	v20 =	vld [tilespmem:s10+$0xFFFFFFD0];
	v16 =	vunpack.i.l.bf16.f32 v17  }
0x674: {  	v16 =	vmul.f32 v7, v16;
	v7 =	vld.idx.msk [tilespmem:v12+s30+$0x0], $0xffff;
	v12, _, _ =	vpop (xrf2)  }
0x675: {  	[tilespmem:s17+$0x40] =	vst v19;
	v19 =	vmul.f32 v25, v6;
	v25 =	vld [tilespmem:s12+$0x50];
	v23, _, _ =	vpop (xrf2)  }
0x676: {  	v10 =	vunpack.i.u.bf16.f32 v17;
	v17 =	vld [tilespmem:s14+$0x70];
	v27, _, _ =	vpop (xrf2)  }
0x677: {  	v18 =	vmul.f32 v19, v10;
	v19 =	vld [tilespmem:s1+$0x70];
	v29, _, _ =	vpop (xrf2)  }
0x678: {  	v10 =	vld [tilespmem:s13+$0x30];
	v29 =	vbroadcast v29, $0xF;
	v31, _, _ =	vpop (xrf2)  }
0x679: {  	[tilespmem:s3+$0xFFFFFF80] =	vst v18;
	v18 =	vld [tilespmem:s6+$0x0];
	v20 =	vmul.f32 v20, v22;
	v22 =	vbroadcast v31, $0xF  }
0x67a: {  	v31 =	vld [tilespmem:s20+$0x10];
	v29 =	vmul.f32 v29, v5  }
0x67b: {  	v15 =	vunpack.i.l.bf16.f32 v15;
	v21 =	vld [tilespmem:s13+$0xFFFFFFD0];
	v38 =	vunpack.i.u.bf16.f32 v25;
	v22 =	vmul.f32 v22, v5  }
0x67c: {  	v26 =	vld [tilespmem:s10+$0x60];
	v25 =	vunpack.i.l.bf16.f32 v25;
	v17 =	vmul.f32 v19, v17;
	v29 =	vmul.f32 v29, v38  }
0x67d: {  	v14 =	vld [tilespmem:s23+$0xFFFFFFE0];
	[tilespmem:s3+$0xFFFFFF90] =	vst v16;
	v15 =	vmul.f32 v20, v15;
	v39 =	vunpack.i.l.bf16.f32 v10;
	v22 =	vmul.f32 v22, v25  }
0x67e: {  	v44 =	vld [tilespmem:s1+$0x60];
	v18 =	vmul.f32 v28, v18;
	v17 =	vmul.f32 v17, v39;
	[tilespmem:s3+$0x20] =	vst v29  }
0x67f: {  	v16 =	vld [tilespmem:s2+$0xFFFFFFA0];
	(xrf2) =	vadd.scan.msk.f32 $0xffff, v15;
	v28 =	vunpack.i.u.bf16.f32 v30;
	v29 =	vmul.f32 v31, v62;
	[tilespmem:s3+$0x30] =	vst v22  }
0x680: {  	v15 =	vmul.f32 v18, v28;
	v18 =	vunpack.i.l.bf16.f32 v30;
	(xrf2) =	vadd.scan.msk.f32 $0xffff, v17;
	v17 =	vld [tilespmem:s12+$0x20]  }
0x681: {  	v18 =	vmul.f32 v29, v18;
	v22 =	vld [tilespmem:s2+$0x40]  }
0x682: {  	(xrf2) =	vadd.scan.msk.f32 $0xffff, v15;
	v28 =	vld [tilespmem:s5+$0x40]  }
0x683: {  	v23 =	vbroadcast v23, $0xF;
	v30 =	vld [tilespmem:s5+$0x50];
	(xrf2) =	vadd.scan.msk.f32 $0xffff, v18  }
0x684: {  	s22 =	simm.s32 $0x7;
	v18 =	vld [tilespmem:s2+$0x50]  }
0x685: {  	v63 =	vld [tilespmem:s5+$0xFFFFFFA0];
	v23 =	vmul.f32 v23, v4;
	v15 =	vmul.f32 v26, v24;
	v29 =	vmov s22  }
0x686: {  	v8 =	vunpack.i.u.bf16.f32 v8;
	v20 =	vld [tilespmem:s2+$0xFFFFFFB0];
	v27 =	vbroadcast v27, $0xF;
	v24 =	vbroadcast v12, $0xF  }
0x687: {  	v26 =	vbroadcast v13, $0xF;
	v41 =	vmul.f32 v15, v8;
	v25 =	vld [tilespmem:s20+$0xFFFFFF80]  }
0x688: {  	v13 =	vld [tilespmem:s20+$0xFFFFFF90];
	v8 =	vmul.f32 v24, v4;
	v22 =	vmul.f32 v28, v22  }
0x689: {  	v24 =	vunpack.i.u.bf16.f32 v21;
	v31 =	vld [tilespmem:s6+$0xFFFFFF90];
	v43 =	vunpack.i.u.bf16.f32 v17;
	v18 =	vmul.f32 v30, v18  }
0x68a: {  	v24 =	vmul.f32 v8, v24;
	v28, _, _ =	vpop (xrf2);
	v8 =	vld.idx.msk [tilespmem:v29+s30+$0x0], $0xffff;
	v17 =	vunpack.i.l.bf16.f32 v17;
	v22 =	vmul.f32 v22, v43  }
0x68b: {  	v16 =	vmul.f32 v63, v16;
	(xrf2) =	vadd.scan.msk.f32 $0xffff, v41;
	v29, _, _ =	vpop (xrf2);
	v30 =	vld [tilespmem:s19+$0x40];
	v17 =	vmul.f32 v18, v17  }
0x68c: {  	v19 =	vld [tilespmem:s5+$0xFFFFFFB0];
	v21 =	vunpack.i.l.bf16.f32 v21;
	[tilespmem:s17+$0xFFFFFFA0] =	vst v24;
	v24 =	vmul.f32 v25, v40;
	v45, _, _ =	vpop (xrf2);
	(xrf2) =	vadd.scan.msk.f32 $0xffff, v22  }
0x68d: {  	v12 =	vld [tilespmem:s13+$0x70];
	v18 =	vmul.f32 v23, v21;
	v22 =	vbroadcast v45, $0xF;
	(xrf2) =	vadd.scan.msk.f32 $0xffff, v17;
	v23, _, _ =	vpop (xrf2)  }
0x68e: {  	v15 =	vld [tilespmem:s14+$0x60];
	v28 =	vbroadcast v28, $0xF;
	v23 =	vbroadcast v23, $0xF  }
0x68f: {  	v25 =	vld [tilespmem:s12+$0xFFFFFF90];
	[tilespmem:s17+$0xFFFFFFB0] =	vst v18;
	v17 =	vmul.f32 v13, v31;
	v18 =	vunpack.i.u.bf16.f32 v42;
	v22 =	vmul.f32 v22, v8  }
0x690: {  	v21 =	vld [tilespmem:s19+$0xFFFFFFC0];
	v31 =	vunpack.i.l.bf16.f32 v42;
	v47 =	vunpack.i.u.bf16.f32 v30;
	v23 =	vmul.f32 v23, v8  }
0x691: {  	v13 =	vld [tilespmem:s12+$0xFFFFFFD0];
	v18 =	vmul.f32 v24, v18;
	v30 =	vunpack.i.l.bf16.f32 v30;
	v22 =	vmul.f32 v22, v47  }
0x692: {  	s0 =	simm.s32 $0x8080;
	v46 =	vld [tilespmem:s14+$0xFFFFFFC0];
	v17 =	vmul.f32 v17, v31;
	v23 =	vmul.f32 v23, v30  }
0x693: {  	v24 =	vld [tilespmem:s1+$0xFFFFFFC0];
	(xrf2) =	vadd.scan.msk.f32 $0xffff, v18;
	v18 =	vmul.f32 v26, v9;
	[tilespmem:s0+$0x0] =	vst v22;
	v22 =	vmul.f32 v27, v2  }
0x694: {  	v26 =	vld [tilespmem:s13+$0xFFFFFFA0];
	(xrf2) =	vadd.scan.msk.f32 $0xffff, v17;
	v17 =	vunpack.i.u.bf16.f32 v14;
	[tilespmem:s0+$0x10] =	vst v23;
	v23 =	vmul.f32 v28, v2  }
0x695: {  	v19 =	vmul.f32 v19, v20;
	v20, _, _ =	vpop (xrf2);
	v14 =	vunpack.i.l.bf16.f32 v14;
	v17 =	vmul.f32 v22, v17;
	v22 =	vld [tilespmem:s12+$0x60]  }
0x696: {  	v28 =	vbroadcast v29, $0xF;
	v29, _, _ =	vpop (xrf2);
	v27 =	vld [tilespmem:s6+$0x20];
	v14 =	vmul.f32 v23, v14;
	v23 =	vunpack.i.u.bf16.f32 v25  }
0x697: {  	v48 =	vld [tilespmem:s20+$0x20];
	v25 =	vunpack.i.l.bf16.f32 v25;
	v16 =	vmul.f32 v16, v23;
	v23 =	vbroadcast v29, $0xF;
	v29, _, _ =	vpop (xrf2)  }
0x698: {  	v49 =	vld [tilespmem:s6+$0x30];
	v19 =	vmul.f32 v19, v25;
	v25 =	vbroadcast v29, $0xF  }
0x699: {  	[tilespmem:s4+$0xFFFFFFC0] =	vst v17;
	v17 =	vmul.f32 v24, v46;
	v24 =	vld [tilespmem:s19+$0x10];
	v23 =	vmul.f32 v23, v5  }
0x69a: {  	v20 =	vbroadcast v20, $0xF;
	v52 =	vunpack.i.u.bf16.f32 v22;
	v29 =	vld [tilespmem:s20+$0x30];
	v25 =	vmul.f32 v25, v5  }
0x69b: {  	v31 =	vld [tilespmem:s14+$0xFFFFFFD0];
	v22 =	vunpack.i.l.bf16.f32 v22;
	v23 =	vmul.f32 v23, v52  }
0x69c: {  	s8 =	simm.s32 $0x8;
	v9 =	vmul.f32 v20, v9;
	v30 =	vld [tilespmem:s1+$0xFFFFFFD0];
	v51 =	vunpack.i.u.bf16.f32 v26;
	(xrf2) =	vadd.scan.msk.f32 $0xffff, v16;
	v22 =	vmul.f32 v25, v22  }
0x69d: {  	v57 =	vld [tilespmem:s19+$0x50];
	v17 =	vmul.f32 v17, v51;
	[tilespmem:s4+$0xFFFFFFD0] =	vst v14;
	v16 =	vmov s8;
	v55, _, _ =	vpop (xrf2);
	v27 =	vmul.f32 v48, v27  }
0x69e: {  	v53 =	vld [tilespmem:s15+$0xFFFFFFE0];
	v16 =	vand.u32 $0xFFFFFFFE, v16;
	v33 =	vbroadcast v55, $0xF;
	[tilespmem:s3+$0x50] =	vst v22;
	v22 =	vunpack.i.u.bf16.f32 v24  }
0x69f: {  	v54 =	vld [tilespmem:s10+$0xFFFFFFE0];
	(xrf2) =	vadd.scan.msk.f32 $0xffff, v19;
	[tilespmem:s3+$0x40] =	vst v23;
	v29 =	vmul.f32 v29, v49;
	v23, _, _ =	vpop (xrf2);
	v19 =	vmul.f32 v27, v22  }
0x6a0: {  	v24 =	vunpack.i.l.bf16.f32 v24;
	v22 =	vmul.f32 v33, v7;
	v27 =	vld [tilespmem:s2+$0x70];
	v23 =	vbroadcast v23, $0xF  }
0x6a1: {  	v16 =	vbroadcast v16, $0x0;
	(xrf2) =	vadd.scan.msk.f32 $0xffff, v17;
	v17 =	vunpack.i.u.bf16.f32 v21;
	v24 =	vmul.f32 v29, v24;
	v29 =	vld [tilespmem:s5+$0x70]  }
0x6a2: {  	v50 =	vunpack.i.l.bf16.f32 v11;
	v17 =	vmul.f32 v22, v17;
	v22 =	vld [tilespmem:s12+$0x30];
	v23 =	vmul.f32 v23, v7  }
0x6a3: {  	v11 =	vunpack.i.u.bf16.f32 v11;
	v15 =	vmul.f32 v44, v15;
	v56 =	vld [tilespmem:s10+$0xFFFFFFF0];
	v21 =	vunpack.i.l.bf16.f32 v21;
	(xrf2) =	vadd.scan.msk.f32 $0xffff, v19  }
0x6a4: {  	v11 =	vmul.f32 v9, v11;
	v25 =	vld [tilespmem:s15+$0xFFFFFFF0];
	v21 =	vmul.f32 v23, v21  }
0x6a5: {  	v9 =	vmul.f32 v54, v53;
	v19 =	vmul.f32 v28, v3;
	(xrf2) =	vadd.scan.msk.f32 $0xffff, v24;
	v24 =	vld [tilespmem:s23+$0xFFFFFFB0]  }
0x6a6: {  	v14 =	vld [tilespmem:s13+$0xFFFFFFE0];
	s10 =	simm.s32 $0x6D80;
	v28 =	vmul.f32 v30, v31;
	v20, _, _ =	vpop (xrf2);
	[tilespmem:s0+$0xFFFFFF90] =	vst v21;
	v21 =	vmul.f32 v29, v27  }
0x6a7: {  	v61 =	vld [tilespmem:s10+$0x10];
	[tilespmem:s0+$0xFFFFFF80] =	vst v17;
	v17 =	vunpack.i.u.bf16.f32 v10;
	v20 =	vbroadcast v20, $0xF;
	v27 =	vunpack.i.l.bf16.f32 v22  }
0x6a8: {  	s16 =	simm.s32 $0x4580;
	v10 =	vld.idx.msk [tilespmem:v16+s30+$0x0], $0xffff;
	v16 =	vmul.f32 v15, v17;
	v15 =	vunpack.i.l.bf16.f32 v26;
	v21 =	vmul.f32 v21, v27  }
0x6a9: {  	v31 =	vld [tilespmem:s16+$0x0];
	v30, _, _ =	vpop (xrf2);
	v15 =	vmul.f32 v28, v15;
	v20 =	vmul.f32 v20, v6  }
0x6aa: {  	v25 =	vmul.f32 v56, v25;
	v30 =	vbroadcast v30, $0xF;
	v17 =	vld [tilespmem:s6+$0xFFFFFFA0];
	v29 =	vunpack.i.u.bf16.f32 v24  }
0x6ab: {  	v26 =	vld [tilespmem:s20+$0xFFFFFFA0];
	(xrf2) =	vadd.scan.msk.f32 $0xffff, v15;
	v24 =	vunpack.i.l.bf16.f32 v24;
	v27 =	vunpack.i.u.bf16.f32 v13;
	v29 =	vmul.f32 v9, v29  }
0x6ac: {  	s15 =	simm.s32 $0x1D80;
	v24 =	vmul.f32 v25, v24;
	v25 =	vmul.f32 v20, v27;
	v27 =	vld [tilespmem:s10+$0x0];
	(xrf2) =	vadd.scan.msk.f32 $0xffff, v21;
	v21, _, _ =	vpop (xrf2)  }
0x6ad: {  	v23 =	vunpack.i.l.bf16.f32 v12;
	v9 =	vunpack.i.u.bf16.f32 v12;
	v12 =	vmul.f32 v30, v6;
	v30 =	vld [tilespmem:s15+$0x0];
	v20, _, _ =	vpop (xrf2);
	(xrf2) =	vadd.scan.msk.f32 $0xffff, v29  }
0x6ae: {  	v18 =	vmul.f32 v18, v50;
	v19 =	vmul.f32 v19, v23;
	v28 =	vld [tilespmem:s6+$0xFFFFFFB0];
	v13 =	vunpack.i.l.bf16.f32 v13  }
0x6af: {  	v15 =	vld [tilespmem:s20+$0xFFFFFFB0];
	v60 =	vmul.f32 v12, v13;
	v20 =	vbroadcast v20, $0xF;
	v58, _, _ =	vpop (xrf2)  }
0x6b0: {  	[tilespmem:s4+$0x70] =	vst v18;
	v21 =	vbroadcast v21, $0xF;
	v29 =	vld [tilespmem:s16+$0x10];
	v33 =	vbroadcast v58, $0xF  }
0x6b1: {  	v63 =	vld [tilespmem:s10+$0xFFFFFF90];
	[tilespmem:s17+$0x70] =	vst v19;
	v13 =	vunpack.i.u.bf16.f32 v57;
	v19 =	vmul.f32 v27, v31;
	v12 =	vmul.f32 v20, v8  }
0x6b2: {  	v23 =	vld [tilespmem:s23+$0xFFFFFFF0];
	(xrf2) =	vadd.scan.msk.f32 $0xffff, v24;
	v27 =	vunpack.i.u.bf16.f32 v30;
	v18 =	vmul.f32 v21, v4;
	v24 =	vmul.f32 v33, v8  }
0x6b3: {  	[tilespmem:s4+$0x60] =	vst v11;
	v20 =	vmul.f32 v26, v17;
	v17 =	vld [tilespmem:s16+$0xFFFFFF80];
	v12 =	vmul.f32 v12, v13;
	v13 =	vunpack.i.l.bf16.f32 v57  }
0x6b4: {  	[tilespmem:s3+$0xFFFFFFA0] =	vst v25;
	v25 =	vunpack.i.l.bf16.f32 v30;
	v21 =	vmul.f32 v15, v28;
	v26 =	vld [tilespmem:s10+$0xFFFFFF80];
	v24 =	vmul.f32 v24, v13  }
0x6b5: {  	v59 =	vunpack.i.u.bf16.f32 v14;
	v62 =	vld [tilespmem:s12+$0x70];
	v19 =	vmul.f32 v19, v27;
	v15, _, _ =	vpop (xrf2);
	v11 =	vmul.f32 v61, v29;
	[tilespmem:s0+$0x20] =	vst v12  }
0x6b6: {  	v14 =	vunpack.i.l.bf16.f32 v14;
	v31 =	vld [tilespmem:s16+$0xFFFFFF90];
	v18 =	vmul.f32 v18, v59;
	v15 =	vbroadcast v15, $0xF;
	v27, _, _ =	vpop (xrf2);
	[tilespmem:s0+$0x30] =	vst v24  }
0x6b7: {  	v13 =	vunpack.i.u.bf16.f32 v23;
	v11 =	vmul.f32 v11, v25;
	(xrf2) =	vadd.scan.msk.f32 $0xffff, v19;
	v29 =	vbroadcast v27, $0xF;
	v24 =	vld [tilespmem:s19+$0x20];
	v25, _, _ =	vpop (xrf2)  }
0x6b8: {  	v12 =	vunpack.i.l.bf16.f32 v23;
	v15 =	vmul.f32 v15, v4;
	v27 =	vld [tilespmem:s6+$0x40];
	v19 =	vbroadcast v25, $0xF  }
0x6b9: {  	v23 =	vmul.f32 v26, v17;
	v17 =	vunpack.i.u.bf16.f32 v22;
	v28 =	vld [tilespmem:s20+$0x40];
	v22 =	vmul.f32 v29, v5  }
0x6ba: {  	s23 =	simm.s32 $0x9;
	[tilespmem:s17+$0xFFFFFFC0] =	vst v18;
	v18 =	vmul.f32 v15, v14;
	v26 =	vld [tilespmem:s6+$0x50];
	(xrf2) =	vadd.scan.msk.f32 $0xffff, v11;
	v15 =	vunpack.i.l.bf16.f32 v62  }
0x6bb: {  	[tilespmem:s3+$0xFFFFFFB0] =	vst v60;
	v14 =	vmov s23;
	v29 =	vld [tilespmem:s20+$0x50];
	v15 =	vmul.f32 v22, v15  }
0x6bc: {  	s9 =	simm.s32 $0xA;
	v11 =	vunpack.i.u.bf16.f32 v62;
	v25 =	vmul.f32 v63, v31;
	[tilespmem:s17+$0xFFFFFFD0] =	vst v18;
	v22 =	vld [tilespmem:s2+$0x60];
	v18 =	vmul.f32 v19, v2;
	v19, _, _ =	vpop (xrf2)  }
.LBB2_14:
0x6bd: {  	p1 =	slt.u32 s9, $0x26;
	v30 =	vld [tilespmem:s5+$0x60];
	[tilespmem:s3+$0x70] =	vst v15;
	(xrf2) =	vadd.scan.msk.f32 $0xffff, v16;
	v15 =	vbroadcast v19, $0xF  }
0x6be: {  	v16 =	vld [tilespmem:s15+$0xFFFFFF80];
	v19 =	vmul.f32 v28, v27;
	v13 =	vmul.f32 v18, v13  }
0x6bf: {  	v27 =	vunpack.i.u.bf16.f32 v24;
	v18 =	vld [tilespmem:s15+$0xFFFFFFC0];
	v15 =	vmul.f32 v15, v2;
	v2 =	vmovc v4;
	v4 =	vmovc v6;
	v6 =	vmov v7  }
0x6c0: {  	v7 =	vmov v10;
	v14 =	vld.idx.msk [tilespmem:v14+s30+$0x0], $0xffff;
	v19 =	vmul.f32 v19, v27;
	[tilespmem:s4+$0xFFFFFFE0] =	vst v13  }
0x6c1: {  	v26 =	vmul.f32 v29, v26;
	v10, _, _ =	vpop (xrf2);
	v13 =	vld [tilespmem:s19+$0xFFFFFF90];
	v12 =	vmul.f32 v15, v12  }
0x6c2: {  	v24 =	vunpack.i.l.bf16.f32 v24;
	v15 =	vld [tilespmem:s15+$0x40];
	(xrf2) =	vadd.scan.msk.f32 $0xffff, v19;
	v19 =	vmul.f32 v30, v22  }
0x6c3: {  	v24 =	vmul.f32 v26, v24;
	v22 =	vunpack.i.u.bf16.f32 v16;
	v16 =	vunpack.i.l.bf16.f32 v16;
	v27 =	vld [tilespmem:s19+$0xFFFFFFD0];
	[tilespmem:s4+$0xFFFFFFF0] =	vst v12;
	s4 =	smov.u32 s17;
	s17 =	smov.u32 s3;
	s3 =	smov.u32 s0  }
0x6c4: {  	v10 =	vbroadcast v10, $0xF;
	v12 =	vunpack.i.u.bf16.f32 v18;
	v22 =	vmul.f32 v23, v22;
	v23, _, _ =	vpop (xrf2);
	v26 =	vld [tilespmem:s2+$0xFFFFFFC0]  }
0x6c5: {  	v18 =	vunpack.i.l.bf16.f32 v18;
	v25 =	vmul.f32 v25, v16;
	v16 =	vbroadcast v23, $0xF;
	(xrf2) =	vadd.scan.msk.f32 $0xffff, v24;
	v23 =	vld [tilespmem:s5+$0xFFFFFFC0]  }
0x6c6: {  	v10 =	vmul.f32 v10, v14;
	v24 =	vunpack.i.u.bf16.f32 v13;
	v13 =	vunpack.i.l.bf16.f32 v13;
	v28 =	vld [tilespmem:s2+$0xFFFFFFD0]  }
0x6c7: {  	v29 =	vunpack.i.u.bf16.f32 v15;
	v16 =	vmul.f32 v16, v14;
	v20 =	vmul.f32 v20, v24;
	v24 =	vld [tilespmem:s5+$0xFFFFFFD0];
	v30, _, _ =	vpop (xrf2)  }
0x6c8: {  	v15 =	vunpack.i.l.bf16.f32 v15;
	v13 =	vmul.f32 v21, v13;
	v10 =	vmul.f32 v10, v29;
	(xrf2) =	vadd.scan.msk.f32 $0xffff, v22;
	v21 =	vld [tilespmem:s12+$0xFFFFFFA0]  }
0x6c9: {  	s0 =	sadd.s32 $0x100, s0;
	v29 =	vunpack.i.u.bf16.f32 v27;
	v22 =	vmul.f32 v16, v15;
	v15 =	vunpack.i.l.bf16.f32 v27;
	v27 =	vld [tilespmem:s12+$0xFFFFFFE0]  }
0x6ca: {  	v16 =	vmul.f32 v19, v17;
	[tilespmem:s0+$0x0] =	vst v10;
	v10 =	vmul.f32 v23, v26;
	v17 =	vld [tilespmem:s14+$0xFFFFFFE0]  }
0x6cb: {  	[tilespmem:s0+$0x10] =	vst v22;
	(xrf2) =	vadd.scan.msk.f32 $0xffff, v25;
	v19 =	vld [tilespmem:s1+$0xFFFFFFE0];
	v22 =	vbroadcast v30, $0xF  }
0x6cc: {  	v23 =	vld [tilespmem:s16+$0x20];
	v25, _, _ =	vpop (xrf2);
	v24 =	vmul.f32 v24, v28  }
0x6cd: {  	v26 =	vld [tilespmem:s19+$0x60];
	v28 =	vunpack.i.u.bf16.f32 v21;
	v21 =	vunpack.i.l.bf16.f32 v21;
	v22 =	vmul.f32 v22, v3;
	v3 =	vmovc v5;
	v5 =	vmovc v8  }
0x6ce: {  	v8 =	vmovc v14;
	v30 =	vld [tilespmem:s10+$0x20];
	(xrf2) =	vadd.scan.msk.f32 $0xffff, v20;
	v31 =	vunpack.i.u.bf16.f32 v27;
	v10 =	vmul.f32 v10, v28;
	v20 =	vmul.f32 v24, v21  }
0x6cf: {  	v24 =	vbroadcast v25, $0xF;
	v14 =	vunpack.i.l.bf16.f32 v27;
	v21 =	vld [tilespmem:s15+$0x10];
	v25, _, _ =	vpop (xrf2);
	v22 =	vmul.f32 v22, v9  }
0x6d0: {  	v9 =	vmov v11;
	v27 =	vld [tilespmem:s16+$0x30];
	v25 =	vbroadcast v25, $0xF;
	v17 =	vmul.f32 v19, v17  }
0x6d1: {  	v11 =	vmov s9;
	v24 =	vmul.f32 v24, v5;
	v19 =	vld [tilespmem:s10+$0x30];
	(xrf2) =	vadd.scan.msk.f32 $0xffff, v13;
	[tilespmem:s4+$0x60] =	vst v22  }
0x6d2: {  	v11 =	vand.u32 $0xFFFFFFFE, v11;
	v13, _, _ =	vpop (xrf2);
	v22 =	vunpack.i.u.bf16.f32 v26;
	v25 =	vmul.f32 v25, v5;
	v28 =	vld [tilespmem:s14+$0xFFFFFFF0];
	s14 =	smov.u32 s2;
	s2 =	smov.u32 s6;
	s6 =	smov.u32 s16  }
0x6d3: {  	v32 =	vunpack.i.l.bf16.f32 v26;
	v23 =	vmul.f32 v30, v23;
	v22 =	vmul.f32 v24, v22;
	v24 =	vld [tilespmem:s1+$0xFFFFFFF0];
	s1 =	smov.u32 s5;
	s5 =	smov.u32 s20;
	s20 =	smov.u32 s10  }
0x6d4: {  	v13 =	vbroadcast v13, $0xF;
	v30 =	vunpack.i.u.bf16.f32 v21;
	v25 =	vmul.f32 v25, v32;
	(xrf2) =	vadd.scan.msk.f32 $0xffff, v10;
	v10 =	vld [tilespmem:s13+$0xFFFFFFB0]  }
0x6d5: {  	v11 =	vbroadcast v11, $0x0;
	v23 =	vmul.f32 v23, v30;
	v26, _, _ =	vpop (xrf2);
	[tilespmem:s3+$0x40] =	vst v22;
	v22 =	vld [tilespmem:s13+$0xFFFFFFF0];
	s13 =	smov.u32 s12;
	s12 =	smov.u32 s19;
	s19 =	smov.u32 s15  }
0x6d6: {  	v30 =	vbroadcast v26, $0xF;
	v19 =	vmul.f32 v19, v27;
	[tilespmem:s3+$0x50] =	vst v25  }
0x6d7: {  	v21 =	vunpack.i.l.bf16.f32 v21;
	v13 =	vmul.f32 v13, v7;
	(xrf2) =	vadd.scan.msk.f32 $0xffff, v23;
	v23 =	vld [tilespmem:s2+$0x70]  }
0x6d8: {  	v25 =	vmul.f32 v30, v7;
	v19 =	vmul.f32 v19, v21;
	v21 =	vld [tilespmem:s5+$0x70];
	v26, _, _ =	vpop (xrf2)  }
0x6d9: {  	v30 =	vmul.f32 v13, v12;
	v13 =	vbroadcast v26, $0xF;
	v26 =	vld [tilespmem:s12+$0x30];
	v27 =	vunpack.i.u.bf16.f32 v10  }
0x6da: {  	v24 =	vmul.f32 v24, v28;
	v18 =	vmul.f32 v25, v18;
	(xrf2) =	vadd.scan.msk.f32 $0xffff, v19;
	v19 =	vunpack.i.l.bf16.f32 v10  }
0x6db: {  	v27 =	vmul.f32 v17, v27;
	[tilespmem:s0+$0xFFFFFF80] =	vst v30;
	v25 =	vmul.f32 v13, v6;
	v12, _, _ =	vpop (xrf2);
	v13 =	vunpack.i.u.bf16.f32 v22  }
0x6dc: {  	v10 =	vld.idx.msk [tilespmem:v11+s30+$0x0], $0xffff;
	[tilespmem:s0+$0xFFFFFF90] =	vst v18;
	v11 =	vbroadcast v12, $0xF;
	v12 =	vunpack.i.l.bf16.f32 v22;
	v18 =	vmul.f32 v24, v19  }
0x6dd: {  	v19 =	vld [tilespmem:s16+$0xFFFFFFA0];
	v22 =	vmul.f32 v25, v29;
	v21 =	vmul.f32 v21, v23;
	(xrf2) =	vadd.scan.msk.f32 $0xffff, v20  }
0x6de: {  	v20 =	vld [tilespmem:s10+$0xFFFFFFA0];
	v11 =	vmul.f32 v11, v6;
	v17 =	vunpack.i.u.bf16.f32 v26;
	v23 =	vunpack.i.l.bf16.f32 v26;
	v24, _, _ =	vpop (xrf2)  }
0x6df: {  	v25 =	vld [tilespmem:s16+$0xFFFFFFB0];
	[tilespmem:s3+$0xFFFFFFA0] =	vst v22;
	v21 =	vmul.f32 v21, v23;
	v22 =	vbroadcast v24, $0xF  }
0x6e0: {  	s16 =	sadd.s32 $0x100, s16;
	v23 =	vld [tilespmem:s10+$0xFFFFFFB0];
	v11 =	vmul.f32 v11, v15  }
0x6e1: {  	v15 =	vld [tilespmem:s16+$0x0];
	v24, _, _ =	vpop (xrf2);
	(xrf2) =	vadd.scan.msk.f32 $0xffff, v21;
	v21 =	vmul.f32 v22, v4  }
0x6e2: {  	s10 =	sadd.s32 $0x100, s10;
	v22 =	vld [tilespmem:s15+$0x50];
	[tilespmem:s3+$0xFFFFFFB0] =	vst v11  }
0x6e3: {  	s15 =	sadd.s32 $0x100, s15;
	v11 =	vld [tilespmem:s10+$0x0];
	v20 =	vmul.f32 v20, v19;
	v19 =	vmul.f32 v21, v31  }
0x6e4: {  	v24 =	vbroadcast v24, $0xF;
	v26 =	vld [tilespmem:s15+$0x0];
	v28, _, _ =	vpop (xrf2);
	(xrf2) =	vadd.scan.msk.f32 $0xffff, v27  }
0x6e5: {  	v27 =	vld [tilespmem:s16+$0x10];
	v21 =	vmul.f32 v23, v25;
	v23 =	vbroadcast v28, $0xF;
	[tilespmem:s17+$0xFFFFFFC0] =	vst v19  }
0x6e6: {  	v24 =	vmul.f32 v24, v8;
	v19 =	vld [tilespmem:s10+$0x10]  }
0x6e7: {  	v25 =	vld [tilespmem:s16+$0xFFFFFF80];
	v28 =	vunpack.i.u.bf16.f32 v22;
	v23 =	vmul.f32 v23, v8;
	v29, _, _ =	vpop (xrf2);
	(xrf2) =	vadd.scan.msk.f32 $0xffff, v18  }
0x6e8: {  	v18 =	vld [tilespmem:s10+$0xFFFFFF80];
	v11 =	vmul.f32 v11, v15;
	v15 =	vunpack.i.l.bf16.f32 v22;
	v22 =	vmul.f32 v24, v28  }
0x6e9: {  	v30 =	vld [tilespmem:s16+$0xFFFFFF90];
	v24 =	vunpack.i.u.bf16.f32 v26;
	v28 =	vmul.f32 v23, v15;
	v23 =	vbroadcast v29, $0xF  }
0x6ea: {  	v11 =	vmul.f32 v11, v24;
	[tilespmem:s0+$0x20] =	vst v22;
	v22 =	vld [tilespmem:s12+$0x70]  }
0x6eb: {  	v29 =	vld [tilespmem:s10+$0xFFFFFF90];
	v19 =	vmul.f32 v19, v27;
	[tilespmem:s0+$0x30] =	vst v28;
	v15, _, _ =	vpop (xrf2);
	v31 =	vmul.f32 v23, v4  }
0x6ec: {  	v26 =	vunpack.i.l.bf16.f32 v26;
	(xrf2) =	vadd.scan.msk.f32 $0xffff, v11;
	v24 =	vld [tilespmem:s19+$0x20];
	v11 =	vbroadcast v15, $0xF  }
.Ltmp7:
0x6ed: {  	v23 =	vmul.f32 v18, v25;
	v15 =	vmul.f32 v19, v26;
	v27 =	vld [tilespmem:s6+$0x40];
	(pc) =	sbr.rel @p1 .LBB2_14-.Ltmp7, $4  }
0x6ee: {  	v32 =	vmul.f32 v31, v14;
	v28 =	vld [tilespmem:s20+$0x40];
	v18 =	vmul.f32 v11, v5;
	v14, _, _ =	vpop (xrf2)  }
0x6ef: {  	s8 =	sadd.s32 $0x1, s9;
	(xrf2) =	vadd.scan.msk.f32 $0xffff, v15;
	v26 =	vld [tilespmem:s6+$0x50];
	v11 =	vunpack.i.u.bf16.f32 v22;
	v15 =	vunpack.i.l.bf16.f32 v22;
	v31 =	vbroadcast v14, $0xF  }
0x6f0: {  	v14 =	vmov s8;
	v25 =	vmul.f32 v29, v30;
	v29 =	vld [tilespmem:s20+$0x50];
	v15 =	vmul.f32 v18, v15;
	[tilespmem:s17+$0xFFFFFFD0] =	vst v32  }
0x6f1: {  	s9 =	sadd.s32 $0x2, s9;
	v22 =	vld [tilespmem:s2+$0x60];
	v18 =	vmul.f32 v31, v2;
	v19, _, _ =	vpop (xrf2)  }
0x6f2: {  	_ =	sdelay $0x3  }
0x6f3: {  	v14 =	vld.idx.msk [tilespmem:v14+s30+$0x0], $0xffff  }
0x6f4: {  	v30 =	vld [tilespmem:s15+$0x40]  }
0x6f5: {  	v31, _, _ =	vpop (xrf2)  }
0x6f6: {  	v31 =	vbroadcast v31, $0xF;
	v32, _, _ =	vpop (xrf2)  }
0x6f7: {  	v32 =	vbroadcast v32, $0xF  }
0x6f8: {  	v31 =	vmul.f32 v31, v14  }
0x6f9: {  	v33 =	vld [tilespmem:s15+$0xFFFFFF80];
	v34 =	vunpack.i.u.bf16.f32 v30;
	v32 =	vmul.f32 v32, v14  }
0x6fa: {  	v35 =	vld [tilespmem:s19+$0xFFFFFF90];
	v30 =	vunpack.i.l.bf16.f32 v30;
	v31 =	vmul.f32 v31, v34  }
0x6fb: {  	v58 =	vld [tilespmem:s2+$0xFFFFFFC0];
	s21 =	sadd.s32 $0x100, s0;
	v30 =	vmul.f32 v32, v30  }
0x6fc: {  	v59 =	vld [tilespmem:s5+$0xFFFFFFC0];
	[tilespmem:s21+$0x0] =	vst v31  }
0x6fd: {  	v31 =	vld [tilespmem:s12+$0xFFFFFFA0];
	[tilespmem:s21+$0x10] =	vst v30  }
0x6fe: {  	v30 =	vld [tilespmem:s16+$0x20]  }
0x6ff: {  	v27 =	vmul.f32 v28, v27;
	v60 =	vld [tilespmem:s10+$0x20]  }
0x700: {  	v36 =	vunpack.i.u.bf16.f32 v24;
	v26 =	vmul.f32 v29, v26;
	v61 =	vld [tilespmem:s15+$0x10]  }
0x701: {  	v62 =	vunpack.i.l.bf16.f32 v24;
	v27 =	vmul.f32 v27, v36;
	v63 =	vld [tilespmem:s16+$0x30]  }
0x702: {  	v40 =	vunpack.i.u.bf16.f32 v33;
	v24 =	vmul.f32 v26, v62;
	(xrf2) =	vadd.scan.msk.f32 $0xffff, v16;
	v41 =	vld [tilespmem:s10+$0x30]  }
0x703: {  	v42 =	vunpack.i.l.bf16.f32 v33;
	v16 =	vmul.f32 v23, v40;
	(xrf2) =	vadd.scan.msk.f32 $0xffff, v27  }
0x704: {  	v44 =	vunpack.i.u.bf16.f32 v35;
	v43 =	vmul.f32 v25, v42;
	(xrf2) =	vadd.scan.msk.f32 $0xffff, v24  }
0x705: {  	v45 =	vunpack.i.l.bf16.f32 v35;
	v46 =	vmul.f32 v59, v58;
	v20 =	vmul.f32 v20, v44;
	(xrf2) =	vadd.scan.msk.f32 $0xffff, v16  }
0x706: {  	v21 =	vmul.f32 v21, v45;
	(xrf2) =	vadd.scan.msk.f32 $0xffff, v43;
	v47 =	vunpack.i.u.bf16.f32 v31;
	v48 =	vmul.f32 v60, v30  }
0x707: {  	(xrf2) =	vadd.scan.msk.f32 $0xffff, v20;
	v16 =	vmul.f32 v46, v47;
	v49 =	vunpack.i.u.bf16.f32 v61;
	v50 =	vmul.f32 v41, v63  }
0x708: {  	(xrf2) =	vadd.scan.msk.f32 $0xffff, v21;
	v51 =	vunpack.i.l.bf16.f32 v61;
	v20 =	vmul.f32 v48, v49  }
0x709: {  	(xrf2) =	vadd.scan.msk.f32 $0xffff, v16;
	v52 =	vmul.f32 v50, v51  }
0x70a: {  	(xrf2) =	vadd.scan.msk.f32 $0xffff, v20  }
0x70b: {  	(xrf2) =	vadd.scan.msk.f32 $0xffff, v52  }
0x70c: {  	v16, _, _ =	vpop (xrf2)  }
0x70d: {  	v54 =	vld [tilespmem:s19+$0x60];
	v53, _, _ =	vpop (xrf2)  }
0x70e: {  	v37 =	vld [tilespmem:s1+$0xFFFFFFE0];
	v55, _, _ =	vpop (xrf2)  }
0x70f: {  	v58 =	vld [tilespmem:s15+$0xFFFFFFC0];
	v56, _, _ =	vpop (xrf2)  }
0x710: {  	v59 =	vld [tilespmem:s2+$0xFFFFFFD0];
	v20 =	vbroadcast v53, $0xF;
	v57, _, _ =	vpop (xrf2)  }
0x711: {  	v62 =	vld [tilespmem:s5+$0xFFFFFFD0];
	v23 =	vbroadcast v55, $0xF;
	v30, _, _ =	vpop (xrf2)  }
0x712: {  	v25 =	vld [tilespmem:s14+$0xFFFFFFF0];
	v26 =	vbroadcast v56, $0xF;
	v20 =	vmul.f32 v20, v8;
	v34, _, _ =	vpop (xrf2)  }
0x713: {  	v60 =	vunpack.i.u.bf16.f32 v54;
	v61 =	vld [tilespmem:s15+$0x50];
	v23 =	vmul.f32 v23, v8;
	v63 =	vbroadcast v57, $0xF;
	v33, _, _ =	vpop (xrf2)  }
0x714: {  	v40 =	vld [tilespmem:s1+$0xFFFFFFF0];
	v21 =	vunpack.i.l.bf16.f32 v54;
	v26 =	vmul.f32 v26, v10;
	v20 =	vmul.f32 v20, v60;
	v43, _, _ =	vpop (xrf2)  }
0x715: {  	v27 =	vld [tilespmem:s5+$0x60];
	v21 =	vmul.f32 v23, v21;
	v28 =	vbroadcast v43, $0xF;
	v38, _, _ =	vpop (xrf2)  }
0x716: {  	v24 =	vld [tilespmem:s14+$0xFFFFFFE0];
	v39 =	vunpack.i.u.bf16.f32 v58;
	v44 =	vmul.f32 v63, v10;
	[tilespmem:s0+$0x40] =	vst v20;
	v45 =	vbroadcast v38, $0xF  }
0x717: {  	v29 =	vunpack.i.l.bf16.f32 v58;
	v46 =	vld [tilespmem:s13+$0xFFFFFFB0];
	v47 =	vmul.f32 v26, v39;
	[tilespmem:s0+$0x50] =	vst v21;
	v48 =	vmul.f32 v28, v14  }
0x718: {  	v50 =	vunpack.i.u.bf16.f32 v61;
	v20 =	vmul.f32 v44, v29;
	v49 =	vld [tilespmem:s6+$0x70];
	v51 =	vmul.f32 v45, v14  }
0x719: {  	v52 =	vunpack.i.l.bf16.f32 v61;
	v41 =	vld [tilespmem:s20+$0x70];
	[tilespmem:s21+$0xFFFFFF80] =	vst v47;
	v26 =	vmul.f32 v48, v50  }
0x71a: {  	v23 =	vld [tilespmem:s19+$0x30];
	[tilespmem:s21+$0xFFFFFF90] =	vst v20;
	v53 =	vmul.f32 v51, v52  }
0x71b: {  	v54 =	vld [tilespmem:s16+$0xFFFFFFA0];
	[tilespmem:s21+$0x20] =	vst v26  }
0x71c: {  	v55 =	vld [tilespmem:s10+$0xFFFFFFA0];
	[tilespmem:s21+$0x30] =	vst v53  }
0x71d: {  	v20 =	vld [tilespmem:s15+$0x20]  }
0x71e: {  	v56 =	vld [tilespmem:s16+$0x40]  }
0x71f: {  	v32 =	vmul.f32 v62, v59;
	v57 =	vld [tilespmem:s10+$0x40]  }
0x720: {  	v31 =	vunpack.i.l.bf16.f32 v31;
	v58 =	vld [tilespmem:s16+$0x50]  }
0x721: {  	v31 =	vmul.f32 v32, v31;
	v28 =	vmul.f32 v41, v49;
	v59 =	vld [tilespmem:s10+$0x50]  }
0x722: {  	v24 =	vmul.f32 v37, v24;
	v61 =	vld [tilespmem:s16+$0xFFFFFFB0];
	v60 =	vunpack.i.l.bf16.f32 v23  }
0x723: {  	v25 =	vmul.f32 v40, v25;
	v62 =	vunpack.i.u.bf16.f32 v46;
	(xrf2) =	vadd.scan.msk.f32 $0xffff, v31;
	v63 =	vld [tilespmem:s10+$0xFFFFFFB0];
	v28 =	vmul.f32 v28, v60  }
0x724: {  	v22 =	vmul.f32 v27, v22;
	v40 =	vunpack.i.l.bf16.f32 v46;
	v24 =	vmul.f32 v24, v62;
	v41 =	vld [tilespmem:s15+$0xFFFFFF90]  }
0x725: {  	v25 =	vmul.f32 v25, v40;
	(xrf2) =	vadd.scan.msk.f32 $0xffff, v28;
	v42 =	vmul.f32 v57, v56  }
0x726: {  	v17 =	vmul.f32 v22, v17;
	v45 =	vld [tilespmem:s19+$0xFFFFFFD0];
	(xrf2) =	vadd.scan.msk.f32 $0xffff, v24;
	v43 =	vunpack.i.u.bf16.f32 v20;
	v44 =	vmul.f32 v59, v58  }
0x727: {  	v21 =	vmul.f32 v55, v54;
	(xrf2) =	vadd.scan.msk.f32 $0xffff, v25;
	v20 =	vunpack.i.l.bf16.f32 v20;
	v22 =	vmul.f32 v42, v43  }
0x728: {  	v50 =	vbroadcast v34, $0xF;
	(xrf2) =	vadd.scan.msk.f32 $0xffff, v17;
	v46 =	vmul.f32 v44, v20  }
0x729: {  	v47 =	vbroadcast v30, $0xF;
	v48 =	vmul.f32 v63, v61;
	v49 =	vunpack.i.u.bf16.f32 v41;
	(xrf2) =	vadd.scan.msk.f32 $0xffff, v22  }
0x72a: {  	v51 =	vunpack.i.l.bf16.f32 v41;
	v53 =	vmul.f32 v50, v7;
	v21 =	vmul.f32 v21, v49;
	(xrf2) =	vadd.scan.msk.f32 $0xffff, v46  }
0x72b: {  	v54 =	vunpack.i.l.bf16.f32 v45;
	v17 =	vmul.f32 v48, v51;
	v20 =	vmul.f32 v47, v7  }
0x72c: {  	v52 =	vunpack.i.u.bf16.f32 v45;
	(xrf2) =	vadd.scan.msk.f32 $0xffff, v21;
	v21 =	vmul.f32 v53, v54  }
0x72d: {  	v55 =	vld [tilespmem:s12+$0xFFFFFFE0];
	v56, _, _ =	vpop (xrf2);
	v20 =	vmul.f32 v20, v52;
	(xrf2) =	vadd.scan.msk.f32 $0xffff, v17  }
0x72e: {  	v26 =	vld [tilespmem:s20+$0x60];
	v17 =	vbroadcast v56, $0xF  }
0x72f: {  	v24 =	vld [tilespmem:s6+$0x60];
	v57 =	vbroadcast v33, $0xF;
	v22, _, _ =	vpop (xrf2)  }
0x730: {  	v62 =	vld [tilespmem:s15+$0x60];
	[tilespmem:s0+$0xFFFFFFB0] =	vst v21;
	v21, _, _ =	vpop (xrf2)  }
0x731: {  	v58 =	vld [tilespmem:s15+$0xFFFFFFD0];
	v59 =	vmul.f32 v57, v6;
	[tilespmem:s0+$0xFFFFFFA0] =	vst v20;
	v20, _, _ =	vpop (xrf2)  }
0x732: {  	v60 =	vunpack.i.u.bf16.f32 v55;
	v29 =	vld [tilespmem:s6+$0xFFFFFFC0];
	v61 =	vmul.f32 v17, v6;
	v17, _, _ =	vpop (xrf2)  }
0x733: {  	v25 =	vunpack.i.l.bf16.f32 v55;
	v28 =	vmul.f32 v59, v60;
	v63 =	vld [tilespmem:s20+$0xFFFFFFC0];
	v43, _, _ =	vpop (xrf2)  }
0x734: {  	v31 =	vld [tilespmem:s6+$0xFFFFFFD0];
	v25 =	vmul.f32 v61, v25;
	v33 =	vbroadcast v43, $0xF;
	v44, _, _ =	vpop (xrf2)  }
0x735: {  	[tilespmem:s3+$0xFFFFFFC0] =	vst v28;
	v45 =	vld [tilespmem:s20+$0xFFFFFFD0];
	v34 =	vbroadcast v44, $0xF  }
0x736: {  	v46 =	vld [tilespmem:s19+$0xFFFFFFA0];
	[tilespmem:s3+$0xFFFFFFD0] =	vst v25;
	v47, _, _ =	vpop (xrf2);
	v33 =	vmul.f32 v33, v14  }
0x737: {  	v49 =	vunpack.i.u.bf16.f32 v62;
	v48 =	vld [tilespmem:s2+$0xFFFFFFE0];
	v35 =	vbroadcast v47, $0xF;
	v50, _, _ =	vpop (xrf2);
	v34 =	vmul.f32 v34, v14  }
0x738: {  	v32 =	vunpack.i.l.bf16.f32 v62;
	v51 =	vld [tilespmem:s5+$0xFFFFFFE0];
	v52 =	vbroadcast v50, $0xF;
	v33 =	vmul.f32 v33, v49  }
0x739: {  	v53 =	vld [tilespmem:s2+$0xFFFFFFF0];
	v54 =	vmul.f32 v35, v10;
	v32 =	vmul.f32 v34, v32  }
0x73a: {  	v55 =	vunpack.i.u.bf16.f32 v58;
	v56 =	vld [tilespmem:s5+$0xFFFFFFF0];
	v57 =	vmul.f32 v52, v10;
	[tilespmem:s21+$0x40] =	vst v33  }
0x73b: {  	v27 =	vunpack.i.l.bf16.f32 v58;
	v58 =	vld [tilespmem:s12+$0xFFFFFFB0];
	v59 =	vmul.f32 v54, v55;
	[tilespmem:s21+$0x50] =	vst v32  }
0x73c: {  	v27 =	vmul.f32 v57, v27;
	v60 =	vld [tilespmem:s16+$0x70]  }
0x73d: {  	v61 =	vld [tilespmem:s10+$0x70];
	[tilespmem:s21+$0xFFFFFFA0] =	vst v59  }
0x73e: {  	v32 =	vld [tilespmem:s15+$0x30];
	[tilespmem:s21+$0xFFFFFFB0] =	vst v27  }
0x73f: {  	v27 =	vld [tilespmem:s16+$0xFFFFFFC0]  }
0x740: {  	v62 =	vld [tilespmem:s10+$0xFFFFFFC0]  }
0x741: {  	v29 =	vmul.f32 v63, v29;
	v63 =	vld [tilespmem:s16+$0xFFFFFFD0]  }
0x742: {  	v28 =	vmul.f32 v45, v31;
	v44 =	vunpack.i.u.bf16.f32 v46;
	v45 =	vld [tilespmem:s10+$0xFFFFFFD0]  }
0x743: {  	v25 =	vunpack.i.l.bf16.f32 v46;
	v29 =	vmul.f32 v29, v44;
	v47 =	vld [tilespmem:s15+$0xFFFFFFA0];
	v46 =	vmul.f32 v61, v60  }
0x744: {  	v25 =	vmul.f32 v28, v25;
	v48 =	vmul.f32 v51, v48;
	v49 =	vunpack.i.l.bf16.f32 v32  }
0x745: {  	(xrf2) =	vadd.scan.msk.f32 $0xffff, v29;
	v50 =	vmul.f32 v56, v53;
	v51 =	vunpack.i.u.bf16.f32 v58;
	v31 =	vmul.f32 v46, v49  }
0x746: {  	v24 =	vmul.f32 v26, v24;
	v52 =	vunpack.i.l.bf16.f32 v58;
	(xrf2) =	vadd.scan.msk.f32 $0xffff, v25;
	v28 =	vmul.f32 v48, v51  }
0x747: {  	v23 =	vunpack.i.u.bf16.f32 v23;
	v53 =	vmul.f32 v50, v52;
	v54 =	vmul.f32 v62, v27;
	(xrf2) =	vadd.scan.msk.f32 $0xffff, v31  }
0x748: {  	v23 =	vmul.f32 v24, v23;
	v55 =	vmul.f32 v45, v63;
	v56 =	vunpack.i.u.bf16.f32 v47;
	(xrf2) =	vadd.scan.msk.f32 $0xffff, v28  }
0x749: {  	v57 =	vunpack.i.l.bf16.f32 v47;
	v26 =	vmul.f32 v54, v56;
	(xrf2) =	vadd.scan.msk.f32 $0xffff, v53  }
0x74a: {  	v58 =	vmul.f32 v55, v57;
	(xrf2) =	vadd.scan.msk.f32 $0xffff, v23  }
0x74b: {  	(xrf2) =	vadd.scan.msk.f32 $0xffff, v26  }
0x74c: {  	(xrf2) =	vadd.scan.msk.f32 $0xffff, v58;
	_ =	sdelay $0x2  }
0x74d: {  	v60 =	vld [tilespmem:s19+$0xFFFFFFE0];
	v59, _, _ =	vpop (xrf2)  }
0x74e: {  	v61, _, _ =	vpop (xrf2)  }
0x74f: {  	v25 =	vbroadcast v61, $0xF;
	v26, _, _ =	vpop (xrf2)  }
0x750: {  	v23 =	vbroadcast v59, $0xF;
	v27, _, _ =	vpop (xrf2)  }
0x751: {  	v25 =	vmul.f32 v25, v7;
	v28, _, _ =	vpop (xrf2)  }
0x752: {  	v63 =	vld [tilespmem:s15+$0xFFFFFFE0];
	v24 =	vunpack.i.l.bf16.f32 v60;
	v23 =	vmul.f32 v23, v7;
	v30, _, _ =	vpop (xrf2)  }
0x753: {  	v62 =	vunpack.i.u.bf16.f32 v60;
	v24 =	vmul.f32 v25, v24;
	v37, _, _ =	vpop (xrf2)  }
0x754: {  	v23 =	vmul.f32 v23, v62;
	v38 =	vbroadcast v37, $0xF;
	v39, _, _ =	vpop (xrf2)  }
0x755: {  	v40 =	vld [tilespmem:s16+$0x60];
	[tilespmem:s0+$0xFFFFFFD0] =	vst v24;
	v29 =	vbroadcast v39, $0xF  }
0x756: {  	v41 =	vld [tilespmem:s10+$0x60];
	[tilespmem:s0+$0xFFFFFFC0] =	vst v23;
	v25 =	vmul.f32 v38, v10  }
0x757: {  	v43 =	vunpack.i.u.bf16.f32 v63;
	v42 =	vld [tilespmem:s6+$0xFFFFFFE0];
	v29 =	vmul.f32 v29, v10  }
0x758: {  	v31 =	vunpack.i.l.bf16.f32 v63;
	v44 =	vld [tilespmem:s20+$0xFFFFFFE0];
	v25 =	vmul.f32 v25, v43  }
0x759: {  	v45 =	vld [tilespmem:s6+$0xFFFFFFF0];
	v29 =	vmul.f32 v29, v31  }
0x75a: {  	v19 =	vbroadcast v19, $0xF;
	v46 =	vld [tilespmem:s20+$0xFFFFFFF0];
	[tilespmem:s21+$0xFFFFFFC0] =	vst v25  }
0x75b: {  	v47 =	vld [tilespmem:s19+$0xFFFFFFB0];
	[tilespmem:s21+$0xFFFFFFD0] =	vst v29  }
0x75c: {  	v2 =	vmul.f32 v19, v2;
	v16 =	vbroadcast v16, $0xF;
	v29 =	vld [tilespmem:s16+$0xFFFFFFE0]  }
0x75d: {  	v13 =	vmul.f32 v18, v13;
	v48 =	vld [tilespmem:s10+$0xFFFFFFE0]  }
0x75e: {  	v2 =	vmul.f32 v2, v12;
	v3 =	vmul.f32 v16, v3;
	v50 =	vld [tilespmem:s16+$0xFFFFFFF0]  }
0x75f: {  	v17 =	vbroadcast v17, $0xF;
	v51 =	vmul.f32 v44, v42;
	v52 =	vld [tilespmem:s10+$0xFFFFFFF0]  }
0x760: {  	v3 =	vmul.f32 v3, v9;
	v20 =	vbroadcast v20, $0xF;
	v54 =	vunpack.i.u.bf16.f32 v47;
	v55 =	vld [tilespmem:s15+$0xFFFFFFB0]  }
0x761: {  	v5 =	vmul.f32 v17, v5;
	v12 =	vmul.f32 v51, v54  }
0x762: {  	v49 =	vbroadcast v22, $0xF;
	v31 =	vmul.f32 v46, v45  }
0x763: {  	v33 =	vld [tilespmem:s19+$0x70];
	v57 =	vbroadcast v21, $0xF;
	v23 =	vmul.f32 v41, v40;
	v58 =	vunpack.i.l.bf16.f32 v47;
	(xrf2) =	vadd.scan.msk.f32 $0xffff, v12  }
0x764: {  	v60 =	vunpack.i.u.bf16.f32 v32;
	v21 =	vmul.f32 v31, v58;
	v18 =	vmul.f32 v48, v29  }
0x765: {  	v32 =	vld [tilespmem:s12+$0xFFFFFFF0];
	v23 =	vmul.f32 v23, v60;
	v61 =	vunpack.i.u.bf16.f32 v55;
	v19 =	vmul.f32 v52, v50  }
0x766: {  	v5 =	vmul.f32 v5, v11;
	(xrf2) =	vadd.scan.msk.f32 $0xffff, v21;
	v63 =	vunpack.i.l.bf16.f32 v55;
	v18 =	vmul.f32 v18, v61  }
0x767: {  	v53 =	vmul.f32 v49, v8;
	(xrf2) =	vadd.scan.msk.f32 $0xffff, v23;
	v19 =	vmul.f32 v19, v63  }
0x768: {  	v56 =	vunpack.i.l.bf16.f32 v33;
	v59 =	vld [tilespmem:s13+$0xFFFFFFF0];
	v36 =	vbroadcast v27, $0xF;
	v37 =	vbroadcast v28, $0xF;
	(xrf2) =	vadd.scan.msk.f32 $0xffff, v18  }
0x769: {  	v16 =	vmul.f32 v57, v4;
	v9 =	vmul.f32 v53, v56;
	v62 =	vld [tilespmem:s15+$0x70];
	(xrf2) =	vadd.scan.msk.f32 $0xffff, v19  }
0x76a: {  	[tilespmem:s17+$0x60] =	vst v3;
	v41 =	vunpack.i.u.bf16.f32 v32;
	v3 =	vmul.f32 v36, v6;
	v42 =	vmul.f32 v37, v6  }
0x76b: {  	[tilespmem:s4+$0xFFFFFFE0] =	vst v13;
	v40 =	vbroadcast v30, $0xF;
	v44 =	vunpack.i.l.bf16.f32 v32;
	v31 =	vbroadcast v26, $0xF  }
0x76c: {  	[tilespmem:s4+$0xFFFFFFF0] =	vst v2;
	v3 =	vmul.f32 v3, v41;
	v38 =	vld [tilespmem:s19+$0xFFFFFFF0];
	v47 =	vmul.f32 v42, v44  }
0x76d: {  	[tilespmem:s3+$0x70] =	vst v15;
	v45 =	vmul.f32 v40, v8;
	v25 =	vunpack.i.u.bf16.f32 v59;
	v34 =	vmul.f32 v31, v14;
	v39, _, _ =	vpop (xrf2)  }
0x76e: {  	[tilespmem:s3+$0x60] =	vst v5;
	v35 =	vunpack.i.l.bf16.f32 v62;
	v16 =	vmul.f32 v16, v25;
	v43 =	vbroadcast v39, $0xF  }
0x76f: {  	[tilespmem:s0+$0x70] =	vst v9;
	v46 =	vunpack.i.u.bf16.f32 v33;
	v2 =	vmul.f32 v34, v35;
	v29 =	vmul.f32 v20, v4  }
0x770: {  	[tilespmem:s3+$0xFFFFFFE0] =	vst v3;
	v12 =	vunpack.i.l.bf16.f32 v59;
	v50 =	vmul.f32 v45, v46;
	v48 =	vmul.f32 v43, v7;
	v49, _, _ =	vpop (xrf2)  }
0x771: {  	[tilespmem:s3+$0xFFFFFFF0] =	vst v47;
	v51 =	vunpack.i.u.bf16.f32 v38;
	v54 =	vld [tilespmem:s15+$0xFFFFFFF0];
	v4 =	vmul.f32 v29, v12;
	v52 =	vbroadcast v49, $0xF;
	v53, _, _ =	vpop (xrf2)  }
0x772: {  	[tilespmem:s21+$0x70] =	vst v2;
	v2 =	vmul.f32 v48, v51;
	v55 =	vbroadcast v53, $0xF;
	v56, _, _ =	vpop (xrf2)  }
0x773: {  	[tilespmem:s17+$0xFFFFFFE0] =	vst v16;
	v3 =	vmul.f32 v52, v7;
	v57 =	vbroadcast v56, $0xF;
	v58, _, _ =	vpop (xrf2)  }
0x774: {  	v59 =	vunpack.i.l.bf16.f32 v38;
	[tilespmem:s0+$0x60] =	vst v50;
	v6 =	vmul.f32 v55, v14;
	v8 =	vbroadcast v58, $0xF  }
0x775: {  	v60 =	vunpack.i.u.bf16.f32 v62;
	[tilespmem:s17+$0xFFFFFFF0] =	vst v4;
	v3 =	vmul.f32 v3, v59;
	v61 =	vmul.f32 v57, v10  }
0x776: {  	v62 =	vunpack.i.u.bf16.f32 v54;
	[tilespmem:s0+$0xFFFFFFE0] =	vst v2;
	v2 =	vmul.f32 v6, v60;
	v63 =	vmul.f32 v8, v10  }
0x777: {  	[tilespmem:s0+$0xFFFFFFF0] =	vst v3;
	v3 =	vunpack.i.l.bf16.f32 v54;
	v4 =	vmul.f32 v61, v62  }
0x778: {  	[tilespmem:s21+$0x60] =	vst v2;
	v2 =	vmul.f32 v63, v3  }
0x779: {  	[tilespmem:s21+$0xFFFFFFE0] =	vst v4  }
0x77a: {  	s20 =	simm.s32 $0x280;
	s19 =	simm.s32 $0x30;
	s17 =	rddreg [dreg:$0x5];
	[tilespmem:s21+$0xFFFFFFF0] =	vst v2  }
0x77b: {  	[spmem:s17] =	stream.indirect.scatter.add.f32 [tilespmem:s26], [sflag:$0x5], $0x80, s20, s19, $0xb8;
	[tilespmem:$0x1CD80] =	vst v63  }
0x77c: {  	_ =	swait.ge [sflag:s28], $0x1800  }
0x77d: {  	[sflag:s28] =	ssyncset.done $0x0  }
0x77e: {  	[sflag:s28] =	ssyncadd.s32 $0xFFFFE800  }
0x77f: {  	s21 =	stileid.u32;
	[bflag:$0x0] =	sbarrier.arrive $0xFFFF  }
.Ltmp8:
0x780: {  	s0 =	sshll.u32 s21, $0x6;
	s9 =	rddreg [dreg:$0xb];
	(pc) =	sbr.rel @!p0 .LBB2_17-.Ltmp8, $4  }
0x781: {  	s0 =	sor.u32 $0x1C05, s0;
	s23 =	rddreg [dreg:$0x18];
	s22 =	sshrl.u32 s9, $0x3  }
0x782: {  	[hbm:s23], [sflag:s0] =	dma.local [spmem:s22], $0x100  }
0x783: {  	s2 =	sadd.s32 $0x100, s23;
	s12 =	rddreg [dreg:$0xa]  }
0x784: {  	s3 =	smov.u32 s9;
	_ =	swait.ge [sflag:s28], $0x100;
	s1 =	sadd.s32 $0xFFFFFFFF, s12  }
.LBB2_16:
0x785: {  	[sflag:s28] =	ssyncset.done $0x0;
	s3 =	sadd.s32 $0x800, s3;
	p0 =	sne.s32 s1, $0x1  }
.Ltmp9:
0x786: {  	s4 =	sshrl.u32 s3, $0x3;
	[sflag:s28] =	ssyncadd.s32 $0xFFFFFF00;
	(pc) =	sbr.rel @p0 .LBB2_16-.Ltmp9, $3  }
0x787: {  	[hbm:s2], [sflag:s0] =	dma.local [spmem:s4], $0x100  }
0x788: {  	s1 =	sadd.s32 $0xFFFFFFFF, s1;
	_ =	sdelay $0x1  }
0x789: {  	s2 =	sadd.s32 $0x100, s2;
	_ =	swait.ge [sflag:s28], $0x100  }
.LBB2_17:
0x78a: {  	s10 =	rddreg [dreg:$0x7]  }
0x78b: {  	s0 =	rddreg [dreg:$0x17];
	s10 =	sadd.s32 $0x1, s10  }
0x78c: {  	p0 =	sne.s32 s10, s0  }
.Ltmp10:
0x78d: {  	_ = 	snop;
	(pc) =	sbr.rel @p0 .LBB2_1-.Ltmp10, $3  }
0x78e: {  	_ =	sdelay $0x1  }
0x78f: {  	[sflag:s28] =	ssyncset.done $0x0  }
0x790: {  	[sflag:s28] =	ssyncadd.s32 $0xFFFFFF00  }
0x791: {  	_ =	sfence.sel $0x180000  }
0x792: {  	[bflag:$0x0] =	sbarrier.arrive $0xFFFF  }
0x793: {  	_ =	strace $0x90000047  }
0x794: {  	s0 =	stileid.u32;
	[bflag:$0x2] =	sbarrier.arrive $0xFFFF  }
0x795: {  	p0 =	sne.s32 s0, $0x0;
	s0 =	rddreg [dreg:$0x6]  }
0x796: {  	s0 =	sadd.s32 @!p0 $0x100000, s0  }
0x797: {  	[sflag:s0] =	ssyncadd.tile.s32 @!p0 $0x1;
	_ =	shalt  }
.Lfunc_end2:
_tile_overlayer_lowered:
.L_overlay_start_2:
0x798: {  	(tag) =	ssettag $0x2  }
0x799: {  	s0 =	rddreg [dreg:$0x0];
	s2 =	stileid.u32  }
0x79a: {  	s1 =	rddreg [dreg:$0x1];
	p0 =	sne.s32 s2, $0x0  }
0x79b: {  	s3 =	rddreg [dreg:$0x2];
	[bflag:$0x3] =	sbarrier.arrive $0xFFFF;
	s2 =	simm.s32 @!p0 $0x1C05  }
0x79c: {  	[timem:s3], [sflag:s2] =	dma.local @!p0 [hbm:s0], s1  }
0x79d: {  	s0 =	simm.s32 @!p0 $0x5  }
0x79e: {  	_ =	swait.ge @!p0 [sflag:s0], s1  }
0x79f: {  	s1 =	ssub.s32 @!p0 $0x0, s1;
	[sflag:s0] =	ssyncset.done @!p0 $0x0  }
0x7a0: {  	[sflag:s0] =	ssyncadd.s32 @!p0 s1  }
0x7a1: {  	[bflag:$0x3] =	sbarrier.arrive $0xFFFF  }
0x7a2: {  	_ =	shalt  }

</sc_bundles>
